<compile_context>
chip_gen: v7x
topology: tpu7x:2x2x1
jax: 0.10.2.dev20260603
libtpu: 0.0.44.dev20260713+nightly
codegen_flags: <defaults>
</compile_context>

<pallas_src>
import functools

import jax
import jax.numpy as jnp
from jax import lax
from jax.experimental import pallas as pl
from jax.experimental.pallas import tpu as pltpu
from jax.experimental.pallas import tpu_sc as plsc

_B = 16384
_SEQ = 10
_EMBED = 16
_HIDDEN = 32
_FEAT = _SEQ * _EMBED
_V = 1000000

_NC, _NS = 2, 16
_NW = _NC * _NS
_TLEN = 16252928
_N = _B * _SEQ
_CHUNK = 128
_NCHUNK = _N // _NW // _CHUNK
_PER_W = _NCHUNK * _CHUNK
_BW = _B // _NW
_NG = _BW // 16


def _fused(x_chunks, table_lin, W1, b1, W2f, b2):
    mesh = plsc.VectorSubcoreMesh(
        core_axis_name="c", subcore_axis_name="s",
        num_cores=_NC, num_subcores=_NS)

    @functools.partial(
        pl.kernel,
        out_type=jax.ShapeDtypeStruct((_B,), jnp.float32),
        mesh=mesh,
        scratch_types=[
            pltpu.VMEM((_NCHUNK, _CHUNK), jnp.int32),
            pltpu.VMEM((_NCHUNK, _CHUNK), jnp.int32),
            pltpu.VMEM((_EMBED, _PER_W + 16), jnp.float32),
            pltpu.VMEM((2 * _FEAT, 16), jnp.float32),
            pltpu.VMEM((_HIDDEN,), jnp.float32),
            pltpu.VMEM((_HIDDEN,), jnp.float32),
            pltpu.VMEM((16,), jnp.float32),
            pltpu.VMEM((_BW,), jnp.float32),
            pltpu.SemaphoreType.DMA,
            pltpu.SemaphoreType.DMA,
        ],
        compiler_params=pltpu.CompilerParams(
            use_tc_tiling_on_sc=False, needs_layout_passes=False),
    )
    def fused_kernel(x_hbm, tab_hbm, w1_hbm, b1_hbm, w2_hbm, b2_hbm,
                     out_hbm, idx_v, idxb_v, rows_v, w1_v, b1_v, w2_v, b2_v,
                     out_v, sem, wsem):
        wid = lax.axis_index("s") * _NC + lax.axis_index("c")

        pltpu.async_copy(w1_hbm, w1_v, wsem)
        pltpu.async_copy(b1_hbm, b1_v, wsem)
        pltpu.async_copy(w2_hbm, w2_v, wsem)
        pltpu.async_copy(b2_hbm, b2_v, wsem)
        pltpu.sync_copy(x_hbm.at[wid], idx_v)
        pltpu.make_async_copy(w1_hbm, w1_v, wsem).wait()
        pltpu.make_async_copy(b1_hbm, b1_v, wsem).wait()
        pltpu.make_async_copy(w2_hbm, w2_v, wsem).wait()
        pltpu.make_async_copy(b2_hbm, b2_v, wsem).wait()

        @pl.loop(0, _NCHUNK)
        def _prep(j):
            for m in range(_CHUNK // 16):
                v = idx_v[j, pl.ds(m * 16, 16)]
                idxb_v[j, pl.ds(m * 16, 16)] = (
                    ((v >> 7) << 11) | (v & 127))

        @pl.loop(0, _NCHUNK)
        def _fire(j):
            for d in range(_EMBED):
                pltpu.async_copy(
                    tab_hbm.at[pl.ds(d * _CHUNK, _TLEN - d * _CHUNK)]
                           .at[idxb_v.at[j]],
                    rows_v.at[d, pl.ds(j * _CHUNK, _CHUNK)], sem)

        lane = lax.iota(jnp.int32, 16)
        b1a = b1_v[pl.ds(0, 16)]
        b1b = b1_v[pl.ds(16, 16)]
        w2a = w2_v[pl.ds(0, 16)]
        w2b = w2_v[pl.ds(16, 16)]
        b2vec = b2_v[...]

        @pl.loop(0, 4)
        def _piece(p):
            @pl.loop(0, _NCHUNK // 4)
            def _drain(c):
                j = p * (_NCHUNK // 4) + c
                for d in range(_EMBED):
                    pltpu.make_async_copy(
                        tab_hbm.at[pl.ds(d * _CHUNK, _TLEN - d * _CHUNK)]
                               .at[idxb_v.at[j]],
                        rows_v.at[d, pl.ds(j * _CHUNK, _CHUNK)], sem).wait()

            @pl.loop(0, _NG // 4)
            def _group(g):
                bb = p * (_NG // 4) + g

                def s_body(s, h):
                    h = list(h)
                    base = bb * (16 * _SEQ) + s
                    for d in range(_EMBED):
                        k2 = 2 * (s * _EMBED + d)
                        w1a = w1_v[k2]
                        w1b = w1_v[k2 + 1]
                        for i in range(16):
                            ev = rows_v[d, pl.ds(base + i * _SEQ, 16)]
                            e = ev[0]
                            h[2 * i] = h[2 * i] + e * w1a
                            h[2 * i + 1] = h[2 * i + 1] + e * w1b
                    return tuple(h)

                h0 = tuple(
                    jnp.full((16,), 0.0, jnp.float32) for _ in range(_HIDDEN))
                h = lax.fori_loop(0, _SEQ, s_body, h0)

                o = jnp.full((16,), 0.0, jnp.float32)
                for i in range(16):
                    ta = jnp.maximum(h[2 * i] + b1a, 0.0) * w2a
                    tb = jnp.maximum(h[2 * i + 1] + b1b, 0.0) * w2b
                    s_i = jnp.sum(ta + tb)
                    o = jnp.where(lane == i, o + s_i, o)
                o = o + b2vec
                out_v[pl.ds(bb * 16, 16)] = 1.0 / (1.0 + jnp.exp(-o))

        pltpu.sync_copy(out_v, out_hbm.at[pl.ds(wid * _BW, _BW)])

    return fused_kernel(x_chunks, table_lin, W1, b1, W2f, b2)


_VBLK = 32768
_NBLK = (_V + _VBLK - 1) // _VBLK


def _detile_body(t_ref, o_ref):
    a3 = t_ref[...].reshape(_EMBED, _VBLK // 128, 128)
    o_ref[...] = a3.transpose(1, 0, 2).reshape(_VBLK * _EMBED // 128, 128)


def _tc_detile(tableT):
    return pl.pallas_call(
        _detile_body,
        grid=(_NBLK,),
        in_specs=[pl.BlockSpec((_EMBED, _VBLK), lambda i: (0, i))],
        out_specs=pl.BlockSpec((_VBLK * _EMBED // 128, 128), lambda i: (i, 0)),
        out_shape=jax.ShapeDtypeStruct(
            (_NBLK * _VBLK * _EMBED // 128, 128), jnp.float32),
    )(tableT)


def kernel(x, table, W1, b1, W2, b2):
    x_chunks = x.astype(jnp.int32).reshape(_NW, _NCHUNK, _CHUNK)
    tab_flat = _tc_detile(table.T).reshape(_TLEN)
    w1r = W1.reshape(2 * _FEAT, 16)
    b2vec = jnp.full((16,), b2[0], jnp.float32)
    out = _fused(x_chunks, tab_flat, w1r, b1, W2.reshape(_HIDDEN), b2vec)
    return out.reshape(_B, 1)

# --- scband reference (transcript-rebuilt; emitter-appended) ---
"""Pipeline reference for scband-sentiment-model-76931454206537 (READ-ONLY COPY).

The authoritative reference and input builder live on the scoring server;
editing this copy changes nothing except your own understanding.
"""

import jax, jax.numpy as jnp
import numpy as np

VOCAB = 1000000
EMBED = 16
HIDDEN = 32
B = 16384
SEQ = 10

def setup_inputs(seed: int = 0) -> dict:
    key = jax.random.key(seed)
    k1, k2, k3, k4, k5, k6 = jax.random.split(key, 6)
    x = jax.random.randint(k1, (B, SEQ), 0, VOCAB, dtype=jnp.int64 if jax.config.jax_enable_x64 else jnp.int32)
    table = jax.random.normal(k2, (VOCAB, EMBED), dtype=jnp.float32)
    W1 = jax.random.normal(k3, (EMBED * SEQ, HIDDEN), dtype=jnp.float32) * (1.0 / np.sqrt(EMBED * SEQ))
    b1 = jnp.zeros((HIDDEN,), dtype=jnp.float32)
    W2 = jax.random.normal(k4, (HIDDEN, 1), dtype=jnp.float32) * (1.0 / np.sqrt(HIDDEN))
    b2 = jnp.zeros((1,), dtype=jnp.float32)
    return {"x": x, "table": table, "W1": W1, "b1": b1, "W2": W2, "b2": b2}

def reference(x, table, W1, b1, W2, b2):
    # embedding lookup (SparseCore gather)
    emb = jnp.take(table, x, axis=0)            # [B, SEQ, EMBED]
    flat = emb.reshape(x.shape[0], -1)          # [B, SEQ*EMBED]
    h = jax.nn.relu(flat @ W1 + b1)             # [B, HIDDEN]
    out = jax.nn.sigmoid(h @ W2 + b2)           # [B, 1]
    return out

if __name__ == "__main__":
    import jax
    _d = setup_inputs()
    print(jax.jit(kernel)(*tuple(_d.values())))

</pallas_src>

<mosaic_0001>
#map = affine_map<(d0, d1) -> (0, 0, 0)>
#map1 = affine_map<(d0, d1) -> (0)>
#map2 = affine_map<(d0, d1) -> (0, 0)>
module attributes {stable_mosaic.version = 14 : i64} {
  func.func @fused_kernel(%arg0: i32, %arg1: i32, %arg2: memref<32x40x128xi32, #tpu.memory_space<hbm>>, %arg3: memref<16252928xf32, #tpu.memory_space<hbm>>, %arg4: memref<320x16xf32, #tpu.memory_space<hbm>>, %arg5: memref<32xf32, #tpu.memory_space<hbm>>, %arg6: memref<32xf32, #tpu.memory_space<hbm>>, %arg7: memref<16xf32, #tpu.memory_space<hbm>>, %arg8: memref<16384xf32, #tpu.memory_space<hbm>>, %arg9: memref<40x128xi32, #tpu.memory_space<vmem>>, %arg10: memref<40x128xi32, #tpu.memory_space<vmem>>, %arg11: memref<16x5136xf32, #tpu.memory_space<vmem>>, %arg12: memref<320x16xf32, #tpu.memory_space<vmem>>, %arg13: memref<32xf32, #tpu.memory_space<vmem>>, %arg14: memref<32xf32, #tpu.memory_space<vmem>>, %arg15: memref<16xf32, #tpu.memory_space<vmem>>, %arg16: memref<512xf32, #tpu.memory_space<vmem>>, %arg17: memref<!tpu.dma_semaphore, #tpu.memory_space<semaphore_mem>>, %arg18: memref<!tpu.dma_semaphore, #tpu.memory_space<semaphore_mem>>) attributes {dimension_semantics = [#tpu.dimension_semantics<core_parallel>, #tpu.dimension_semantics<subcore_parallel>], iteration_bounds = array<i64: 2, 16>, scalar_prefetch = 0 : i64, scratch_operands = 10 : i64, tpu.core_type = #tpu.core_type<sc_vector_subcore>, window_params = [{transform_indices = #map}, {transform_indices = #map1}, {transform_indices = #map2}, {transform_indices = #map1}, {transform_indices = #map1}, {transform_indices = #map1}, {transform_indices = #map1}]} {
    %mul3A = arith.constant 2 : i32
    %mul3A_0 = arith.muli %arg1, %mul3A : i32
    %add3A = arith.addi %mul3A_0, %arg0 : i32
    tpu.enqueue_dma source(%arg4 : memref<320x16xf32, #tpu.memory_space<hbm>>) target(%arg12 : memref<320x16xf32, #tpu.memory_space<vmem>>) target_semaphore(%arg18 : memref<!tpu.dma_semaphore, #tpu.memory_space<semaphore_mem>>)
    tpu.enqueue_dma source(%arg5 : memref<32xf32, #tpu.memory_space<hbm>>) target(%arg13 : memref<32xf32, #tpu.memory_space<vmem>>) target_semaphore(%arg18 : memref<!tpu.dma_semaphore, #tpu.memory_space<semaphore_mem>>)
    tpu.enqueue_dma source(%arg6 : memref<32xf32, #tpu.memory_space<hbm>>) target(%arg14 : memref<32xf32, #tpu.memory_space<vmem>>) target_semaphore(%arg18 : memref<!tpu.dma_semaphore, #tpu.memory_space<semaphore_mem>>)
    tpu.enqueue_dma source(%arg7 : memref<16xf32, #tpu.memory_space<hbm>>) target(%arg15 : memref<16xf32, #tpu.memory_space<vmem>>) target_semaphore(%arg18 : memref<!tpu.dma_semaphore, #tpu.memory_space<semaphore_mem>>)
    "tpu.region"() ({
      %run_scoped3A = tpu.sem_alloc : memref<!tpu.dma_semaphore, #tpu.memory_space<semaphore_mem>>
      %dma_start3A = arith.constant 0 : i32
      %dma_start3A_26 = arith.constant 0 : i32
      %dma_start3A_27 = tpu.memref_slice %arg2[%add3A, %dma_start3A, %dma_start3A_26] : memref<32x40x128xi32, #tpu.memory_space<hbm>> -> memref<1x40x128xi32, #tpu.memory_space<hbm>>
      %dma_start3A_28 = tpu.memref_squeeze %dma_start3A_27 : memref<1x40x128xi32, #tpu.memory_space<hbm>> -> memref<40x128xi32, #tpu.memory_space<hbm>>
      %dma_start3A_29 = arith.constant 0 : i32
      %dma_start3A_30 = arith.constant 0 : i32
      %dma_start3A_31 = tpu.memref_slice %arg2[%add3A, %dma_start3A_29, %dma_start3A_30] : memref<32x40x128xi32, #tpu.memory_space<hbm>> -> memref<1x40x128xi32, #tpu.memory_space<hbm>>
      %dma_start3A_32 = tpu.memref_squeeze %dma_start3A_31 : memref<1x40x128xi32, #tpu.memory_space<hbm>> -> memref<40x128xi32, #tpu.memory_space<hbm>>
      tpu.enqueue_dma source(%dma_start3A_32 : memref<40x128xi32, #tpu.memory_space<hbm>>) target(%arg9 : memref<40x128xi32, #tpu.memory_space<vmem>>) target_semaphore(%run_scoped3A : memref<!tpu.dma_semaphore, #tpu.memory_space<semaphore_mem>>)
      %dma_wait3A = arith.constant 0 : i32
      %dma_wait3A_33 = arith.constant 0 : i32
      %dma_wait3A_34 = tpu.memref_slice %arg2[%add3A, %dma_wait3A, %dma_wait3A_33] : memref<32x40x128xi32, #tpu.memory_space<hbm>> -> memref<1x40x128xi32, #tpu.memory_space<hbm>>
      %dma_wait3A_35 = tpu.memref_squeeze %dma_wait3A_34 : memref<1x40x128xi32, #tpu.memory_space<hbm>> -> memref<40x128xi32, #tpu.memory_space<hbm>>
      %dma_wait3A_36 = arith.constant 0 : i32
      %dma_wait3A_37 = arith.constant 0 : i32
      %dma_wait3A_38 = tpu.memref_slice %arg2[%add3A, %dma_wait3A_36, %dma_wait3A_37] : memref<32x40x128xi32, #tpu.memory_space<hbm>> -> memref<1x40x128xi32, #tpu.memory_space<hbm>>
      %dma_wait3A_39 = tpu.memref_squeeze %dma_wait3A_38 : memref<1x40x128xi32, #tpu.memory_space<hbm>> -> memref<40x128xi32, #tpu.memory_space<hbm>>
      tpu.wait_dma2 semaphore(%run_scoped3A : memref<!tpu.dma_semaphore, #tpu.memory_space<semaphore_mem>>) src(%dma_wait3A_39 : memref<40x128xi32, #tpu.memory_space<hbm>>) dst(%arg9 : memref<40x128xi32, #tpu.memory_space<vmem>>)
      tpu.yield
    }) : () -> ()
    tpu.wait_dma2 semaphore(%arg18 : memref<!tpu.dma_semaphore, #tpu.memory_space<semaphore_mem>>) src(%arg4 : memref<320x16xf32, #tpu.memory_space<hbm>>) dst(%arg12 : memref<320x16xf32, #tpu.memory_space<vmem>>)
    tpu.wait_dma2 semaphore(%arg18 : memref<!tpu.dma_semaphore, #tpu.memory_space<semaphore_mem>>) src(%arg5 : memref<32xf32, #tpu.memory_space<hbm>>) dst(%arg13 : memref<32xf32, #tpu.memory_space<vmem>>)
    tpu.wait_dma2 semaphore(%arg18 : memref<!tpu.dma_semaphore, #tpu.memory_space<semaphore_mem>>) src(%arg6 : memref<32xf32, #tpu.memory_space<hbm>>) dst(%arg14 : memref<32xf32, #tpu.memory_space<vmem>>)
    tpu.wait_dma2 semaphore(%arg18 : memref<!tpu.dma_semaphore, #tpu.memory_space<semaphore_mem>>) src(%arg7 : memref<16xf32, #tpu.memory_space<hbm>>) dst(%arg15 : memref<16xf32, #tpu.memory_space<vmem>>)
    %scan3A = arith.constant 0 : i32
    %scan3A_1 = arith.constant 40 : i32
    %scan3A_2 = arith.addi %scan3A, %scan3A_1 : i32
    %scan3A_3 = arith.constant 1 : i32
    scf.for %scan3A_26 = %scan3A to %scan3A_2 step %scan3A_3  : i32 {
      %mul3A_27 = arith.constant 1 : i32
      %mul3A_28 = arith.muli %scan3A_26, %mul3A_27 : i32
      %add3A_29 = arith.constant 0 : i32
      %add3A_30 = arith.addi %add3A_29, %mul3A_28 : i32
      %get3A_31 = arith.index_cast %add3A_30 : i32 to index
      %get3A_32 = arith.constant 0 : index
      %get3A_33 = tpu.vector_load %arg9[%get3A_31, %get3A_32] {strides = array<i32>} : memref<40x128xi32, #tpu.memory_space<vmem>>, vector<16xi32>,
      %shift_right_arithmetic3A = arith.constant 7 : i32
      %shift_right_arithmetic3A_34 = vector.broadcast %shift_right_arithmetic3A : i32 to vector<16xi32>
      %shift_right_arithmetic3A_35 = arith.shrsi %get3A_33, %shift_right_arithmetic3A_34 : vector<16xi32>
      %shift_left3A = arith.constant 11 : i32
      %shift_left3A_36 = vector.broadcast %shift_left3A : i32 to vector<16xi32>
      %shift_left3A_37 = arith.shli %shift_right_arithmetic3A_35, %shift_left3A_36 : vector<16xi32>
      %and3A = arith.constant 127 : i32
      %and3A_38 = vector.broadcast %and3A : i32 to vector<16xi32>
      %and3A_39 = arith.andi %get3A_33, %and3A_38 : vector<16xi32>
      %or3A = arith.ori %shift_left3A_37, %and3A_39 : vector<16xi32>
      %swap3A = arith.index_cast %add3A_30 : i32 to index
      %swap3A_40 = arith.constant 0 : index
      %swap3A_41 = tpu.vector_load %arg10[%swap3A, %swap3A_40] {strides = array<i32>} : memref<40x128xi32, #tpu.memory_space<vmem>>, vector<16xi32>,
      tpu.vector_store %arg10[%swap3A, %swap3A_40], %or3A {strides = array<i32>} : memref<40x128xi32, #tpu.memory_space<vmem>>, vector<16xi32>,
      %get3A_42 = arith.index_cast %add3A_30 : i32 to index
      %get3A_43 = arith.constant 16 : index
      %get3A_44 = tpu.vector_load %arg9[%get3A_42, %get3A_43] {strides = array<i32>} : memref<40x128xi32, #tpu.memory_space<vmem>>, vector<16xi32>,
      %shift_right_arithmetic3A_45 = arith.constant 7 : i32
      %shift_right_arithmetic3A_46 = vector.broadcast %shift_right_arithmetic3A_45 : i32 to vector<16xi32>
      %shift_right_arithmetic3A_47 = arith.shrsi %get3A_44, %shift_right_arithmetic3A_46 : vector<16xi32>
      %shift_left3A_48 = arith.constant 11 : i32
      %shift_left3A_49 = vector.broadcast %shift_left3A_48 : i32 to vector<16xi32>
      %shift_left3A_50 = arith.shli %shift_right_arithmetic3A_47, %shift_left3A_49 : vector<16xi32>
      %and3A_51 = arith.constant 127 : i32
      %and3A_52 = vector.broadcast %and3A_51 : i32 to vector<16xi32>
      %and3A_53 = arith.andi %get3A_44, %and3A_52 : vector<16xi32>
      %or3A_54 = arith.ori %shift_left3A_50, %and3A_53 : vector<16xi32>
      %swap3A_55 = arith.index_cast %add3A_30 : i32 to index
      %swap3A_56 = arith.constant 16 : index
      %swap3A_57 = tpu.vector_load %arg10[%swap3A_55, %swap3A_56] {strides = array<i32>} : memref<40x128xi32, #tpu.memory_space<vmem>>, vector<16xi32>,
      tpu.vector_store %arg10[%swap3A_55, %swap3A_56], %or3A_54 {strides = array<i32>} : memref<40x128xi32, #tpu.memory_space<vmem>>, vector<16xi32>,
      %get3A_58 = arith.index_cast %add3A_30 : i32 to index
      %get3A_59 = arith.constant 32 : index
      %get3A_60 = tpu.vector_load %arg9[%get3A_58, %get3A_59] {strides = array<i32>} : memref<40x128xi32, #tpu.memory_space<vmem>>, vector<16xi32>,
      %shift_right_arithmetic3A_61 = arith.constant 7 : i32
      %shift_right_arithmetic3A_62 = vector.broadcast %shift_right_arithmetic3A_61 : i32 to vector<16xi32>
      %shift_right_arithmetic3A_63 = arith.shrsi %get3A_60, %shift_right_arithmetic3A_62 : vector<16xi32>
      %shift_left3A_64 = arith.constant 11 : i32
      %shift_left3A_65 = vector.broadcast %shift_left3A_64 : i32 to vector<16xi32>
      %shift_left3A_66 = arith.shli %shift_right_arithmetic3A_63, %shift_left3A_65 : vector<16xi32>
      %and3A_67 = arith.constant 127 : i32
      %and3A_68 = vector.broadcast %and3A_67 : i32 to vector<16xi32>
      %and3A_69 = arith.andi %get3A_60, %and3A_68 : vector<16xi32>
      %or3A_70 = arith.ori %shift_left3A_66, %and3A_69 : vector<16xi32>
      %swap3A_71 = arith.index_cast %add3A_30 : i32 to index
      %swap3A_72 = arith.constant 32 : index
      %swap3A_73 = tpu.vector_load %arg10[%swap3A_71, %swap3A_72] {strides = array<i32>} : memref<40x128xi32, #tpu.memory_space<vmem>>, vector<16xi32>,
      tpu.vector_store %arg10[%swap3A_71, %swap3A_72], %or3A_70 {strides = array<i32>} : memref<40x128xi32, #tpu.memory_space<vmem>>, vector<16xi32>,
      %get3A_74 = arith.index_cast %add3A_30 : i32 to index
      %get3A_75 = arith.constant 48 : index
      %get3A_76 = tpu.vector_load %arg9[%get3A_74, %get3A_75] {strides = array<i32>} : memref<40x128xi32, #tpu.memory_space<vmem>>, vector<16xi32>,
      %shift_right_arithmetic3A_77 = arith.constant 7 : i32
      %shift_right_arithmetic3A_78 = vector.broadcast %shift_right_arithmetic3A_77 : i32 to vector<16xi32>
      %shift_right_arithmetic3A_79 = arith.shrsi %get3A_76, %shift_right_arithmetic3A_78 : vector<16xi32>
      %shift_left3A_80 = arith.constant 11 : i32
      %shift_left3A_81 = vector.broadcast %shift_left3A_80 : i32 to vector<16xi32>
      %shift_left3A_82 = arith.shli %shift_right_arithmetic3A_79, %shift_left3A_81 : vector<16xi32>
      %and3A_83 = arith.constant 127 : i32
      %and3A_84 = vector.broadcast %and3A_83 : i32 to vector<16xi32>
      %and3A_85 = arith.andi %get3A_76, %and3A_84 : vector<16xi32>
      %or3A_86 = arith.ori %shift_left3A_82, %and3A_85 : vector<16xi32>
      %swap3A_87 = arith.index_cast %add3A_30 : i32 to index
      %swap3A_88 = arith.constant 48 : index
      %swap3A_89 = tpu.vector_load %arg10[%swap3A_87, %swap3A_88] {strides = array<i32>} : memref<40x128xi32, #tpu.memory_space<vmem>>, vector<16xi32>,
      tpu.vector_store %arg10[%swap3A_87, %swap3A_88], %or3A_86 {strides = array<i32>} : memref<40x128xi32, #tpu.memory_space<vmem>>, vector<16xi32>,
      %get3A_90 = arith.index_cast %add3A_30 : i32 to index
      %get3A_91 = arith.constant 64 : index
      %get3A_92 = tpu.vector_load %arg9[%get3A_90, %get3A_91] {strides = array<i32>} : memref<40x128xi32, #tpu.memory_space<vmem>>, vector<16xi32>,
      %shift_right_arithmetic3A_93 = arith.constant 7 : i32
      %shift_right_arithmetic3A_94 = vector.broadcast %shift_right_arithmetic3A_93 : i32 to vector<16xi32>
      %shift_right_arithmetic3A_95 = arith.shrsi %get3A_92, %shift_right_arithmetic3A_94 : vector<16xi32>
      %shift_left3A_96 = arith.constant 11 : i32
      %shift_left3A_97 = vector.broadcast %shift_left3A_96 : i32 to vector<16xi32>
      %shift_left3A_98 = arith.shli %shift_right_arithmetic3A_95, %shift_left3A_97 : vector<16xi32>
      %and3A_99 = arith.constant 127 : i32
      %and3A_100 = vector.broadcast %and3A_99 : i32 to vector<16xi32>
      %and3A_101 = arith.andi %get3A_92, %and3A_100 : vector<16xi32>
      %or3A_102 = arith.ori %shift_left3A_98, %and3A_101 : vector<16xi32>
      %swap3A_103 = arith.index_cast %add3A_30 : i32 to index
      %swap3A_104 = arith.constant 64 : index
      %swap3A_105 = tpu.vector_load %arg10[%swap3A_103, %swap3A_104] {strides = array<i32>} : memref<40x128xi32, #tpu.memory_space<vmem>>, vector<16xi32>,
      tpu.vector_store %arg10[%swap3A_103, %swap3A_104], %or3A_102 {strides = array<i32>} : memref<40x128xi32, #tpu.memory_space<vmem>>, vector<16xi32>,
      %get3A_106 = arith.index_cast %add3A_30 : i32 to index
      %get3A_107 = arith.constant 80 : index
      %get3A_108 = tpu.vector_load %arg9[%get3A_106, %get3A_107] {strides = array<i32>} : memref<40x128xi32, #tpu.memory_space<vmem>>, vector<16xi32>,
      %shift_right_arithmetic3A_109 = arith.constant 7 : i32
      %shift_right_arithmetic3A_110 = vector.broadcast %shift_right_arithmetic3A_109 : i32 to vector<16xi32>
      %shift_right_arithmetic3A_111 = arith.shrsi %get3A_108, %shift_right_arithmetic3A_110 : vector<16xi32>
      %shift_left3A_112 = arith.constant 11 : i32
      %shift_left3A_113 = vector.broadcast %shift_left3A_112 : i32 to vector<16xi32>
      %shift_left3A_114 = arith.shli %shift_right_arithmetic3A_111, %shift_left3A_113 : vector<16xi32>
      %and3A_115 = arith.constant 127 : i32
      %and3A_116 = vector.broadcast %and3A_115 : i32 to vector<16xi32>
      %and3A_117 = arith.andi %get3A_108, %and3A_116 : vector<16xi32>
      %or3A_118 = arith.ori %shift_left3A_114, %and3A_117 : vector<16xi32>
      %swap3A_119 = arith.index_cast %add3A_30 : i32 to index
      %swap3A_120 = arith.constant 80 : index
      %swap3A_121 = tpu.vector_load %arg10[%swap3A_119, %swap3A_120] {strides = array<i32>} : memref<40x128xi32, #tpu.memory_space<vmem>>, vector<16xi32>,
      tpu.vector_store %arg10[%swap3A_119, %swap3A_120], %or3A_118 {strides = array<i32>} : memref<40x128xi32, #tpu.memory_space<vmem>>, vector<16xi32>,
      %get3A_122 = arith.index_cast %add3A_30 : i32 to index
      %get3A_123 = arith.constant 96 : index
      %get3A_124 = tpu.vector_load %arg9[%get3A_122, %get3A_123] {strides = array<i32>} : memref<40x128xi32, #tpu.memory_space<vmem>>, vector<16xi32>,
      %shift_right_arithmetic3A_125 = arith.constant 7 : i32
      %shift_right_arithmetic3A_126 = vector.broadcast %shift_right_arithmetic3A_125 : i32 to vector<16xi32>
      %shift_right_arithmetic3A_127 = arith.shrsi %get3A_124, %shift_right_arithmetic3A_126 : vector<16xi32>
      %shift_left3A_128 = arith.constant 11 : i32
      %shift_left3A_129 = vector.broadcast %shift_left3A_128 : i32 to vector<16xi32>
      %shift_left3A_130 = arith.shli %shift_right_arithmetic3A_127, %shift_left3A_129 : vector<16xi32>
      %and3A_131 = arith.constant 127 : i32
      %and3A_132 = vector.broadcast %and3A_131 : i32 to vector<16xi32>
      %and3A_133 = arith.andi %get3A_124, %and3A_132 : vector<16xi32>
      %or3A_134 = arith.ori %shift_left3A_130, %and3A_133 : vector<16xi32>
      %swap3A_135 = arith.index_cast %add3A_30 : i32 to index
      %swap3A_136 = arith.constant 96 : index
      %swap3A_137 = tpu.vector_load %arg10[%swap3A_135, %swap3A_136] {strides = array<i32>} : memref<40x128xi32, #tpu.memory_space<vmem>>, vector<16xi32>,
      tpu.vector_store %arg10[%swap3A_135, %swap3A_136], %or3A_134 {strides = array<i32>} : memref<40x128xi32, #tpu.memory_space<vmem>>, vector<16xi32>,
      %get3A_138 = arith.index_cast %add3A_30 : i32 to index
      %get3A_139 = arith.constant 112 : index
      %get3A_140 = tpu.vector_load %arg9[%get3A_138, %get3A_139] {strides = array<i32>} : memref<40x128xi32, #tpu.memory_space<vmem>>, vector<16xi32>,
      %shift_right_arithmetic3A_141 = arith.constant 7 : i32
      %shift_right_arithmetic3A_142 = vector.broadcast %shift_right_arithmetic3A_141 : i32 to vector<16xi32>
      %shift_right_arithmetic3A_143 = arith.shrsi %get3A_140, %shift_right_arithmetic3A_142 : vector<16xi32>
      %shift_left3A_144 = arith.constant 11 : i32
      %shift_left3A_145 = vector.broadcast %shift_left3A_144 : i32 to vector<16xi32>
      %shift_left3A_146 = arith.shli %shift_right_arithmetic3A_143, %shift_left3A_145 : vector<16xi32>
      %and3A_147 = arith.constant 127 : i32
      %and3A_148 = vector.broadcast %and3A_147 : i32 to vector<16xi32>
      %and3A_149 = arith.andi %get3A_140, %and3A_148 : vector<16xi32>
      %or3A_150 = arith.ori %shift_left3A_146, %and3A_149 : vector<16xi32>
      %swap3A_151 = arith.index_cast %add3A_30 : i32 to index
      %swap3A_152 = arith.constant 112 : index
      %swap3A_153 = tpu.vector_load %arg10[%swap3A_151, %swap3A_152] {strides = array<i32>} : memref<40x128xi32, #tpu.memory_space<vmem>>, vector<16xi32>,
      tpu.vector_store %arg10[%swap3A_151, %swap3A_152], %or3A_150 {strides = array<i32>} : memref<40x128xi32, #tpu.memory_space<vmem>>, vector<16xi32>,
    }
    %scan3A_4 = arith.constant 40 : i32
    %scan3A_5 = arith.constant 0 : i32
    %scan3A_6 = arith.constant 40 : i32
    %scan3A_7 = arith.addi %scan3A_5, %scan3A_6 : i32
    %scan3A_8 = arith.constant 1 : i32
    scf.for %scan3A_26 = %scan3A_5 to %scan3A_7 step %scan3A_8  : i32 {
      %mul3A_27 = arith.constant 1 : i32
      %mul3A_28 = arith.muli %scan3A_26, %mul3A_27 : i32
      %add3A_29 = arith.constant 0 : i32
      %add3A_30 = arith.addi %add3A_29, %mul3A_28 : i32
      %mul3A_31 = arith.constant 128 : i32
      %mul3A_32 = arith.muli %add3A_30, %mul3A_31 : i32
      %dma_start3A = arith.constant 0 : i32
      %dma_start3A_33 = tpu.memref_slice %arg11[%dma_start3A, %mul3A_32] : memref<16x5136xf32, #tpu.memory_space<vmem>> -> memref<1x128xf32, #tpu.memory_space<vmem>>
      %dma_start3A_34 = tpu.memref_squeeze %dma_start3A_33 : memref<1x128xf32, #tpu.memory_space<vmem>> -> memref<128xf32, #tpu.memory_space<vmem>>
      %dma_start3A_35 = arith.constant 0 : i32
      %dma_start3A_36 = tpu.memref_slice %arg10[%add3A_30, %dma_start3A_35] : memref<40x128xi32, #tpu.memory_space<vmem>> -> memref<1x128xi32, #tpu.memory_space<vmem>>
      %dma_start3A_37 = tpu.memref_squeeze %dma_start3A_36 : memref<1x128xi32, #tpu.memory_space<vmem>> -> memref<128xi32, #tpu.memory_space<vmem>>
      %dma_start3A_38 = arith.constant 0 : i32
      %dma_start3A_39 = tpu.memref_slice %arg3[%dma_start3A_38] : memref<16252928xf32, #tpu.memory_space<hbm>> -> memref<16252928xf32, #tpu.memory_space<hbm>>
      %dma_start3A_40 = arith.constant 0 : i32
      %dma_start3A_41 = tpu.memref_slice %dma_start3A_39[%dma_start3A_40] : memref<16252928xf32, #tpu.memory_space<hbm>> -> memref<16252928xf32, #tpu.memory_space<hbm>>
      tpu.enqueue_indirect_dma source(%dma_start3A_41 : memref<16252928xf32, #tpu.memory_space<hbm>>) target(%dma_start3A_34 : memref<128xf32, #tpu.memory_space<vmem>>) offsets(%dma_start3A_37 : memref<128xi32, #tpu.memory_space<vmem>>) semaphore(%arg17 : memref<!tpu.dma_semaphore, #tpu.memory_space<semaphore_mem>>)
      %mul3A_42 = arith.constant 128 : i32
      %mul3A_43 = arith.muli %add3A_30, %mul3A_42 : i32
      %dma_start3A_44 = arith.constant 1 : i32
      %dma_start3A_45 = tpu.memref_slice %arg11[%dma_start3A_44, %mul3A_43] : memref<16x5136xf32, #tpu.memory_space<vmem>> -> memref<1x128xf32, #tpu.memory_space<vmem>>
      %dma_start3A_46 = tpu.memref_squeeze %dma_start3A_45 : memref<1x128xf32, #tpu.memory_space<vmem>> -> memref<128xf32, #tpu.memory_space<vmem>>
      %dma_start3A_47 = arith.constant 0 : i32
      %dma_start3A_48 = tpu.memref_slice %arg10[%add3A_30, %dma_start3A_47] : memref<40x128xi32, #tpu.memory_space<vmem>> -> memref<1x128xi32, #tpu.memory_space<vmem>>
      %dma_start3A_49 = tpu.memref_squeeze %dma_start3A_48 : memref<1x128xi32, #tpu.memory_space<vmem>> -> memref<128xi32, #tpu.memory_space<vmem>>
      %dma_start3A_50 = arith.constant 128 : i32
      %dma_start3A_51 = tpu.memref_slice %arg3[%dma_start3A_50] : memref<16252928xf32, #tpu.memory_space<hbm>> -> memref<16252800xf32, #tpu.memory_space<hbm>>
      %dma_start3A_52 = arith.constant 0 : i32
      %dma_start3A_53 = tpu.memref_slice %dma_start3A_51[%dma_start3A_52] : memref<16252800xf32, #tpu.memory_space<hbm>> -> memref<16252800xf32, #tpu.memory_space<hbm>>
      tpu.enqueue_indirect_dma source(%dma_start3A_53 : memref<16252800xf32, #tpu.memory_space<hbm>>) target(%dma_start3A_46 : memref<128xf32, #tpu.memory_space<vmem>>) offsets(%dma_start3A_49 : memref<128xi32, #tpu.memory_space<vmem>>) semaphore(%arg17 : memref<!tpu.dma_semaphore, #tpu.memory_space<semaphore_mem>>)
      %mul3A_54 = arith.constant 128 : i32
      %mul3A_55 = arith.muli %add3A_30, %mul3A_54 : i32
      %dma_start3A_56 = arith.constant 2 : i32
      %dma_start3A_57 = tpu.memref_slice %arg11[%dma_start3A_56, %mul3A_55] : memref<16x5136xf32, #tpu.memory_space<vmem>> -> memref<1x128xf32, #tpu.memory_space<vmem>>
      %dma_start3A_58 = tpu.memref_squeeze %dma_start3A_57 : memref<1x128xf32, #tpu.memory_space<vmem>> -> memref<128xf32, #tpu.memory_space<vmem>>
      %dma_start3A_59 = arith.constant 0 : i32
      %dma_start3A_60 = tpu.memref_slice %arg10[%add3A_30, %dma_start3A_59] : memref<40x128xi32, #tpu.memory_space<vmem>> -> memref<1x128xi32, #tpu.memory_space<vmem>>
      %dma_start3A_61 = tpu.memref_squeeze %dma_start3A_60 : memref<1x128xi32, #tpu.memory_space<vmem>> -> memref<128xi32, #tpu.memory_space<vmem>>
      %dma_start3A_62 = arith.constant 256 : i32
      %dma_start3A_63 = tpu.memref_slice %arg3[%dma_start3A_62] : memref<16252928xf32, #tpu.memory_space<hbm>> -> memref<16252672xf32, #tpu.memory_space<hbm>>
      %dma_start3A_64 = arith.constant 0 : i32
      %dma_start3A_65 = tpu.memref_slice %dma_start3A_63[%dma_start3A_64] : memref<16252672xf32, #tpu.memory_space<hbm>> -> memref<16252672xf32, #tpu.memory_space<hbm>>
      tpu.enqueue_indirect_dma source(%dma_start3A_65 : memref<16252672xf32, #tpu.memory_space<hbm>>) target(%dma_start3A_58 : memref<128xf32, #tpu.memory_space<vmem>>) offsets(%dma_start3A_61 : memref<128xi32, #tpu.memory_space<vmem>>) semaphore(%arg17 : memref<!tpu.dma_semaphore, #tpu.memory_space<semaphore_mem>>)
      %mul3A_66 = arith.constant 128 : i32
      %mul3A_67 = arith.muli %add3A_30, %mul3A_66 : i32
      %dma_start3A_68 = arith.constant 3 : i32
      %dma_start3A_69 = tpu.memref_slice %arg11[%dma_start3A_68, %mul3A_67] : memref<16x5136xf32, #tpu.memory_space<vmem>> -> memref<1x128xf32, #tpu.memory_space<vmem>>
      %dma_start3A_70 = tpu.memref_squeeze %dma_start3A_69 : memref<1x128xf32, #tpu.memory_space<vmem>> -> memref<128xf32, #tpu.memory_space<vmem>>
      %dma_start3A_71 = arith.constant 0 : i32
      %dma_start3A_72 = tpu.memref_slice %arg10[%add3A_30, %dma_start3A_71] : memref<40x128xi32, #tpu.memory_space<vmem>> -> memref<1x128xi32, #tpu.memory_space<vmem>>
      %dma_start3A_73 = tpu.memref_squeeze %dma_start3A_72 : memref<1x128xi32, #tpu.memory_space<vmem>> -> memref<128xi32, #tpu.memory_space<vmem>>
      %dma_start3A_74 = arith.constant 384 : i32
      %dma_start3A_75 = tpu.memref_slice %arg3[%dma_start3A_74] : memref<16252928xf32, #tpu.memory_space<hbm>> -> memref<16252544xf32, #tpu.memory_space<hbm>>
      %dma_start3A_76 = arith.constant 0 : i32
      %dma_start3A_77 = tpu.memref_slice %dma_start3A_75[%dma_start3A_76] : memref<16252544xf32, #tpu.memory_space<hbm>> -> memref<16252544xf32, #tpu.memory_space<hbm>>
      tpu.enqueue_indirect_dma source(%dma_start3A_77 : memref<16252544xf32, #tpu.memory_space<hbm>>) target(%dma_start3A_70 : memref<128xf32, #tpu.memory_space<vmem>>) offsets(%dma_start3A_73 : memref<128xi32, #tpu.memory_space<vmem>>) semaphore(%arg17 : memref<!tpu.dma_semaphore, #tpu.memory_space<semaphore_mem>>)
      %mul3A_78 = arith.constant 128 : i32
      %mul3A_79 = arith.muli %add3A_30, %mul3A_78 : i32
      %dma_start3A_80 = arith.constant 4 : i32
      %dma_start3A_81 = tpu.memref_slice %arg11[%dma_start3A_80, %mul3A_79] : memref<16x5136xf32, #tpu.memory_space<vmem>> -> memref<1x128xf32, #tpu.memory_space<vmem>>
      %dma_start3A_82 = tpu.memref_squeeze %dma_start3A_81 : memref<1x128xf32, #tpu.memory_space<vmem>> -> memref<128xf32, #tpu.memory_space<vmem>>
      %dma_start3A_83 = arith.constant 0 : i32
      %dma_start3A_84 = tpu.memref_slice %arg10[%add3A_30, %dma_start3A_83] : memref<40x128xi32, #tpu.memory_space<vmem>> -> memref<1x128xi32, #tpu.memory_space<vmem>>
      %dma_start3A_85 = tpu.memref_squeeze %dma_start3A_84 : memref<1x128xi32, #tpu.memory_space<vmem>> -> memref<128xi32, #tpu.memory_space<vmem>>
      %dma_start3A_86 = arith.constant 512 : i32
      %dma_start3A_87 = tpu.memref_slice %arg3[%dma_start3A_86] : memref<16252928xf32, #tpu.memory_space<hbm>> -> memref<16252416xf32, #tpu.memory_space<hbm>>
      %dma_start3A_88 = arith.constant 0 : i32
      %dma_start3A_89 = tpu.memref_slice %dma_start3A_87[%dma_start3A_88] : memref<16252416xf32, #tpu.memory_space<hbm>> -> memref<16252416xf32, #tpu.memory_space<hbm>>
      tpu.enqueue_indirect_dma source(%dma_start3A_89 : memref<16252416xf32, #tpu.memory_space<hbm>>) target(%dma_start3A_82 : memref<128xf32, #tpu.memory_space<vmem>>) offsets(%dma_start3A_85 : memref<128xi32, #tpu.memory_space<vmem>>) semaphore(%arg17 : memref<!tpu.dma_semaphore, #tpu.memory_space<semaphore_mem>>)
      %mul3A_90 = arith.constant 128 : i32
      %mul3A_91 = arith.muli %add3A_30, %mul3A_90 : i32
      %dma_start3A_92 = arith.constant 5 : i32
      %dma_start3A_93 = tpu.memref_slice %arg11[%dma_start3A_92, %mul3A_91] : memref<16x5136xf32, #tpu.memory_space<vmem>> -> memref<1x128xf32, #tpu.memory_space<vmem>>
      %dma_start3A_94 = tpu.memref_squeeze %dma_start3A_93 : memref<1x128xf32, #tpu.memory_space<vmem>> -> memref<128xf32, #tpu.memory_space<vmem>>
      %dma_start3A_95 = arith.constant 0 : i32
      %dma_start3A_96 = tpu.memref_slice %arg10[%add3A_30, %dma_start3A_95] : memref<40x128xi32, #tpu.memory_space<vmem>> -> memref<1x128xi32, #tpu.memory_space<vmem>>
      %dma_start3A_97 = tpu.memref_squeeze %dma_start3A_96 : memref<1x128xi32, #tpu.memory_space<vmem>> -> memref<128xi32, #tpu.memory_space<vmem>>
      %dma_start3A_98 = arith.constant 640 : i32
      %dma_start3A_99 = tpu.memref_slice %arg3[%dma_start3A_98] : memref<16252928xf32, #tpu.memory_space<hbm>> -> memref<16252288xf32, #tpu.memory_space<hbm>>
      %dma_start3A_100 = arith.constant 0 : i32
      %dma_start3A_101 = tpu.memref_slice %dma_start3A_99[%dma_start3A_100] : memref<16252288xf32, #tpu.memory_space<hbm>> -> memref<16252288xf32, #tpu.memory_space<hbm>>
      tpu.enqueue_indirect_dma source(%dma_start3A_101 : memref<16252288xf32, #tpu.memory_space<hbm>>) target(%dma_start3A_94 : memref<128xf32, #tpu.memory_space<vmem>>) offsets(%dma_start3A_97 : memref<128xi32, #tpu.memory_space<vmem>>) semaphore(%arg17 : memref<!tpu.dma_semaphore, #tpu.memory_space<semaphore_mem>>)
      %mul3A_102 = arith.constant 128 : i32
      %mul3A_103 = arith.muli %add3A_30, %mul3A_102 : i32
      %dma_start3A_104 = arith.constant 6 : i32
      %dma_start3A_105 = tpu.memref_slice %arg11[%dma_start3A_104, %mul3A_103] : memref<16x5136xf32, #tpu.memory_space<vmem>> -> memref<1x128xf32, #tpu.memory_space<vmem>>
      %dma_start3A_106 = tpu.memref_squeeze %dma_start3A_105 : memref<1x128xf32, #tpu.memory_space<vmem>> -> memref<128xf32, #tpu.memory_space<vmem>>
      %dma_start3A_107 = arith.constant 0 : i32
      %dma_start3A_108 = tpu.memref_slice %arg10[%add3A_30, %dma_start3A_107] : memref<40x128xi32, #tpu.memory_space<vmem>> -> memref<1x128xi32, #tpu.memory_space<vmem>>
      %dma_start3A_109 = tpu.memref_squeeze %dma_start3A_108 : memref<1x128xi32, #tpu.memory_space<vmem>> -> memref<128xi32, #tpu.memory_space<vmem>>
      %dma_start3A_110 = arith.constant 768 : i32
      %dma_start3A_111 = tpu.memref_slice %arg3[%dma_start3A_110] : memref<16252928xf32, #tpu.memory_space<hbm>> -> memref<16252160xf32, #tpu.memory_space<hbm>>
      %dma_start3A_112 = arith.constant 0 : i32
      %dma_start3A_113 = tpu.memref_slice %dma_start3A_111[%dma_start3A_112] : memref<16252160xf32, #tpu.memory_space<hbm>> -> memref<16252160xf32, #tpu.memory_space<hbm>>
      tpu.enqueue_indirect_dma source(%dma_start3A_113 : memref<16252160xf32, #tpu.memory_space<hbm>>) target(%dma_start3A_106 : memref<128xf32, #tpu.memory_space<vmem>>) offsets(%dma_start3A_109 : memref<128xi32, #tpu.memory_space<vmem>>) semaphore(%arg17 : memref<!tpu.dma_semaphore, #tpu.memory_space<semaphore_mem>>)
      %mul3A_114 = arith.constant 128 : i32
      %mul3A_115 = arith.muli %add3A_30, %mul3A_114 : i32
      %dma_start3A_116 = arith.constant 7 : i32
      %dma_start3A_117 = tpu.memref_slice %arg11[%dma_start3A_116, %mul3A_115] : memref<16x5136xf32, #tpu.memory_space<vmem>> -> memref<1x128xf32, #tpu.memory_space<vmem>>
      %dma_start3A_118 = tpu.memref_squeeze %dma_start3A_117 : memref<1x128xf32, #tpu.memory_space<vmem>> -> memref<128xf32, #tpu.memory_space<vmem>>
      %dma_start3A_119 = arith.constant 0 : i32
      %dma_start3A_120 = tpu.memref_slice %arg10[%add3A_30, %dma_start3A_119] : memref<40x128xi32, #tpu.memory_space<vmem>> -> memref<1x128xi32, #tpu.memory_space<vmem>>
      %dma_start3A_121 = tpu.memref_squeeze %dma_start3A_120 : memref<1x128xi32, #tpu.memory_space<vmem>> -> memref<128xi32, #tpu.memory_space<vmem>>
      %dma_start3A_122 = arith.constant 896 : i32
      %dma_start3A_123 = tpu.memref_slice %arg3[%dma_start3A_122] : memref<16252928xf32, #tpu.memory_space<hbm>> -> memref<16252032xf32, #tpu.memory_space<hbm>>
      %dma_start3A_124 = arith.constant 0 : i32
      %dma_start3A_125 = tpu.memref_slice %dma_start3A_123[%dma_start3A_124] : memref<16252032xf32, #tpu.memory_space<hbm>> -> memref<16252032xf32, #tpu.memory_space<hbm>>
      tpu.enqueue_indirect_dma source(%dma_start3A_125 : memref<16252032xf32, #tpu.memory_space<hbm>>) target(%dma_start3A_118 : memref<128xf32, #tpu.memory_space<vmem>>) offsets(%dma_start3A_121 : memref<128xi32, #tpu.memory_space<vmem>>) semaphore(%arg17 : memref<!tpu.dma_semaphore, #tpu.memory_space<semaphore_mem>>)
      %mul3A_126 = arith.constant 128 : i32
      %mul3A_127 = arith.muli %add3A_30, %mul3A_126 : i32
      %dma_start3A_128 = arith.constant 8 : i32
      %dma_start3A_129 = tpu.memref_slice %arg11[%dma_start3A_128, %mul3A_127] : memref<16x5136xf32, #tpu.memory_space<vmem>> -> memref<1x128xf32, #tpu.memory_space<vmem>>
      %dma_start3A_130 = tpu.memref_squeeze %dma_start3A_129 : memref<1x128xf32, #tpu.memory_space<vmem>> -> memref<128xf32, #tpu.memory_space<vmem>>
      %dma_start3A_131 = arith.constant 0 : i32
      %dma_start3A_132 = tpu.memref_slice %arg10[%add3A_30, %dma_start3A_131] : memref<40x128xi32, #tpu.memory_space<vmem>> -> memref<1x128xi32, #tpu.memory_space<vmem>>
      %dma_start3A_133 = tpu.memref_squeeze %dma_start3A_132 : memref<1x128xi32, #tpu.memory_space<vmem>> -> memref<128xi32, #tpu.memory_space<vmem>>
      %dma_start3A_134 = arith.constant 1024 : i32
      %dma_start3A_135 = tpu.memref_slice %arg3[%dma_start3A_134] : memref<16252928xf32, #tpu.memory_space<hbm>> -> memref<16251904xf32, #tpu.memory_space<hbm>>
      %dma_start3A_136 = arith.constant 0 : i32
      %dma_start3A_137 = tpu.memref_slice %dma_start3A_135[%dma_start3A_136] : memref<16251904xf32, #tpu.memory_space<hbm>> -> memref<16251904xf32, #tpu.memory_space<hbm>>
      tpu.enqueue_indirect_dma source(%dma_start3A_137 : memref<16251904xf32, #tpu.memory_space<hbm>>) target(%dma_start3A_130 : memref<128xf32, #tpu.memory_space<vmem>>) offsets(%dma_start3A_133 : memref<128xi32, #tpu.memory_space<vmem>>) semaphore(%arg17 : memref<!tpu.dma_semaphore, #tpu.memory_space<semaphore_mem>>)
      %mul3A_138 = arith.constant 128 : i32
      %mul3A_139 = arith.muli %add3A_30, %mul3A_138 : i32
      %dma_start3A_140 = arith.constant 9 : i32
      %dma_start3A_141 = tpu.memref_slice %arg11[%dma_start3A_140, %mul3A_139] : memref<16x5136xf32, #tpu.memory_space<vmem>> -> memref<1x128xf32, #tpu.memory_space<vmem>>
      %dma_start3A_142 = tpu.memref_squeeze %dma_start3A_141 : memref<1x128xf32, #tpu.memory_space<vmem>> -> memref<128xf32, #tpu.memory_space<vmem>>
      %dma_start3A_143 = arith.constant 0 : i32
      %dma_start3A_144 = tpu.memref_slice %arg10[%add3A_30, %dma_start3A_143] : memref<40x128xi32, #tpu.memory_space<vmem>> -> memref<1x128xi32, #tpu.memory_space<vmem>>
      %dma_start3A_145 = tpu.memref_squeeze %dma_start3A_144 : memref<1x128xi32, #tpu.memory_space<vmem>> -> memref<128xi32, #tpu.memory_space<vmem>>
      %dma_start3A_146 = arith.constant 1152 : i32
      %dma_start3A_147 = tpu.memref_slice %arg3[%dma_start3A_146] : memref<16252928xf32, #tpu.memory_space<hbm>> -> memref<16251776xf32, #tpu.memory_space<hbm>>
      %dma_start3A_148 = arith.constant 0 : i32
      %dma_start3A_149 = tpu.memref_slice %dma_start3A_147[%dma_start3A_148] : memref<16251776xf32, #tpu.memory_space<hbm>> -> memref<16251776xf32, #tpu.memory_space<hbm>>
      tpu.enqueue_indirect_dma source(%dma_start3A_149 : memref<16251776xf32, #tpu.memory_space<hbm>>) target(%dma_start3A_142 : memref<128xf32, #tpu.memory_space<vmem>>) offsets(%dma_start3A_145 : memref<128xi32, #tpu.memory_space<vmem>>) semaphore(%arg17 : memref<!tpu.dma_semaphore, #tpu.memory_space<semaphore_mem>>)
      %mul3A_150 = arith.constant 128 : i32
      %mul3A_151 = arith.muli %add3A_30, %mul3A_150 : i32
      %dma_start3A_152 = arith.constant 10 : i32
      %dma_start3A_153 = tpu.memref_slice %arg11[%dma_start3A_152, %mul3A_151] : memref<16x5136xf32, #tpu.memory_space<vmem>> -> memref<1x128xf32, #tpu.memory_space<vmem>>
      %dma_start3A_154 = tpu.memref_squeeze %dma_start3A_153 : memref<1x128xf32, #tpu.memory_space<vmem>> -> memref<128xf32, #tpu.memory_space<vmem>>
      %dma_start3A_155 = arith.constant 0 : i32
      %dma_start3A_156 = tpu.memref_slice %arg10[%add3A_30, %dma_start3A_155] : memref<40x128xi32, #tpu.memory_space<vmem>> -> memref<1x128xi32, #tpu.memory_space<vmem>>
      %dma_start3A_157 = tpu.memref_squeeze %dma_start3A_156 : memref<1x128xi32, #tpu.memory_space<vmem>> -> memref<128xi32, #tpu.memory_space<vmem>>
      %dma_start3A_158 = arith.constant 1280 : i32
      %dma_start3A_159 = tpu.memref_slice %arg3[%dma_start3A_158] : memref<16252928xf32, #tpu.memory_space<hbm>> -> memref<16251648xf32, #tpu.memory_space<hbm>>
      %dma_start3A_160 = arith.constant 0 : i32
      %dma_start3A_161 = tpu.memref_slice %dma_start3A_159[%dma_start3A_160] : memref<16251648xf32, #tpu.memory_space<hbm>> -> memref<16251648xf32, #tpu.memory_space<hbm>>
      tpu.enqueue_indirect_dma source(%dma_start3A_161 : memref<16251648xf32, #tpu.memory_space<hbm>>) target(%dma_start3A_154 : memref<128xf32, #tpu.memory_space<vmem>>) offsets(%dma_start3A_157 : memref<128xi32, #tpu.memory_space<vmem>>) semaphore(%arg17 : memref<!tpu.dma_semaphore, #tpu.memory_space<semaphore_mem>>)
      %mul3A_162 = arith.constant 128 : i32
      %mul3A_163 = arith.muli %add3A_30, %mul3A_162 : i32
      %dma_start3A_164 = arith.constant 11 : i32
      %dma_start3A_165 = tpu.memref_slice %arg11[%dma_start3A_164, %mul3A_163] : memref<16x5136xf32, #tpu.memory_space<vmem>> -> memref<1x128xf32, #tpu.memory_space<vmem>>
      %dma_start3A_166 = tpu.memref_squeeze %dma_start3A_165 : memref<1x128xf32, #tpu.memory_space<vmem>> -> memref<128xf32, #tpu.memory_space<vmem>>
      %dma_start3A_167 = arith.constant 0 : i32
      %dma_start3A_168 = tpu.memref_slice %arg10[%add3A_30, %dma_start3A_167] : memref<40x128xi32, #tpu.memory_space<vmem>> -> memref<1x128xi32, #tpu.memory_space<vmem>>
      %dma_start3A_169 = tpu.memref_squeeze %dma_start3A_168 : memref<1x128xi32, #tpu.memory_space<vmem>> -> memref<128xi32, #tpu.memory_space<vmem>>
      %dma_start3A_170 = arith.constant 1408 : i32
      %dma_start3A_171 = tpu.memref_slice %arg3[%dma_start3A_170] : memref<16252928xf32, #tpu.memory_space<hbm>> -> memref<16251520xf32, #tpu.memory_space<hbm>>
      %dma_start3A_172 = arith.constant 0 : i32
      %dma_start3A_173 = tpu.memref_slice %dma_start3A_171[%dma_start3A_172] : memref<16251520xf32, #tpu.memory_space<hbm>> -> memref<16251520xf32, #tpu.memory_space<hbm>>
      tpu.enqueue_indirect_dma source(%dma_start3A_173 : memref<16251520xf32, #tpu.memory_space<hbm>>) target(%dma_start3A_166 : memref<128xf32, #tpu.memory_space<vmem>>) offsets(%dma_start3A_169 : memref<128xi32, #tpu.memory_space<vmem>>) semaphore(%arg17 : memref<!tpu.dma_semaphore, #tpu.memory_space<semaphore_mem>>)
      %mul3A_174 = arith.constant 128 : i32
      %mul3A_175 = arith.muli %add3A_30, %mul3A_174 : i32
      %dma_start3A_176 = arith.constant 12 : i32
      %dma_start3A_177 = tpu.memref_slice %arg11[%dma_start3A_176, %mul3A_175] : memref<16x5136xf32, #tpu.memory_space<vmem>> -> memref<1x128xf32, #tpu.memory_space<vmem>>
      %dma_start3A_178 = tpu.memref_squeeze %dma_start3A_177 : memref<1x128xf32, #tpu.memory_space<vmem>> -> memref<128xf32, #tpu.memory_space<vmem>>
      %dma_start3A_179 = arith.constant 0 : i32
      %dma_start3A_180 = tpu.memref_slice %arg10[%add3A_30, %dma_start3A_179] : memref<40x128xi32, #tpu.memory_space<vmem>> -> memref<1x128xi32, #tpu.memory_space<vmem>>
      %dma_start3A_181 = tpu.memref_squeeze %dma_start3A_180 : memref<1x128xi32, #tpu.memory_space<vmem>> -> memref<128xi32, #tpu.memory_space<vmem>>
      %dma_start3A_182 = arith.constant 1536 : i32
      %dma_start3A_183 = tpu.memref_slice %arg3[%dma_start3A_182] : memref<16252928xf32, #tpu.memory_space<hbm>> -> memref<16251392xf32, #tpu.memory_space<hbm>>
      %dma_start3A_184 = arith.constant 0 : i32
      %dma_start3A_185 = tpu.memref_slice %dma_start3A_183[%dma_start3A_184] : memref<16251392xf32, #tpu.memory_space<hbm>> -> memref<16251392xf32, #tpu.memory_space<hbm>>
      tpu.enqueue_indirect_dma source(%dma_start3A_185 : memref<16251392xf32, #tpu.memory_space<hbm>>) target(%dma_start3A_178 : memref<128xf32, #tpu.memory_space<vmem>>) offsets(%dma_start3A_181 : memref<128xi32, #tpu.memory_space<vmem>>) semaphore(%arg17 : memref<!tpu.dma_semaphore, #tpu.memory_space<semaphore_mem>>)
      %mul3A_186 = arith.constant 128 : i32
      %mul3A_187 = arith.muli %add3A_30, %mul3A_186 : i32
      %dma_start3A_188 = arith.constant 13 : i32
      %dma_start3A_189 = tpu.memref_slice %arg11[%dma_start3A_188, %mul3A_187] : memref<16x5136xf32, #tpu.memory_space<vmem>> -> memref<1x128xf32, #tpu.memory_space<vmem>>
      %dma_start3A_190 = tpu.memref_squeeze %dma_start3A_189 : memref<1x128xf32, #tpu.memory_space<vmem>> -> memref<128xf32, #tpu.memory_space<vmem>>
      %dma_start3A_191 = arith.constant 0 : i32
      %dma_start3A_192 = tpu.memref_slice %arg10[%add3A_30, %dma_start3A_191] : memref<40x128xi32, #tpu.memory_space<vmem>> -> memref<1x128xi32, #tpu.memory_space<vmem>>
      %dma_start3A_193 = tpu.memref_squeeze %dma_start3A_192 : memref<1x128xi32, #tpu.memory_space<vmem>> -> memref<128xi32, #tpu.memory_space<vmem>>
      %dma_start3A_194 = arith.constant 1664 : i32
      %dma_start3A_195 = tpu.memref_slice %arg3[%dma_start3A_194] : memref<16252928xf32, #tpu.memory_space<hbm>> -> memref<16251264xf32, #tpu.memory_space<hbm>>
      %dma_start3A_196 = arith.constant 0 : i32
      %dma_start3A_197 = tpu.memref_slice %dma_start3A_195[%dma_start3A_196] : memref<16251264xf32, #tpu.memory_space<hbm>> -> memref<16251264xf32, #tpu.memory_space<hbm>>
      tpu.enqueue_indirect_dma source(%dma_start3A_197 : memref<16251264xf32, #tpu.memory_space<hbm>>) target(%dma_start3A_190 : memref<128xf32, #tpu.memory_space<vmem>>) offsets(%dma_start3A_193 : memref<128xi32, #tpu.memory_space<vmem>>) semaphore(%arg17 : memref<!tpu.dma_semaphore, #tpu.memory_space<semaphore_mem>>)
      %mul3A_198 = arith.constant 128 : i32
      %mul3A_199 = arith.muli %add3A_30, %mul3A_198 : i32
      %dma_start3A_200 = arith.constant 14 : i32
      %dma_start3A_201 = tpu.memref_slice %arg11[%dma_start3A_200, %mul3A_199] : memref<16x5136xf32, #tpu.memory_space<vmem>> -> memref<1x128xf32, #tpu.memory_space<vmem>>
      %dma_start3A_202 = tpu.memref_squeeze %dma_start3A_201 : memref<1x128xf32, #tpu.memory_space<vmem>> -> memref<128xf32, #tpu.memory_space<vmem>>
      %dma_start3A_203 = arith.constant 0 : i32
      %dma_start3A_204 = tpu.memref_slice %arg10[%add3A_30, %dma_start3A_203] : memref<40x128xi32, #tpu.memory_space<vmem>> -> memref<1x128xi32, #tpu.memory_space<vmem>>
      %dma_start3A_205 = tpu.memref_squeeze %dma_start3A_204 : memref<1x128xi32, #tpu.memory_space<vmem>> -> memref<128xi32, #tpu.memory_space<vmem>>
      %dma_start3A_206 = arith.constant 1792 : i32
      %dma_start3A_207 = tpu.memref_slice %arg3[%dma_start3A_206] : memref<16252928xf32, #tpu.memory_space<hbm>> -> memref<16251136xf32, #tpu.memory_space<hbm>>
      %dma_start3A_208 = arith.constant 0 : i32
      %dma_start3A_209 = tpu.memref_slice %dma_start3A_207[%dma_start3A_208] : memref<16251136xf32, #tpu.memory_space<hbm>> -> memref<16251136xf32, #tpu.memory_space<hbm>>
      tpu.enqueue_indirect_dma source(%dma_start3A_209 : memref<16251136xf32, #tpu.memory_space<hbm>>) target(%dma_start3A_202 : memref<128xf32, #tpu.memory_space<vmem>>) offsets(%dma_start3A_205 : memref<128xi32, #tpu.memory_space<vmem>>) semaphore(%arg17 : memref<!tpu.dma_semaphore, #tpu.memory_space<semaphore_mem>>)
      %mul3A_210 = arith.constant 128 : i32
      %mul3A_211 = arith.muli %add3A_30, %mul3A_210 : i32
      %dma_start3A_212 = arith.constant 15 : i32
      %dma_start3A_213 = tpu.memref_slice %arg11[%dma_start3A_212, %mul3A_211] : memref<16x5136xf32, #tpu.memory_space<vmem>> -> memref<1x128xf32, #tpu.memory_space<vmem>>
      %dma_start3A_214 = tpu.memref_squeeze %dma_start3A_213 : memref<1x128xf32, #tpu.memory_space<vmem>> -> memref<128xf32, #tpu.memory_space<vmem>>
      %dma_start3A_215 = arith.constant 0 : i32
      %dma_start3A_216 = tpu.memref_slice %arg10[%add3A_30, %dma_start3A_215] : memref<40x128xi32, #tpu.memory_space<vmem>> -> memref<1x128xi32, #tpu.memory_space<vmem>>
      %dma_start3A_217 = tpu.memref_squeeze %dma_start3A_216 : memref<1x128xi32, #tpu.memory_space<vmem>> -> memref<128xi32, #tpu.memory_space<vmem>>
      %dma_start3A_218 = arith.constant 1920 : i32
      %dma_start3A_219 = tpu.memref_slice %arg3[%dma_start3A_218] : memref<16252928xf32, #tpu.memory_space<hbm>> -> memref<16251008xf32, #tpu.memory_space<hbm>>
      %dma_start3A_220 = arith.constant 0 : i32
      %dma_start3A_221 = tpu.memref_slice %dma_start3A_219[%dma_start3A_220] : memref<16251008xf32, #tpu.memory_space<hbm>> -> memref<16251008xf32, #tpu.memory_space<hbm>>
      tpu.enqueue_indirect_dma source(%dma_start3A_221 : memref<16251008xf32, #tpu.memory_space<hbm>>) target(%dma_start3A_214 : memref<128xf32, #tpu.memory_space<vmem>>) offsets(%dma_start3A_217 : memref<128xi32, #tpu.memory_space<vmem>>) semaphore(%arg17 : memref<!tpu.dma_semaphore, #tpu.memory_space<semaphore_mem>>)
    }
    %scan3A_9 = arith.constant 40 : i32
    %iota3A = tpu.iota {dimensions = array<i32: 0>} : vector<16xi32>
    %get3A = arith.constant 0 : index
    %get3A_10 = tpu.vector_load %arg13[%get3A] {strides = array<i32>} : memref<32xf32, #tpu.memory_space<vmem>>, vector<16xf32>,
    %get3A_11 = arith.constant 16 : index
    %get3A_12 = tpu.vector_load %arg13[%get3A_11] {strides = array<i32>} : memref<32xf32, #tpu.memory_space<vmem>>, vector<16xf32>,
    %get3A_13 = arith.constant 0 : index
    %get3A_14 = tpu.vector_load %arg14[%get3A_13] {strides = array<i32>} : memref<32xf32, #tpu.memory_space<vmem>>, vector<16xf32>,
    %get3A_15 = arith.constant 16 : index
    %get3A_16 = tpu.vector_load %arg14[%get3A_15] {strides = array<i32>} : memref<32xf32, #tpu.memory_space<vmem>>, vector<16xf32>,
    %get3A_17 = arith.constant 0 : index
    %get3A_18 = tpu.vector_load %arg15[%get3A_17] {strides = array<i32>} : memref<16xf32, #tpu.memory_space<vmem>>, vector<16xf32>,
    %scan3A_19 = arith.constant 0 : i32
    %scan3A_20 = arith.constant 4 : i32
    %scan3A_21 = arith.addi %scan3A_19, %scan3A_20 : i32
    %scan3A_22 = arith.constant 1 : i32
    scf.for %scan3A_26 = %scan3A_19 to %scan3A_21 step %scan3A_22  : i32 {
      %mul3A_27 = arith.constant 1 : i32
      %mul3A_28 = arith.muli %scan3A_26, %mul3A_27 : i32
      %add3A_29 = arith.constant 0 : i32
      %add3A_30 = arith.addi %add3A_29, %mul3A_28 : i32
      %scan3A_31 = arith.constant 0 : i32
      %scan3A_32 = arith.constant 10 : i32
      %scan3A_33 = arith.addi %scan3A_31, %scan3A_32 : i32
      %scan3A_34 = arith.constant 1 : i32
      scf.for %scan3A_41 = %scan3A_31 to %scan3A_33 step %scan3A_34  : i32 {
        %mul3A_42 = arith.constant 1 : i32
        %mul3A_43 = arith.muli %scan3A_41, %mul3A_42 : i32
        %add3A_44 = arith.constant 0 : i32
        %add3A_45 = arith.addi %add3A_44, %mul3A_43 : i32
        %mul3A_46 = arith.constant 10 : i32
        %mul3A_47 = arith.muli %add3A_30, %mul3A_46 : i32
        %add3A_48 = arith.addi %mul3A_47, %add3A_45 : i32
        %mul3A_49 = arith.constant 128 : i32
        %mul3A_50 = arith.muli %add3A_48, %mul3A_49 : i32
        %dma_wait3A = arith.constant 0 : i32
        %dma_wait3A_51 = tpu.memref_slice %arg11[%dma_wait3A, %mul3A_50] : memref<16x5136xf32, #tpu.memory_space<vmem>> -> memref<1x128xf32, #tpu.memory_space<vmem>>
        %dma_wait3A_52 = tpu.memref_squeeze %dma_wait3A_51 : memref<1x128xf32, #tpu.memory_space<vmem>> -> memref<128xf32, #tpu.memory_space<vmem>>
        %dma_wait3A_53 = arith.constant 0 : i32
        %dma_wait3A_54 = tpu.memref_slice %arg10[%add3A_48, %dma_wait3A_53] : memref<40x128xi32, #tpu.memory_space<vmem>> -> memref<1x128xi32, #tpu.memory_space<vmem>>
        %dma_wait3A_55 = tpu.memref_squeeze %dma_wait3A_54 : memref<1x128xi32, #tpu.memory_space<vmem>> -> memref<128xi32, #tpu.memory_space<vmem>>
        %dma_wait3A_56 = arith.constant 0 : i32
        %dma_wait3A_57 = tpu.memref_slice %arg3[%dma_wait3A_56] : memref<16252928xf32, #tpu.memory_space<hbm>> -> memref<16252928xf32, #tpu.memory_space<hbm>>
        %dma_wait3A_58 = arith.constant 0 : i32
        %dma_wait3A_59 = tpu.memref_slice %dma_wait3A_57[%dma_wait3A_58] : memref<16252928xf32, #tpu.memory_space<hbm>> -> memref<16252928xf32, #tpu.memory_space<hbm>>
        tpu.wait_indirect_dma semaphore(%arg17 : memref<!tpu.dma_semaphore, #tpu.memory_space<semaphore_mem>>) src(%dma_wait3A_59 : memref<16252928xf32, #tpu.memory_space<hbm>>) dst(%dma_wait3A_52 : memref<128xf32, #tpu.memory_space<vmem>>)
        %mul3A_60 = arith.constant 128 : i32
        %mul3A_61 = arith.muli %add3A_48, %mul3A_60 : i32
        %dma_wait3A_62 = arith.constant 1 : i32
        %dma_wait3A_63 = tpu.memref_slice %arg11[%dma_wait3A_62, %mul3A_61] : memref<16x5136xf32, #tpu.memory_space<vmem>> -> memref<1x128xf32, #tpu.memory_space<vmem>>
        %dma_wait3A_64 = tpu.memref_squeeze %dma_wait3A_63 : memref<1x128xf32, #tpu.memory_space<vmem>> -> memref<128xf32, #tpu.memory_space<vmem>>
        %dma_wait3A_65 = arith.constant 0 : i32
        %dma_wait3A_66 = tpu.memref_slice %arg10[%add3A_48, %dma_wait3A_65] : memref<40x128xi32, #tpu.memory_space<vmem>> -> memref<1x128xi32, #tpu.memory_space<vmem>>
        %dma_wait3A_67 = tpu.memref_squeeze %dma_wait3A_66 : memref<1x128xi32, #tpu.memory_space<vmem>> -> memref<128xi32, #tpu.memory_space<vmem>>
        %dma_wait3A_68 = arith.constant 128 : i32
        %dma_wait3A_69 = tpu.memref_slice %arg3[%dma_wait3A_68] : memref<16252928xf32, #tpu.memory_space<hbm>> -> memref<16252800xf32, #tpu.memory_space<hbm>>
        %dma_wait3A_70 = arith.constant 0 : i32
        %dma_wait3A_71 = tpu.memref_slice %dma_wait3A_69[%dma_wait3A_70] : memref<16252800xf32, #tpu.memory_space<hbm>> -> memref<16252800xf32, #tpu.memory_space<hbm>>
        tpu.wait_indirect_dma semaphore(%arg17 : memref<!tpu.dma_semaphore, #tpu.memory_space<semaphore_mem>>) src(%dma_wait3A_71 : memref<16252800xf32, #tpu.memory_space<hbm>>) dst(%dma_wait3A_64 : memref<128xf32, #tpu.memory_space<vmem>>)
        %mul3A_72 = arith.constant 128 : i32
        %mul3A_73 = arith.muli %add3A_48, %mul3A_72 : i32
        %dma_wait3A_74 = arith.constant 2 : i32
        %dma_wait3A_75 = tpu.memref_slice %arg11[%dma_wait3A_74, %mul3A_73] : memref<16x5136xf32, #tpu.memory_space<vmem>> -> memref<1x128xf32, #tpu.memory_space<vmem>>
        %dma_wait3A_76 = tpu.memref_squeeze %dma_wait3A_75 : memref<1x128xf32, #tpu.memory_space<vmem>> -> memref<128xf32, #tpu.memory_space<vmem>>
        %dma_wait3A_77 = arith.constant 0 : i32
        %dma_wait3A_78 = tpu.memref_slice %arg10[%add3A_48, %dma_wait3A_77] : memref<40x128xi32, #tpu.memory_space<vmem>> -> memref<1x128xi32, #tpu.memory_space<vmem>>
        %dma_wait3A_79 = tpu.memref_squeeze %dma_wait3A_78 : memref<1x128xi32, #tpu.memory_space<vmem>> -> memref<128xi32, #tpu.memory_space<vmem>>
        %dma_wait3A_80 = arith.constant 256 : i32
        %dma_wait3A_81 = tpu.memref_slice %arg3[%dma_wait3A_80] : memref<16252928xf32, #tpu.memory_space<hbm>> -> memref<16252672xf32, #tpu.memory_space<hbm>>
        %dma_wait3A_82 = arith.constant 0 : i32
        %dma_wait3A_83 = tpu.memref_slice %dma_wait3A_81[%dma_wait3A_82] : memref<16252672xf32, #tpu.memory_space<hbm>> -> memref<16252672xf32, #tpu.memory_space<hbm>>
        tpu.wait_indirect_dma semaphore(%arg17 : memref<!tpu.dma_semaphore, #tpu.memory_space<semaphore_mem>>) src(%dma_wait3A_83 : memref<16252672xf32, #tpu.memory_space<hbm>>) dst(%dma_wait3A_76 : memref<128xf32, #tpu.memory_space<vmem>>)
        %mul3A_84 = arith.constant 128 : i32
        %mul3A_85 = arith.muli %add3A_48, %mul3A_84 : i32
        %dma_wait3A_86 = arith.constant 3 : i32
        %dma_wait3A_87 = tpu.memref_slice %arg11[%dma_wait3A_86, %mul3A_85] : memref<16x5136xf32, #tpu.memory_space<vmem>> -> memref<1x128xf32, #tpu.memory_space<vmem>>
        %dma_wait3A_88 = tpu.memref_squeeze %dma_wait3A_87 : memref<1x128xf32, #tpu.memory_space<vmem>> -> memref<128xf32, #tpu.memory_space<vmem>>
        %dma_wait3A_89 = arith.constant 0 : i32
        %dma_wait3A_90 = tpu.memref_slice %arg10[%add3A_48, %dma_wait3A_89] : memref<40x128xi32, #tpu.memory_space<vmem>> -> memref<1x128xi32, #tpu.memory_space<vmem>>
        %dma_wait3A_91 = tpu.memref_squeeze %dma_wait3A_90 : memref<1x128xi32, #tpu.memory_space<vmem>> -> memref<128xi32, #tpu.memory_space<vmem>>
        %dma_wait3A_92 = arith.constant 384 : i32
        %dma_wait3A_93 = tpu.memref_slice %arg3[%dma_wait3A_92] : memref<16252928xf32, #tpu.memory_space<hbm>> -> memref<16252544xf32, #tpu.memory_space<hbm>>
        %dma_wait3A_94 = arith.constant 0 : i32
        %dma_wait3A_95 = tpu.memref_slice %dma_wait3A_93[%dma_wait3A_94] : memref<16252544xf32, #tpu.memory_space<hbm>> -> memref<16252544xf32, #tpu.memory_space<hbm>>
        tpu.wait_indirect_dma semaphore(%arg17 : memref<!tpu.dma_semaphore, #tpu.memory_space<semaphore_mem>>) src(%dma_wait3A_95 : memref<16252544xf32, #tpu.memory_space<hbm>>) dst(%dma_wait3A_88 : memref<128xf32, #tpu.memory_space<vmem>>)
        %mul3A_96 = arith.constant 128 : i32
        %mul3A_97 = arith.muli %add3A_48, %mul3A_96 : i32
        %dma_wait3A_98 = arith.constant 4 : i32
        %dma_wait3A_99 = tpu.memref_slice %arg11[%dma_wait3A_98, %mul3A_97] : memref<16x5136xf32, #tpu.memory_space<vmem>> -> memref<1x128xf32, #tpu.memory_space<vmem>>
        %dma_wait3A_100 = tpu.memref_squeeze %dma_wait3A_99 : memref<1x128xf32, #tpu.memory_space<vmem>> -> memref<128xf32, #tpu.memory_space<vmem>>
        %dma_wait3A_101 = arith.constant 0 : i32
        %dma_wait3A_102 = tpu.memref_slice %arg10[%add3A_48, %dma_wait3A_101] : memref<40x128xi32, #tpu.memory_space<vmem>> -> memref<1x128xi32, #tpu.memory_space<vmem>>
        %dma_wait3A_103 = tpu.memref_squeeze %dma_wait3A_102 : memref<1x128xi32, #tpu.memory_space<vmem>> -> memref<128xi32, #tpu.memory_space<vmem>>
        %dma_wait3A_104 = arith.constant 512 : i32
        %dma_wait3A_105 = tpu.memref_slice %arg3[%dma_wait3A_104] : memref<16252928xf32, #tpu.memory_space<hbm>> -> memref<16252416xf32, #tpu.memory_space<hbm>>
        %dma_wait3A_106 = arith.constant 0 : i32
        %dma_wait3A_107 = tpu.memref_slice %dma_wait3A_105[%dma_wait3A_106] : memref<16252416xf32, #tpu.memory_space<hbm>> -> memref<16252416xf32, #tpu.memory_space<hbm>>
        tpu.wait_indirect_dma semaphore(%arg17 : memref<!tpu.dma_semaphore, #tpu.memory_space<semaphore_mem>>) src(%dma_wait3A_107 : memref<16252416xf32, #tpu.memory_space<hbm>>) dst(%dma_wait3A_100 : memref<128xf32, #tpu.memory_space<vmem>>)
        %mul3A_108 = arith.constant 128 : i32
        %mul3A_109 = arith.muli %add3A_48, %mul3A_108 : i32
        %dma_wait3A_110 = arith.constant 5 : i32
        %dma_wait3A_111 = tpu.memref_slice %arg11[%dma_wait3A_110, %mul3A_109] : memref<16x5136xf32, #tpu.memory_space<vmem>> -> memref<1x128xf32, #tpu.memory_space<vmem>>
        %dma_wait3A_112 = tpu.memref_squeeze %dma_wait3A_111 : memref<1x128xf32, #tpu.memory_space<vmem>> -> memref<128xf32, #tpu.memory_space<vmem>>
        %dma_wait3A_113 = arith.constant 0 : i32
        %dma_wait3A_114 = tpu.memref_slice %arg10[%add3A_48, %dma_wait3A_113] : memref<40x128xi32, #tpu.memory_space<vmem>> -> memref<1x128xi32, #tpu.memory_space<vmem>>
        %dma_wait3A_115 = tpu.memref_squeeze %dma_wait3A_114 : memref<1x128xi32, #tpu.memory_space<vmem>> -> memref<128xi32, #tpu.memory_space<vmem>>
        %dma_wait3A_116 = arith.constant 640 : i32
        %dma_wait3A_117 = tpu.memref_slice %arg3[%dma_wait3A_116] : memref<16252928xf32, #tpu.memory_space<hbm>> -> memref<16252288xf32, #tpu.memory_space<hbm>>
        %dma_wait3A_118 = arith.constant 0 : i32
        %dma_wait3A_119 = tpu.memref_slice %dma_wait3A_117[%dma_wait3A_118] : memref<16252288xf32, #tpu.memory_space<hbm>> -> memref<16252288xf32, #tpu.memory_space<hbm>>
        tpu.wait_indirect_dma semaphore(%arg17 : memref<!tpu.dma_semaphore, #tpu.memory_space<semaphore_mem>>) src(%dma_wait3A_119 : memref<16252288xf32, #tpu.memory_space<hbm>>) dst(%dma_wait3A_112 : memref<128xf32, #tpu.memory_space<vmem>>)
        %mul3A_120 = arith.constant 128 : i32
        %mul3A_121 = arith.muli %add3A_48, %mul3A_120 : i32
        %dma_wait3A_122 = arith.constant 6 : i32
        %dma_wait3A_123 = tpu.memref_slice %arg11[%dma_wait3A_122, %mul3A_121] : memref<16x5136xf32, #tpu.memory_space<vmem>> -> memref<1x128xf32, #tpu.memory_space<vmem>>
        %dma_wait3A_124 = tpu.memref_squeeze %dma_wait3A_123 : memref<1x128xf32, #tpu.memory_space<vmem>> -> memref<128xf32, #tpu.memory_space<vmem>>
        %dma_wait3A_125 = arith.constant 0 : i32
        %dma_wait3A_126 = tpu.memref_slice %arg10[%add3A_48, %dma_wait3A_125] : memref<40x128xi32, #tpu.memory_space<vmem>> -> memref<1x128xi32, #tpu.memory_space<vmem>>
        %dma_wait3A_127 = tpu.memref_squeeze %dma_wait3A_126 : memref<1x128xi32, #tpu.memory_space<vmem>> -> memref<128xi32, #tpu.memory_space<vmem>>
        %dma_wait3A_128 = arith.constant 768 : i32
        %dma_wait3A_129 = tpu.memref_slice %arg3[%dma_wait3A_128] : memref<16252928xf32, #tpu.memory_space<hbm>> -> memref<16252160xf32, #tpu.memory_space<hbm>>
        %dma_wait3A_130 = arith.constant 0 : i32
        %dma_wait3A_131 = tpu.memref_slice %dma_wait3A_129[%dma_wait3A_130] : memref<16252160xf32, #tpu.memory_space<hbm>> -> memref<16252160xf32, #tpu.memory_space<hbm>>
        tpu.wait_indirect_dma semaphore(%arg17 : memref<!tpu.dma_semaphore, #tpu.memory_space<semaphore_mem>>) src(%dma_wait3A_131 : memref<16252160xf32, #tpu.memory_space<hbm>>) dst(%dma_wait3A_124 : memref<128xf32, #tpu.memory_space<vmem>>)
        %mul3A_132 = arith.constant 128 : i32
        %mul3A_133 = arith.muli %add3A_48, %mul3A_132 : i32
        %dma_wait3A_134 = arith.constant 7 : i32
        %dma_wait3A_135 = tpu.memref_slice %arg11[%dma_wait3A_134, %mul3A_133] : memref<16x5136xf32, #tpu.memory_space<vmem>> -> memref<1x128xf32, #tpu.memory_space<vmem>>
        %dma_wait3A_136 = tpu.memref_squeeze %dma_wait3A_135 : memref<1x128xf32, #tpu.memory_space<vmem>> -> memref<128xf32, #tpu.memory_space<vmem>>
        %dma_wait3A_137 = arith.constant 0 : i32
        %dma_wait3A_138 = tpu.memref_slice %arg10[%add3A_48, %dma_wait3A_137] : memref<40x128xi32, #tpu.memory_space<vmem>> -> memref<1x128xi32, #tpu.memory_space<vmem>>
        %dma_wait3A_139 = tpu.memref_squeeze %dma_wait3A_138 : memref<1x128xi32, #tpu.memory_space<vmem>> -> memref<128xi32, #tpu.memory_space<vmem>>
        %dma_wait3A_140 = arith.constant 896 : i32
        %dma_wait3A_141 = tpu.memref_slice %arg3[%dma_wait3A_140] : memref<16252928xf32, #tpu.memory_space<hbm>> -> memref<16252032xf32, #tpu.memory_space<hbm>>
        %dma_wait3A_142 = arith.constant 0 : i32
        %dma_wait3A_143 = tpu.memref_slice %dma_wait3A_141[%dma_wait3A_142] : memref<16252032xf32, #tpu.memory_space<hbm>> -> memref<16252032xf32, #tpu.memory_space<hbm>>
        tpu.wait_indirect_dma semaphore(%arg17 : memref<!tpu.dma_semaphore, #tpu.memory_space<semaphore_mem>>) src(%dma_wait3A_143 : memref<16252032xf32, #tpu.memory_space<hbm>>) dst(%dma_wait3A_136 : memref<128xf32, #tpu.memory_space<vmem>>)
        %mul3A_144 = arith.constant 128 : i32
        %mul3A_145 = arith.muli %add3A_48, %mul3A_144 : i32
        %dma_wait3A_146 = arith.constant 8 : i32
        %dma_wait3A_147 = tpu.memref_slice %arg11[%dma_wait3A_146, %mul3A_145] : memref<16x5136xf32, #tpu.memory_space<vmem>> -> memref<1x128xf32, #tpu.memory_space<vmem>>
        %dma_wait3A_148 = tpu.memref_squeeze %dma_wait3A_147 : memref<1x128xf32, #tpu.memory_space<vmem>> -> memref<128xf32, #tpu.memory_space<vmem>>
        %dma_wait3A_149 = arith.constant 0 : i32
        %dma_wait3A_150 = tpu.memref_slice %arg10[%add3A_48, %dma_wait3A_149] : memref<40x128xi32, #tpu.memory_space<vmem>> -> memref<1x128xi32, #tpu.memory_space<vmem>>
        %dma_wait3A_151 = tpu.memref_squeeze %dma_wait3A_150 : memref<1x128xi32, #tpu.memory_space<vmem>> -> memref<128xi32, #tpu.memory_space<vmem>>
        %dma_wait3A_152 = arith.constant 1024 : i32
        %dma_wait3A_153 = tpu.memref_slice %arg3[%dma_wait3A_152] : memref<16252928xf32, #tpu.memory_space<hbm>> -> memref<16251904xf32, #tpu.memory_space<hbm>>
        %dma_wait3A_154 = arith.constant 0 : i32
        %dma_wait3A_155 = tpu.memref_slice %dma_wait3A_153[%dma_wait3A_154] : memref<16251904xf32, #tpu.memory_space<hbm>> -> memref<16251904xf32, #tpu.memory_space<hbm>>
        tpu.wait_indirect_dma semaphore(%arg17 : memref<!tpu.dma_semaphore, #tpu.memory_space<semaphore_mem>>) src(%dma_wait3A_155 : memref<16251904xf32, #tpu.memory_space<hbm>>) dst(%dma_wait3A_148 : memref<128xf32, #tpu.memory_space<vmem>>)
        %mul3A_156 = arith.constant 128 : i32
        %mul3A_157 = arith.muli %add3A_48, %mul3A_156 : i32
        %dma_wait3A_158 = arith.constant 9 : i32
        %dma_wait3A_159 = tpu.memref_slice %arg11[%dma_wait3A_158, %mul3A_157] : memref<16x5136xf32, #tpu.memory_space<vmem>> -> memref<1x128xf32, #tpu.memory_space<vmem>>
        %dma_wait3A_160 = tpu.memref_squeeze %dma_wait3A_159 : memref<1x128xf32, #tpu.memory_space<vmem>> -> memref<128xf32, #tpu.memory_space<vmem>>
        %dma_wait3A_161 = arith.constant 0 : i32
        %dma_wait3A_162 = tpu.memref_slice %arg10[%add3A_48, %dma_wait3A_161] : memref<40x128xi32, #tpu.memory_space<vmem>> -> memref<1x128xi32, #tpu.memory_space<vmem>>
        %dma_wait3A_163 = tpu.memref_squeeze %dma_wait3A_162 : memref<1x128xi32, #tpu.memory_space<vmem>> -> memref<128xi32, #tpu.memory_space<vmem>>
        %dma_wait3A_164 = arith.constant 1152 : i32
        %dma_wait3A_165 = tpu.memref_slice %arg3[%dma_wait3A_164] : memref<16252928xf32, #tpu.memory_space<hbm>> -> memref<16251776xf32, #tpu.memory_space<hbm>>
        %dma_wait3A_166 = arith.constant 0 : i32
        %dma_wait3A_167 = tpu.memref_slice %dma_wait3A_165[%dma_wait3A_166] : memref<16251776xf32, #tpu.memory_space<hbm>> -> memref<16251776xf32, #tpu.memory_space<hbm>>
        tpu.wait_indirect_dma semaphore(%arg17 : memref<!tpu.dma_semaphore, #tpu.memory_space<semaphore_mem>>) src(%dma_wait3A_167 : memref<16251776xf32, #tpu.memory_space<hbm>>) dst(%dma_wait3A_160 : memref<128xf32, #tpu.memory_space<vmem>>)
        %mul3A_168 = arith.constant 128 : i32
        %mul3A_169 = arith.muli %add3A_48, %mul3A_168 : i32
        %dma_wait3A_170 = arith.constant 10 : i32
        %dma_wait3A_171 = tpu.memref_slice %arg11[%dma_wait3A_170, %mul3A_169] : memref<16x5136xf32, #tpu.memory_space<vmem>> -> memref<1x128xf32, #tpu.memory_space<vmem>>
        %dma_wait3A_172 = tpu.memref_squeeze %dma_wait3A_171 : memref<1x128xf32, #tpu.memory_space<vmem>> -> memref<128xf32, #tpu.memory_space<vmem>>
        %dma_wait3A_173 = arith.constant 0 : i32
        %dma_wait3A_174 = tpu.memref_slice %arg10[%add3A_48, %dma_wait3A_173] : memref<40x128xi32, #tpu.memory_space<vmem>> -> memref<1x128xi32, #tpu.memory_space<vmem>>
        %dma_wait3A_175 = tpu.memref_squeeze %dma_wait3A_174 : memref<1x128xi32, #tpu.memory_space<vmem>> -> memref<128xi32, #tpu.memory_space<vmem>>
        %dma_wait3A_176 = arith.constant 1280 : i32
        %dma_wait3A_177 = tpu.memref_slice %arg3[%dma_wait3A_176] : memref<16252928xf32, #tpu.memory_space<hbm>> -> memref<16251648xf32, #tpu.memory_space<hbm>>
        %dma_wait3A_178 = arith.constant 0 : i32
        %dma_wait3A_179 = tpu.memref_slice %dma_wait3A_177[%dma_wait3A_178] : memref<16251648xf32, #tpu.memory_space<hbm>> -> memref<16251648xf32, #tpu.memory_space<hbm>>
        tpu.wait_indirect_dma semaphore(%arg17 : memref<!tpu.dma_semaphore, #tpu.memory_space<semaphore_mem>>) src(%dma_wait3A_179 : memref<16251648xf32, #tpu.memory_space<hbm>>) dst(%dma_wait3A_172 : memref<128xf32, #tpu.memory_space<vmem>>)
        %mul3A_180 = arith.constant 128 : i32
        %mul3A_181 = arith.muli %add3A_48, %mul3A_180 : i32
        %dma_wait3A_182 = arith.constant 11 : i32
        %dma_wait3A_183 = tpu.memref_slice %arg11[%dma_wait3A_182, %mul3A_181] : memref<16x5136xf32, #tpu.memory_space<vmem>> -> memref<1x128xf32, #tpu.memory_space<vmem>>
        %dma_wait3A_184 = tpu.memref_squeeze %dma_wait3A_183 : memref<1x128xf32, #tpu.memory_space<vmem>> -> memref<128xf32, #tpu.memory_space<vmem>>
        %dma_wait3A_185 = arith.constant 0 : i32
        %dma_wait3A_186 = tpu.memref_slice %arg10[%add3A_48, %dma_wait3A_185] : memref<40x128xi32, #tpu.memory_space<vmem>> -> memref<1x128xi32, #tpu.memory_space<vmem>>
        %dma_wait3A_187 = tpu.memref_squeeze %dma_wait3A_186 : memref<1x128xi32, #tpu.memory_space<vmem>> -> memref<128xi32, #tpu.memory_space<vmem>>
        %dma_wait3A_188 = arith.constant 1408 : i32
        %dma_wait3A_189 = tpu.memref_slice %arg3[%dma_wait3A_188] : memref<16252928xf32, #tpu.memory_space<hbm>> -> memref<16251520xf32, #tpu.memory_space<hbm>>
        %dma_wait3A_190 = arith.constant 0 : i32
        %dma_wait3A_191 = tpu.memref_slice %dma_wait3A_189[%dma_wait3A_190] : memref<16251520xf32, #tpu.memory_space<hbm>> -> memref<16251520xf32, #tpu.memory_space<hbm>>
        tpu.wait_indirect_dma semaphore(%arg17 : memref<!tpu.dma_semaphore, #tpu.memory_space<semaphore_mem>>) src(%dma_wait3A_191 : memref<16251520xf32, #tpu.memory_space<hbm>>) dst(%dma_wait3A_184 : memref<128xf32, #tpu.memory_space<vmem>>)
        %mul3A_192 = arith.constant 128 : i32
        %mul3A_193 = arith.muli %add3A_48, %mul3A_192 : i32
        %dma_wait3A_194 = arith.constant 12 : i32
        %dma_wait3A_195 = tpu.memref_slice %arg11[%dma_wait3A_194, %mul3A_193] : memref<16x5136xf32, #tpu.memory_space<vmem>> -> memref<1x128xf32, #tpu.memory_space<vmem>>
        %dma_wait3A_196 = tpu.memref_squeeze %dma_wait3A_195 : memref<1x128xf32, #tpu.memory_space<vmem>> -> memref<128xf32, #tpu.memory_space<vmem>>
        %dma_wait3A_197 = arith.constant 0 : i32
        %dma_wait3A_198 = tpu.memref_slice %arg10[%add3A_48, %dma_wait3A_197] : memref<40x128xi32, #tpu.memory_space<vmem>> -> memref<1x128xi32, #tpu.memory_space<vmem>>
        %dma_wait3A_199 = tpu.memref_squeeze %dma_wait3A_198 : memref<1x128xi32, #tpu.memory_space<vmem>> -> memref<128xi32, #tpu.memory_space<vmem>>
        %dma_wait3A_200 = arith.constant 1536 : i32
        %dma_wait3A_201 = tpu.memref_slice %arg3[%dma_wait3A_200] : memref<16252928xf32, #tpu.memory_space<hbm>> -> memref<16251392xf32, #tpu.memory_space<hbm>>
        %dma_wait3A_202 = arith.constant 0 : i32
        %dma_wait3A_203 = tpu.memref_slice %dma_wait3A_201[%dma_wait3A_202] : memref<16251392xf32, #tpu.memory_space<hbm>> -> memref<16251392xf32, #tpu.memory_space<hbm>>
        tpu.wait_indirect_dma semaphore(%arg17 : memref<!tpu.dma_semaphore, #tpu.memory_space<semaphore_mem>>) src(%dma_wait3A_203 : memref<16251392xf32, #tpu.memory_space<hbm>>) dst(%dma_wait3A_196 : memref<128xf32, #tpu.memory_space<vmem>>)
        %mul3A_204 = arith.constant 128 : i32
        %mul3A_205 = arith.muli %add3A_48, %mul3A_204 : i32
        %dma_wait3A_206 = arith.constant 13 : i32
        %dma_wait3A_207 = tpu.memref_slice %arg11[%dma_wait3A_206, %mul3A_205] : memref<16x5136xf32, #tpu.memory_space<vmem>> -> memref<1x128xf32, #tpu.memory_space<vmem>>
        %dma_wait3A_208 = tpu.memref_squeeze %dma_wait3A_207 : memref<1x128xf32, #tpu.memory_space<vmem>> -> memref<128xf32, #tpu.memory_space<vmem>>
        %dma_wait3A_209 = arith.constant 0 : i32
        %dma_wait3A_210 = tpu.memref_slice %arg10[%add3A_48, %dma_wait3A_209] : memref<40x128xi32, #tpu.memory_space<vmem>> -> memref<1x128xi32, #tpu.memory_space<vmem>>
        %dma_wait3A_211 = tpu.memref_squeeze %dma_wait3A_210 : memref<1x128xi32, #tpu.memory_space<vmem>> -> memref<128xi32, #tpu.memory_space<vmem>>
        %dma_wait3A_212 = arith.constant 1664 : i32
        %dma_wait3A_213 = tpu.memref_slice %arg3[%dma_wait3A_212] : memref<16252928xf32, #tpu.memory_space<hbm>> -> memref<16251264xf32, #tpu.memory_space<hbm>>
        %dma_wait3A_214 = arith.constant 0 : i32
        %dma_wait3A_215 = tpu.memref_slice %dma_wait3A_213[%dma_wait3A_214] : memref<16251264xf32, #tpu.memory_space<hbm>> -> memref<16251264xf32, #tpu.memory_space<hbm>>
        tpu.wait_indirect_dma semaphore(%arg17 : memref<!tpu.dma_semaphore, #tpu.memory_space<semaphore_mem>>) src(%dma_wait3A_215 : memref<16251264xf32, #tpu.memory_space<hbm>>) dst(%dma_wait3A_208 : memref<128xf32, #tpu.memory_space<vmem>>)
        %mul3A_216 = arith.constant 128 : i32
        %mul3A_217 = arith.muli %add3A_48, %mul3A_216 : i32
        %dma_wait3A_218 = arith.constant 14 : i32
        %dma_wait3A_219 = tpu.memref_slice %arg11[%dma_wait3A_218, %mul3A_217] : memref<16x5136xf32, #tpu.memory_space<vmem>> -> memref<1x128xf32, #tpu.memory_space<vmem>>
        %dma_wait3A_220 = tpu.memref_squeeze %dma_wait3A_219 : memref<1x128xf32, #tpu.memory_space<vmem>> -> memref<128xf32, #tpu.memory_space<vmem>>
        %dma_wait3A_221 = arith.constant 0 : i32
        %dma_wait3A_222 = tpu.memref_slice %arg10[%add3A_48, %dma_wait3A_221] : memref<40x128xi32, #tpu.memory_space<vmem>> -> memref<1x128xi32, #tpu.memory_space<vmem>>
        %dma_wait3A_223 = tpu.memref_squeeze %dma_wait3A_222 : memref<1x128xi32, #tpu.memory_space<vmem>> -> memref<128xi32, #tpu.memory_space<vmem>>
        %dma_wait3A_224 = arith.constant 1792 : i32
        %dma_wait3A_225 = tpu.memref_slice %arg3[%dma_wait3A_224] : memref<16252928xf32, #tpu.memory_space<hbm>> -> memref<16251136xf32, #tpu.memory_space<hbm>>
        %dma_wait3A_226 = arith.constant 0 : i32
        %dma_wait3A_227 = tpu.memref_slice %dma_wait3A_225[%dma_wait3A_226] : memref<16251136xf32, #tpu.memory_space<hbm>> -> memref<16251136xf32, #tpu.memory_space<hbm>>
        tpu.wait_indirect_dma semaphore(%arg17 : memref<!tpu.dma_semaphore, #tpu.memory_space<semaphore_mem>>) src(%dma_wait3A_227 : memref<16251136xf32, #tpu.memory_space<hbm>>) dst(%dma_wait3A_220 : memref<128xf32, #tpu.memory_space<vmem>>)
        %mul3A_228 = arith.constant 128 : i32
        %mul3A_229 = arith.muli %add3A_48, %mul3A_228 : i32
        %dma_wait3A_230 = arith.constant 15 : i32
        %dma_wait3A_231 = tpu.memref_slice %arg11[%dma_wait3A_230, %mul3A_229] : memref<16x5136xf32, #tpu.memory_space<vmem>> -> memref<1x128xf32, #tpu.memory_space<vmem>>
        %dma_wait3A_232 = tpu.memref_squeeze %dma_wait3A_231 : memref<1x128xf32, #tpu.memory_space<vmem>> -> memref<128xf32, #tpu.memory_space<vmem>>
        %dma_wait3A_233 = arith.constant 0 : i32
        %dma_wait3A_234 = tpu.memref_slice %arg10[%add3A_48, %dma_wait3A_233] : memref<40x128xi32, #tpu.memory_space<vmem>> -> memref<1x128xi32, #tpu.memory_space<vmem>>
        %dma_wait3A_235 = tpu.memref_squeeze %dma_wait3A_234 : memref<1x128xi32, #tpu.memory_space<vmem>> -> memref<128xi32, #tpu.memory_space<vmem>>
        %dma_wait3A_236 = arith.constant 1920 : i32
        %dma_wait3A_237 = tpu.memref_slice %arg3[%dma_wait3A_236] : memref<16252928xf32, #tpu.memory_space<hbm>> -> memref<16251008xf32, #tpu.memory_space<hbm>>
        %dma_wait3A_238 = arith.constant 0 : i32
        %dma_wait3A_239 = tpu.memref_slice %dma_wait3A_237[%dma_wait3A_238] : memref<16251008xf32, #tpu.memory_space<hbm>> -> memref<16251008xf32, #tpu.memory_space<hbm>>
        tpu.wait_indirect_dma semaphore(%arg17 : memref<!tpu.dma_semaphore, #tpu.memory_space<semaphore_mem>>) src(%dma_wait3A_239 : memref<16251008xf32, #tpu.memory_space<hbm>>) dst(%dma_wait3A_232 : memref<128xf32, #tpu.memory_space<vmem>>)
      }
      %scan3A_35 = arith.constant 10 : i32
      %scan3A_36 = arith.constant 0 : i32
      %scan3A_37 = arith.constant 8 : i32
      %scan3A_38 = arith.addi %scan3A_36, %scan3A_37 : i32
      %scan3A_39 = arith.constant 1 : i32
      scf.for %scan3A_41 = %scan3A_36 to %scan3A_38 step %scan3A_39  : i32 {
        %mul3A_42 = arith.constant 1 : i32
        %mul3A_43 = arith.muli %scan3A_41, %mul3A_42 : i32
        %add3A_44 = arith.constant 0 : i32
        %add3A_45 = arith.addi %add3A_44, %mul3A_43 : i32
        %mul3A_46 = arith.constant 8 : i32
        %mul3A_47 = arith.muli %add3A_30, %mul3A_46 : i32
        %add3A_48 = arith.addi %mul3A_47, %add3A_45 : i32
        %broadcast_in_dim3A = arith.constant 0.000000e+00 : f32
        %broadcast_in_dim3A_49 = vector.broadcast %broadcast_in_dim3A : f32 to vector<16xf32>
        %broadcast_in_dim3A_50 = arith.constant 0.000000e+00 : f32
        %broadcast_in_dim3A_51 = vector.broadcast %broadcast_in_dim3A_50 : f32 to vector<16xf32>
        %broadcast_in_dim3A_52 = arith.constant 0.000000e+00 : f32
        %broadcast_in_dim3A_53 = vector.broadcast %broadcast_in_dim3A_52 : f32 to vector<16xf32>
        %broadcast_in_dim3A_54 = arith.constant 0.000000e+00 : f32
        %broadcast_in_dim3A_55 = vector.broadcast %broadcast_in_dim3A_54 : f32 to vector<16xf32>
        %broadcast_in_dim3A_56 = arith.constant 0.000000e+00 : f32
        %broadcast_in_dim3A_57 = vector.broadcast %broadcast_in_dim3A_56 : f32 to vector<16xf32>
        %broadcast_in_dim3A_58 = arith.constant 0.000000e+00 : f32
        %broadcast_in_dim3A_59 = vector.broadcast %broadcast_in_dim3A_58 : f32 to vector<16xf32>
        %broadcast_in_dim3A_60 = arith.constant 0.000000e+00 : f32
        %broadcast_in_dim3A_61 = vector.broadcast %broadcast_in_dim3A_60 : f32 to vector<16xf32>
        %broadcast_in_dim3A_62 = arith.constant 0.000000e+00 : f32
        %broadcast_in_dim3A_63 = vector.broadcast %broadcast_in_dim3A_62 : f32 to vector<16xf32>
        %broadcast_in_dim3A_64 = arith.constant 0.000000e+00 : f32
        %broadcast_in_dim3A_65 = vector.broadcast %broadcast_in_dim3A_64 : f32 to vector<16xf32>
        %broadcast_in_dim3A_66 = arith.constant 0.000000e+00 : f32
        %broadcast_in_dim3A_67 = vector.broadcast %broadcast_in_dim3A_66 : f32 to vector<16xf32>
        %broadcast_in_dim3A_68 = arith.constant 0.000000e+00 : f32
        %broadcast_in_dim3A_69 = vector.broadcast %broadcast_in_dim3A_68 : f32 to vector<16xf32>
        %broadcast_in_dim3A_70 = arith.constant 0.000000e+00 : f32
        %broadcast_in_dim3A_71 = vector.broadcast %broadcast_in_dim3A_70 : f32 to vector<16xf32>
        %broadcast_in_dim3A_72 = arith.constant 0.000000e+00 : f32
        %broadcast_in_dim3A_73 = vector.broadcast %broadcast_in_dim3A_72 : f32 to vector<16xf32>
        %broadcast_in_dim3A_74 = arith.constant 0.000000e+00 : f32
        %broadcast_in_dim3A_75 = vector.broadcast %broadcast_in_dim3A_74 : f32 to vector<16xf32>
        %broadcast_in_dim3A_76 = arith.constant 0.000000e+00 : f32
        %broadcast_in_dim3A_77 = vector.broadcast %broadcast_in_dim3A_76 : f32 to vector<16xf32>
        %broadcast_in_dim3A_78 = arith.constant 0.000000e+00 : f32
        %broadcast_in_dim3A_79 = vector.broadcast %broadcast_in_dim3A_78 : f32 to vector<16xf32>
        %broadcast_in_dim3A_80 = arith.constant 0.000000e+00 : f32
        %broadcast_in_dim3A_81 = vector.broadcast %broadcast_in_dim3A_80 : f32 to vector<16xf32>
        %broadcast_in_dim3A_82 = arith.constant 0.000000e+00 : f32
        %broadcast_in_dim3A_83 = vector.broadcast %broadcast_in_dim3A_82 : f32 to vector<16xf32>
        %broadcast_in_dim3A_84 = arith.constant 0.000000e+00 : f32
        %broadcast_in_dim3A_85 = vector.broadcast %broadcast_in_dim3A_84 : f32 to vector<16xf32>
        %broadcast_in_dim3A_86 = arith.constant 0.000000e+00 : f32
        %broadcast_in_dim3A_87 = vector.broadcast %broadcast_in_dim3A_86 : f32 to vector<16xf32>
        %broadcast_in_dim3A_88 = arith.constant 0.000000e+00 : f32
        %broadcast_in_dim3A_89 = vector.broadcast %broadcast_in_dim3A_88 : f32 to vector<16xf32>
        %broadcast_in_dim3A_90 = arith.constant 0.000000e+00 : f32
        %broadcast_in_dim3A_91 = vector.broadcast %broadcast_in_dim3A_90 : f32 to vector<16xf32>
        %broadcast_in_dim3A_92 = arith.constant 0.000000e+00 : f32
        %broadcast_in_dim3A_93 = vector.broadcast %broadcast_in_dim3A_92 : f32 to vector<16xf32>
        %broadcast_in_dim3A_94 = arith.constant 0.000000e+00 : f32
        %broadcast_in_dim3A_95 = vector.broadcast %broadcast_in_dim3A_94 : f32 to vector<16xf32>
        %broadcast_in_dim3A_96 = arith.constant 0.000000e+00 : f32
        %broadcast_in_dim3A_97 = vector.broadcast %broadcast_in_dim3A_96 : f32 to vector<16xf32>
        %broadcast_in_dim3A_98 = arith.constant 0.000000e+00 : f32
        %broadcast_in_dim3A_99 = vector.broadcast %broadcast_in_dim3A_98 : f32 to vector<16xf32>
        %broadcast_in_dim3A_100 = arith.constant 0.000000e+00 : f32
        %broadcast_in_dim3A_101 = vector.broadcast %broadcast_in_dim3A_100 : f32 to vector<16xf32>
        %broadcast_in_dim3A_102 = arith.constant 0.000000e+00 : f32
        %broadcast_in_dim3A_103 = vector.broadcast %broadcast_in_dim3A_102 : f32 to vector<16xf32>
        %broadcast_in_dim3A_104 = arith.constant 0.000000e+00 : f32
        %broadcast_in_dim3A_105 = vector.broadcast %broadcast_in_dim3A_104 : f32 to vector<16xf32>
        %broadcast_in_dim3A_106 = arith.constant 0.000000e+00 : f32
        %broadcast_in_dim3A_107 = vector.broadcast %broadcast_in_dim3A_106 : f32 to vector<16xf32>
        %broadcast_in_dim3A_108 = arith.constant 0.000000e+00 : f32
        %broadcast_in_dim3A_109 = vector.broadcast %broadcast_in_dim3A_108 : f32 to vector<16xf32>
        %broadcast_in_dim3A_110 = arith.constant 0.000000e+00 : f32
        %broadcast_in_dim3A_111 = vector.broadcast %broadcast_in_dim3A_110 : f32 to vector<16xf32>
        %scan3A_112 = arith.constant 0 : i32
        %scan3A_113 = arith.constant 10 : i32
        %scan3A_114 = arith.addi %scan3A_112, %scan3A_113 : i32
        %scan3A_115 = arith.constant 1 : i32
        %scan3A_116:32 = scf.for %scan3A_463 = %scan3A_112 to %scan3A_114 step %scan3A_115 iter_args(%scan3A_464 = %broadcast_in_dim3A_49, %scan3A_465 = %broadcast_in_dim3A_51, %scan3A_466 = %broadcast_in_dim3A_53, %scan3A_467 = %broadcast_in_dim3A_55, %scan3A_468 = %broadcast_in_dim3A_57, %scan3A_469 = %broadcast_in_dim3A_59, %scan3A_470 = %broadcast_in_dim3A_61, %scan3A_471 = %broadcast_in_dim3A_63, %scan3A_472 = %broadcast_in_dim3A_65, %scan3A_473 = %broadcast_in_dim3A_67, %scan3A_474 = %broadcast_in_dim3A_69, %scan3A_475 = %broadcast_in_dim3A_71, %scan3A_476 = %broadcast_in_dim3A_73, %scan3A_477 = %broadcast_in_dim3A_75, %scan3A_478 = %broadcast_in_dim3A_77, %scan3A_479 = %broadcast_in_dim3A_79, %scan3A_480 = %broadcast_in_dim3A_81, %scan3A_481 = %broadcast_in_dim3A_83, %scan3A_482 = %broadcast_in_dim3A_85, %scan3A_483 = %broadcast_in_dim3A_87, %scan3A_484 = %broadcast_in_dim3A_89, %scan3A_485 = %broadcast_in_dim3A_91, %scan3A_486 = %broadcast_in_dim3A_93, %scan3A_487 = %broadcast_in_dim3A_95, %scan3A_488 = %broadcast_in_dim3A_97, %scan3A_489 = %broadcast_in_dim3A_99, %scan3A_490 = %broadcast_in_dim3A_101, %scan3A_491 = %broadcast_in_dim3A_103, %scan3A_492 = %broadcast_in_dim3A_105, %scan3A_493 = %broadcast_in_dim3A_107, %scan3A_494 = %broadcast_in_dim3A_109, %scan3A_495 = %broadcast_in_dim3A_111) -> (vector<16xf32>, vector<16xf32>, vector<16xf32>, vector<16xf32>, vector<16xf32>, vector<16xf32>, vector<16xf32>, vector<16xf32>, vector<16xf32>, vector<16xf32>, vector<16xf32>, vector<16xf32>, vector<16xf32>, vector<16xf32>, vector<16xf32>, vector<16xf32>, vector<16xf32>, vector<16xf32>, vector<16xf32>, vector<16xf32>, vector<16xf32>, vector<16xf32>, vector<16xf32>, vector<16xf32>, vector<16xf32>, vector<16xf32>, vector<16xf32>, vector<16xf32>, vector<16xf32>, vector<16xf32>, vector<16xf32>, vector<16xf32>)  : i32 {
          %mul3A_496 = arith.constant 160 : i32
          %mul3A_497 = arith.muli %add3A_48, %mul3A_496 : i32
          %add3A_498 = arith.addi %mul3A_497, %scan3A_463 : i32
          %mul3A_499 = arith.constant 16 : i32
          %mul3A_500 = arith.muli %scan3A_463, %mul3A_499 : i32
          %add3A_501 = arith.constant 0 : i32
          %add3A_502 = arith.addi %mul3A_500, %add3A_501 : i32
          %mul3A_503 = arith.constant 2 : i32
          %mul3A_504 = arith.muli %mul3A_503, %add3A_502 : i32
          %get3A_505 = arith.index_cast %mul3A_504 : i32 to index
          %get3A_506 = arith.constant 0 : index
          %get3A_507 = tpu.vector_load %arg12[%get3A_505, %get3A_506] {strides = array<i32>} : memref<320x16xf32, #tpu.memory_space<vmem>>, vector<16xf32>,
          %add3A_508 = arith.constant 1 : i32
          %add3A_509 = arith.addi %mul3A_504, %add3A_508 : i32
          %get3A_510 = arith.index_cast %add3A_509 : i32 to index
          %get3A_511 = arith.constant 0 : index
          %get3A_512 = tpu.vector_load %arg12[%get3A_510, %get3A_511] {strides = array<i32>} : memref<320x16xf32, #tpu.memory_space<vmem>>, vector<16xf32>,
          %add3A_513 = arith.constant 0 : i32
          %add3A_514 = arith.addi %add3A_498, %add3A_513 : i32
          %get3A_515 = arith.constant 0 : i32
          %get3A_516 = arith.index_cast %get3A_515 : i32 to index
          %get3A_517 = arith.index_cast %add3A_514 : i32 to index
          %get3A_518 = tpu.vector_load %arg11[%get3A_516, %get3A_517] {strides = array<i32>} : memref<16x5136xf32, #tpu.memory_space<vmem>>, vector<16xf32>,
          %slice3A = vector.extract_strided_slice %get3A_518 {offsets = [0], sizes = [1], strides = [1]} : vector<16xf32> to vector<1xf32>
          %squeeze3A = vector.extract %slice3A[0] : f32 from vector<1xf32>
          %mul3A_519 = vector.broadcast %squeeze3A : f32 to vector<16xf32>
          %mul3A_520 = arith.mulf %mul3A_519, %get3A_507 : vector<16xf32>
          %add3A_521 = arith.addf %scan3A_464, %mul3A_520 : vector<16xf32>
          %mul3A_522 = vector.broadcast %squeeze3A : f32 to vector<16xf32>
          %mul3A_523 = arith.mulf %mul3A_522, %get3A_512 : vector<16xf32>
          %add3A_524 = arith.addf %scan3A_465, %mul3A_523 : vector<16xf32>
          %add3A_525 = arith.constant 10 : i32
          %add3A_526 = arith.addi %add3A_498, %add3A_525 : i32
          %get3A_527 = arith.constant 0 : i32
          %get3A_528 = arith.index_cast %get3A_527 : i32 to index
          %get3A_529 = arith.index_cast %add3A_526 : i32 to index
          %get3A_530 = tpu.vector_load %arg11[%get3A_528, %get3A_529] {strides = array<i32>} : memref<16x5136xf32, #tpu.memory_space<vmem>>, vector<16xf32>,
          %slice3A_531 = vector.extract_strided_slice %get3A_530 {offsets = [0], sizes = [1], strides = [1]} : vector<16xf32> to vector<1xf32>
          %squeeze3A_532 = vector.extract %slice3A_531[0] : f32 from vector<1xf32>
          %mul3A_533 = vector.broadcast %squeeze3A_532 : f32 to vector<16xf32>
          %mul3A_534 = arith.mulf %mul3A_533, %get3A_507 : vector<16xf32>
          %add3A_535 = arith.addf %scan3A_466, %mul3A_534 : vector<16xf32>
          %mul3A_536 = vector.broadcast %squeeze3A_532 : f32 to vector<16xf32>
          %mul3A_537 = arith.mulf %mul3A_536, %get3A_512 : vector<16xf32>
          %add3A_538 = arith.addf %scan3A_467, %mul3A_537 : vector<16xf32>
          %add3A_539 = arith.constant 20 : i32
          %add3A_540 = arith.addi %add3A_498, %add3A_539 : i32
          %get3A_541 = arith.constant 0 : i32
          %get3A_542 = arith.index_cast %get3A_541 : i32 to index
          %get3A_543 = arith.index_cast %add3A_540 : i32 to index
          %get3A_544 = tpu.vector_load %arg11[%get3A_542, %get3A_543] {strides = array<i32>} : memref<16x5136xf32, #tpu.memory_space<vmem>>, vector<16xf32>,
          %slice3A_545 = vector.extract_strided_slice %get3A_544 {offsets = [0], sizes = [1], strides = [1]} : vector<16xf32> to vector<1xf32>
          %squeeze3A_546 = vector.extract %slice3A_545[0] : f32 from vector<1xf32>
          %mul3A_547 = vector.broadcast %squeeze3A_546 : f32 to vector<16xf32>
          %mul3A_548 = arith.mulf %mul3A_547, %get3A_507 : vector<16xf32>
          %add3A_549 = arith.addf %scan3A_468, %mul3A_548 : vector<16xf32>
          %mul3A_550 = vector.broadcast %squeeze3A_546 : f32 to vector<16xf32>
          %mul3A_551 = arith.mulf %mul3A_550, %get3A_512 : vector<16xf32>
          %add3A_552 = arith.addf %scan3A_469, %mul3A_551 : vector<16xf32>
          %add3A_553 = arith.constant 30 : i32
          %add3A_554 = arith.addi %add3A_498, %add3A_553 : i32
          %get3A_555 = arith.constant 0 : i32
          %get3A_556 = arith.index_cast %get3A_555 : i32 to index
          %get3A_557 = arith.index_cast %add3A_554 : i32 to index
          %get3A_558 = tpu.vector_load %arg11[%get3A_556, %get3A_557] {strides = array<i32>} : memref<16x5136xf32, #tpu.memory_space<vmem>>, vector<16xf32>,
          %slice3A_559 = vector.extract_strided_slice %get3A_558 {offsets = [0], sizes = [1], strides = [1]} : vector<16xf32> to vector<1xf32>
          %squeeze3A_560 = vector.extract %slice3A_559[0] : f32 from vector<1xf32>
          %mul3A_561 = vector.broadcast %squeeze3A_560 : f32 to vector<16xf32>
          %mul3A_562 = arith.mulf %mul3A_561, %get3A_507 : vector<16xf32>
          %add3A_563 = arith.addf %scan3A_470, %mul3A_562 : vector<16xf32>
          %mul3A_564 = vector.broadcast %squeeze3A_560 : f32 to vector<16xf32>
          %mul3A_565 = arith.mulf %mul3A_564, %get3A_512 : vector<16xf32>
          %add3A_566 = arith.addf %scan3A_471, %mul3A_565 : vector<16xf32>
          %add3A_567 = arith.constant 40 : i32
          %add3A_568 = arith.addi %add3A_498, %add3A_567 : i32
          %get3A_569 = arith.constant 0 : i32
          %get3A_570 = arith.index_cast %get3A_569 : i32 to index
          %get3A_571 = arith.index_cast %add3A_568 : i32 to index
          %get3A_572 = tpu.vector_load %arg11[%get3A_570, %get3A_571] {strides = array<i32>} : memref<16x5136xf32, #tpu.memory_space<vmem>>, vector<16xf32>,
          %slice3A_573 = vector.extract_strided_slice %get3A_572 {offsets = [0], sizes = [1], strides = [1]} : vector<16xf32> to vector<1xf32>
          %squeeze3A_574 = vector.extract %slice3A_573[0] : f32 from vector<1xf32>
          %mul3A_575 = vector.broadcast %squeeze3A_574 : f32 to vector<16xf32>
          %mul3A_576 = arith.mulf %mul3A_575, %get3A_507 : vector<16xf32>
          %add3A_577 = arith.addf %scan3A_472, %mul3A_576 : vector<16xf32>
          %mul3A_578 = vector.broadcast %squeeze3A_574 : f32 to vector<16xf32>
          %mul3A_579 = arith.mulf %mul3A_578, %get3A_512 : vector<16xf32>
          %add3A_580 = arith.addf %scan3A_473, %mul3A_579 : vector<16xf32>
          %add3A_581 = arith.constant 50 : i32
          %add3A_582 = arith.addi %add3A_498, %add3A_581 : i32
          %get3A_583 = arith.constant 0 : i32
          %get3A_584 = arith.index_cast %get3A_583 : i32 to index
          %get3A_585 = arith.index_cast %add3A_582 : i32 to index
          %get3A_586 = tpu.vector_load %arg11[%get3A_584, %get3A_585] {strides = array<i32>} : memref<16x5136xf32, #tpu.memory_space<vmem>>, vector<16xf32>,
          %slice3A_587 = vector.extract_strided_slice %get3A_586 {offsets = [0], sizes = [1], strides = [1]} : vector<16xf32> to vector<1xf32>
          %squeeze3A_588 = vector.extract %slice3A_587[0] : f32 from vector<1xf32>
          %mul3A_589 = vector.broadcast %squeeze3A_588 : f32 to vector<16xf32>
          %mul3A_590 = arith.mulf %mul3A_589, %get3A_507 : vector<16xf32>
          %add3A_591 = arith.addf %scan3A_474, %mul3A_590 : vector<16xf32>
          %mul3A_592 = vector.broadcast %squeeze3A_588 : f32 to vector<16xf32>
          %mul3A_593 = arith.mulf %mul3A_592, %get3A_512 : vector<16xf32>
          %add3A_594 = arith.addf %scan3A_475, %mul3A_593 : vector<16xf32>
          %add3A_595 = arith.constant 60 : i32
          %add3A_596 = arith.addi %add3A_498, %add3A_595 : i32
          %get3A_597 = arith.constant 0 : i32
          %get3A_598 = arith.index_cast %get3A_597 : i32 to index
          %get3A_599 = arith.index_cast %add3A_596 : i32 to index
          %get3A_600 = tpu.vector_load %arg11[%get3A_598, %get3A_599] {strides = array<i32>} : memref<16x5136xf32, #tpu.memory_space<vmem>>, vector<16xf32>,
          %slice3A_601 = vector.extract_strided_slice %get3A_600 {offsets = [0], sizes = [1], strides = [1]} : vector<16xf32> to vector<1xf32>
          %squeeze3A_602 = vector.extract %slice3A_601[0] : f32 from vector<1xf32>
          %mul3A_603 = vector.broadcast %squeeze3A_602 : f32 to vector<16xf32>
          %mul3A_604 = arith.mulf %mul3A_603, %get3A_507 : vector<16xf32>
          %add3A_605 = arith.addf %scan3A_476, %mul3A_604 : vector<16xf32>
          %mul3A_606 = vector.broadcast %squeeze3A_602 : f32 to vector<16xf32>
          %mul3A_607 = arith.mulf %mul3A_606, %get3A_512 : vector<16xf32>
          %add3A_608 = arith.addf %scan3A_477, %mul3A_607 : vector<16xf32>
          %add3A_609 = arith.constant 70 : i32
          %add3A_610 = arith.addi %add3A_498, %add3A_609 : i32
          %get3A_611 = arith.constant 0 : i32
          %get3A_612 = arith.index_cast %get3A_611 : i32 to index
          %get3A_613 = arith.index_cast %add3A_610 : i32 to index
          %get3A_614 = tpu.vector_load %arg11[%get3A_612, %get3A_613] {strides = array<i32>} : memref<16x5136xf32, #tpu.memory_space<vmem>>, vector<16xf32>,
          %slice3A_615 = vector.extract_strided_slice %get3A_614 {offsets = [0], sizes = [1], strides = [1]} : vector<16xf32> to vector<1xf32>
          %squeeze3A_616 = vector.extract %slice3A_615[0] : f32 from vector<1xf32>
          %mul3A_617 = vector.broadcast %squeeze3A_616 : f32 to vector<16xf32>
          %mul3A_618 = arith.mulf %mul3A_617, %get3A_507 : vector<16xf32>
          %add3A_619 = arith.addf %scan3A_478, %mul3A_618 : vector<16xf32>
          %mul3A_620 = vector.broadcast %squeeze3A_616 : f32 to vector<16xf32>
          %mul3A_621 = arith.mulf %mul3A_620, %get3A_512 : vector<16xf32>
          %add3A_622 = arith.addf %scan3A_479, %mul3A_621 : vector<16xf32>
          %add3A_623 = arith.constant 80 : i32
          %add3A_624 = arith.addi %add3A_498, %add3A_623 : i32
          %get3A_625 = arith.constant 0 : i32
          %get3A_626 = arith.index_cast %get3A_625 : i32 to index
          %get3A_627 = arith.index_cast %add3A_624 : i32 to index
          %get3A_628 = tpu.vector_load %arg11[%get3A_626, %get3A_627] {strides = array<i32>} : memref<16x5136xf32, #tpu.memory_space<vmem>>, vector<16xf32>,
          %slice3A_629 = vector.extract_strided_slice %get3A_628 {offsets = [0], sizes = [1], strides = [1]} : vector<16xf32> to vector<1xf32>
          %squeeze3A_630 = vector.extract %slice3A_629[0] : f32 from vector<1xf32>
          %mul3A_631 = vector.broadcast %squeeze3A_630 : f32 to vector<16xf32>
          %mul3A_632 = arith.mulf %mul3A_631, %get3A_507 : vector<16xf32>
          %add3A_633 = arith.addf %scan3A_480, %mul3A_632 : vector<16xf32>
          %mul3A_634 = vector.broadcast %squeeze3A_630 : f32 to vector<16xf32>
          %mul3A_635 = arith.mulf %mul3A_634, %get3A_512 : vector<16xf32>
          %add3A_636 = arith.addf %scan3A_481, %mul3A_635 : vector<16xf32>
          %add3A_637 = arith.constant 90 : i32
          %add3A_638 = arith.addi %add3A_498, %add3A_637 : i32
          %get3A_639 = arith.constant 0 : i32
          %get3A_640 = arith.index_cast %get3A_639 : i32 to index
          %get3A_641 = arith.index_cast %add3A_638 : i32 to index
          %get3A_642 = tpu.vector_load %arg11[%get3A_640, %get3A_641] {strides = array<i32>} : memref<16x5136xf32, #tpu.memory_space<vmem>>, vector<16xf32>,
          %slice3A_643 = vector.extract_strided_slice %get3A_642 {offsets = [0], sizes = [1], strides = [1]} : vector<16xf32> to vector<1xf32>
          %squeeze3A_644 = vector.extract %slice3A_643[0] : f32 from vector<1xf32>
          %mul3A_645 = vector.broadcast %squeeze3A_644 : f32 to vector<16xf32>
          %mul3A_646 = arith.mulf %mul3A_645, %get3A_507 : vector<16xf32>
          %add3A_647 = arith.addf %scan3A_482, %mul3A_646 : vector<16xf32>
          %mul3A_648 = vector.broadcast %squeeze3A_644 : f32 to vector<16xf32>
          %mul3A_649 = arith.mulf %mul3A_648, %get3A_512 : vector<16xf32>
          %add3A_650 = arith.addf %scan3A_483, %mul3A_649 : vector<16xf32>
          %add3A_651 = arith.constant 100 : i32
          %add3A_652 = arith.addi %add3A_498, %add3A_651 : i32
          %get3A_653 = arith.constant 0 : i32
          %get3A_654 = arith.index_cast %get3A_653 : i32 to index
          %get3A_655 = arith.index_cast %add3A_652 : i32 to index
          %get3A_656 = tpu.vector_load %arg11[%get3A_654, %get3A_655] {strides = array<i32>} : memref<16x5136xf32, #tpu.memory_space<vmem>>, vector<16xf32>,
          %slice3A_657 = vector.extract_strided_slice %get3A_656 {offsets = [0], sizes = [1], strides = [1]} : vector<16xf32> to vector<1xf32>
          %squeeze3A_658 = vector.extract %slice3A_657[0] : f32 from vector<1xf32>
          %mul3A_659 = vector.broadcast %squeeze3A_658 : f32 to vector<16xf32>
          %mul3A_660 = arith.mulf %mul3A_659, %get3A_507 : vector<16xf32>
          %add3A_661 = arith.addf %scan3A_484, %mul3A_660 : vector<16xf32>
          %mul3A_662 = vector.broadcast %squeeze3A_658 : f32 to vector<16xf32>
          %mul3A_663 = arith.mulf %mul3A_662, %get3A_512 : vector<16xf32>
          %add3A_664 = arith.addf %scan3A_485, %mul3A_663 : vector<16xf32>
          %add3A_665 = arith.constant 110 : i32
          %add3A_666 = arith.addi %add3A_498, %add3A_665 : i32
          %get3A_667 = arith.constant 0 : i32
          %get3A_668 = arith.index_cast %get3A_667 : i32 to index
          %get3A_669 = arith.index_cast %add3A_666 : i32 to index
          %get3A_670 = tpu.vector_load %arg11[%get3A_668, %get3A_669] {strides = array<i32>} : memref<16x5136xf32, #tpu.memory_space<vmem>>, vector<16xf32>,
          %slice3A_671 = vector.extract_strided_slice %get3A_670 {offsets = [0], sizes = [1], strides = [1]} : vector<16xf32> to vector<1xf32>
          %squeeze3A_672 = vector.extract %slice3A_671[0] : f32 from vector<1xf32>
          %mul3A_673 = vector.broadcast %squeeze3A_672 : f32 to vector<16xf32>
          %mul3A_674 = arith.mulf %mul3A_673, %get3A_507 : vector<16xf32>
          %add3A_675 = arith.addf %scan3A_486, %mul3A_674 : vector<16xf32>
          %mul3A_676 = vector.broadcast %squeeze3A_672 : f32 to vector<16xf32>
          %mul3A_677 = arith.mulf %mul3A_676, %get3A_512 : vector<16xf32>
          %add3A_678 = arith.addf %scan3A_487, %mul3A_677 : vector<16xf32>
          %add3A_679 = arith.constant 120 : i32
          %add3A_680 = arith.addi %add3A_498, %add3A_679 : i32
          %get3A_681 = arith.constant 0 : i32
          %get3A_682 = arith.index_cast %get3A_681 : i32 to index
          %get3A_683 = arith.index_cast %add3A_680 : i32 to index
          %get3A_684 = tpu.vector_load %arg11[%get3A_682, %get3A_683] {strides = array<i32>} : memref<16x5136xf32, #tpu.memory_space<vmem>>, vector<16xf32>,
          %slice3A_685 = vector.extract_strided_slice %get3A_684 {offsets = [0], sizes = [1], strides = [1]} : vector<16xf32> to vector<1xf32>
          %squeeze3A_686 = vector.extract %slice3A_685[0] : f32 from vector<1xf32>
          %mul3A_687 = vector.broadcast %squeeze3A_686 : f32 to vector<16xf32>
          %mul3A_688 = arith.mulf %mul3A_687, %get3A_507 : vector<16xf32>
          %add3A_689 = arith.addf %scan3A_488, %mul3A_688 : vector<16xf32>
          %mul3A_690 = vector.broadcast %squeeze3A_686 : f32 to vector<16xf32>
          %mul3A_691 = arith.mulf %mul3A_690, %get3A_512 : vector<16xf32>
          %add3A_692 = arith.addf %scan3A_489, %mul3A_691 : vector<16xf32>
          %add3A_693 = arith.constant 130 : i32
          %add3A_694 = arith.addi %add3A_498, %add3A_693 : i32
          %get3A_695 = arith.constant 0 : i32
          %get3A_696 = arith.index_cast %get3A_695 : i32 to index
          %get3A_697 = arith.index_cast %add3A_694 : i32 to index
          %get3A_698 = tpu.vector_load %arg11[%get3A_696, %get3A_697] {strides = array<i32>} : memref<16x5136xf32, #tpu.memory_space<vmem>>, vector<16xf32>,
          %slice3A_699 = vector.extract_strided_slice %get3A_698 {offsets = [0], sizes = [1], strides = [1]} : vector<16xf32> to vector<1xf32>
          %squeeze3A_700 = vector.extract %slice3A_699[0] : f32 from vector<1xf32>
          %mul3A_701 = vector.broadcast %squeeze3A_700 : f32 to vector<16xf32>
          %mul3A_702 = arith.mulf %mul3A_701, %get3A_507 : vector<16xf32>
          %add3A_703 = arith.addf %scan3A_490, %mul3A_702 : vector<16xf32>
          %mul3A_704 = vector.broadcast %squeeze3A_700 : f32 to vector<16xf32>
          %mul3A_705 = arith.mulf %mul3A_704, %get3A_512 : vector<16xf32>
          %add3A_706 = arith.addf %scan3A_491, %mul3A_705 : vector<16xf32>
          %add3A_707 = arith.constant 140 : i32
          %add3A_708 = arith.addi %add3A_498, %add3A_707 : i32
          %get3A_709 = arith.constant 0 : i32
          %get3A_710 = arith.index_cast %get3A_709 : i32 to index
          %get3A_711 = arith.index_cast %add3A_708 : i32 to index
          %get3A_712 = tpu.vector_load %arg11[%get3A_710, %get3A_711] {strides = array<i32>} : memref<16x5136xf32, #tpu.memory_space<vmem>>, vector<16xf32>,
          %slice3A_713 = vector.extract_strided_slice %get3A_712 {offsets = [0], sizes = [1], strides = [1]} : vector<16xf32> to vector<1xf32>
          %squeeze3A_714 = vector.extract %slice3A_713[0] : f32 from vector<1xf32>
          %mul3A_715 = vector.broadcast %squeeze3A_714 : f32 to vector<16xf32>
          %mul3A_716 = arith.mulf %mul3A_715, %get3A_507 : vector<16xf32>
          %add3A_717 = arith.addf %scan3A_492, %mul3A_716 : vector<16xf32>
          %mul3A_718 = vector.broadcast %squeeze3A_714 : f32 to vector<16xf32>
          %mul3A_719 = arith.mulf %mul3A_718, %get3A_512 : vector<16xf32>
          %add3A_720 = arith.addf %scan3A_493, %mul3A_719 : vector<16xf32>
          %add3A_721 = arith.constant 150 : i32
          %add3A_722 = arith.addi %add3A_498, %add3A_721 : i32
          %get3A_723 = arith.constant 0 : i32
          %get3A_724 = arith.index_cast %get3A_723 : i32 to index
          %get3A_725 = arith.index_cast %add3A_722 : i32 to index
          %get3A_726 = tpu.vector_load %arg11[%get3A_724, %get3A_725] {strides = array<i32>} : memref<16x5136xf32, #tpu.memory_space<vmem>>, vector<16xf32>,
          %slice3A_727 = vector.extract_strided_slice %get3A_726 {offsets = [0], sizes = [1], strides = [1]} : vector<16xf32> to vector<1xf32>
          %squeeze3A_728 = vector.extract %slice3A_727[0] : f32 from vector<1xf32>
          %mul3A_729 = vector.broadcast %squeeze3A_728 : f32 to vector<16xf32>
          %mul3A_730 = arith.mulf %mul3A_729, %get3A_507 : vector<16xf32>
          %add3A_731 = arith.addf %scan3A_494, %mul3A_730 : vector<16xf32>
          %mul3A_732 = vector.broadcast %squeeze3A_728 : f32 to vector<16xf32>
          %mul3A_733 = arith.mulf %mul3A_732, %get3A_512 : vector<16xf32>
          %add3A_734 = arith.addf %scan3A_495, %mul3A_733 : vector<16xf32>
          %mul3A_735 = arith.constant 16 : i32
          %mul3A_736 = arith.muli %scan3A_463, %mul3A_735 : i32
          %add3A_737 = arith.constant 1 : i32
          %add3A_738 = arith.addi %mul3A_736, %add3A_737 : i32
          %mul3A_739 = arith.constant 2 : i32
          %mul3A_740 = arith.muli %mul3A_739, %add3A_738 : i32
          %get3A_741 = arith.index_cast %mul3A_740 : i32 to index
          %get3A_742 = arith.constant 0 : index
          %get3A_743 = tpu.vector_load %arg12[%get3A_741, %get3A_742] {strides = array<i32>} : memref<320x16xf32, #tpu.memory_space<vmem>>, vector<16xf32>,
          %add3A_744 = arith.constant 1 : i32
          %add3A_745 = arith.addi %mul3A_740, %add3A_744 : i32
          %get3A_746 = arith.index_cast %add3A_745 : i32 to index
          %get3A_747 = arith.constant 0 : index
          %get3A_748 = tpu.vector_load %arg12[%get3A_746, %get3A_747] {strides = array<i32>} : memref<320x16xf32, #tpu.memory_space<vmem>>, vector<16xf32>,
          %add3A_749 = arith.constant 0 : i32
          %add3A_750 = arith.addi %add3A_498, %add3A_749 : i32
          %get3A_751 = arith.constant 1 : i32
          %get3A_752 = arith.index_cast %get3A_751 : i32 to index
          %get3A_753 = arith.index_cast %add3A_750 : i32 to index
          %get3A_754 = tpu.vector_load %arg11[%get3A_752, %get3A_753] {strides = array<i32>} : memref<16x5136xf32, #tpu.memory_space<vmem>>, vector<16xf32>,
          %slice3A_755 = vector.extract_strided_slice %get3A_754 {offsets = [0], sizes = [1], strides = [1]} : vector<16xf32> to vector<1xf32>
          %squeeze3A_756 = vector.extract %slice3A_755[0] : f32 from vector<1xf32>
          %mul3A_757 = vector.broadcast %squeeze3A_756 : f32 to vector<16xf32>
          %mul3A_758 = arith.mulf %mul3A_757, %get3A_743 : vector<16xf32>
          %add3A_759 = arith.addf %add3A_521, %mul3A_758 : vector<16xf32>
          %mul3A_760 = vector.broadcast %squeeze3A_756 : f32 to vector<16xf32>
          %mul3A_761 = arith.mulf %mul3A_760, %get3A_748 : vector<16xf32>
          %add3A_762 = arith.addf %add3A_524, %mul3A_761 : vector<16xf32>
          %add3A_763 = arith.constant 10 : i32
          %add3A_764 = arith.addi %add3A_498, %add3A_763 : i32
          %get3A_765 = arith.constant 1 : i32
          %get3A_766 = arith.index_cast %get3A_765 : i32 to index
          %get3A_767 = arith.index_cast %add3A_764 : i32 to index
          %get3A_768 = tpu.vector_load %arg11[%get3A_766, %get3A_767] {strides = array<i32>} : memref<16x5136xf32, #tpu.memory_space<vmem>>, vector<16xf32>,
          %slice3A_769 = vector.extract_strided_slice %get3A_768 {offsets = [0], sizes = [1], strides = [1]} : vector<16xf32> to vector<1xf32>
          %squeeze3A_770 = vector.extract %slice3A_769[0] : f32 from vector<1xf32>
          %mul3A_771 = vector.broadcast %squeeze3A_770 : f32 to vector<16xf32>
          %mul3A_772 = arith.mulf %mul3A_771, %get3A_743 : vector<16xf32>
          %add3A_773 = arith.addf %add3A_535, %mul3A_772 : vector<16xf32>
          %mul3A_774 = vector.broadcast %squeeze3A_770 : f32 to vector<16xf32>
          %mul3A_775 = arith.mulf %mul3A_774, %get3A_748 : vector<16xf32>
          %add3A_776 = arith.addf %add3A_538, %mul3A_775 : vector<16xf32>
          %add3A_777 = arith.constant 20 : i32
          %add3A_778 = arith.addi %add3A_498, %add3A_777 : i32
          %get3A_779 = arith.constant 1 : i32
          %get3A_780 = arith.index_cast %get3A_779 : i32 to index
          %get3A_781 = arith.index_cast %add3A_778 : i32 to index
          %get3A_782 = tpu.vector_load %arg11[%get3A_780, %get3A_781] {strides = array<i32>} : memref<16x5136xf32, #tpu.memory_space<vmem>>, vector<16xf32>,
          %slice3A_783 = vector.extract_strided_slice %get3A_782 {offsets = [0], sizes = [1], strides = [1]} : vector<16xf32> to vector<1xf32>
          %squeeze3A_784 = vector.extract %slice3A_783[0] : f32 from vector<1xf32>
          %mul3A_785 = vector.broadcast %squeeze3A_784 : f32 to vector<16xf32>
          %mul3A_786 = arith.mulf %mul3A_785, %get3A_743 : vector<16xf32>
          %add3A_787 = arith.addf %add3A_549, %mul3A_786 : vector<16xf32>
          %mul3A_788 = vector.broadcast %squeeze3A_784 : f32 to vector<16xf32>
          %mul3A_789 = arith.mulf %mul3A_788, %get3A_748 : vector<16xf32>
          %add3A_790 = arith.addf %add3A_552, %mul3A_789 : vector<16xf32>
          %add3A_791 = arith.constant 30 : i32
          %add3A_792 = arith.addi %add3A_498, %add3A_791 : i32
          %get3A_793 = arith.constant 1 : i32
          %get3A_794 = arith.index_cast %get3A_793 : i32 to index
          %get3A_795 = arith.index_cast %add3A_792 : i32 to index
          %get3A_796 = tpu.vector_load %arg11[%get3A_794, %get3A_795] {strides = array<i32>} : memref<16x5136xf32, #tpu.memory_space<vmem>>, vector<16xf32>,
          %slice3A_797 = vector.extract_strided_slice %get3A_796 {offsets = [0], sizes = [1], strides = [1]} : vector<16xf32> to vector<1xf32>
          %squeeze3A_798 = vector.extract %slice3A_797[0] : f32 from vector<1xf32>
          %mul3A_799 = vector.broadcast %squeeze3A_798 : f32 to vector<16xf32>
          %mul3A_800 = arith.mulf %mul3A_799, %get3A_743 : vector<16xf32>
          %add3A_801 = arith.addf %add3A_563, %mul3A_800 : vector<16xf32>
          %mul3A_802 = vector.broadcast %squeeze3A_798 : f32 to vector<16xf32>
          %mul3A_803 = arith.mulf %mul3A_802, %get3A_748 : vector<16xf32>
          %add3A_804 = arith.addf %add3A_566, %mul3A_803 : vector<16xf32>
          %add3A_805 = arith.constant 40 : i32
          %add3A_806 = arith.addi %add3A_498, %add3A_805 : i32
          %get3A_807 = arith.constant 1 : i32
          %get3A_808 = arith.index_cast %get3A_807 : i32 to index
          %get3A_809 = arith.index_cast %add3A_806 : i32 to index
          %get3A_810 = tpu.vector_load %arg11[%get3A_808, %get3A_809] {strides = array<i32>} : memref<16x5136xf32, #tpu.memory_space<vmem>>, vector<16xf32>,
          %slice3A_811 = vector.extract_strided_slice %get3A_810 {offsets = [0], sizes = [1], strides = [1]} : vector<16xf32> to vector<1xf32>
          %squeeze3A_812 = vector.extract %slice3A_811[0] : f32 from vector<1xf32>
          %mul3A_813 = vector.broadcast %squeeze3A_812 : f32 to vector<16xf32>
          %mul3A_814 = arith.mulf %mul3A_813, %get3A_743 : vector<16xf32>
          %add3A_815 = arith.addf %add3A_577, %mul3A_814 : vector<16xf32>
          %mul3A_816 = vector.broadcast %squeeze3A_812 : f32 to vector<16xf32>
          %mul3A_817 = arith.mulf %mul3A_816, %get3A_748 : vector<16xf32>
          %add3A_818 = arith.addf %add3A_580, %mul3A_817 : vector<16xf32>
          %add3A_819 = arith.constant 50 : i32
          %add3A_820 = arith.addi %add3A_498, %add3A_819 : i32
          %get3A_821 = arith.constant 1 : i32
          %get3A_822 = arith.index_cast %get3A_821 : i32 to index
          %get3A_823 = arith.index_cast %add3A_820 : i32 to index
          %get3A_824 = tpu.vector_load %arg11[%get3A_822, %get3A_823] {strides = array<i32>} : memref<16x5136xf32, #tpu.memory_space<vmem>>, vector<16xf32>,
          %slice3A_825 = vector.extract_strided_slice %get3A_824 {offsets = [0], sizes = [1], strides = [1]} : vector<16xf32> to vector<1xf32>
          %squeeze3A_826 = vector.extract %slice3A_825[0] : f32 from vector<1xf32>
          %mul3A_827 = vector.broadcast %squeeze3A_826 : f32 to vector<16xf32>
          %mul3A_828 = arith.mulf %mul3A_827, %get3A_743 : vector<16xf32>
          %add3A_829 = arith.addf %add3A_591, %mul3A_828 : vector<16xf32>
          %mul3A_830 = vector.broadcast %squeeze3A_826 : f32 to vector<16xf32>
          %mul3A_831 = arith.mulf %mul3A_830, %get3A_748 : vector<16xf32>
          %add3A_832 = arith.addf %add3A_594, %mul3A_831 : vector<16xf32>
          %add3A_833 = arith.constant 60 : i32
          %add3A_834 = arith.addi %add3A_498, %add3A_833 : i32
          %get3A_835 = arith.constant 1 : i32
          %get3A_836 = arith.index_cast %get3A_835 : i32 to index
          %get3A_837 = arith.index_cast %add3A_834 : i32 to index
          %get3A_838 = tpu.vector_load %arg11[%get3A_836, %get3A_837] {strides = array<i32>} : memref<16x5136xf32, #tpu.memory_space<vmem>>, vector<16xf32>,
          %slice3A_839 = vector.extract_strided_slice %get3A_838 {offsets = [0], sizes = [1], strides = [1]} : vector<16xf32> to vector<1xf32>
          %squeeze3A_840 = vector.extract %slice3A_839[0] : f32 from vector<1xf32>
          %mul3A_841 = vector.broadcast %squeeze3A_840 : f32 to vector<16xf32>
          %mul3A_842 = arith.mulf %mul3A_841, %get3A_743 : vector<16xf32>
          %add3A_843 = arith.addf %add3A_605, %mul3A_842 : vector<16xf32>
          %mul3A_844 = vector.broadcast %squeeze3A_840 : f32 to vector<16xf32>
          %mul3A_845 = arith.mulf %mul3A_844, %get3A_748 : vector<16xf32>
          %add3A_846 = arith.addf %add3A_608, %mul3A_845 : vector<16xf32>
          %add3A_847 = arith.constant 70 : i32
          %add3A_848 = arith.addi %add3A_498, %add3A_847 : i32
          %get3A_849 = arith.constant 1 : i32
          %get3A_850 = arith.index_cast %get3A_849 : i32 to index
          %get3A_851 = arith.index_cast %add3A_848 : i32 to index
          %get3A_852 = tpu.vector_load %arg11[%get3A_850, %get3A_851] {strides = array<i32>} : memref<16x5136xf32, #tpu.memory_space<vmem>>, vector<16xf32>,
          %slice3A_853 = vector.extract_strided_slice %get3A_852 {offsets = [0], sizes = [1], strides = [1]} : vector<16xf32> to vector<1xf32>
          %squeeze3A_854 = vector.extract %slice3A_853[0] : f32 from vector<1xf32>
          %mul3A_855 = vector.broadcast %squeeze3A_854 : f32 to vector<16xf32>
          %mul3A_856 = arith.mulf %mul3A_855, %get3A_743 : vector<16xf32>
          %add3A_857 = arith.addf %add3A_619, %mul3A_856 : vector<16xf32>
          %mul3A_858 = vector.broadcast %squeeze3A_854 : f32 to vector<16xf32>
          %mul3A_859 = arith.mulf %mul3A_858, %get3A_748 : vector<16xf32>
          %add3A_860 = arith.addf %add3A_622, %mul3A_859 : vector<16xf32>
          %add3A_861 = arith.constant 80 : i32
          %add3A_862 = arith.addi %add3A_498, %add3A_861 : i32
          %get3A_863 = arith.constant 1 : i32
          %get3A_864 = arith.index_cast %get3A_863 : i32 to index
          %get3A_865 = arith.index_cast %add3A_862 : i32 to index
          %get3A_866 = tpu.vector_load %arg11[%get3A_864, %get3A_865] {strides = array<i32>} : memref<16x5136xf32, #tpu.memory_space<vmem>>, vector<16xf32>,
          %slice3A_867 = vector.extract_strided_slice %get3A_866 {offsets = [0], sizes = [1], strides = [1]} : vector<16xf32> to vector<1xf32>
          %squeeze3A_868 = vector.extract %slice3A_867[0] : f32 from vector<1xf32>
          %mul3A_869 = vector.broadcast %squeeze3A_868 : f32 to vector<16xf32>
          %mul3A_870 = arith.mulf %mul3A_869, %get3A_743 : vector<16xf32>
          %add3A_871 = arith.addf %add3A_633, %mul3A_870 : vector<16xf32>
          %mul3A_872 = vector.broadcast %squeeze3A_868 : f32 to vector<16xf32>
          %mul3A_873 = arith.mulf %mul3A_872, %get3A_748 : vector<16xf32>
          %add3A_874 = arith.addf %add3A_636, %mul3A_873 : vector<16xf32>
          %add3A_875 = arith.constant 90 : i32
          %add3A_876 = arith.addi %add3A_498, %add3A_875 : i32
          %get3A_877 = arith.constant 1 : i32
          %get3A_878 = arith.index_cast %get3A_877 : i32 to index
          %get3A_879 = arith.index_cast %add3A_876 : i32 to index
          %get3A_880 = tpu.vector_load %arg11[%get3A_878, %get3A_879] {strides = array<i32>} : memref<16x5136xf32, #tpu.memory_space<vmem>>, vector<16xf32>,
          %slice3A_881 = vector.extract_strided_slice %get3A_880 {offsets = [0], sizes = [1], strides = [1]} : vector<16xf32> to vector<1xf32>
          %squeeze3A_882 = vector.extract %slice3A_881[0] : f32 from vector<1xf32>
          %mul3A_883 = vector.broadcast %squeeze3A_882 : f32 to vector<16xf32>
          %mul3A_884 = arith.mulf %mul3A_883, %get3A_743 : vector<16xf32>
          %add3A_885 = arith.addf %add3A_647, %mul3A_884 : vector<16xf32>
          %mul3A_886 = vector.broadcast %squeeze3A_882 : f32 to vector<16xf32>
          %mul3A_887 = arith.mulf %mul3A_886, %get3A_748 : vector<16xf32>
          %add3A_888 = arith.addf %add3A_650, %mul3A_887 : vector<16xf32>
          %add3A_889 = arith.constant 100 : i32
          %add3A_890 = arith.addi %add3A_498, %add3A_889 : i32
          %get3A_891 = arith.constant 1 : i32
          %get3A_892 = arith.index_cast %get3A_891 : i32 to index
          %get3A_893 = arith.index_cast %add3A_890 : i32 to index
          %get3A_894 = tpu.vector_load %arg11[%get3A_892, %get3A_893] {strides = array<i32>} : memref<16x5136xf32, #tpu.memory_space<vmem>>, vector<16xf32>,
          %slice3A_895 = vector.extract_strided_slice %get3A_894 {offsets = [0], sizes = [1], strides = [1]} : vector<16xf32> to vector<1xf32>
          %squeeze3A_896 = vector.extract %slice3A_895[0] : f32 from vector<1xf32>
          %mul3A_897 = vector.broadcast %squeeze3A_896 : f32 to vector<16xf32>
          %mul3A_898 = arith.mulf %mul3A_897, %get3A_743 : vector<16xf32>
          %add3A_899 = arith.addf %add3A_661, %mul3A_898 : vector<16xf32>
          %mul3A_900 = vector.broadcast %squeeze3A_896 : f32 to vector<16xf32>
          %mul3A_901 = arith.mulf %mul3A_900, %get3A_748 : vector<16xf32>
          %add3A_902 = arith.addf %add3A_664, %mul3A_901 : vector<16xf32>
          %add3A_903 = arith.constant 110 : i32
          %add3A_904 = arith.addi %add3A_498, %add3A_903 : i32
          %get3A_905 = arith.constant 1 : i32
          %get3A_906 = arith.index_cast %get3A_905 : i32 to index
          %get3A_907 = arith.index_cast %add3A_904 : i32 to index
          %get3A_908 = tpu.vector_load %arg11[%get3A_906, %get3A_907] {strides = array<i32>} : memref<16x5136xf32, #tpu.memory_space<vmem>>, vector<16xf32>,
          %slice3A_909 = vector.extract_strided_slice %get3A_908 {offsets = [0], sizes = [1], strides = [1]} : vector<16xf32> to vector<1xf32>
          %squeeze3A_910 = vector.extract %slice3A_909[0] : f32 from vector<1xf32>
          %mul3A_911 = vector.broadcast %squeeze3A_910 : f32 to vector<16xf32>
          %mul3A_912 = arith.mulf %mul3A_911, %get3A_743 : vector<16xf32>
          %add3A_913 = arith.addf %add3A_675, %mul3A_912 : vector<16xf32>
          %mul3A_914 = vector.broadcast %squeeze3A_910 : f32 to vector<16xf32>
          %mul3A_915 = arith.mulf %mul3A_914, %get3A_748 : vector<16xf32>
          %add3A_916 = arith.addf %add3A_678, %mul3A_915 : vector<16xf32>
          %add3A_917 = arith.constant 120 : i32
          %add3A_918 = arith.addi %add3A_498, %add3A_917 : i32
          %get3A_919 = arith.constant 1 : i32
          %get3A_920 = arith.index_cast %get3A_919 : i32 to index
          %get3A_921 = arith.index_cast %add3A_918 : i32 to index
          %get3A_922 = tpu.vector_load %arg11[%get3A_920, %get3A_921] {strides = array<i32>} : memref<16x5136xf32, #tpu.memory_space<vmem>>, vector<16xf32>,
          %slice3A_923 = vector.extract_strided_slice %get3A_922 {offsets = [0], sizes = [1], strides = [1]} : vector<16xf32> to vector<1xf32>
          %squeeze3A_924 = vector.extract %slice3A_923[0] : f32 from vector<1xf32>
          %mul3A_925 = vector.broadcast %squeeze3A_924 : f32 to vector<16xf32>
          %mul3A_926 = arith.mulf %mul3A_925, %get3A_743 : vector<16xf32>
          %add3A_927 = arith.addf %add3A_689, %mul3A_926 : vector<16xf32>
          %mul3A_928 = vector.broadcast %squeeze3A_924 : f32 to vector<16xf32>
          %mul3A_929 = arith.mulf %mul3A_928, %get3A_748 : vector<16xf32>
          %add3A_930 = arith.addf %add3A_692, %mul3A_929 : vector<16xf32>
          %add3A_931 = arith.constant 130 : i32
          %add3A_932 = arith.addi %add3A_498, %add3A_931 : i32
          %get3A_933 = arith.constant 1 : i32
          %get3A_934 = arith.index_cast %get3A_933 : i32 to index
          %get3A_935 = arith.index_cast %add3A_932 : i32 to index
          %get3A_936 = tpu.vector_load %arg11[%get3A_934, %get3A_935] {strides = array<i32>} : memref<16x5136xf32, #tpu.memory_space<vmem>>, vector<16xf32>,
          %slice3A_937 = vector.extract_strided_slice %get3A_936 {offsets = [0], sizes = [1], strides = [1]} : vector<16xf32> to vector<1xf32>
          %squeeze3A_938 = vector.extract %slice3A_937[0] : f32 from vector<1xf32>
          %mul3A_939 = vector.broadcast %squeeze3A_938 : f32 to vector<16xf32>
          %mul3A_940 = arith.mulf %mul3A_939, %get3A_743 : vector<16xf32>
          %add3A_941 = arith.addf %add3A_703, %mul3A_940 : vector<16xf32>
          %mul3A_942 = vector.broadcast %squeeze3A_938 : f32 to vector<16xf32>
          %mul3A_943 = arith.mulf %mul3A_942, %get3A_748 : vector<16xf32>
          %add3A_944 = arith.addf %add3A_706, %mul3A_943 : vector<16xf32>
          %add3A_945 = arith.constant 140 : i32
          %add3A_946 = arith.addi %add3A_498, %add3A_945 : i32
          %get3A_947 = arith.constant 1 : i32
          %get3A_948 = arith.index_cast %get3A_947 : i32 to index
          %get3A_949 = arith.index_cast %add3A_946 : i32 to index
          %get3A_950 = tpu.vector_load %arg11[%get3A_948, %get3A_949] {strides = array<i32>} : memref<16x5136xf32, #tpu.memory_space<vmem>>, vector<16xf32>,
          %slice3A_951 = vector.extract_strided_slice %get3A_950 {offsets = [0], sizes = [1], strides = [1]} : vector<16xf32> to vector<1xf32>
          %squeeze3A_952 = vector.extract %slice3A_951[0] : f32 from vector<1xf32>
          %mul3A_953 = vector.broadcast %squeeze3A_952 : f32 to vector<16xf32>
          %mul3A_954 = arith.mulf %mul3A_953, %get3A_743 : vector<16xf32>
          %add3A_955 = arith.addf %add3A_717, %mul3A_954 : vector<16xf32>
          %mul3A_956 = vector.broadcast %squeeze3A_952 : f32 to vector<16xf32>
          %mul3A_957 = arith.mulf %mul3A_956, %get3A_748 : vector<16xf32>
          %add3A_958 = arith.addf %add3A_720, %mul3A_957 : vector<16xf32>
          %add3A_959 = arith.constant 150 : i32
          %add3A_960 = arith.addi %add3A_498, %add3A_959 : i32
          %get3A_961 = arith.constant 1 : i32
          %get3A_962 = arith.index_cast %get3A_961 : i32 to index
          %get3A_963 = arith.index_cast %add3A_960 : i32 to index
          %get3A_964 = tpu.vector_load %arg11[%get3A_962, %get3A_963] {strides = array<i32>} : memref<16x5136xf32, #tpu.memory_space<vmem>>, vector<16xf32>,
          %slice3A_965 = vector.extract_strided_slice %get3A_964 {offsets = [0], sizes = [1], strides = [1]} : vector<16xf32> to vector<1xf32>
          %squeeze3A_966 = vector.extract %slice3A_965[0] : f32 from vector<1xf32>
          %mul3A_967 = vector.broadcast %squeeze3A_966 : f32 to vector<16xf32>
          %mul3A_968 = arith.mulf %mul3A_967, %get3A_743 : vector<16xf32>
          %add3A_969 = arith.addf %add3A_731, %mul3A_968 : vector<16xf32>
          %mul3A_970 = vector.broadcast %squeeze3A_966 : f32 to vector<16xf32>
          %mul3A_971 = arith.mulf %mul3A_970, %get3A_748 : vector<16xf32>
          %add3A_972 = arith.addf %add3A_734, %mul3A_971 : vector<16xf32>
          %mul3A_973 = arith.constant 16 : i32
          %mul3A_974 = arith.muli %scan3A_463, %mul3A_973 : i32
          %add3A_975 = arith.constant 2 : i32
          %add3A_976 = arith.addi %mul3A_974, %add3A_975 : i32
          %mul3A_977 = arith.constant 2 : i32
          %mul3A_978 = arith.muli %mul3A_977, %add3A_976 : i32
          %get3A_979 = arith.index_cast %mul3A_978 : i32 to index
          %get3A_980 = arith.constant 0 : index
          %get3A_981 = tpu.vector_load %arg12[%get3A_979, %get3A_980] {strides = array<i32>} : memref<320x16xf32, #tpu.memory_space<vmem>>, vector<16xf32>,
          %add3A_982 = arith.constant 1 : i32
          %add3A_983 = arith.addi %mul3A_978, %add3A_982 : i32
          %get3A_984 = arith.index_cast %add3A_983 : i32 to index
          %get3A_985 = arith.constant 0 : index
          %get3A_986 = tpu.vector_load %arg12[%get3A_984, %get3A_985] {strides = array<i32>} : memref<320x16xf32, #tpu.memory_space<vmem>>, vector<16xf32>,
          %add3A_987 = arith.constant 0 : i32
          %add3A_988 = arith.addi %add3A_498, %add3A_987 : i32
          %get3A_989 = arith.constant 2 : i32
          %get3A_990 = arith.index_cast %get3A_989 : i32 to index
          %get3A_991 = arith.index_cast %add3A_988 : i32 to index
          %get3A_992 = tpu.vector_load %arg11[%get3A_990, %get3A_991] {strides = array<i32>} : memref<16x5136xf32, #tpu.memory_space<vmem>>, vector<16xf32>,
          %slice3A_993 = vector.extract_strided_slice %get3A_992 {offsets = [0], sizes = [1], strides = [1]} : vector<16xf32> to vector<1xf32>
          %squeeze3A_994 = vector.extract %slice3A_993[0] : f32 from vector<1xf32>
          %mul3A_995 = vector.broadcast %squeeze3A_994 : f32 to vector<16xf32>
          %mul3A_996 = arith.mulf %mul3A_995, %get3A_981 : vector<16xf32>
          %add3A_997 = arith.addf %add3A_759, %mul3A_996 : vector<16xf32>
          %mul3A_998 = vector.broadcast %squeeze3A_994 : f32 to vector<16xf32>
          %mul3A_999 = arith.mulf %mul3A_998, %get3A_986 : vector<16xf32>
          %add3A_1000 = arith.addf %add3A_762, %mul3A_999 : vector<16xf32>
          %add3A_1001 = arith.constant 10 : i32
          %add3A_1002 = arith.addi %add3A_498, %add3A_1001 : i32
          %get3A_1003 = arith.constant 2 : i32
          %get3A_1004 = arith.index_cast %get3A_1003 : i32 to index
          %get3A_1005 = arith.index_cast %add3A_1002 : i32 to index
          %get3A_1006 = tpu.vector_load %arg11[%get3A_1004, %get3A_1005] {strides = array<i32>} : memref<16x5136xf32, #tpu.memory_space<vmem>>, vector<16xf32>,
          %slice3A_1007 = vector.extract_strided_slice %get3A_1006 {offsets = [0], sizes = [1], strides = [1]} : vector<16xf32> to vector<1xf32>
          %squeeze3A_1008 = vector.extract %slice3A_1007[0] : f32 from vector<1xf32>
          %mul3A_1009 = vector.broadcast %squeeze3A_1008 : f32 to vector<16xf32>
          %mul3A_1010 = arith.mulf %mul3A_1009, %get3A_981 : vector<16xf32>
          %add3A_1011 = arith.addf %add3A_773, %mul3A_1010 : vector<16xf32>
          %mul3A_1012 = vector.broadcast %squeeze3A_1008 : f32 to vector<16xf32>
          %mul3A_1013 = arith.mulf %mul3A_1012, %get3A_986 : vector<16xf32>
          %add3A_1014 = arith.addf %add3A_776, %mul3A_1013 : vector<16xf32>
          %add3A_1015 = arith.constant 20 : i32
          %add3A_1016 = arith.addi %add3A_498, %add3A_1015 : i32
          %get3A_1017 = arith.constant 2 : i32
          %get3A_1018 = arith.index_cast %get3A_1017 : i32 to index
          %get3A_1019 = arith.index_cast %add3A_1016 : i32 to index
          %get3A_1020 = tpu.vector_load %arg11[%get3A_1018, %get3A_1019] {strides = array<i32>} : memref<16x5136xf32, #tpu.memory_space<vmem>>, vector<16xf32>,
          %slice3A_1021 = vector.extract_strided_slice %get3A_1020 {offsets = [0], sizes = [1], strides = [1]} : vector<16xf32> to vector<1xf32>
          %squeeze3A_1022 = vector.extract %slice3A_1021[0] : f32 from vector<1xf32>
          %mul3A_1023 = vector.broadcast %squeeze3A_1022 : f32 to vector<16xf32>
          %mul3A_1024 = arith.mulf %mul3A_1023, %get3A_981 : vector<16xf32>
          %add3A_1025 = arith.addf %add3A_787, %mul3A_1024 : vector<16xf32>
          %mul3A_1026 = vector.broadcast %squeeze3A_1022 : f32 to vector<16xf32>
          %mul3A_1027 = arith.mulf %mul3A_1026, %get3A_986 : vector<16xf32>
          %add3A_1028 = arith.addf %add3A_790, %mul3A_1027 : vector<16xf32>
          %add3A_1029 = arith.constant 30 : i32
          %add3A_1030 = arith.addi %add3A_498, %add3A_1029 : i32
          %get3A_1031 = arith.constant 2 : i32
          %get3A_1032 = arith.index_cast %get3A_1031 : i32 to index
          %get3A_1033 = arith.index_cast %add3A_1030 : i32 to index
          %get3A_1034 = tpu.vector_load %arg11[%get3A_1032, %get3A_1033] {strides = array<i32>} : memref<16x5136xf32, #tpu.memory_space<vmem>>, vector<16xf32>,
          %slice3A_1035 = vector.extract_strided_slice %get3A_1034 {offsets = [0], sizes = [1], strides = [1]} : vector<16xf32> to vector<1xf32>
          %squeeze3A_1036 = vector.extract %slice3A_1035[0] : f32 from vector<1xf32>
          %mul3A_1037 = vector.broadcast %squeeze3A_1036 : f32 to vector<16xf32>
          %mul3A_1038 = arith.mulf %mul3A_1037, %get3A_981 : vector<16xf32>
          %add3A_1039 = arith.addf %add3A_801, %mul3A_1038 : vector<16xf32>
          %mul3A_1040 = vector.broadcast %squeeze3A_1036 : f32 to vector<16xf32>
          %mul3A_1041 = arith.mulf %mul3A_1040, %get3A_986 : vector<16xf32>
          %add3A_1042 = arith.addf %add3A_804, %mul3A_1041 : vector<16xf32>
          %add3A_1043 = arith.constant 40 : i32
          %add3A_1044 = arith.addi %add3A_498, %add3A_1043 : i32
          %get3A_1045 = arith.constant 2 : i32
          %get3A_1046 = arith.index_cast %get3A_1045 : i32 to index
          %get3A_1047 = arith.index_cast %add3A_1044 : i32 to index
          %get3A_1048 = tpu.vector_load %arg11[%get3A_1046, %get3A_1047] {strides = array<i32>} : memref<16x5136xf32, #tpu.memory_space<vmem>>, vector<16xf32>,
          %slice3A_1049 = vector.extract_strided_slice %get3A_1048 {offsets = [0], sizes = [1], strides = [1]} : vector<16xf32> to vector<1xf32>
          %squeeze3A_1050 = vector.extract %slice3A_1049[0] : f32 from vector<1xf32>
          %mul3A_1051 = vector.broadcast %squeeze3A_1050 : f32 to vector<16xf32>
          %mul3A_1052 = arith.mulf %mul3A_1051, %get3A_981 : vector<16xf32>
          %add3A_1053 = arith.addf %add3A_815, %mul3A_1052 : vector<16xf32>
          %mul3A_1054 = vector.broadcast %squeeze3A_1050 : f32 to vector<16xf32>
          %mul3A_1055 = arith.mulf %mul3A_1054, %get3A_986 : vector<16xf32>
          %add3A_1056 = arith.addf %add3A_818, %mul3A_1055 : vector<16xf32>
          %add3A_1057 = arith.constant 50 : i32
          %add3A_1058 = arith.addi %add3A_498, %add3A_1057 : i32
          %get3A_1059 = arith.constant 2 : i32
          %get3A_1060 = arith.index_cast %get3A_1059 : i32 to index
          %get3A_1061 = arith.index_cast %add3A_1058 : i32 to index
          %get3A_1062 = tpu.vector_load %arg11[%get3A_1060, %get3A_1061] {strides = array<i32>} : memref<16x5136xf32, #tpu.memory_space<vmem>>, vector<16xf32>,
          %slice3A_1063 = vector.extract_strided_slice %get3A_1062 {offsets = [0], sizes = [1], strides = [1]} : vector<16xf32> to vector<1xf32>
          %squeeze3A_1064 = vector.extract %slice3A_1063[0] : f32 from vector<1xf32>
          %mul3A_1065 = vector.broadcast %squeeze3A_1064 : f32 to vector<16xf32>
          %mul3A_1066 = arith.mulf %mul3A_1065, %get3A_981 : vector<16xf32>
          %add3A_1067 = arith.addf %add3A_829, %mul3A_1066 : vector<16xf32>
          %mul3A_1068 = vector.broadcast %squeeze3A_1064 : f32 to vector<16xf32>
          %mul3A_1069 = arith.mulf %mul3A_1068, %get3A_986 : vector<16xf32>
          %add3A_1070 = arith.addf %add3A_832, %mul3A_1069 : vector<16xf32>
          %add3A_1071 = arith.constant 60 : i32
          %add3A_1072 = arith.addi %add3A_498, %add3A_1071 : i32
          %get3A_1073 = arith.constant 2 : i32
          %get3A_1074 = arith.index_cast %get3A_1073 : i32 to index
          %get3A_1075 = arith.index_cast %add3A_1072 : i32 to index
          %get3A_1076 = tpu.vector_load %arg11[%get3A_1074, %get3A_1075] {strides = array<i32>} : memref<16x5136xf32, #tpu.memory_space<vmem>>, vector<16xf32>,
          %slice3A_1077 = vector.extract_strided_slice %get3A_1076 {offsets = [0], sizes = [1], strides = [1]} : vector<16xf32> to vector<1xf32>
          %squeeze3A_1078 = vector.extract %slice3A_1077[0] : f32 from vector<1xf32>
          %mul3A_1079 = vector.broadcast %squeeze3A_1078 : f32 to vector<16xf32>
          %mul3A_1080 = arith.mulf %mul3A_1079, %get3A_981 : vector<16xf32>
          %add3A_1081 = arith.addf %add3A_843, %mul3A_1080 : vector<16xf32>
          %mul3A_1082 = vector.broadcast %squeeze3A_1078 : f32 to vector<16xf32>
          %mul3A_1083 = arith.mulf %mul3A_1082, %get3A_986 : vector<16xf32>
          %add3A_1084 = arith.addf %add3A_846, %mul3A_1083 : vector<16xf32>
          %add3A_1085 = arith.constant 70 : i32
          %add3A_1086 = arith.addi %add3A_498, %add3A_1085 : i32
          %get3A_1087 = arith.constant 2 : i32
          %get3A_1088 = arith.index_cast %get3A_1087 : i32 to index
          %get3A_1089 = arith.index_cast %add3A_1086 : i32 to index
          %get3A_1090 = tpu.vector_load %arg11[%get3A_1088, %get3A_1089] {strides = array<i32>} : memref<16x5136xf32, #tpu.memory_space<vmem>>, vector<16xf32>,
          %slice3A_1091 = vector.extract_strided_slice %get3A_1090 {offsets = [0], sizes = [1], strides = [1]} : vector<16xf32> to vector<1xf32>
          %squeeze3A_1092 = vector.extract %slice3A_1091[0] : f32 from vector<1xf32>
          %mul3A_1093 = vector.broadcast %squeeze3A_1092 : f32 to vector<16xf32>
          %mul3A_1094 = arith.mulf %mul3A_1093, %get3A_981 : vector<16xf32>
          %add3A_1095 = arith.addf %add3A_857, %mul3A_1094 : vector<16xf32>
          %mul3A_1096 = vector.broadcast %squeeze3A_1092 : f32 to vector<16xf32>
          %mul3A_1097 = arith.mulf %mul3A_1096, %get3A_986 : vector<16xf32>
          %add3A_1098 = arith.addf %add3A_860, %mul3A_1097 : vector<16xf32>
          %add3A_1099 = arith.constant 80 : i32
          %add3A_1100 = arith.addi %add3A_498, %add3A_1099 : i32
          %get3A_1101 = arith.constant 2 : i32
          %get3A_1102 = arith.index_cast %get3A_1101 : i32 to index
          %get3A_1103 = arith.index_cast %add3A_1100 : i32 to index
          %get3A_1104 = tpu.vector_load %arg11[%get3A_1102, %get3A_1103] {strides = array<i32>} : memref<16x5136xf32, #tpu.memory_space<vmem>>, vector<16xf32>,
          %slice3A_1105 = vector.extract_strided_slice %get3A_1104 {offsets = [0], sizes = [1], strides = [1]} : vector<16xf32> to vector<1xf32>
          %squeeze3A_1106 = vector.extract %slice3A_1105[0] : f32 from vector<1xf32>
          %mul3A_1107 = vector.broadcast %squeeze3A_1106 : f32 to vector<16xf32>
          %mul3A_1108 = arith.mulf %mul3A_1107, %get3A_981 : vector<16xf32>
          %add3A_1109 = arith.addf %add3A_871, %mul3A_1108 : vector<16xf32>
          %mul3A_1110 = vector.broadcast %squeeze3A_1106 : f32 to vector<16xf32>
          %mul3A_1111 = arith.mulf %mul3A_1110, %get3A_986 : vector<16xf32>
          %add3A_1112 = arith.addf %add3A_874, %mul3A_1111 : vector<16xf32>
          %add3A_1113 = arith.constant 90 : i32
          %add3A_1114 = arith.addi %add3A_498, %add3A_1113 : i32
          %get3A_1115 = arith.constant 2 : i32
          %get3A_1116 = arith.index_cast %get3A_1115 : i32 to index
          %get3A_1117 = arith.index_cast %add3A_1114 : i32 to index
          %get3A_1118 = tpu.vector_load %arg11[%get3A_1116, %get3A_1117] {strides = array<i32>} : memref<16x5136xf32, #tpu.memory_space<vmem>>, vector<16xf32>,
          %slice3A_1119 = vector.extract_strided_slice %get3A_1118 {offsets = [0], sizes = [1], strides = [1]} : vector<16xf32> to vector<1xf32>
          %squeeze3A_1120 = vector.extract %slice3A_1119[0] : f32 from vector<1xf32>
          %mul3A_1121 = vector.broadcast %squeeze3A_1120 : f32 to vector<16xf32>
          %mul3A_1122 = arith.mulf %mul3A_1121, %get3A_981 : vector<16xf32>
          %add3A_1123 = arith.addf %add3A_885, %mul3A_1122 : vector<16xf32>
          %mul3A_1124 = vector.broadcast %squeeze3A_1120 : f32 to vector<16xf32>
          %mul3A_1125 = arith.mulf %mul3A_1124, %get3A_986 : vector<16xf32>
          %add3A_1126 = arith.addf %add3A_888, %mul3A_1125 : vector<16xf32>
          %add3A_1127 = arith.constant 100 : i32
          %add3A_1128 = arith.addi %add3A_498, %add3A_1127 : i32
          %get3A_1129 = arith.constant 2 : i32
          %get3A_1130 = arith.index_cast %get3A_1129 : i32 to index
          %get3A_1131 = arith.index_cast %add3A_1128 : i32 to index
          %get3A_1132 = tpu.vector_load %arg11[%get3A_1130, %get3A_1131] {strides = array<i32>} : memref<16x5136xf32, #tpu.memory_space<vmem>>, vector<16xf32>,
          %slice3A_1133 = vector.extract_strided_slice %get3A_1132 {offsets = [0], sizes = [1], strides = [1]} : vector<16xf32> to vector<1xf32>
          %squeeze3A_1134 = vector.extract %slice3A_1133[0] : f32 from vector<1xf32>
          %mul3A_1135 = vector.broadcast %squeeze3A_1134 : f32 to vector<16xf32>
          %mul3A_1136 = arith.mulf %mul3A_1135, %get3A_981 : vector<16xf32>
          %add3A_1137 = arith.addf %add3A_899, %mul3A_1136 : vector<16xf32>
          %mul3A_1138 = vector.broadcast %squeeze3A_1134 : f32 to vector<16xf32>
          %mul3A_1139 = arith.mulf %mul3A_1138, %get3A_986 : vector<16xf32>
          %add3A_1140 = arith.addf %add3A_902, %mul3A_1139 : vector<16xf32>
          %add3A_1141 = arith.constant 110 : i32
          %add3A_1142 = arith.addi %add3A_498, %add3A_1141 : i32
          %get3A_1143 = arith.constant 2 : i32
          %get3A_1144 = arith.index_cast %get3A_1143 : i32 to index
          %get3A_1145 = arith.index_cast %add3A_1142 : i32 to index
          %get3A_1146 = tpu.vector_load %arg11[%get3A_1144, %get3A_1145] {strides = array<i32>} : memref<16x5136xf32, #tpu.memory_space<vmem>>, vector<16xf32>,
          %slice3A_1147 = vector.extract_strided_slice %get3A_1146 {offsets = [0], sizes = [1], strides = [1]} : vector<16xf32> to vector<1xf32>
          %squeeze3A_1148 = vector.extract %slice3A_1147[0] : f32 from vector<1xf32>
          %mul3A_1149 = vector.broadcast %squeeze3A_1148 : f32 to vector<16xf32>
          %mul3A_1150 = arith.mulf %mul3A_1149, %get3A_981 : vector<16xf32>
          %add3A_1151 = arith.addf %add3A_913, %mul3A_1150 : vector<16xf32>
          %mul3A_1152 = vector.broadcast %squeeze3A_1148 : f32 to vector<16xf32>
          %mul3A_1153 = arith.mulf %mul3A_1152, %get3A_986 : vector<16xf32>
          %add3A_1154 = arith.addf %add3A_916, %mul3A_1153 : vector<16xf32>
          %add3A_1155 = arith.constant 120 : i32
          %add3A_1156 = arith.addi %add3A_498, %add3A_1155 : i32
          %get3A_1157 = arith.constant 2 : i32
          %get3A_1158 = arith.index_cast %get3A_1157 : i32 to index
          %get3A_1159 = arith.index_cast %add3A_1156 : i32 to index
          %get3A_1160 = tpu.vector_load %arg11[%get3A_1158, %get3A_1159] {strides = array<i32>} : memref<16x5136xf32, #tpu.memory_space<vmem>>, vector<16xf32>,
          %slice3A_1161 = vector.extract_strided_slice %get3A_1160 {offsets = [0], sizes = [1], strides = [1]} : vector<16xf32> to vector<1xf32>
          %squeeze3A_1162 = vector.extract %slice3A_1161[0] : f32 from vector<1xf32>
          %mul3A_1163 = vector.broadcast %squeeze3A_1162 : f32 to vector<16xf32>
          %mul3A_1164 = arith.mulf %mul3A_1163, %get3A_981 : vector<16xf32>
          %add3A_1165 = arith.addf %add3A_927, %mul3A_1164 : vector<16xf32>
          %mul3A_1166 = vector.broadcast %squeeze3A_1162 : f32 to vector<16xf32>
          %mul3A_1167 = arith.mulf %mul3A_1166, %get3A_986 : vector<16xf32>
          %add3A_1168 = arith.addf %add3A_930, %mul3A_1167 : vector<16xf32>
          %add3A_1169 = arith.constant 130 : i32
          %add3A_1170 = arith.addi %add3A_498, %add3A_1169 : i32
          %get3A_1171 = arith.constant 2 : i32
          %get3A_1172 = arith.index_cast %get3A_1171 : i32 to index
          %get3A_1173 = arith.index_cast %add3A_1170 : i32 to index
          %get3A_1174 = tpu.vector_load %arg11[%get3A_1172, %get3A_1173] {strides = array<i32>} : memref<16x5136xf32, #tpu.memory_space<vmem>>, vector<16xf32>,
          %slice3A_1175 = vector.extract_strided_slice %get3A_1174 {offsets = [0], sizes = [1], strides = [1]} : vector<16xf32> to vector<1xf32>
          %squeeze3A_1176 = vector.extract %slice3A_1175[0] : f32 from vector<1xf32>
          %mul3A_1177 = vector.broadcast %squeeze3A_1176 : f32 to vector<16xf32>
          %mul3A_1178 = arith.mulf %mul3A_1177, %get3A_981 : vector<16xf32>
          %add3A_1179 = arith.addf %add3A_941, %mul3A_1178 : vector<16xf32>
          %mul3A_1180 = vector.broadcast %squeeze3A_1176 : f32 to vector<16xf32>
          %mul3A_1181 = arith.mulf %mul3A_1180, %get3A_986 : vector<16xf32>
          %add3A_1182 = arith.addf %add3A_944, %mul3A_1181 : vector<16xf32>
          %add3A_1183 = arith.constant 140 : i32
          %add3A_1184 = arith.addi %add3A_498, %add3A_1183 : i32
          %get3A_1185 = arith.constant 2 : i32
          %get3A_1186 = arith.index_cast %get3A_1185 : i32 to index
          %get3A_1187 = arith.index_cast %add3A_1184 : i32 to index
          %get3A_1188 = tpu.vector_load %arg11[%get3A_1186, %get3A_1187] {strides = array<i32>} : memref<16x5136xf32, #tpu.memory_space<vmem>>, vector<16xf32>,
          %slice3A_1189 = vector.extract_strided_slice %get3A_1188 {offsets = [0], sizes = [1], strides = [1]} : vector<16xf32> to vector<1xf32>
          %squeeze3A_1190 = vector.extract %slice3A_1189[0] : f32 from vector<1xf32>
          %mul3A_1191 = vector.broadcast %squeeze3A_1190 : f32 to vector<16xf32>
          %mul3A_1192 = arith.mulf %mul3A_1191, %get3A_981 : vector<16xf32>
          %add3A_1193 = arith.addf %add3A_955, %mul3A_1192 : vector<16xf32>
          %mul3A_1194 = vector.broadcast %squeeze3A_1190 : f32 to vector<16xf32>
          %mul3A_1195 = arith.mulf %mul3A_1194, %get3A_986 : vector<16xf32>
          %add3A_1196 = arith.addf %add3A_958, %mul3A_1195 : vector<16xf32>
          %add3A_1197 = arith.constant 150 : i32
          %add3A_1198 = arith.addi %add3A_498, %add3A_1197 : i32
          %get3A_1199 = arith.constant 2 : i32
          %get3A_1200 = arith.index_cast %get3A_1199 : i32 to index
          %get3A_1201 = arith.index_cast %add3A_1198 : i32 to index
          %get3A_1202 = tpu.vector_load %arg11[%get3A_1200, %get3A_1201] {strides = array<i32>} : memref<16x5136xf32, #tpu.memory_space<vmem>>, vector<16xf32>,
          %slice3A_1203 = vector.extract_strided_slice %get3A_1202 {offsets = [0], sizes = [1], strides = [1]} : vector<16xf32> to vector<1xf32>
          %squeeze3A_1204 = vector.extract %slice3A_1203[0] : f32 from vector<1xf32>
          %mul3A_1205 = vector.broadcast %squeeze3A_1204 : f32 to vector<16xf32>
          %mul3A_1206 = arith.mulf %mul3A_1205, %get3A_981 : vector<16xf32>
          %add3A_1207 = arith.addf %add3A_969, %mul3A_1206 : vector<16xf32>
          %mul3A_1208 = vector.broadcast %squeeze3A_1204 : f32 to vector<16xf32>
          %mul3A_1209 = arith.mulf %mul3A_1208, %get3A_986 : vector<16xf32>
          %add3A_1210 = arith.addf %add3A_972, %mul3A_1209 : vector<16xf32>
          %mul3A_1211 = arith.constant 16 : i32
          %mul3A_1212 = arith.muli %scan3A_463, %mul3A_1211 : i32
          %add3A_1213 = arith.constant 3 : i32
          %add3A_1214 = arith.addi %mul3A_1212, %add3A_1213 : i32
          %mul3A_1215 = arith.constant 2 : i32
          %mul3A_1216 = arith.muli %mul3A_1215, %add3A_1214 : i32
          %get3A_1217 = arith.index_cast %mul3A_1216 : i32 to index
          %get3A_1218 = arith.constant 0 : index
          %get3A_1219 = tpu.vector_load %arg12[%get3A_1217, %get3A_1218] {strides = array<i32>} : memref<320x16xf32, #tpu.memory_space<vmem>>, vector<16xf32>,
          %add3A_1220 = arith.constant 1 : i32
          %add3A_1221 = arith.addi %mul3A_1216, %add3A_1220 : i32
          %get3A_1222 = arith.index_cast %add3A_1221 : i32 to index
          %get3A_1223 = arith.constant 0 : index
          %get3A_1224 = tpu.vector_load %arg12[%get3A_1222, %get3A_1223] {strides = array<i32>} : memref<320x16xf32, #tpu.memory_space<vmem>>, vector<16xf32>,
          %add3A_1225 = arith.constant 0 : i32
          %add3A_1226 = arith.addi %add3A_498, %add3A_1225 : i32
          %get3A_1227 = arith.constant 3 : i32
          %get3A_1228 = arith.index_cast %get3A_1227 : i32 to index
          %get3A_1229 = arith.index_cast %add3A_1226 : i32 to index
          %get3A_1230 = tpu.vector_load %arg11[%get3A_1228, %get3A_1229] {strides = array<i32>} : memref<16x5136xf32, #tpu.memory_space<vmem>>, vector<16xf32>,
          %slice3A_1231 = vector.extract_strided_slice %get3A_1230 {offsets = [0], sizes = [1], strides = [1]} : vector<16xf32> to vector<1xf32>
          %squeeze3A_1232 = vector.extract %slice3A_1231[0] : f32 from vector<1xf32>
          %mul3A_1233 = vector.broadcast %squeeze3A_1232 : f32 to vector<16xf32>
          %mul3A_1234 = arith.mulf %mul3A_1233, %get3A_1219 : vector<16xf32>
          %add3A_1235 = arith.addf %add3A_997, %mul3A_1234 : vector<16xf32>
          %mul3A_1236 = vector.broadcast %squeeze3A_1232 : f32 to vector<16xf32>
          %mul3A_1237 = arith.mulf %mul3A_1236, %get3A_1224 : vector<16xf32>
          %add3A_1238 = arith.addf %add3A_1000, %mul3A_1237 : vector<16xf32>
          %add3A_1239 = arith.constant 10 : i32
          %add3A_1240 = arith.addi %add3A_498, %add3A_1239 : i32
          %get3A_1241 = arith.constant 3 : i32
          %get3A_1242 = arith.index_cast %get3A_1241 : i32 to index
          %get3A_1243 = arith.index_cast %add3A_1240 : i32 to index
          %get3A_1244 = tpu.vector_load %arg11[%get3A_1242, %get3A_1243] {strides = array<i32>} : memref<16x5136xf32, #tpu.memory_space<vmem>>, vector<16xf32>,
          %slice3A_1245 = vector.extract_strided_slice %get3A_1244 {offsets = [0], sizes = [1], strides = [1]} : vector<16xf32> to vector<1xf32>
          %squeeze3A_1246 = vector.extract %slice3A_1245[0] : f32 from vector<1xf32>
          %mul3A_1247 = vector.broadcast %squeeze3A_1246 : f32 to vector<16xf32>
          %mul3A_1248 = arith.mulf %mul3A_1247, %get3A_1219 : vector<16xf32>
          %add3A_1249 = arith.addf %add3A_1011, %mul3A_1248 : vector<16xf32>
          %mul3A_1250 = vector.broadcast %squeeze3A_1246 : f32 to vector<16xf32>
          %mul3A_1251 = arith.mulf %mul3A_1250, %get3A_1224 : vector<16xf32>
          %add3A_1252 = arith.addf %add3A_1014, %mul3A_1251 : vector<16xf32>
          %add3A_1253 = arith.constant 20 : i32
          %add3A_1254 = arith.addi %add3A_498, %add3A_1253 : i32
          %get3A_1255 = arith.constant 3 : i32
          %get3A_1256 = arith.index_cast %get3A_1255 : i32 to index
          %get3A_1257 = arith.index_cast %add3A_1254 : i32 to index
          %get3A_1258 = tpu.vector_load %arg11[%get3A_1256, %get3A_1257] {strides = array<i32>} : memref<16x5136xf32, #tpu.memory_space<vmem>>, vector<16xf32>,
          %slice3A_1259 = vector.extract_strided_slice %get3A_1258 {offsets = [0], sizes = [1], strides = [1]} : vector<16xf32> to vector<1xf32>
          %squeeze3A_1260 = vector.extract %slice3A_1259[0] : f32 from vector<1xf32>
          %mul3A_1261 = vector.broadcast %squeeze3A_1260 : f32 to vector<16xf32>
          %mul3A_1262 = arith.mulf %mul3A_1261, %get3A_1219 : vector<16xf32>
          %add3A_1263 = arith.addf %add3A_1025, %mul3A_1262 : vector<16xf32>
          %mul3A_1264 = vector.broadcast %squeeze3A_1260 : f32 to vector<16xf32>
          %mul3A_1265 = arith.mulf %mul3A_1264, %get3A_1224 : vector<16xf32>
          %add3A_1266 = arith.addf %add3A_1028, %mul3A_1265 : vector<16xf32>
          %add3A_1267 = arith.constant 30 : i32
          %add3A_1268 = arith.addi %add3A_498, %add3A_1267 : i32
          %get3A_1269 = arith.constant 3 : i32
          %get3A_1270 = arith.index_cast %get3A_1269 : i32 to index
          %get3A_1271 = arith.index_cast %add3A_1268 : i32 to index
          %get3A_1272 = tpu.vector_load %arg11[%get3A_1270, %get3A_1271] {strides = array<i32>} : memref<16x5136xf32, #tpu.memory_space<vmem>>, vector<16xf32>,
          %slice3A_1273 = vector.extract_strided_slice %get3A_1272 {offsets = [0], sizes = [1], strides = [1]} : vector<16xf32> to vector<1xf32>
          %squeeze3A_1274 = vector.extract %slice3A_1273[0] : f32 from vector<1xf32>
          %mul3A_1275 = vector.broadcast %squeeze3A_1274 : f32 to vector<16xf32>
          %mul3A_1276 = arith.mulf %mul3A_1275, %get3A_1219 : vector<16xf32>
          %add3A_1277 = arith.addf %add3A_1039, %mul3A_1276 : vector<16xf32>
          %mul3A_1278 = vector.broadcast %squeeze3A_1274 : f32 to vector<16xf32>
          %mul3A_1279 = arith.mulf %mul3A_1278, %get3A_1224 : vector<16xf32>
          %add3A_1280 = arith.addf %add3A_1042, %mul3A_1279 : vector<16xf32>
          %add3A_1281 = arith.constant 40 : i32
          %add3A_1282 = arith.addi %add3A_498, %add3A_1281 : i32
          %get3A_1283 = arith.constant 3 : i32
          %get3A_1284 = arith.index_cast %get3A_1283 : i32 to index
          %get3A_1285 = arith.index_cast %add3A_1282 : i32 to index
          %get3A_1286 = tpu.vector_load %arg11[%get3A_1284, %get3A_1285] {strides = array<i32>} : memref<16x5136xf32, #tpu.memory_space<vmem>>, vector<16xf32>,
          %slice3A_1287 = vector.extract_strided_slice %get3A_1286 {offsets = [0], sizes = [1], strides = [1]} : vector<16xf32> to vector<1xf32>
          %squeeze3A_1288 = vector.extract %slice3A_1287[0] : f32 from vector<1xf32>
          %mul3A_1289 = vector.broadcast %squeeze3A_1288 : f32 to vector<16xf32>
          %mul3A_1290 = arith.mulf %mul3A_1289, %get3A_1219 : vector<16xf32>
          %add3A_1291 = arith.addf %add3A_1053, %mul3A_1290 : vector<16xf32>
          %mul3A_1292 = vector.broadcast %squeeze3A_1288 : f32 to vector<16xf32>
          %mul3A_1293 = arith.mulf %mul3A_1292, %get3A_1224 : vector<16xf32>
          %add3A_1294 = arith.addf %add3A_1056, %mul3A_1293 : vector<16xf32>
          %add3A_1295 = arith.constant 50 : i32
          %add3A_1296 = arith.addi %add3A_498, %add3A_1295 : i32
          %get3A_1297 = arith.constant 3 : i32
          %get3A_1298 = arith.index_cast %get3A_1297 : i32 to index
          %get3A_1299 = arith.index_cast %add3A_1296 : i32 to index
          %get3A_1300 = tpu.vector_load %arg11[%get3A_1298, %get3A_1299] {strides = array<i32>} : memref<16x5136xf32, #tpu.memory_space<vmem>>, vector<16xf32>,
          %slice3A_1301 = vector.extract_strided_slice %get3A_1300 {offsets = [0], sizes = [1], strides = [1]} : vector<16xf32> to vector<1xf32>
          %squeeze3A_1302 = vector.extract %slice3A_1301[0] : f32 from vector<1xf32>
          %mul3A_1303 = vector.broadcast %squeeze3A_1302 : f32 to vector<16xf32>
          %mul3A_1304 = arith.mulf %mul3A_1303, %get3A_1219 : vector<16xf32>
          %add3A_1305 = arith.addf %add3A_1067, %mul3A_1304 : vector<16xf32>
          %mul3A_1306 = vector.broadcast %squeeze3A_1302 : f32 to vector<16xf32>
          %mul3A_1307 = arith.mulf %mul3A_1306, %get3A_1224 : vector<16xf32>
          %add3A_1308 = arith.addf %add3A_1070, %mul3A_1307 : vector<16xf32>
          %add3A_1309 = arith.constant 60 : i32
          %add3A_1310 = arith.addi %add3A_498, %add3A_1309 : i32
          %get3A_1311 = arith.constant 3 : i32
          %get3A_1312 = arith.index_cast %get3A_1311 : i32 to index
          %get3A_1313 = arith.index_cast %add3A_1310 : i32 to index
          %get3A_1314 = tpu.vector_load %arg11[%get3A_1312, %get3A_1313] {strides = array<i32>} : memref<16x5136xf32, #tpu.memory_space<vmem>>, vector<16xf32>,
          %slice3A_1315 = vector.extract_strided_slice %get3A_1314 {offsets = [0], sizes = [1], strides = [1]} : vector<16xf32> to vector<1xf32>
          %squeeze3A_1316 = vector.extract %slice3A_1315[0] : f32 from vector<1xf32>
          %mul3A_1317 = vector.broadcast %squeeze3A_1316 : f32 to vector<16xf32>
          %mul3A_1318 = arith.mulf %mul3A_1317, %get3A_1219 : vector<16xf32>
          %add3A_1319 = arith.addf %add3A_1081, %mul3A_1318 : vector<16xf32>
          %mul3A_1320 = vector.broadcast %squeeze3A_1316 : f32 to vector<16xf32>
          %mul3A_1321 = arith.mulf %mul3A_1320, %get3A_1224 : vector<16xf32>
          %add3A_1322 = arith.addf %add3A_1084, %mul3A_1321 : vector<16xf32>
          %add3A_1323 = arith.constant 70 : i32
          %add3A_1324 = arith.addi %add3A_498, %add3A_1323 : i32
          %get3A_1325 = arith.constant 3 : i32
          %get3A_1326 = arith.index_cast %get3A_1325 : i32 to index
          %get3A_1327 = arith.index_cast %add3A_1324 : i32 to index
          %get3A_1328 = tpu.vector_load %arg11[%get3A_1326, %get3A_1327] {strides = array<i32>} : memref<16x5136xf32, #tpu.memory_space<vmem>>, vector<16xf32>,
          %slice3A_1329 = vector.extract_strided_slice %get3A_1328 {offsets = [0], sizes = [1], strides = [1]} : vector<16xf32> to vector<1xf32>
          %squeeze3A_1330 = vector.extract %slice3A_1329[0] : f32 from vector<1xf32>
          %mul3A_1331 = vector.broadcast %squeeze3A_1330 : f32 to vector<16xf32>
          %mul3A_1332 = arith.mulf %mul3A_1331, %get3A_1219 : vector<16xf32>
          %add3A_1333 = arith.addf %add3A_1095, %mul3A_1332 : vector<16xf32>
          %mul3A_1334 = vector.broadcast %squeeze3A_1330 : f32 to vector<16xf32>
          %mul3A_1335 = arith.mulf %mul3A_1334, %get3A_1224 : vector<16xf32>
          %add3A_1336 = arith.addf %add3A_1098, %mul3A_1335 : vector<16xf32>
          %add3A_1337 = arith.constant 80 : i32
          %add3A_1338 = arith.addi %add3A_498, %add3A_1337 : i32
          %get3A_1339 = arith.constant 3 : i32
          %get3A_1340 = arith.index_cast %get3A_1339 : i32 to index
          %get3A_1341 = arith.index_cast %add3A_1338 : i32 to index
          %get3A_1342 = tpu.vector_load %arg11[%get3A_1340, %get3A_1341] {strides = array<i32>} : memref<16x5136xf32, #tpu.memory_space<vmem>>, vector<16xf32>,
          %slice3A_1343 = vector.extract_strided_slice %get3A_1342 {offsets = [0], sizes = [1], strides = [1]} : vector<16xf32> to vector<1xf32>
          %squeeze3A_1344 = vector.extract %slice3A_1343[0] : f32 from vector<1xf32>
          %mul3A_1345 = vector.broadcast %squeeze3A_1344 : f32 to vector<16xf32>
          %mul3A_1346 = arith.mulf %mul3A_1345, %get3A_1219 : vector<16xf32>
          %add3A_1347 = arith.addf %add3A_1109, %mul3A_1346 : vector<16xf32>
          %mul3A_1348 = vector.broadcast %squeeze3A_1344 : f32 to vector<16xf32>
          %mul3A_1349 = arith.mulf %mul3A_1348, %get3A_1224 : vector<16xf32>
          %add3A_1350 = arith.addf %add3A_1112, %mul3A_1349 : vector<16xf32>
          %add3A_1351 = arith.constant 90 : i32
          %add3A_1352 = arith.addi %add3A_498, %add3A_1351 : i32
          %get3A_1353 = arith.constant 3 : i32
          %get3A_1354 = arith.index_cast %get3A_1353 : i32 to index
          %get3A_1355 = arith.index_cast %add3A_1352 : i32 to index
          %get3A_1356 = tpu.vector_load %arg11[%get3A_1354, %get3A_1355] {strides = array<i32>} : memref<16x5136xf32, #tpu.memory_space<vmem>>, vector<16xf32>,
          %slice3A_1357 = vector.extract_strided_slice %get3A_1356 {offsets = [0], sizes = [1], strides = [1]} : vector<16xf32> to vector<1xf32>
          %squeeze3A_1358 = vector.extract %slice3A_1357[0] : f32 from vector<1xf32>
          %mul3A_1359 = vector.broadcast %squeeze3A_1358 : f32 to vector<16xf32>
          %mul3A_1360 = arith.mulf %mul3A_1359, %get3A_1219 : vector<16xf32>
          %add3A_1361 = arith.addf %add3A_1123, %mul3A_1360 : vector<16xf32>
          %mul3A_1362 = vector.broadcast %squeeze3A_1358 : f32 to vector<16xf32>
          %mul3A_1363 = arith.mulf %mul3A_1362, %get3A_1224 : vector<16xf32>
          %add3A_1364 = arith.addf %add3A_1126, %mul3A_1363 : vector<16xf32>
          %add3A_1365 = arith.constant 100 : i32
          %add3A_1366 = arith.addi %add3A_498, %add3A_1365 : i32
          %get3A_1367 = arith.constant 3 : i32
          %get3A_1368 = arith.index_cast %get3A_1367 : i32 to index
          %get3A_1369 = arith.index_cast %add3A_1366 : i32 to index
          %get3A_1370 = tpu.vector_load %arg11[%get3A_1368, %get3A_1369] {strides = array<i32>} : memref<16x5136xf32, #tpu.memory_space<vmem>>, vector<16xf32>,
          %slice3A_1371 = vector.extract_strided_slice %get3A_1370 {offsets = [0], sizes = [1], strides = [1]} : vector<16xf32> to vector<1xf32>
          %squeeze3A_1372 = vector.extract %slice3A_1371[0] : f32 from vector<1xf32>
          %mul3A_1373 = vector.broadcast %squeeze3A_1372 : f32 to vector<16xf32>
          %mul3A_1374 = arith.mulf %mul3A_1373, %get3A_1219 : vector<16xf32>
          %add3A_1375 = arith.addf %add3A_1137, %mul3A_1374 : vector<16xf32>
          %mul3A_1376 = vector.broadcast %squeeze3A_1372 : f32 to vector<16xf32>
          %mul3A_1377 = arith.mulf %mul3A_1376, %get3A_1224 : vector<16xf32>
          %add3A_1378 = arith.addf %add3A_1140, %mul3A_1377 : vector<16xf32>
          %add3A_1379 = arith.constant 110 : i32
          %add3A_1380 = arith.addi %add3A_498, %add3A_1379 : i32
          %get3A_1381 = arith.constant 3 : i32
          %get3A_1382 = arith.index_cast %get3A_1381 : i32 to index
          %get3A_1383 = arith.index_cast %add3A_1380 : i32 to index
          %get3A_1384 = tpu.vector_load %arg11[%get3A_1382, %get3A_1383] {strides = array<i32>} : memref<16x5136xf32, #tpu.memory_space<vmem>>, vector<16xf32>,
          %slice3A_1385 = vector.extract_strided_slice %get3A_1384 {offsets = [0], sizes = [1], strides = [1]} : vector<16xf32> to vector<1xf32>
          %squeeze3A_1386 = vector.extract %slice3A_1385[0] : f32 from vector<1xf32>
          %mul3A_1387 = vector.broadcast %squeeze3A_1386 : f32 to vector<16xf32>
          %mul3A_1388 = arith.mulf %mul3A_1387, %get3A_1219 : vector<16xf32>
          %add3A_1389 = arith.addf %add3A_1151, %mul3A_1388 : vector<16xf32>
          %mul3A_1390 = vector.broadcast %squeeze3A_1386 : f32 to vector<16xf32>
          %mul3A_1391 = arith.mulf %mul3A_1390, %get3A_1224 : vector<16xf32>
          %add3A_1392 = arith.addf %add3A_1154, %mul3A_1391 : vector<16xf32>
          %add3A_1393 = arith.constant 120 : i32
          %add3A_1394 = arith.addi %add3A_498, %add3A_1393 : i32
          %get3A_1395 = arith.constant 3 : i32
          %get3A_1396 = arith.index_cast %get3A_1395 : i32 to index
          %get3A_1397 = arith.index_cast %add3A_1394 : i32 to index
          %get3A_1398 = tpu.vector_load %arg11[%get3A_1396, %get3A_1397] {strides = array<i32>} : memref<16x5136xf32, #tpu.memory_space<vmem>>, vector<16xf32>,
          %slice3A_1399 = vector.extract_strided_slice %get3A_1398 {offsets = [0], sizes = [1], strides = [1]} : vector<16xf32> to vector<1xf32>
          %squeeze3A_1400 = vector.extract %slice3A_1399[0] : f32 from vector<1xf32>
          %mul3A_1401 = vector.broadcast %squeeze3A_1400 : f32 to vector<16xf32>
          %mul3A_1402 = arith.mulf %mul3A_1401, %get3A_1219 : vector<16xf32>
          %add3A_1403 = arith.addf %add3A_1165, %mul3A_1402 : vector<16xf32>
          %mul3A_1404 = vector.broadcast %squeeze3A_1400 : f32 to vector<16xf32>
          %mul3A_1405 = arith.mulf %mul3A_1404, %get3A_1224 : vector<16xf32>
          %add3A_1406 = arith.addf %add3A_1168, %mul3A_1405 : vector<16xf32>
          %add3A_1407 = arith.constant 130 : i32
          %add3A_1408 = arith.addi %add3A_498, %add3A_1407 : i32
          %get3A_1409 = arith.constant 3 : i32
          %get3A_1410 = arith.index_cast %get3A_1409 : i32 to index
          %get3A_1411 = arith.index_cast %add3A_1408 : i32 to index
          %get3A_1412 = tpu.vector_load %arg11[%get3A_1410, %get3A_1411] {strides = array<i32>} : memref<16x5136xf32, #tpu.memory_space<vmem>>, vector<16xf32>,
          %slice3A_1413 = vector.extract_strided_slice %get3A_1412 {offsets = [0], sizes = [1], strides = [1]} : vector<16xf32> to vector<1xf32>
          %squeeze3A_1414 = vector.extract %slice3A_1413[0] : f32 from vector<1xf32>
          %mul3A_1415 = vector.broadcast %squeeze3A_1414 : f32 to vector<16xf32>
          %mul3A_1416 = arith.mulf %mul3A_1415, %get3A_1219 : vector<16xf32>
          %add3A_1417 = arith.addf %add3A_1179, %mul3A_1416 : vector<16xf32>
          %mul3A_1418 = vector.broadcast %squeeze3A_1414 : f32 to vector<16xf32>
          %mul3A_1419 = arith.mulf %mul3A_1418, %get3A_1224 : vector<16xf32>
          %add3A_1420 = arith.addf %add3A_1182, %mul3A_1419 : vector<16xf32>
          %add3A_1421 = arith.constant 140 : i32
          %add3A_1422 = arith.addi %add3A_498, %add3A_1421 : i32
          %get3A_1423 = arith.constant 3 : i32
          %get3A_1424 = arith.index_cast %get3A_1423 : i32 to index
          %get3A_1425 = arith.index_cast %add3A_1422 : i32 to index
          %get3A_1426 = tpu.vector_load %arg11[%get3A_1424, %get3A_1425] {strides = array<i32>} : memref<16x5136xf32, #tpu.memory_space<vmem>>, vector<16xf32>,
          %slice3A_1427 = vector.extract_strided_slice %get3A_1426 {offsets = [0], sizes = [1], strides = [1]} : vector<16xf32> to vector<1xf32>
          %squeeze3A_1428 = vector.extract %slice3A_1427[0] : f32 from vector<1xf32>
          %mul3A_1429 = vector.broadcast %squeeze3A_1428 : f32 to vector<16xf32>
          %mul3A_1430 = arith.mulf %mul3A_1429, %get3A_1219 : vector<16xf32>
          %add3A_1431 = arith.addf %add3A_1193, %mul3A_1430 : vector<16xf32>
          %mul3A_1432 = vector.broadcast %squeeze3A_1428 : f32 to vector<16xf32>
          %mul3A_1433 = arith.mulf %mul3A_1432, %get3A_1224 : vector<16xf32>
          %add3A_1434 = arith.addf %add3A_1196, %mul3A_1433 : vector<16xf32>
          %add3A_1435 = arith.constant 150 : i32
          %add3A_1436 = arith.addi %add3A_498, %add3A_1435 : i32
          %get3A_1437 = arith.constant 3 : i32
          %get3A_1438 = arith.index_cast %get3A_1437 : i32 to index
          %get3A_1439 = arith.index_cast %add3A_1436 : i32 to index
          %get3A_1440 = tpu.vector_load %arg11[%get3A_1438, %get3A_1439] {strides = array<i32>} : memref<16x5136xf32, #tpu.memory_space<vmem>>, vector<16xf32>,
          %slice3A_1441 = vector.extract_strided_slice %get3A_1440 {offsets = [0], sizes = [1], strides = [1]} : vector<16xf32> to vector<1xf32>
          %squeeze3A_1442 = vector.extract %slice3A_1441[0] : f32 from vector<1xf32>
          %mul3A_1443 = vector.broadcast %squeeze3A_1442 : f32 to vector<16xf32>
          %mul3A_1444 = arith.mulf %mul3A_1443, %get3A_1219 : vector<16xf32>
          %add3A_1445 = arith.addf %add3A_1207, %mul3A_1444 : vector<16xf32>
          %mul3A_1446 = vector.broadcast %squeeze3A_1442 : f32 to vector<16xf32>
          %mul3A_1447 = arith.mulf %mul3A_1446, %get3A_1224 : vector<16xf32>
          %add3A_1448 = arith.addf %add3A_1210, %mul3A_1447 : vector<16xf32>
          %mul3A_1449 = arith.constant 16 : i32
          %mul3A_1450 = arith.muli %scan3A_463, %mul3A_1449 : i32
          %add3A_1451 = arith.constant 4 : i32
          %add3A_1452 = arith.addi %mul3A_1450, %add3A_1451 : i32
          %mul3A_1453 = arith.constant 2 : i32
          %mul3A_1454 = arith.muli %mul3A_1453, %add3A_1452 : i32
          %get3A_1455 = arith.index_cast %mul3A_1454 : i32 to index
          %get3A_1456 = arith.constant 0 : index
          %get3A_1457 = tpu.vector_load %arg12[%get3A_1455, %get3A_1456] {strides = array<i32>} : memref<320x16xf32, #tpu.memory_space<vmem>>, vector<16xf32>,
          %add3A_1458 = arith.constant 1 : i32
          %add3A_1459 = arith.addi %mul3A_1454, %add3A_1458 : i32
          %get3A_1460 = arith.index_cast %add3A_1459 : i32 to index
          %get3A_1461 = arith.constant 0 : index
          %get3A_1462 = tpu.vector_load %arg12[%get3A_1460, %get3A_1461] {strides = array<i32>} : memref<320x16xf32, #tpu.memory_space<vmem>>, vector<16xf32>,
          %add3A_1463 = arith.constant 0 : i32
          %add3A_1464 = arith.addi %add3A_498, %add3A_1463 : i32
          %get3A_1465 = arith.constant 4 : i32
          %get3A_1466 = arith.index_cast %get3A_1465 : i32 to index
          %get3A_1467 = arith.index_cast %add3A_1464 : i32 to index
          %get3A_1468 = tpu.vector_load %arg11[%get3A_1466, %get3A_1467] {strides = array<i32>} : memref<16x5136xf32, #tpu.memory_space<vmem>>, vector<16xf32>,
          %slice3A_1469 = vector.extract_strided_slice %get3A_1468 {offsets = [0], sizes = [1], strides = [1]} : vector<16xf32> to vector<1xf32>
          %squeeze3A_1470 = vector.extract %slice3A_1469[0] : f32 from vector<1xf32>
          %mul3A_1471 = vector.broadcast %squeeze3A_1470 : f32 to vector<16xf32>
          %mul3A_1472 = arith.mulf %mul3A_1471, %get3A_1457 : vector<16xf32>
          %add3A_1473 = arith.addf %add3A_1235, %mul3A_1472 : vector<16xf32>
          %mul3A_1474 = vector.broadcast %squeeze3A_1470 : f32 to vector<16xf32>
          %mul3A_1475 = arith.mulf %mul3A_1474, %get3A_1462 : vector<16xf32>
          %add3A_1476 = arith.addf %add3A_1238, %mul3A_1475 : vector<16xf32>
          %add3A_1477 = arith.constant 10 : i32
          %add3A_1478 = arith.addi %add3A_498, %add3A_1477 : i32
          %get3A_1479 = arith.constant 4 : i32
          %get3A_1480 = arith.index_cast %get3A_1479 : i32 to index
          %get3A_1481 = arith.index_cast %add3A_1478 : i32 to index
          %get3A_1482 = tpu.vector_load %arg11[%get3A_1480, %get3A_1481] {strides = array<i32>} : memref<16x5136xf32, #tpu.memory_space<vmem>>, vector<16xf32>,
          %slice3A_1483 = vector.extract_strided_slice %get3A_1482 {offsets = [0], sizes = [1], strides = [1]} : vector<16xf32> to vector<1xf32>
          %squeeze3A_1484 = vector.extract %slice3A_1483[0] : f32 from vector<1xf32>
          %mul3A_1485 = vector.broadcast %squeeze3A_1484 : f32 to vector<16xf32>
          %mul3A_1486 = arith.mulf %mul3A_1485, %get3A_1457 : vector<16xf32>
          %add3A_1487 = arith.addf %add3A_1249, %mul3A_1486 : vector<16xf32>
          %mul3A_1488 = vector.broadcast %squeeze3A_1484 : f32 to vector<16xf32>
          %mul3A_1489 = arith.mulf %mul3A_1488, %get3A_1462 : vector<16xf32>
          %add3A_1490 = arith.addf %add3A_1252, %mul3A_1489 : vector<16xf32>
          %add3A_1491 = arith.constant 20 : i32
          %add3A_1492 = arith.addi %add3A_498, %add3A_1491 : i32
          %get3A_1493 = arith.constant 4 : i32
          %get3A_1494 = arith.index_cast %get3A_1493 : i32 to index
          %get3A_1495 = arith.index_cast %add3A_1492 : i32 to index
          %get3A_1496 = tpu.vector_load %arg11[%get3A_1494, %get3A_1495] {strides = array<i32>} : memref<16x5136xf32, #tpu.memory_space<vmem>>, vector<16xf32>,
          %slice3A_1497 = vector.extract_strided_slice %get3A_1496 {offsets = [0], sizes = [1], strides = [1]} : vector<16xf32> to vector<1xf32>
          %squeeze3A_1498 = vector.extract %slice3A_1497[0] : f32 from vector<1xf32>
          %mul3A_1499 = vector.broadcast %squeeze3A_1498 : f32 to vector<16xf32>
          %mul3A_1500 = arith.mulf %mul3A_1499, %get3A_1457 : vector<16xf32>
          %add3A_1501 = arith.addf %add3A_1263, %mul3A_1500 : vector<16xf32>
          %mul3A_1502 = vector.broadcast %squeeze3A_1498 : f32 to vector<16xf32>
          %mul3A_1503 = arith.mulf %mul3A_1502, %get3A_1462 : vector<16xf32>
          %add3A_1504 = arith.addf %add3A_1266, %mul3A_1503 : vector<16xf32>
          %add3A_1505 = arith.constant 30 : i32
          %add3A_1506 = arith.addi %add3A_498, %add3A_1505 : i32
          %get3A_1507 = arith.constant 4 : i32
          %get3A_1508 = arith.index_cast %get3A_1507 : i32 to index
          %get3A_1509 = arith.index_cast %add3A_1506 : i32 to index
          %get3A_1510 = tpu.vector_load %arg11[%get3A_1508, %get3A_1509] {strides = array<i32>} : memref<16x5136xf32, #tpu.memory_space<vmem>>, vector<16xf32>,
          %slice3A_1511 = vector.extract_strided_slice %get3A_1510 {offsets = [0], sizes = [1], strides = [1]} : vector<16xf32> to vector<1xf32>
          %squeeze3A_1512 = vector.extract %slice3A_1511[0] : f32 from vector<1xf32>
          %mul3A_1513 = vector.broadcast %squeeze3A_1512 : f32 to vector<16xf32>
          %mul3A_1514 = arith.mulf %mul3A_1513, %get3A_1457 : vector<16xf32>
          %add3A_1515 = arith.addf %add3A_1277, %mul3A_1514 : vector<16xf32>
          %mul3A_1516 = vector.broadcast %squeeze3A_1512 : f32 to vector<16xf32>
          %mul3A_1517 = arith.mulf %mul3A_1516, %get3A_1462 : vector<16xf32>
          %add3A_1518 = arith.addf %add3A_1280, %mul3A_1517 : vector<16xf32>
          %add3A_1519 = arith.constant 40 : i32
          %add3A_1520 = arith.addi %add3A_498, %add3A_1519 : i32
          %get3A_1521 = arith.constant 4 : i32
          %get3A_1522 = arith.index_cast %get3A_1521 : i32 to index
          %get3A_1523 = arith.index_cast %add3A_1520 : i32 to index
          %get3A_1524 = tpu.vector_load %arg11[%get3A_1522, %get3A_1523] {strides = array<i32>} : memref<16x5136xf32, #tpu.memory_space<vmem>>, vector<16xf32>,
          %slice3A_1525 = vector.extract_strided_slice %get3A_1524 {offsets = [0], sizes = [1], strides = [1]} : vector<16xf32> to vector<1xf32>
          %squeeze3A_1526 = vector.extract %slice3A_1525[0] : f32 from vector<1xf32>
          %mul3A_1527 = vector.broadcast %squeeze3A_1526 : f32 to vector<16xf32>
          %mul3A_1528 = arith.mulf %mul3A_1527, %get3A_1457 : vector<16xf32>
          %add3A_1529 = arith.addf %add3A_1291, %mul3A_1528 : vector<16xf32>
          %mul3A_1530 = vector.broadcast %squeeze3A_1526 : f32 to vector<16xf32>
          %mul3A_1531 = arith.mulf %mul3A_1530, %get3A_1462 : vector<16xf32>
          %add3A_1532 = arith.addf %add3A_1294, %mul3A_1531 : vector<16xf32>
          %add3A_1533 = arith.constant 50 : i32
          %add3A_1534 = arith.addi %add3A_498, %add3A_1533 : i32
          %get3A_1535 = arith.constant 4 : i32
          %get3A_1536 = arith.index_cast %get3A_1535 : i32 to index
          %get3A_1537 = arith.index_cast %add3A_1534 : i32 to index
          %get3A_1538 = tpu.vector_load %arg11[%get3A_1536, %get3A_1537] {strides = array<i32>} : memref<16x5136xf32, #tpu.memory_space<vmem>>, vector<16xf32>,
          %slice3A_1539 = vector.extract_strided_slice %get3A_1538 {offsets = [0], sizes = [1], strides = [1]} : vector<16xf32> to vector<1xf32>
          %squeeze3A_1540 = vector.extract %slice3A_1539[0] : f32 from vector<1xf32>
          %mul3A_1541 = vector.broadcast %squeeze3A_1540 : f32 to vector<16xf32>
          %mul3A_1542 = arith.mulf %mul3A_1541, %get3A_1457 : vector<16xf32>
          %add3A_1543 = arith.addf %add3A_1305, %mul3A_1542 : vector<16xf32>
          %mul3A_1544 = vector.broadcast %squeeze3A_1540 : f32 to vector<16xf32>
          %mul3A_1545 = arith.mulf %mul3A_1544, %get3A_1462 : vector<16xf32>
          %add3A_1546 = arith.addf %add3A_1308, %mul3A_1545 : vector<16xf32>
          %add3A_1547 = arith.constant 60 : i32
          %add3A_1548 = arith.addi %add3A_498, %add3A_1547 : i32
          %get3A_1549 = arith.constant 4 : i32
          %get3A_1550 = arith.index_cast %get3A_1549 : i32 to index
          %get3A_1551 = arith.index_cast %add3A_1548 : i32 to index
          %get3A_1552 = tpu.vector_load %arg11[%get3A_1550, %get3A_1551] {strides = array<i32>} : memref<16x5136xf32, #tpu.memory_space<vmem>>, vector<16xf32>,
          %slice3A_1553 = vector.extract_strided_slice %get3A_1552 {offsets = [0], sizes = [1], strides = [1]} : vector<16xf32> to vector<1xf32>
          %squeeze3A_1554 = vector.extract %slice3A_1553[0] : f32 from vector<1xf32>
          %mul3A_1555 = vector.broadcast %squeeze3A_1554 : f32 to vector<16xf32>
          %mul3A_1556 = arith.mulf %mul3A_1555, %get3A_1457 : vector<16xf32>
          %add3A_1557 = arith.addf %add3A_1319, %mul3A_1556 : vector<16xf32>
          %mul3A_1558 = vector.broadcast %squeeze3A_1554 : f32 to vector<16xf32>
          %mul3A_1559 = arith.mulf %mul3A_1558, %get3A_1462 : vector<16xf32>
          %add3A_1560 = arith.addf %add3A_1322, %mul3A_1559 : vector<16xf32>
          %add3A_1561 = arith.constant 70 : i32
          %add3A_1562 = arith.addi %add3A_498, %add3A_1561 : i32
          %get3A_1563 = arith.constant 4 : i32
          %get3A_1564 = arith.index_cast %get3A_1563 : i32 to index
          %get3A_1565 = arith.index_cast %add3A_1562 : i32 to index
          %get3A_1566 = tpu.vector_load %arg11[%get3A_1564, %get3A_1565] {strides = array<i32>} : memref<16x5136xf32, #tpu.memory_space<vmem>>, vector<16xf32>,
          %slice3A_1567 = vector.extract_strided_slice %get3A_1566 {offsets = [0], sizes = [1], strides = [1]} : vector<16xf32> to vector<1xf32>
          %squeeze3A_1568 = vector.extract %slice3A_1567[0] : f32 from vector<1xf32>
          %mul3A_1569 = vector.broadcast %squeeze3A_1568 : f32 to vector<16xf32>
          %mul3A_1570 = arith.mulf %mul3A_1569, %get3A_1457 : vector<16xf32>
          %add3A_1571 = arith.addf %add3A_1333, %mul3A_1570 : vector<16xf32>
          %mul3A_1572 = vector.broadcast %squeeze3A_1568 : f32 to vector<16xf32>
          %mul3A_1573 = arith.mulf %mul3A_1572, %get3A_1462 : vector<16xf32>
          %add3A_1574 = arith.addf %add3A_1336, %mul3A_1573 : vector<16xf32>
          %add3A_1575 = arith.constant 80 : i32
          %add3A_1576 = arith.addi %add3A_498, %add3A_1575 : i32
          %get3A_1577 = arith.constant 4 : i32
          %get3A_1578 = arith.index_cast %get3A_1577 : i32 to index
          %get3A_1579 = arith.index_cast %add3A_1576 : i32 to index
          %get3A_1580 = tpu.vector_load %arg11[%get3A_1578, %get3A_1579] {strides = array<i32>} : memref<16x5136xf32, #tpu.memory_space<vmem>>, vector<16xf32>,
          %slice3A_1581 = vector.extract_strided_slice %get3A_1580 {offsets = [0], sizes = [1], strides = [1]} : vector<16xf32> to vector<1xf32>
          %squeeze3A_1582 = vector.extract %slice3A_1581[0] : f32 from vector<1xf32>
          %mul3A_1583 = vector.broadcast %squeeze3A_1582 : f32 to vector<16xf32>
          %mul3A_1584 = arith.mulf %mul3A_1583, %get3A_1457 : vector<16xf32>
          %add3A_1585 = arith.addf %add3A_1347, %mul3A_1584 : vector<16xf32>
          %mul3A_1586 = vector.broadcast %squeeze3A_1582 : f32 to vector<16xf32>
          %mul3A_1587 = arith.mulf %mul3A_1586, %get3A_1462 : vector<16xf32>
          %add3A_1588 = arith.addf %add3A_1350, %mul3A_1587 : vector<16xf32>
          %add3A_1589 = arith.constant 90 : i32
          %add3A_1590 = arith.addi %add3A_498, %add3A_1589 : i32
          %get3A_1591 = arith.constant 4 : i32
          %get3A_1592 = arith.index_cast %get3A_1591 : i32 to index
          %get3A_1593 = arith.index_cast %add3A_1590 : i32 to index
          %get3A_1594 = tpu.vector_load %arg11[%get3A_1592, %get3A_1593] {strides = array<i32>} : memref<16x5136xf32, #tpu.memory_space<vmem>>, vector<16xf32>,
          %slice3A_1595 = vector.extract_strided_slice %get3A_1594 {offsets = [0], sizes = [1], strides = [1]} : vector<16xf32> to vector<1xf32>
          %squeeze3A_1596 = vector.extract %slice3A_1595[0] : f32 from vector<1xf32>
          %mul3A_1597 = vector.broadcast %squeeze3A_1596 : f32 to vector<16xf32>
          %mul3A_1598 = arith.mulf %mul3A_1597, %get3A_1457 : vector<16xf32>
          %add3A_1599 = arith.addf %add3A_1361, %mul3A_1598 : vector<16xf32>
          %mul3A_1600 = vector.broadcast %squeeze3A_1596 : f32 to vector<16xf32>
          %mul3A_1601 = arith.mulf %mul3A_1600, %get3A_1462 : vector<16xf32>
          %add3A_1602 = arith.addf %add3A_1364, %mul3A_1601 : vector<16xf32>
          %add3A_1603 = arith.constant 100 : i32
          %add3A_1604 = arith.addi %add3A_498, %add3A_1603 : i32
          %get3A_1605 = arith.constant 4 : i32
          %get3A_1606 = arith.index_cast %get3A_1605 : i32 to index
          %get3A_1607 = arith.index_cast %add3A_1604 : i32 to index
          %get3A_1608 = tpu.vector_load %arg11[%get3A_1606, %get3A_1607] {strides = array<i32>} : memref<16x5136xf32, #tpu.memory_space<vmem>>, vector<16xf32>,
          %slice3A_1609 = vector.extract_strided_slice %get3A_1608 {offsets = [0], sizes = [1], strides = [1]} : vector<16xf32> to vector<1xf32>
          %squeeze3A_1610 = vector.extract %slice3A_1609[0] : f32 from vector<1xf32>
          %mul3A_1611 = vector.broadcast %squeeze3A_1610 : f32 to vector<16xf32>
          %mul3A_1612 = arith.mulf %mul3A_1611, %get3A_1457 : vector<16xf32>
          %add3A_1613 = arith.addf %add3A_1375, %mul3A_1612 : vector<16xf32>
          %mul3A_1614 = vector.broadcast %squeeze3A_1610 : f32 to vector<16xf32>
          %mul3A_1615 = arith.mulf %mul3A_1614, %get3A_1462 : vector<16xf32>
          %add3A_1616 = arith.addf %add3A_1378, %mul3A_1615 : vector<16xf32>
          %add3A_1617 = arith.constant 110 : i32
          %add3A_1618 = arith.addi %add3A_498, %add3A_1617 : i32
          %get3A_1619 = arith.constant 4 : i32
          %get3A_1620 = arith.index_cast %get3A_1619 : i32 to index
          %get3A_1621 = arith.index_cast %add3A_1618 : i32 to index
          %get3A_1622 = tpu.vector_load %arg11[%get3A_1620, %get3A_1621] {strides = array<i32>} : memref<16x5136xf32, #tpu.memory_space<vmem>>, vector<16xf32>,
          %slice3A_1623 = vector.extract_strided_slice %get3A_1622 {offsets = [0], sizes = [1], strides = [1]} : vector<16xf32> to vector<1xf32>
          %squeeze3A_1624 = vector.extract %slice3A_1623[0] : f32 from vector<1xf32>
          %mul3A_1625 = vector.broadcast %squeeze3A_1624 : f32 to vector<16xf32>
          %mul3A_1626 = arith.mulf %mul3A_1625, %get3A_1457 : vector<16xf32>
          %add3A_1627 = arith.addf %add3A_1389, %mul3A_1626 : vector<16xf32>
          %mul3A_1628 = vector.broadcast %squeeze3A_1624 : f32 to vector<16xf32>
          %mul3A_1629 = arith.mulf %mul3A_1628, %get3A_1462 : vector<16xf32>
          %add3A_1630 = arith.addf %add3A_1392, %mul3A_1629 : vector<16xf32>
          %add3A_1631 = arith.constant 120 : i32
          %add3A_1632 = arith.addi %add3A_498, %add3A_1631 : i32
          %get3A_1633 = arith.constant 4 : i32
          %get3A_1634 = arith.index_cast %get3A_1633 : i32 to index
          %get3A_1635 = arith.index_cast %add3A_1632 : i32 to index
          %get3A_1636 = tpu.vector_load %arg11[%get3A_1634, %get3A_1635] {strides = array<i32>} : memref<16x5136xf32, #tpu.memory_space<vmem>>, vector<16xf32>,
          %slice3A_1637 = vector.extract_strided_slice %get3A_1636 {offsets = [0], sizes = [1], strides = [1]} : vector<16xf32> to vector<1xf32>
          %squeeze3A_1638 = vector.extract %slice3A_1637[0] : f32 from vector<1xf32>
          %mul3A_1639 = vector.broadcast %squeeze3A_1638 : f32 to vector<16xf32>
          %mul3A_1640 = arith.mulf %mul3A_1639, %get3A_1457 : vector<16xf32>
          %add3A_1641 = arith.addf %add3A_1403, %mul3A_1640 : vector<16xf32>
          %mul3A_1642 = vector.broadcast %squeeze3A_1638 : f32 to vector<16xf32>
          %mul3A_1643 = arith.mulf %mul3A_1642, %get3A_1462 : vector<16xf32>
          %add3A_1644 = arith.addf %add3A_1406, %mul3A_1643 : vector<16xf32>
          %add3A_1645 = arith.constant 130 : i32
          %add3A_1646 = arith.addi %add3A_498, %add3A_1645 : i32
          %get3A_1647 = arith.constant 4 : i32
          %get3A_1648 = arith.index_cast %get3A_1647 : i32 to index
          %get3A_1649 = arith.index_cast %add3A_1646 : i32 to index
          %get3A_1650 = tpu.vector_load %arg11[%get3A_1648, %get3A_1649] {strides = array<i32>} : memref<16x5136xf32, #tpu.memory_space<vmem>>, vector<16xf32>,
          %slice3A_1651 = vector.extract_strided_slice %get3A_1650 {offsets = [0], sizes = [1], strides = [1]} : vector<16xf32> to vector<1xf32>
          %squeeze3A_1652 = vector.extract %slice3A_1651[0] : f32 from vector<1xf32>
          %mul3A_1653 = vector.broadcast %squeeze3A_1652 : f32 to vector<16xf32>
          %mul3A_1654 = arith.mulf %mul3A_1653, %get3A_1457 : vector<16xf32>
          %add3A_1655 = arith.addf %add3A_1417, %mul3A_1654 : vector<16xf32>
          %mul3A_1656 = vector.broadcast %squeeze3A_1652 : f32 to vector<16xf32>
          %mul3A_1657 = arith.mulf %mul3A_1656, %get3A_1462 : vector<16xf32>
          %add3A_1658 = arith.addf %add3A_1420, %mul3A_1657 : vector<16xf32>
          %add3A_1659 = arith.constant 140 : i32
          %add3A_1660 = arith.addi %add3A_498, %add3A_1659 : i32
          %get3A_1661 = arith.constant 4 : i32
          %get3A_1662 = arith.index_cast %get3A_1661 : i32 to index
          %get3A_1663 = arith.index_cast %add3A_1660 : i32 to index
          %get3A_1664 = tpu.vector_load %arg11[%get3A_1662, %get3A_1663] {strides = array<i32>} : memref<16x5136xf32, #tpu.memory_space<vmem>>, vector<16xf32>,
          %slice3A_1665 = vector.extract_strided_slice %get3A_1664 {offsets = [0], sizes = [1], strides = [1]} : vector<16xf32> to vector<1xf32>
          %squeeze3A_1666 = vector.extract %slice3A_1665[0] : f32 from vector<1xf32>
          %mul3A_1667 = vector.broadcast %squeeze3A_1666 : f32 to vector<16xf32>
          %mul3A_1668 = arith.mulf %mul3A_1667, %get3A_1457 : vector<16xf32>
          %add3A_1669 = arith.addf %add3A_1431, %mul3A_1668 : vector<16xf32>
          %mul3A_1670 = vector.broadcast %squeeze3A_1666 : f32 to vector<16xf32>
          %mul3A_1671 = arith.mulf %mul3A_1670, %get3A_1462 : vector<16xf32>
          %add3A_1672 = arith.addf %add3A_1434, %mul3A_1671 : vector<16xf32>
          %add3A_1673 = arith.constant 150 : i32
          %add3A_1674 = arith.addi %add3A_498, %add3A_1673 : i32
          %get3A_1675 = arith.constant 4 : i32
          %get3A_1676 = arith.index_cast %get3A_1675 : i32 to index
          %get3A_1677 = arith.index_cast %add3A_1674 : i32 to index
          %get3A_1678 = tpu.vector_load %arg11[%get3A_1676, %get3A_1677] {strides = array<i32>} : memref<16x5136xf32, #tpu.memory_space<vmem>>, vector<16xf32>,
          %slice3A_1679 = vector.extract_strided_slice %get3A_1678 {offsets = [0], sizes = [1], strides = [1]} : vector<16xf32> to vector<1xf32>
          %squeeze3A_1680 = vector.extract %slice3A_1679[0] : f32 from vector<1xf32>
          %mul3A_1681 = vector.broadcast %squeeze3A_1680 : f32 to vector<16xf32>
          %mul3A_1682 = arith.mulf %mul3A_1681, %get3A_1457 : vector<16xf32>
          %add3A_1683 = arith.addf %add3A_1445, %mul3A_1682 : vector<16xf32>
          %mul3A_1684 = vector.broadcast %squeeze3A_1680 : f32 to vector<16xf32>
          %mul3A_1685 = arith.mulf %mul3A_1684, %get3A_1462 : vector<16xf32>
          %add3A_1686 = arith.addf %add3A_1448, %mul3A_1685 : vector<16xf32>
          %mul3A_1687 = arith.constant 16 : i32
          %mul3A_1688 = arith.muli %scan3A_463, %mul3A_1687 : i32
          %add3A_1689 = arith.constant 5 : i32
          %add3A_1690 = arith.addi %mul3A_1688, %add3A_1689 : i32
          %mul3A_1691 = arith.constant 2 : i32
          %mul3A_1692 = arith.muli %mul3A_1691, %add3A_1690 : i32
          %get3A_1693 = arith.index_cast %mul3A_1692 : i32 to index
          %get3A_1694 = arith.constant 0 : index
          %get3A_1695 = tpu.vector_load %arg12[%get3A_1693, %get3A_1694] {strides = array<i32>} : memref<320x16xf32, #tpu.memory_space<vmem>>, vector<16xf32>,
          %add3A_1696 = arith.constant 1 : i32
          %add3A_1697 = arith.addi %mul3A_1692, %add3A_1696 : i32
          %get3A_1698 = arith.index_cast %add3A_1697 : i32 to index
          %get3A_1699 = arith.constant 0 : index
          %get3A_1700 = tpu.vector_load %arg12[%get3A_1698, %get3A_1699] {strides = array<i32>} : memref<320x16xf32, #tpu.memory_space<vmem>>, vector<16xf32>,
          %add3A_1701 = arith.constant 0 : i32
          %add3A_1702 = arith.addi %add3A_498, %add3A_1701 : i32
          %get3A_1703 = arith.constant 5 : i32
          %get3A_1704 = arith.index_cast %get3A_1703 : i32 to index
          %get3A_1705 = arith.index_cast %add3A_1702 : i32 to index
          %get3A_1706 = tpu.vector_load %arg11[%get3A_1704, %get3A_1705] {strides = array<i32>} : memref<16x5136xf32, #tpu.memory_space<vmem>>, vector<16xf32>,
          %slice3A_1707 = vector.extract_strided_slice %get3A_1706 {offsets = [0], sizes = [1], strides = [1]} : vector<16xf32> to vector<1xf32>
          %squeeze3A_1708 = vector.extract %slice3A_1707[0] : f32 from vector<1xf32>
          %mul3A_1709 = vector.broadcast %squeeze3A_1708 : f32 to vector<16xf32>
          %mul3A_1710 = arith.mulf %mul3A_1709, %get3A_1695 : vector<16xf32>
          %add3A_1711 = arith.addf %add3A_1473, %mul3A_1710 : vector<16xf32>
          %mul3A_1712 = vector.broadcast %squeeze3A_1708 : f32 to vector<16xf32>
          %mul3A_1713 = arith.mulf %mul3A_1712, %get3A_1700 : vector<16xf32>
          %add3A_1714 = arith.addf %add3A_1476, %mul3A_1713 : vector<16xf32>
          %add3A_1715 = arith.constant 10 : i32
          %add3A_1716 = arith.addi %add3A_498, %add3A_1715 : i32
          %get3A_1717 = arith.constant 5 : i32
          %get3A_1718 = arith.index_cast %get3A_1717 : i32 to index
          %get3A_1719 = arith.index_cast %add3A_1716 : i32 to index
          %get3A_1720 = tpu.vector_load %arg11[%get3A_1718, %get3A_1719] {strides = array<i32>} : memref<16x5136xf32, #tpu.memory_space<vmem>>, vector<16xf32>,
          %slice3A_1721 = vector.extract_strided_slice %get3A_1720 {offsets = [0], sizes = [1], strides = [1]} : vector<16xf32> to vector<1xf32>
          %squeeze3A_1722 = vector.extract %slice3A_1721[0] : f32 from vector<1xf32>
          %mul3A_1723 = vector.broadcast %squeeze3A_1722 : f32 to vector<16xf32>
          %mul3A_1724 = arith.mulf %mul3A_1723, %get3A_1695 : vector<16xf32>
          %add3A_1725 = arith.addf %add3A_1487, %mul3A_1724 : vector<16xf32>
          %mul3A_1726 = vector.broadcast %squeeze3A_1722 : f32 to vector<16xf32>
          %mul3A_1727 = arith.mulf %mul3A_1726, %get3A_1700 : vector<16xf32>
          %add3A_1728 = arith.addf %add3A_1490, %mul3A_1727 : vector<16xf32>
          %add3A_1729 = arith.constant 20 : i32
          %add3A_1730 = arith.addi %add3A_498, %add3A_1729 : i32
          %get3A_1731 = arith.constant 5 : i32
          %get3A_1732 = arith.index_cast %get3A_1731 : i32 to index
          %get3A_1733 = arith.index_cast %add3A_1730 : i32 to index
          %get3A_1734 = tpu.vector_load %arg11[%get3A_1732, %get3A_1733] {strides = array<i32>} : memref<16x5136xf32, #tpu.memory_space<vmem>>, vector<16xf32>,
          %slice3A_1735 = vector.extract_strided_slice %get3A_1734 {offsets = [0], sizes = [1], strides = [1]} : vector<16xf32> to vector<1xf32>
          %squeeze3A_1736 = vector.extract %slice3A_1735[0] : f32 from vector<1xf32>
          %mul3A_1737 = vector.broadcast %squeeze3A_1736 : f32 to vector<16xf32>
          %mul3A_1738 = arith.mulf %mul3A_1737, %get3A_1695 : vector<16xf32>
          %add3A_1739 = arith.addf %add3A_1501, %mul3A_1738 : vector<16xf32>
          %mul3A_1740 = vector.broadcast %squeeze3A_1736 : f32 to vector<16xf32>
          %mul3A_1741 = arith.mulf %mul3A_1740, %get3A_1700 : vector<16xf32>
          %add3A_1742 = arith.addf %add3A_1504, %mul3A_1741 : vector<16xf32>
          %add3A_1743 = arith.constant 30 : i32
          %add3A_1744 = arith.addi %add3A_498, %add3A_1743 : i32
          %get3A_1745 = arith.constant 5 : i32
          %get3A_1746 = arith.index_cast %get3A_1745 : i32 to index
          %get3A_1747 = arith.index_cast %add3A_1744 : i32 to index
          %get3A_1748 = tpu.vector_load %arg11[%get3A_1746, %get3A_1747] {strides = array<i32>} : memref<16x5136xf32, #tpu.memory_space<vmem>>, vector<16xf32>,
          %slice3A_1749 = vector.extract_strided_slice %get3A_1748 {offsets = [0], sizes = [1], strides = [1]} : vector<16xf32> to vector<1xf32>
          %squeeze3A_1750 = vector.extract %slice3A_1749[0] : f32 from vector<1xf32>
          %mul3A_1751 = vector.broadcast %squeeze3A_1750 : f32 to vector<16xf32>
          %mul3A_1752 = arith.mulf %mul3A_1751, %get3A_1695 : vector<16xf32>
          %add3A_1753 = arith.addf %add3A_1515, %mul3A_1752 : vector<16xf32>
          %mul3A_1754 = vector.broadcast %squeeze3A_1750 : f32 to vector<16xf32>
          %mul3A_1755 = arith.mulf %mul3A_1754, %get3A_1700 : vector<16xf32>
          %add3A_1756 = arith.addf %add3A_1518, %mul3A_1755 : vector<16xf32>
          %add3A_1757 = arith.constant 40 : i32
          %add3A_1758 = arith.addi %add3A_498, %add3A_1757 : i32
          %get3A_1759 = arith.constant 5 : i32
          %get3A_1760 = arith.index_cast %get3A_1759 : i32 to index
          %get3A_1761 = arith.index_cast %add3A_1758 : i32 to index
          %get3A_1762 = tpu.vector_load %arg11[%get3A_1760, %get3A_1761] {strides = array<i32>} : memref<16x5136xf32, #tpu.memory_space<vmem>>, vector<16xf32>,
          %slice3A_1763 = vector.extract_strided_slice %get3A_1762 {offsets = [0], sizes = [1], strides = [1]} : vector<16xf32> to vector<1xf32>
          %squeeze3A_1764 = vector.extract %slice3A_1763[0] : f32 from vector<1xf32>
          %mul3A_1765 = vector.broadcast %squeeze3A_1764 : f32 to vector<16xf32>
          %mul3A_1766 = arith.mulf %mul3A_1765, %get3A_1695 : vector<16xf32>
          %add3A_1767 = arith.addf %add3A_1529, %mul3A_1766 : vector<16xf32>
          %mul3A_1768 = vector.broadcast %squeeze3A_1764 : f32 to vector<16xf32>
          %mul3A_1769 = arith.mulf %mul3A_1768, %get3A_1700 : vector<16xf32>
          %add3A_1770 = arith.addf %add3A_1532, %mul3A_1769 : vector<16xf32>
          %add3A_1771 = arith.constant 50 : i32
          %add3A_1772 = arith.addi %add3A_498, %add3A_1771 : i32
          %get3A_1773 = arith.constant 5 : i32
          %get3A_1774 = arith.index_cast %get3A_1773 : i32 to index
          %get3A_1775 = arith.index_cast %add3A_1772 : i32 to index
          %get3A_1776 = tpu.vector_load %arg11[%get3A_1774, %get3A_1775] {strides = array<i32>} : memref<16x5136xf32, #tpu.memory_space<vmem>>, vector<16xf32>,
          %slice3A_1777 = vector.extract_strided_slice %get3A_1776 {offsets = [0], sizes = [1], strides = [1]} : vector<16xf32> to vector<1xf32>
          %squeeze3A_1778 = vector.extract %slice3A_1777[0] : f32 from vector<1xf32>
          %mul3A_1779 = vector.broadcast %squeeze3A_1778 : f32 to vector<16xf32>
          %mul3A_1780 = arith.mulf %mul3A_1779, %get3A_1695 : vector<16xf32>
          %add3A_1781 = arith.addf %add3A_1543, %mul3A_1780 : vector<16xf32>
          %mul3A_1782 = vector.broadcast %squeeze3A_1778 : f32 to vector<16xf32>
          %mul3A_1783 = arith.mulf %mul3A_1782, %get3A_1700 : vector<16xf32>
          %add3A_1784 = arith.addf %add3A_1546, %mul3A_1783 : vector<16xf32>
          %add3A_1785 = arith.constant 60 : i32
          %add3A_1786 = arith.addi %add3A_498, %add3A_1785 : i32
          %get3A_1787 = arith.constant 5 : i32
          %get3A_1788 = arith.index_cast %get3A_1787 : i32 to index
          %get3A_1789 = arith.index_cast %add3A_1786 : i32 to index
          %get3A_1790 = tpu.vector_load %arg11[%get3A_1788, %get3A_1789] {strides = array<i32>} : memref<16x5136xf32, #tpu.memory_space<vmem>>, vector<16xf32>,
          %slice3A_1791 = vector.extract_strided_slice %get3A_1790 {offsets = [0], sizes = [1], strides = [1]} : vector<16xf32> to vector<1xf32>
          %squeeze3A_1792 = vector.extract %slice3A_1791[0] : f32 from vector<1xf32>
          %mul3A_1793 = vector.broadcast %squeeze3A_1792 : f32 to vector<16xf32>
          %mul3A_1794 = arith.mulf %mul3A_1793, %get3A_1695 : vector<16xf32>
          %add3A_1795 = arith.addf %add3A_1557, %mul3A_1794 : vector<16xf32>
          %mul3A_1796 = vector.broadcast %squeeze3A_1792 : f32 to vector<16xf32>
          %mul3A_1797 = arith.mulf %mul3A_1796, %get3A_1700 : vector<16xf32>
          %add3A_1798 = arith.addf %add3A_1560, %mul3A_1797 : vector<16xf32>
          %add3A_1799 = arith.constant 70 : i32
          %add3A_1800 = arith.addi %add3A_498, %add3A_1799 : i32
          %get3A_1801 = arith.constant 5 : i32
          %get3A_1802 = arith.index_cast %get3A_1801 : i32 to index
          %get3A_1803 = arith.index_cast %add3A_1800 : i32 to index
          %get3A_1804 = tpu.vector_load %arg11[%get3A_1802, %get3A_1803] {strides = array<i32>} : memref<16x5136xf32, #tpu.memory_space<vmem>>, vector<16xf32>,
          %slice3A_1805 = vector.extract_strided_slice %get3A_1804 {offsets = [0], sizes = [1], strides = [1]} : vector<16xf32> to vector<1xf32>
          %squeeze3A_1806 = vector.extract %slice3A_1805[0] : f32 from vector<1xf32>
          %mul3A_1807 = vector.broadcast %squeeze3A_1806 : f32 to vector<16xf32>
          %mul3A_1808 = arith.mulf %mul3A_1807, %get3A_1695 : vector<16xf32>
          %add3A_1809 = arith.addf %add3A_1571, %mul3A_1808 : vector<16xf32>
          %mul3A_1810 = vector.broadcast %squeeze3A_1806 : f32 to vector<16xf32>
          %mul3A_1811 = arith.mulf %mul3A_1810, %get3A_1700 : vector<16xf32>
          %add3A_1812 = arith.addf %add3A_1574, %mul3A_1811 : vector<16xf32>
          %add3A_1813 = arith.constant 80 : i32
          %add3A_1814 = arith.addi %add3A_498, %add3A_1813 : i32
          %get3A_1815 = arith.constant 5 : i32
          %get3A_1816 = arith.index_cast %get3A_1815 : i32 to index
          %get3A_1817 = arith.index_cast %add3A_1814 : i32 to index
          %get3A_1818 = tpu.vector_load %arg11[%get3A_1816, %get3A_1817] {strides = array<i32>} : memref<16x5136xf32, #tpu.memory_space<vmem>>, vector<16xf32>,
          %slice3A_1819 = vector.extract_strided_slice %get3A_1818 {offsets = [0], sizes = [1], strides = [1]} : vector<16xf32> to vector<1xf32>
          %squeeze3A_1820 = vector.extract %slice3A_1819[0] : f32 from vector<1xf32>
          %mul3A_1821 = vector.broadcast %squeeze3A_1820 : f32 to vector<16xf32>
          %mul3A_1822 = arith.mulf %mul3A_1821, %get3A_1695 : vector<16xf32>
          %add3A_1823 = arith.addf %add3A_1585, %mul3A_1822 : vector<16xf32>
          %mul3A_1824 = vector.broadcast %squeeze3A_1820 : f32 to vector<16xf32>
          %mul3A_1825 = arith.mulf %mul3A_1824, %get3A_1700 : vector<16xf32>
          %add3A_1826 = arith.addf %add3A_1588, %mul3A_1825 : vector<16xf32>
          %add3A_1827 = arith.constant 90 : i32
          %add3A_1828 = arith.addi %add3A_498, %add3A_1827 : i32
          %get3A_1829 = arith.constant 5 : i32
          %get3A_1830 = arith.index_cast %get3A_1829 : i32 to index
          %get3A_1831 = arith.index_cast %add3A_1828 : i32 to index
          %get3A_1832 = tpu.vector_load %arg11[%get3A_1830, %get3A_1831] {strides = array<i32>} : memref<16x5136xf32, #tpu.memory_space<vmem>>, vector<16xf32>,
          %slice3A_1833 = vector.extract_strided_slice %get3A_1832 {offsets = [0], sizes = [1], strides = [1]} : vector<16xf32> to vector<1xf32>
          %squeeze3A_1834 = vector.extract %slice3A_1833[0] : f32 from vector<1xf32>
          %mul3A_1835 = vector.broadcast %squeeze3A_1834 : f32 to vector<16xf32>
          %mul3A_1836 = arith.mulf %mul3A_1835, %get3A_1695 : vector<16xf32>
          %add3A_1837 = arith.addf %add3A_1599, %mul3A_1836 : vector<16xf32>
          %mul3A_1838 = vector.broadcast %squeeze3A_1834 : f32 to vector<16xf32>
          %mul3A_1839 = arith.mulf %mul3A_1838, %get3A_1700 : vector<16xf32>
          %add3A_1840 = arith.addf %add3A_1602, %mul3A_1839 : vector<16xf32>
          %add3A_1841 = arith.constant 100 : i32
          %add3A_1842 = arith.addi %add3A_498, %add3A_1841 : i32
          %get3A_1843 = arith.constant 5 : i32
          %get3A_1844 = arith.index_cast %get3A_1843 : i32 to index
          %get3A_1845 = arith.index_cast %add3A_1842 : i32 to index
          %get3A_1846 = tpu.vector_load %arg11[%get3A_1844, %get3A_1845] {strides = array<i32>} : memref<16x5136xf32, #tpu.memory_space<vmem>>, vector<16xf32>,
          %slice3A_1847 = vector.extract_strided_slice %get3A_1846 {offsets = [0], sizes = [1], strides = [1]} : vector<16xf32> to vector<1xf32>
          %squeeze3A_1848 = vector.extract %slice3A_1847[0] : f32 from vector<1xf32>
          %mul3A_1849 = vector.broadcast %squeeze3A_1848 : f32 to vector<16xf32>
          %mul3A_1850 = arith.mulf %mul3A_1849, %get3A_1695 : vector<16xf32>
          %add3A_1851 = arith.addf %add3A_1613, %mul3A_1850 : vector<16xf32>
          %mul3A_1852 = vector.broadcast %squeeze3A_1848 : f32 to vector<16xf32>
          %mul3A_1853 = arith.mulf %mul3A_1852, %get3A_1700 : vector<16xf32>
          %add3A_1854 = arith.addf %add3A_1616, %mul3A_1853 : vector<16xf32>
          %add3A_1855 = arith.constant 110 : i32
          %add3A_1856 = arith.addi %add3A_498, %add3A_1855 : i32
          %get3A_1857 = arith.constant 5 : i32
          %get3A_1858 = arith.index_cast %get3A_1857 : i32 to index
          %get3A_1859 = arith.index_cast %add3A_1856 : i32 to index
          %get3A_1860 = tpu.vector_load %arg11[%get3A_1858, %get3A_1859] {strides = array<i32>} : memref<16x5136xf32, #tpu.memory_space<vmem>>, vector<16xf32>,
          %slice3A_1861 = vector.extract_strided_slice %get3A_1860 {offsets = [0], sizes = [1], strides = [1]} : vector<16xf32> to vector<1xf32>
          %squeeze3A_1862 = vector.extract %slice3A_1861[0] : f32 from vector<1xf32>
          %mul3A_1863 = vector.broadcast %squeeze3A_1862 : f32 to vector<16xf32>
          %mul3A_1864 = arith.mulf %mul3A_1863, %get3A_1695 : vector<16xf32>
          %add3A_1865 = arith.addf %add3A_1627, %mul3A_1864 : vector<16xf32>
          %mul3A_1866 = vector.broadcast %squeeze3A_1862 : f32 to vector<16xf32>
          %mul3A_1867 = arith.mulf %mul3A_1866, %get3A_1700 : vector<16xf32>
          %add3A_1868 = arith.addf %add3A_1630, %mul3A_1867 : vector<16xf32>
          %add3A_1869 = arith.constant 120 : i32
          %add3A_1870 = arith.addi %add3A_498, %add3A_1869 : i32
          %get3A_1871 = arith.constant 5 : i32
          %get3A_1872 = arith.index_cast %get3A_1871 : i32 to index
          %get3A_1873 = arith.index_cast %add3A_1870 : i32 to index
          %get3A_1874 = tpu.vector_load %arg11[%get3A_1872, %get3A_1873] {strides = array<i32>} : memref<16x5136xf32, #tpu.memory_space<vmem>>, vector<16xf32>,
          %slice3A_1875 = vector.extract_strided_slice %get3A_1874 {offsets = [0], sizes = [1], strides = [1]} : vector<16xf32> to vector<1xf32>
          %squeeze3A_1876 = vector.extract %slice3A_1875[0] : f32 from vector<1xf32>
          %mul3A_1877 = vector.broadcast %squeeze3A_1876 : f32 to vector<16xf32>
          %mul3A_1878 = arith.mulf %mul3A_1877, %get3A_1695 : vector<16xf32>
          %add3A_1879 = arith.addf %add3A_1641, %mul3A_1878 : vector<16xf32>
          %mul3A_1880 = vector.broadcast %squeeze3A_1876 : f32 to vector<16xf32>
          %mul3A_1881 = arith.mulf %mul3A_1880, %get3A_1700 : vector<16xf32>
          %add3A_1882 = arith.addf %add3A_1644, %mul3A_1881 : vector<16xf32>
          %add3A_1883 = arith.constant 130 : i32
          %add3A_1884 = arith.addi %add3A_498, %add3A_1883 : i32
          %get3A_1885 = arith.constant 5 : i32
          %get3A_1886 = arith.index_cast %get3A_1885 : i32 to index
          %get3A_1887 = arith.index_cast %add3A_1884 : i32 to index
          %get3A_1888 = tpu.vector_load %arg11[%get3A_1886, %get3A_1887] {strides = array<i32>} : memref<16x5136xf32, #tpu.memory_space<vmem>>, vector<16xf32>,
          %slice3A_1889 = vector.extract_strided_slice %get3A_1888 {offsets = [0], sizes = [1], strides = [1]} : vector<16xf32> to vector<1xf32>
          %squeeze3A_1890 = vector.extract %slice3A_1889[0] : f32 from vector<1xf32>
          %mul3A_1891 = vector.broadcast %squeeze3A_1890 : f32 to vector<16xf32>
          %mul3A_1892 = arith.mulf %mul3A_1891, %get3A_1695 : vector<16xf32>
          %add3A_1893 = arith.addf %add3A_1655, %mul3A_1892 : vector<16xf32>
          %mul3A_1894 = vector.broadcast %squeeze3A_1890 : f32 to vector<16xf32>
          %mul3A_1895 = arith.mulf %mul3A_1894, %get3A_1700 : vector<16xf32>
          %add3A_1896 = arith.addf %add3A_1658, %mul3A_1895 : vector<16xf32>
          %add3A_1897 = arith.constant 140 : i32
          %add3A_1898 = arith.addi %add3A_498, %add3A_1897 : i32
          %get3A_1899 = arith.constant 5 : i32
          %get3A_1900 = arith.index_cast %get3A_1899 : i32 to index
          %get3A_1901 = arith.index_cast %add3A_1898 : i32 to index
          %get3A_1902 = tpu.vector_load %arg11[%get3A_1900, %get3A_1901] {strides = array<i32>} : memref<16x5136xf32, #tpu.memory_space<vmem>>, vector<16xf32>,
          %slice3A_1903 = vector.extract_strided_slice %get3A_1902 {offsets = [0], sizes = [1], strides = [1]} : vector<16xf32> to vector<1xf32>
          %squeeze3A_1904 = vector.extract %slice3A_1903[0] : f32 from vector<1xf32>
          %mul3A_1905 = vector.broadcast %squeeze3A_1904 : f32 to vector<16xf32>
          %mul3A_1906 = arith.mulf %mul3A_1905, %get3A_1695 : vector<16xf32>
          %add3A_1907 = arith.addf %add3A_1669, %mul3A_1906 : vector<16xf32>
          %mul3A_1908 = vector.broadcast %squeeze3A_1904 : f32 to vector<16xf32>
          %mul3A_1909 = arith.mulf %mul3A_1908, %get3A_1700 : vector<16xf32>
          %add3A_1910 = arith.addf %add3A_1672, %mul3A_1909 : vector<16xf32>
          %add3A_1911 = arith.constant 150 : i32
          %add3A_1912 = arith.addi %add3A_498, %add3A_1911 : i32
          %get3A_1913 = arith.constant 5 : i32
          %get3A_1914 = arith.index_cast %get3A_1913 : i32 to index
          %get3A_1915 = arith.index_cast %add3A_1912 : i32 to index
          %get3A_1916 = tpu.vector_load %arg11[%get3A_1914, %get3A_1915] {strides = array<i32>} : memref<16x5136xf32, #tpu.memory_space<vmem>>, vector<16xf32>,
          %slice3A_1917 = vector.extract_strided_slice %get3A_1916 {offsets = [0], sizes = [1], strides = [1]} : vector<16xf32> to vector<1xf32>
          %squeeze3A_1918 = vector.extract %slice3A_1917[0] : f32 from vector<1xf32>
          %mul3A_1919 = vector.broadcast %squeeze3A_1918 : f32 to vector<16xf32>
          %mul3A_1920 = arith.mulf %mul3A_1919, %get3A_1695 : vector<16xf32>
          %add3A_1921 = arith.addf %add3A_1683, %mul3A_1920 : vector<16xf32>
          %mul3A_1922 = vector.broadcast %squeeze3A_1918 : f32 to vector<16xf32>
          %mul3A_1923 = arith.mulf %mul3A_1922, %get3A_1700 : vector<16xf32>
          %add3A_1924 = arith.addf %add3A_1686, %mul3A_1923 : vector<16xf32>
          %mul3A_1925 = arith.constant 16 : i32
          %mul3A_1926 = arith.muli %scan3A_463, %mul3A_1925 : i32
          %add3A_1927 = arith.constant 6 : i32
          %add3A_1928 = arith.addi %mul3A_1926, %add3A_1927 : i32
          %mul3A_1929 = arith.constant 2 : i32
          %mul3A_1930 = arith.muli %mul3A_1929, %add3A_1928 : i32
          %get3A_1931 = arith.index_cast %mul3A_1930 : i32 to index
          %get3A_1932 = arith.constant 0 : index
          %get3A_1933 = tpu.vector_load %arg12[%get3A_1931, %get3A_1932] {strides = array<i32>} : memref<320x16xf32, #tpu.memory_space<vmem>>, vector<16xf32>,
          %add3A_1934 = arith.constant 1 : i32
          %add3A_1935 = arith.addi %mul3A_1930, %add3A_1934 : i32
          %get3A_1936 = arith.index_cast %add3A_1935 : i32 to index
          %get3A_1937 = arith.constant 0 : index
          %get3A_1938 = tpu.vector_load %arg12[%get3A_1936, %get3A_1937] {strides = array<i32>} : memref<320x16xf32, #tpu.memory_space<vmem>>, vector<16xf32>,
          %add3A_1939 = arith.constant 0 : i32
          %add3A_1940 = arith.addi %add3A_498, %add3A_1939 : i32
          %get3A_1941 = arith.constant 6 : i32
          %get3A_1942 = arith.index_cast %get3A_1941 : i32 to index
          %get3A_1943 = arith.index_cast %add3A_1940 : i32 to index
          %get3A_1944 = tpu.vector_load %arg11[%get3A_1942, %get3A_1943] {strides = array<i32>} : memref<16x5136xf32, #tpu.memory_space<vmem>>, vector<16xf32>,
          %slice3A_1945 = vector.extract_strided_slice %get3A_1944 {offsets = [0], sizes = [1], strides = [1]} : vector<16xf32> to vector<1xf32>
          %squeeze3A_1946 = vector.extract %slice3A_1945[0] : f32 from vector<1xf32>
          %mul3A_1947 = vector.broadcast %squeeze3A_1946 : f32 to vector<16xf32>
          %mul3A_1948 = arith.mulf %mul3A_1947, %get3A_1933 : vector<16xf32>
          %add3A_1949 = arith.addf %add3A_1711, %mul3A_1948 : vector<16xf32>
          %mul3A_1950 = vector.broadcast %squeeze3A_1946 : f32 to vector<16xf32>
          %mul3A_1951 = arith.mulf %mul3A_1950, %get3A_1938 : vector<16xf32>
          %add3A_1952 = arith.addf %add3A_1714, %mul3A_1951 : vector<16xf32>
          %add3A_1953 = arith.constant 10 : i32
          %add3A_1954 = arith.addi %add3A_498, %add3A_1953 : i32
          %get3A_1955 = arith.constant 6 : i32
          %get3A_1956 = arith.index_cast %get3A_1955 : i32 to index
          %get3A_1957 = arith.index_cast %add3A_1954 : i32 to index
          %get3A_1958 = tpu.vector_load %arg11[%get3A_1956, %get3A_1957] {strides = array<i32>} : memref<16x5136xf32, #tpu.memory_space<vmem>>, vector<16xf32>,
          %slice3A_1959 = vector.extract_strided_slice %get3A_1958 {offsets = [0], sizes = [1], strides = [1]} : vector<16xf32> to vector<1xf32>
          %squeeze3A_1960 = vector.extract %slice3A_1959[0] : f32 from vector<1xf32>
          %mul3A_1961 = vector.broadcast %squeeze3A_1960 : f32 to vector<16xf32>
          %mul3A_1962 = arith.mulf %mul3A_1961, %get3A_1933 : vector<16xf32>
          %add3A_1963 = arith.addf %add3A_1725, %mul3A_1962 : vector<16xf32>
          %mul3A_1964 = vector.broadcast %squeeze3A_1960 : f32 to vector<16xf32>
          %mul3A_1965 = arith.mulf %mul3A_1964, %get3A_1938 : vector<16xf32>
          %add3A_1966 = arith.addf %add3A_1728, %mul3A_1965 : vector<16xf32>
          %add3A_1967 = arith.constant 20 : i32
          %add3A_1968 = arith.addi %add3A_498, %add3A_1967 : i32
          %get3A_1969 = arith.constant 6 : i32
          %get3A_1970 = arith.index_cast %get3A_1969 : i32 to index
          %get3A_1971 = arith.index_cast %add3A_1968 : i32 to index
          %get3A_1972 = tpu.vector_load %arg11[%get3A_1970, %get3A_1971] {strides = array<i32>} : memref<16x5136xf32, #tpu.memory_space<vmem>>, vector<16xf32>,
          %slice3A_1973 = vector.extract_strided_slice %get3A_1972 {offsets = [0], sizes = [1], strides = [1]} : vector<16xf32> to vector<1xf32>
          %squeeze3A_1974 = vector.extract %slice3A_1973[0] : f32 from vector<1xf32>
          %mul3A_1975 = vector.broadcast %squeeze3A_1974 : f32 to vector<16xf32>
          %mul3A_1976 = arith.mulf %mul3A_1975, %get3A_1933 : vector<16xf32>
          %add3A_1977 = arith.addf %add3A_1739, %mul3A_1976 : vector<16xf32>
          %mul3A_1978 = vector.broadcast %squeeze3A_1974 : f32 to vector<16xf32>
          %mul3A_1979 = arith.mulf %mul3A_1978, %get3A_1938 : vector<16xf32>
          %add3A_1980 = arith.addf %add3A_1742, %mul3A_1979 : vector<16xf32>
          %add3A_1981 = arith.constant 30 : i32
          %add3A_1982 = arith.addi %add3A_498, %add3A_1981 : i32
          %get3A_1983 = arith.constant 6 : i32
          %get3A_1984 = arith.index_cast %get3A_1983 : i32 to index
          %get3A_1985 = arith.index_cast %add3A_1982 : i32 to index
          %get3A_1986 = tpu.vector_load %arg11[%get3A_1984, %get3A_1985] {strides = array<i32>} : memref<16x5136xf32, #tpu.memory_space<vmem>>, vector<16xf32>,
          %slice3A_1987 = vector.extract_strided_slice %get3A_1986 {offsets = [0], sizes = [1], strides = [1]} : vector<16xf32> to vector<1xf32>
          %squeeze3A_1988 = vector.extract %slice3A_1987[0] : f32 from vector<1xf32>
          %mul3A_1989 = vector.broadcast %squeeze3A_1988 : f32 to vector<16xf32>
          %mul3A_1990 = arith.mulf %mul3A_1989, %get3A_1933 : vector<16xf32>
          %add3A_1991 = arith.addf %add3A_1753, %mul3A_1990 : vector<16xf32>
          %mul3A_1992 = vector.broadcast %squeeze3A_1988 : f32 to vector<16xf32>
          %mul3A_1993 = arith.mulf %mul3A_1992, %get3A_1938 : vector<16xf32>
          %add3A_1994 = arith.addf %add3A_1756, %mul3A_1993 : vector<16xf32>
          %add3A_1995 = arith.constant 40 : i32
          %add3A_1996 = arith.addi %add3A_498, %add3A_1995 : i32
          %get3A_1997 = arith.constant 6 : i32
          %get3A_1998 = arith.index_cast %get3A_1997 : i32 to index
          %get3A_1999 = arith.index_cast %add3A_1996 : i32 to index
          %get3A_2000 = tpu.vector_load %arg11[%get3A_1998, %get3A_1999] {strides = array<i32>} : memref<16x5136xf32, #tpu.memory_space<vmem>>, vector<16xf32>,
          %slice3A_2001 = vector.extract_strided_slice %get3A_2000 {offsets = [0], sizes = [1], strides = [1]} : vector<16xf32> to vector<1xf32>
          %squeeze3A_2002 = vector.extract %slice3A_2001[0] : f32 from vector<1xf32>
          %mul3A_2003 = vector.broadcast %squeeze3A_2002 : f32 to vector<16xf32>
          %mul3A_2004 = arith.mulf %mul3A_2003, %get3A_1933 : vector<16xf32>
          %add3A_2005 = arith.addf %add3A_1767, %mul3A_2004 : vector<16xf32>
          %mul3A_2006 = vector.broadcast %squeeze3A_2002 : f32 to vector<16xf32>
          %mul3A_2007 = arith.mulf %mul3A_2006, %get3A_1938 : vector<16xf32>
          %add3A_2008 = arith.addf %add3A_1770, %mul3A_2007 : vector<16xf32>
          %add3A_2009 = arith.constant 50 : i32
          %add3A_2010 = arith.addi %add3A_498, %add3A_2009 : i32
          %get3A_2011 = arith.constant 6 : i32
          %get3A_2012 = arith.index_cast %get3A_2011 : i32 to index
          %get3A_2013 = arith.index_cast %add3A_2010 : i32 to index
          %get3A_2014 = tpu.vector_load %arg11[%get3A_2012, %get3A_2013] {strides = array<i32>} : memref<16x5136xf32, #tpu.memory_space<vmem>>, vector<16xf32>,
          %slice3A_2015 = vector.extract_strided_slice %get3A_2014 {offsets = [0], sizes = [1], strides = [1]} : vector<16xf32> to vector<1xf32>
          %squeeze3A_2016 = vector.extract %slice3A_2015[0] : f32 from vector<1xf32>
          %mul3A_2017 = vector.broadcast %squeeze3A_2016 : f32 to vector<16xf32>
          %mul3A_2018 = arith.mulf %mul3A_2017, %get3A_1933 : vector<16xf32>
          %add3A_2019 = arith.addf %add3A_1781, %mul3A_2018 : vector<16xf32>
          %mul3A_2020 = vector.broadcast %squeeze3A_2016 : f32 to vector<16xf32>
          %mul3A_2021 = arith.mulf %mul3A_2020, %get3A_1938 : vector<16xf32>
          %add3A_2022 = arith.addf %add3A_1784, %mul3A_2021 : vector<16xf32>
          %add3A_2023 = arith.constant 60 : i32
          %add3A_2024 = arith.addi %add3A_498, %add3A_2023 : i32
          %get3A_2025 = arith.constant 6 : i32
          %get3A_2026 = arith.index_cast %get3A_2025 : i32 to index
          %get3A_2027 = arith.index_cast %add3A_2024 : i32 to index
          %get3A_2028 = tpu.vector_load %arg11[%get3A_2026, %get3A_2027] {strides = array<i32>} : memref<16x5136xf32, #tpu.memory_space<vmem>>, vector<16xf32>,
          %slice3A_2029 = vector.extract_strided_slice %get3A_2028 {offsets = [0], sizes = [1], strides = [1]} : vector<16xf32> to vector<1xf32>
          %squeeze3A_2030 = vector.extract %slice3A_2029[0] : f32 from vector<1xf32>
          %mul3A_2031 = vector.broadcast %squeeze3A_2030 : f32 to vector<16xf32>
          %mul3A_2032 = arith.mulf %mul3A_2031, %get3A_1933 : vector<16xf32>
          %add3A_2033 = arith.addf %add3A_1795, %mul3A_2032 : vector<16xf32>
          %mul3A_2034 = vector.broadcast %squeeze3A_2030 : f32 to vector<16xf32>
          %mul3A_2035 = arith.mulf %mul3A_2034, %get3A_1938 : vector<16xf32>
          %add3A_2036 = arith.addf %add3A_1798, %mul3A_2035 : vector<16xf32>
          %add3A_2037 = arith.constant 70 : i32
          %add3A_2038 = arith.addi %add3A_498, %add3A_2037 : i32
          %get3A_2039 = arith.constant 6 : i32
          %get3A_2040 = arith.index_cast %get3A_2039 : i32 to index
          %get3A_2041 = arith.index_cast %add3A_2038 : i32 to index
          %get3A_2042 = tpu.vector_load %arg11[%get3A_2040, %get3A_2041] {strides = array<i32>} : memref<16x5136xf32, #tpu.memory_space<vmem>>, vector<16xf32>,
          %slice3A_2043 = vector.extract_strided_slice %get3A_2042 {offsets = [0], sizes = [1], strides = [1]} : vector<16xf32> to vector<1xf32>
          %squeeze3A_2044 = vector.extract %slice3A_2043[0] : f32 from vector<1xf32>
          %mul3A_2045 = vector.broadcast %squeeze3A_2044 : f32 to vector<16xf32>
          %mul3A_2046 = arith.mulf %mul3A_2045, %get3A_1933 : vector<16xf32>
          %add3A_2047 = arith.addf %add3A_1809, %mul3A_2046 : vector<16xf32>
          %mul3A_2048 = vector.broadcast %squeeze3A_2044 : f32 to vector<16xf32>
          %mul3A_2049 = arith.mulf %mul3A_2048, %get3A_1938 : vector<16xf32>
          %add3A_2050 = arith.addf %add3A_1812, %mul3A_2049 : vector<16xf32>
          %add3A_2051 = arith.constant 80 : i32
          %add3A_2052 = arith.addi %add3A_498, %add3A_2051 : i32
          %get3A_2053 = arith.constant 6 : i32
          %get3A_2054 = arith.index_cast %get3A_2053 : i32 to index
          %get3A_2055 = arith.index_cast %add3A_2052 : i32 to index
          %get3A_2056 = tpu.vector_load %arg11[%get3A_2054, %get3A_2055] {strides = array<i32>} : memref<16x5136xf32, #tpu.memory_space<vmem>>, vector<16xf32>,
          %slice3A_2057 = vector.extract_strided_slice %get3A_2056 {offsets = [0], sizes = [1], strides = [1]} : vector<16xf32> to vector<1xf32>
          %squeeze3A_2058 = vector.extract %slice3A_2057[0] : f32 from vector<1xf32>
          %mul3A_2059 = vector.broadcast %squeeze3A_2058 : f32 to vector<16xf32>
          %mul3A_2060 = arith.mulf %mul3A_2059, %get3A_1933 : vector<16xf32>
          %add3A_2061 = arith.addf %add3A_1823, %mul3A_2060 : vector<16xf32>
          %mul3A_2062 = vector.broadcast %squeeze3A_2058 : f32 to vector<16xf32>
          %mul3A_2063 = arith.mulf %mul3A_2062, %get3A_1938 : vector<16xf32>
          %add3A_2064 = arith.addf %add3A_1826, %mul3A_2063 : vector<16xf32>
          %add3A_2065 = arith.constant 90 : i32
          %add3A_2066 = arith.addi %add3A_498, %add3A_2065 : i32
          %get3A_2067 = arith.constant 6 : i32
          %get3A_2068 = arith.index_cast %get3A_2067 : i32 to index
          %get3A_2069 = arith.index_cast %add3A_2066 : i32 to index
          %get3A_2070 = tpu.vector_load %arg11[%get3A_2068, %get3A_2069] {strides = array<i32>} : memref<16x5136xf32, #tpu.memory_space<vmem>>, vector<16xf32>,
          %slice3A_2071 = vector.extract_strided_slice %get3A_2070 {offsets = [0], sizes = [1], strides = [1]} : vector<16xf32> to vector<1xf32>
          %squeeze3A_2072 = vector.extract %slice3A_2071[0] : f32 from vector<1xf32>
          %mul3A_2073 = vector.broadcast %squeeze3A_2072 : f32 to vector<16xf32>
          %mul3A_2074 = arith.mulf %mul3A_2073, %get3A_1933 : vector<16xf32>
          %add3A_2075 = arith.addf %add3A_1837, %mul3A_2074 : vector<16xf32>
          %mul3A_2076 = vector.broadcast %squeeze3A_2072 : f32 to vector<16xf32>
          %mul3A_2077 = arith.mulf %mul3A_2076, %get3A_1938 : vector<16xf32>
          %add3A_2078 = arith.addf %add3A_1840, %mul3A_2077 : vector<16xf32>
          %add3A_2079 = arith.constant 100 : i32
          %add3A_2080 = arith.addi %add3A_498, %add3A_2079 : i32
          %get3A_2081 = arith.constant 6 : i32
          %get3A_2082 = arith.index_cast %get3A_2081 : i32 to index
          %get3A_2083 = arith.index_cast %add3A_2080 : i32 to index
          %get3A_2084 = tpu.vector_load %arg11[%get3A_2082, %get3A_2083] {strides = array<i32>} : memref<16x5136xf32, #tpu.memory_space<vmem>>, vector<16xf32>,
          %slice3A_2085 = vector.extract_strided_slice %get3A_2084 {offsets = [0], sizes = [1], strides = [1]} : vector<16xf32> to vector<1xf32>
          %squeeze3A_2086 = vector.extract %slice3A_2085[0] : f32 from vector<1xf32>
          %mul3A_2087 = vector.broadcast %squeeze3A_2086 : f32 to vector<16xf32>
          %mul3A_2088 = arith.mulf %mul3A_2087, %get3A_1933 : vector<16xf32>
          %add3A_2089 = arith.addf %add3A_1851, %mul3A_2088 : vector<16xf32>
          %mul3A_2090 = vector.broadcast %squeeze3A_2086 : f32 to vector<16xf32>
          %mul3A_2091 = arith.mulf %mul3A_2090, %get3A_1938 : vector<16xf32>
          %add3A_2092 = arith.addf %add3A_1854, %mul3A_2091 : vector<16xf32>
          %add3A_2093 = arith.constant 110 : i32
          %add3A_2094 = arith.addi %add3A_498, %add3A_2093 : i32
          %get3A_2095 = arith.constant 6 : i32
          %get3A_2096 = arith.index_cast %get3A_2095 : i32 to index
          %get3A_2097 = arith.index_cast %add3A_2094 : i32 to index
          %get3A_2098 = tpu.vector_load %arg11[%get3A_2096, %get3A_2097] {strides = array<i32>} : memref<16x5136xf32, #tpu.memory_space<vmem>>, vector<16xf32>,
          %slice3A_2099 = vector.extract_strided_slice %get3A_2098 {offsets = [0], sizes = [1], strides = [1]} : vector<16xf32> to vector<1xf32>
          %squeeze3A_2100 = vector.extract %slice3A_2099[0] : f32 from vector<1xf32>
          %mul3A_2101 = vector.broadcast %squeeze3A_2100 : f32 to vector<16xf32>
          %mul3A_2102 = arith.mulf %mul3A_2101, %get3A_1933 : vector<16xf32>
          %add3A_2103 = arith.addf %add3A_1865, %mul3A_2102 : vector<16xf32>
          %mul3A_2104 = vector.broadcast %squeeze3A_2100 : f32 to vector<16xf32>
          %mul3A_2105 = arith.mulf %mul3A_2104, %get3A_1938 : vector<16xf32>
          %add3A_2106 = arith.addf %add3A_1868, %mul3A_2105 : vector<16xf32>
          %add3A_2107 = arith.constant 120 : i32
          %add3A_2108 = arith.addi %add3A_498, %add3A_2107 : i32
          %get3A_2109 = arith.constant 6 : i32
          %get3A_2110 = arith.index_cast %get3A_2109 : i32 to index
          %get3A_2111 = arith.index_cast %add3A_2108 : i32 to index
          %get3A_2112 = tpu.vector_load %arg11[%get3A_2110, %get3A_2111] {strides = array<i32>} : memref<16x5136xf32, #tpu.memory_space<vmem>>, vector<16xf32>,
          %slice3A_2113 = vector.extract_strided_slice %get3A_2112 {offsets = [0], sizes = [1], strides = [1]} : vector<16xf32> to vector<1xf32>
          %squeeze3A_2114 = vector.extract %slice3A_2113[0] : f32 from vector<1xf32>
          %mul3A_2115 = vector.broadcast %squeeze3A_2114 : f32 to vector<16xf32>
          %mul3A_2116 = arith.mulf %mul3A_2115, %get3A_1933 : vector<16xf32>
          %add3A_2117 = arith.addf %add3A_1879, %mul3A_2116 : vector<16xf32>
          %mul3A_2118 = vector.broadcast %squeeze3A_2114 : f32 to vector<16xf32>
          %mul3A_2119 = arith.mulf %mul3A_2118, %get3A_1938 : vector<16xf32>
          %add3A_2120 = arith.addf %add3A_1882, %mul3A_2119 : vector<16xf32>
          %add3A_2121 = arith.constant 130 : i32
          %add3A_2122 = arith.addi %add3A_498, %add3A_2121 : i32
          %get3A_2123 = arith.constant 6 : i32
          %get3A_2124 = arith.index_cast %get3A_2123 : i32 to index
          %get3A_2125 = arith.index_cast %add3A_2122 : i32 to index
          %get3A_2126 = tpu.vector_load %arg11[%get3A_2124, %get3A_2125] {strides = array<i32>} : memref<16x5136xf32, #tpu.memory_space<vmem>>, vector<16xf32>,
          %slice3A_2127 = vector.extract_strided_slice %get3A_2126 {offsets = [0], sizes = [1], strides = [1]} : vector<16xf32> to vector<1xf32>
          %squeeze3A_2128 = vector.extract %slice3A_2127[0] : f32 from vector<1xf32>
          %mul3A_2129 = vector.broadcast %squeeze3A_2128 : f32 to vector<16xf32>
          %mul3A_2130 = arith.mulf %mul3A_2129, %get3A_1933 : vector<16xf32>
          %add3A_2131 = arith.addf %add3A_1893, %mul3A_2130 : vector<16xf32>
          %mul3A_2132 = vector.broadcast %squeeze3A_2128 : f32 to vector<16xf32>
          %mul3A_2133 = arith.mulf %mul3A_2132, %get3A_1938 : vector<16xf32>
          %add3A_2134 = arith.addf %add3A_1896, %mul3A_2133 : vector<16xf32>
          %add3A_2135 = arith.constant 140 : i32
          %add3A_2136 = arith.addi %add3A_498, %add3A_2135 : i32
          %get3A_2137 = arith.constant 6 : i32
          %get3A_2138 = arith.index_cast %get3A_2137 : i32 to index
          %get3A_2139 = arith.index_cast %add3A_2136 : i32 to index
          %get3A_2140 = tpu.vector_load %arg11[%get3A_2138, %get3A_2139] {strides = array<i32>} : memref<16x5136xf32, #tpu.memory_space<vmem>>, vector<16xf32>,
          %slice3A_2141 = vector.extract_strided_slice %get3A_2140 {offsets = [0], sizes = [1], strides = [1]} : vector<16xf32> to vector<1xf32>
          %squeeze3A_2142 = vector.extract %slice3A_2141[0] : f32 from vector<1xf32>
          %mul3A_2143 = vector.broadcast %squeeze3A_2142 : f32 to vector<16xf32>
          %mul3A_2144 = arith.mulf %mul3A_2143, %get3A_1933 : vector<16xf32>
          %add3A_2145 = arith.addf %add3A_1907, %mul3A_2144 : vector<16xf32>
          %mul3A_2146 = vector.broadcast %squeeze3A_2142 : f32 to vector<16xf32>
          %mul3A_2147 = arith.mulf %mul3A_2146, %get3A_1938 : vector<16xf32>
          %add3A_2148 = arith.addf %add3A_1910, %mul3A_2147 : vector<16xf32>
          %add3A_2149 = arith.constant 150 : i32
          %add3A_2150 = arith.addi %add3A_498, %add3A_2149 : i32
          %get3A_2151 = arith.constant 6 : i32
          %get3A_2152 = arith.index_cast %get3A_2151 : i32 to index
          %get3A_2153 = arith.index_cast %add3A_2150 : i32 to index
          %get3A_2154 = tpu.vector_load %arg11[%get3A_2152, %get3A_2153] {strides = array<i32>} : memref<16x5136xf32, #tpu.memory_space<vmem>>, vector<16xf32>,
          %slice3A_2155 = vector.extract_strided_slice %get3A_2154 {offsets = [0], sizes = [1], strides = [1]} : vector<16xf32> to vector<1xf32>
          %squeeze3A_2156 = vector.extract %slice3A_2155[0] : f32 from vector<1xf32>
          %mul3A_2157 = vector.broadcast %squeeze3A_2156 : f32 to vector<16xf32>
          %mul3A_2158 = arith.mulf %mul3A_2157, %get3A_1933 : vector<16xf32>
          %add3A_2159 = arith.addf %add3A_1921, %mul3A_2158 : vector<16xf32>
          %mul3A_2160 = vector.broadcast %squeeze3A_2156 : f32 to vector<16xf32>
          %mul3A_2161 = arith.mulf %mul3A_2160, %get3A_1938 : vector<16xf32>
          %add3A_2162 = arith.addf %add3A_1924, %mul3A_2161 : vector<16xf32>
          %mul3A_2163 = arith.constant 16 : i32
          %mul3A_2164 = arith.muli %scan3A_463, %mul3A_2163 : i32
          %add3A_2165 = arith.constant 7 : i32
          %add3A_2166 = arith.addi %mul3A_2164, %add3A_2165 : i32
          %mul3A_2167 = arith.constant 2 : i32
          %mul3A_2168 = arith.muli %mul3A_2167, %add3A_2166 : i32
          %get3A_2169 = arith.index_cast %mul3A_2168 : i32 to index
          %get3A_2170 = arith.constant 0 : index
          %get3A_2171 = tpu.vector_load %arg12[%get3A_2169, %get3A_2170] {strides = array<i32>} : memref<320x16xf32, #tpu.memory_space<vmem>>, vector<16xf32>,
          %add3A_2172 = arith.constant 1 : i32
          %add3A_2173 = arith.addi %mul3A_2168, %add3A_2172 : i32
          %get3A_2174 = arith.index_cast %add3A_2173 : i32 to index
          %get3A_2175 = arith.constant 0 : index
          %get3A_2176 = tpu.vector_load %arg12[%get3A_2174, %get3A_2175] {strides = array<i32>} : memref<320x16xf32, #tpu.memory_space<vmem>>, vector<16xf32>,
          %add3A_2177 = arith.constant 0 : i32
          %add3A_2178 = arith.addi %add3A_498, %add3A_2177 : i32
          %get3A_2179 = arith.constant 7 : i32
          %get3A_2180 = arith.index_cast %get3A_2179 : i32 to index
          %get3A_2181 = arith.index_cast %add3A_2178 : i32 to index
          %get3A_2182 = tpu.vector_load %arg11[%get3A_2180, %get3A_2181] {strides = array<i32>} : memref<16x5136xf32, #tpu.memory_space<vmem>>, vector<16xf32>,
          %slice3A_2183 = vector.extract_strided_slice %get3A_2182 {offsets = [0], sizes = [1], strides = [1]} : vector<16xf32> to vector<1xf32>
          %squeeze3A_2184 = vector.extract %slice3A_2183[0] : f32 from vector<1xf32>
          %mul3A_2185 = vector.broadcast %squeeze3A_2184 : f32 to vector<16xf32>
          %mul3A_2186 = arith.mulf %mul3A_2185, %get3A_2171 : vector<16xf32>
          %add3A_2187 = arith.addf %add3A_1949, %mul3A_2186 : vector<16xf32>
          %mul3A_2188 = vector.broadcast %squeeze3A_2184 : f32 to vector<16xf32>
          %mul3A_2189 = arith.mulf %mul3A_2188, %get3A_2176 : vector<16xf32>
          %add3A_2190 = arith.addf %add3A_1952, %mul3A_2189 : vector<16xf32>
          %add3A_2191 = arith.constant 10 : i32
          %add3A_2192 = arith.addi %add3A_498, %add3A_2191 : i32
          %get3A_2193 = arith.constant 7 : i32
          %get3A_2194 = arith.index_cast %get3A_2193 : i32 to index
          %get3A_2195 = arith.index_cast %add3A_2192 : i32 to index
          %get3A_2196 = tpu.vector_load %arg11[%get3A_2194, %get3A_2195] {strides = array<i32>} : memref<16x5136xf32, #tpu.memory_space<vmem>>, vector<16xf32>,
          %slice3A_2197 = vector.extract_strided_slice %get3A_2196 {offsets = [0], sizes = [1], strides = [1]} : vector<16xf32> to vector<1xf32>
          %squeeze3A_2198 = vector.extract %slice3A_2197[0] : f32 from vector<1xf32>
          %mul3A_2199 = vector.broadcast %squeeze3A_2198 : f32 to vector<16xf32>
          %mul3A_2200 = arith.mulf %mul3A_2199, %get3A_2171 : vector<16xf32>
          %add3A_2201 = arith.addf %add3A_1963, %mul3A_2200 : vector<16xf32>
          %mul3A_2202 = vector.broadcast %squeeze3A_2198 : f32 to vector<16xf32>
          %mul3A_2203 = arith.mulf %mul3A_2202, %get3A_2176 : vector<16xf32>
          %add3A_2204 = arith.addf %add3A_1966, %mul3A_2203 : vector<16xf32>
          %add3A_2205 = arith.constant 20 : i32
          %add3A_2206 = arith.addi %add3A_498, %add3A_2205 : i32
          %get3A_2207 = arith.constant 7 : i32
          %get3A_2208 = arith.index_cast %get3A_2207 : i32 to index
          %get3A_2209 = arith.index_cast %add3A_2206 : i32 to index
          %get3A_2210 = tpu.vector_load %arg11[%get3A_2208, %get3A_2209] {strides = array<i32>} : memref<16x5136xf32, #tpu.memory_space<vmem>>, vector<16xf32>,
          %slice3A_2211 = vector.extract_strided_slice %get3A_2210 {offsets = [0], sizes = [1], strides = [1]} : vector<16xf32> to vector<1xf32>
          %squeeze3A_2212 = vector.extract %slice3A_2211[0] : f32 from vector<1xf32>
          %mul3A_2213 = vector.broadcast %squeeze3A_2212 : f32 to vector<16xf32>
          %mul3A_2214 = arith.mulf %mul3A_2213, %get3A_2171 : vector<16xf32>
          %add3A_2215 = arith.addf %add3A_1977, %mul3A_2214 : vector<16xf32>
          %mul3A_2216 = vector.broadcast %squeeze3A_2212 : f32 to vector<16xf32>
          %mul3A_2217 = arith.mulf %mul3A_2216, %get3A_2176 : vector<16xf32>
          %add3A_2218 = arith.addf %add3A_1980, %mul3A_2217 : vector<16xf32>
          %add3A_2219 = arith.constant 30 : i32
          %add3A_2220 = arith.addi %add3A_498, %add3A_2219 : i32
          %get3A_2221 = arith.constant 7 : i32
          %get3A_2222 = arith.index_cast %get3A_2221 : i32 to index
          %get3A_2223 = arith.index_cast %add3A_2220 : i32 to index
          %get3A_2224 = tpu.vector_load %arg11[%get3A_2222, %get3A_2223] {strides = array<i32>} : memref<16x5136xf32, #tpu.memory_space<vmem>>, vector<16xf32>,
          %slice3A_2225 = vector.extract_strided_slice %get3A_2224 {offsets = [0], sizes = [1], strides = [1]} : vector<16xf32> to vector<1xf32>
          %squeeze3A_2226 = vector.extract %slice3A_2225[0] : f32 from vector<1xf32>
          %mul3A_2227 = vector.broadcast %squeeze3A_2226 : f32 to vector<16xf32>
          %mul3A_2228 = arith.mulf %mul3A_2227, %get3A_2171 : vector<16xf32>
          %add3A_2229 = arith.addf %add3A_1991, %mul3A_2228 : vector<16xf32>
          %mul3A_2230 = vector.broadcast %squeeze3A_2226 : f32 to vector<16xf32>
          %mul3A_2231 = arith.mulf %mul3A_2230, %get3A_2176 : vector<16xf32>
          %add3A_2232 = arith.addf %add3A_1994, %mul3A_2231 : vector<16xf32>
          %add3A_2233 = arith.constant 40 : i32
          %add3A_2234 = arith.addi %add3A_498, %add3A_2233 : i32
          %get3A_2235 = arith.constant 7 : i32
          %get3A_2236 = arith.index_cast %get3A_2235 : i32 to index
          %get3A_2237 = arith.index_cast %add3A_2234 : i32 to index
          %get3A_2238 = tpu.vector_load %arg11[%get3A_2236, %get3A_2237] {strides = array<i32>} : memref<16x5136xf32, #tpu.memory_space<vmem>>, vector<16xf32>,
          %slice3A_2239 = vector.extract_strided_slice %get3A_2238 {offsets = [0], sizes = [1], strides = [1]} : vector<16xf32> to vector<1xf32>
          %squeeze3A_2240 = vector.extract %slice3A_2239[0] : f32 from vector<1xf32>
          %mul3A_2241 = vector.broadcast %squeeze3A_2240 : f32 to vector<16xf32>
          %mul3A_2242 = arith.mulf %mul3A_2241, %get3A_2171 : vector<16xf32>
          %add3A_2243 = arith.addf %add3A_2005, %mul3A_2242 : vector<16xf32>
          %mul3A_2244 = vector.broadcast %squeeze3A_2240 : f32 to vector<16xf32>
          %mul3A_2245 = arith.mulf %mul3A_2244, %get3A_2176 : vector<16xf32>
          %add3A_2246 = arith.addf %add3A_2008, %mul3A_2245 : vector<16xf32>
          %add3A_2247 = arith.constant 50 : i32
          %add3A_2248 = arith.addi %add3A_498, %add3A_2247 : i32
          %get3A_2249 = arith.constant 7 : i32
          %get3A_2250 = arith.index_cast %get3A_2249 : i32 to index
          %get3A_2251 = arith.index_cast %add3A_2248 : i32 to index
          %get3A_2252 = tpu.vector_load %arg11[%get3A_2250, %get3A_2251] {strides = array<i32>} : memref<16x5136xf32, #tpu.memory_space<vmem>>, vector<16xf32>,
          %slice3A_2253 = vector.extract_strided_slice %get3A_2252 {offsets = [0], sizes = [1], strides = [1]} : vector<16xf32> to vector<1xf32>
          %squeeze3A_2254 = vector.extract %slice3A_2253[0] : f32 from vector<1xf32>
          %mul3A_2255 = vector.broadcast %squeeze3A_2254 : f32 to vector<16xf32>
          %mul3A_2256 = arith.mulf %mul3A_2255, %get3A_2171 : vector<16xf32>
          %add3A_2257 = arith.addf %add3A_2019, %mul3A_2256 : vector<16xf32>
          %mul3A_2258 = vector.broadcast %squeeze3A_2254 : f32 to vector<16xf32>
          %mul3A_2259 = arith.mulf %mul3A_2258, %get3A_2176 : vector<16xf32>
          %add3A_2260 = arith.addf %add3A_2022, %mul3A_2259 : vector<16xf32>
          %add3A_2261 = arith.constant 60 : i32
          %add3A_2262 = arith.addi %add3A_498, %add3A_2261 : i32
          %get3A_2263 = arith.constant 7 : i32
          %get3A_2264 = arith.index_cast %get3A_2263 : i32 to index
          %get3A_2265 = arith.index_cast %add3A_2262 : i32 to index
          %get3A_2266 = tpu.vector_load %arg11[%get3A_2264, %get3A_2265] {strides = array<i32>} : memref<16x5136xf32, #tpu.memory_space<vmem>>, vector<16xf32>,
          %slice3A_2267 = vector.extract_strided_slice %get3A_2266 {offsets = [0], sizes = [1], strides = [1]} : vector<16xf32> to vector<1xf32>
          %squeeze3A_2268 = vector.extract %slice3A_2267[0] : f32 from vector<1xf32>
          %mul3A_2269 = vector.broadcast %squeeze3A_2268 : f32 to vector<16xf32>
          %mul3A_2270 = arith.mulf %mul3A_2269, %get3A_2171 : vector<16xf32>
          %add3A_2271 = arith.addf %add3A_2033, %mul3A_2270 : vector<16xf32>
          %mul3A_2272 = vector.broadcast %squeeze3A_2268 : f32 to vector<16xf32>
          %mul3A_2273 = arith.mulf %mul3A_2272, %get3A_2176 : vector<16xf32>
          %add3A_2274 = arith.addf %add3A_2036, %mul3A_2273 : vector<16xf32>
          %add3A_2275 = arith.constant 70 : i32
          %add3A_2276 = arith.addi %add3A_498, %add3A_2275 : i32
          %get3A_2277 = arith.constant 7 : i32
          %get3A_2278 = arith.index_cast %get3A_2277 : i32 to index
          %get3A_2279 = arith.index_cast %add3A_2276 : i32 to index
          %get3A_2280 = tpu.vector_load %arg11[%get3A_2278, %get3A_2279] {strides = array<i32>} : memref<16x5136xf32, #tpu.memory_space<vmem>>, vector<16xf32>,
          %slice3A_2281 = vector.extract_strided_slice %get3A_2280 {offsets = [0], sizes = [1], strides = [1]} : vector<16xf32> to vector<1xf32>
          %squeeze3A_2282 = vector.extract %slice3A_2281[0] : f32 from vector<1xf32>
          %mul3A_2283 = vector.broadcast %squeeze3A_2282 : f32 to vector<16xf32>
          %mul3A_2284 = arith.mulf %mul3A_2283, %get3A_2171 : vector<16xf32>
          %add3A_2285 = arith.addf %add3A_2047, %mul3A_2284 : vector<16xf32>
          %mul3A_2286 = vector.broadcast %squeeze3A_2282 : f32 to vector<16xf32>
          %mul3A_2287 = arith.mulf %mul3A_2286, %get3A_2176 : vector<16xf32>
          %add3A_2288 = arith.addf %add3A_2050, %mul3A_2287 : vector<16xf32>
          %add3A_2289 = arith.constant 80 : i32
          %add3A_2290 = arith.addi %add3A_498, %add3A_2289 : i32
          %get3A_2291 = arith.constant 7 : i32
          %get3A_2292 = arith.index_cast %get3A_2291 : i32 to index
          %get3A_2293 = arith.index_cast %add3A_2290 : i32 to index
          %get3A_2294 = tpu.vector_load %arg11[%get3A_2292, %get3A_2293] {strides = array<i32>} : memref<16x5136xf32, #tpu.memory_space<vmem>>, vector<16xf32>,
          %slice3A_2295 = vector.extract_strided_slice %get3A_2294 {offsets = [0], sizes = [1], strides = [1]} : vector<16xf32> to vector<1xf32>
          %squeeze3A_2296 = vector.extract %slice3A_2295[0] : f32 from vector<1xf32>
          %mul3A_2297 = vector.broadcast %squeeze3A_2296 : f32 to vector<16xf32>
          %mul3A_2298 = arith.mulf %mul3A_2297, %get3A_2171 : vector<16xf32>
          %add3A_2299 = arith.addf %add3A_2061, %mul3A_2298 : vector<16xf32>
          %mul3A_2300 = vector.broadcast %squeeze3A_2296 : f32 to vector<16xf32>
          %mul3A_2301 = arith.mulf %mul3A_2300, %get3A_2176 : vector<16xf32>
          %add3A_2302 = arith.addf %add3A_2064, %mul3A_2301 : vector<16xf32>
          %add3A_2303 = arith.constant 90 : i32
          %add3A_2304 = arith.addi %add3A_498, %add3A_2303 : i32
          %get3A_2305 = arith.constant 7 : i32
          %get3A_2306 = arith.index_cast %get3A_2305 : i32 to index
          %get3A_2307 = arith.index_cast %add3A_2304 : i32 to index
          %get3A_2308 = tpu.vector_load %arg11[%get3A_2306, %get3A_2307] {strides = array<i32>} : memref<16x5136xf32, #tpu.memory_space<vmem>>, vector<16xf32>,
          %slice3A_2309 = vector.extract_strided_slice %get3A_2308 {offsets = [0], sizes = [1], strides = [1]} : vector<16xf32> to vector<1xf32>
          %squeeze3A_2310 = vector.extract %slice3A_2309[0] : f32 from vector<1xf32>
          %mul3A_2311 = vector.broadcast %squeeze3A_2310 : f32 to vector<16xf32>
          %mul3A_2312 = arith.mulf %mul3A_2311, %get3A_2171 : vector<16xf32>
          %add3A_2313 = arith.addf %add3A_2075, %mul3A_2312 : vector<16xf32>
          %mul3A_2314 = vector.broadcast %squeeze3A_2310 : f32 to vector<16xf32>
          %mul3A_2315 = arith.mulf %mul3A_2314, %get3A_2176 : vector<16xf32>
          %add3A_2316 = arith.addf %add3A_2078, %mul3A_2315 : vector<16xf32>
          %add3A_2317 = arith.constant 100 : i32
          %add3A_2318 = arith.addi %add3A_498, %add3A_2317 : i32
          %get3A_2319 = arith.constant 7 : i32
          %get3A_2320 = arith.index_cast %get3A_2319 : i32 to index
          %get3A_2321 = arith.index_cast %add3A_2318 : i32 to index
          %get3A_2322 = tpu.vector_load %arg11[%get3A_2320, %get3A_2321] {strides = array<i32>} : memref<16x5136xf32, #tpu.memory_space<vmem>>, vector<16xf32>,
          %slice3A_2323 = vector.extract_strided_slice %get3A_2322 {offsets = [0], sizes = [1], strides = [1]} : vector<16xf32> to vector<1xf32>
          %squeeze3A_2324 = vector.extract %slice3A_2323[0] : f32 from vector<1xf32>
          %mul3A_2325 = vector.broadcast %squeeze3A_2324 : f32 to vector<16xf32>
          %mul3A_2326 = arith.mulf %mul3A_2325, %get3A_2171 : vector<16xf32>
          %add3A_2327 = arith.addf %add3A_2089, %mul3A_2326 : vector<16xf32>
          %mul3A_2328 = vector.broadcast %squeeze3A_2324 : f32 to vector<16xf32>
          %mul3A_2329 = arith.mulf %mul3A_2328, %get3A_2176 : vector<16xf32>
          %add3A_2330 = arith.addf %add3A_2092, %mul3A_2329 : vector<16xf32>
          %add3A_2331 = arith.constant 110 : i32
          %add3A_2332 = arith.addi %add3A_498, %add3A_2331 : i32
          %get3A_2333 = arith.constant 7 : i32
          %get3A_2334 = arith.index_cast %get3A_2333 : i32 to index
          %get3A_2335 = arith.index_cast %add3A_2332 : i32 to index
          %get3A_2336 = tpu.vector_load %arg11[%get3A_2334, %get3A_2335] {strides = array<i32>} : memref<16x5136xf32, #tpu.memory_space<vmem>>, vector<16xf32>,
          %slice3A_2337 = vector.extract_strided_slice %get3A_2336 {offsets = [0], sizes = [1], strides = [1]} : vector<16xf32> to vector<1xf32>
          %squeeze3A_2338 = vector.extract %slice3A_2337[0] : f32 from vector<1xf32>
          %mul3A_2339 = vector.broadcast %squeeze3A_2338 : f32 to vector<16xf32>
          %mul3A_2340 = arith.mulf %mul3A_2339, %get3A_2171 : vector<16xf32>
          %add3A_2341 = arith.addf %add3A_2103, %mul3A_2340 : vector<16xf32>
          %mul3A_2342 = vector.broadcast %squeeze3A_2338 : f32 to vector<16xf32>
          %mul3A_2343 = arith.mulf %mul3A_2342, %get3A_2176 : vector<16xf32>
          %add3A_2344 = arith.addf %add3A_2106, %mul3A_2343 : vector<16xf32>
          %add3A_2345 = arith.constant 120 : i32
          %add3A_2346 = arith.addi %add3A_498, %add3A_2345 : i32
          %get3A_2347 = arith.constant 7 : i32
          %get3A_2348 = arith.index_cast %get3A_2347 : i32 to index
          %get3A_2349 = arith.index_cast %add3A_2346 : i32 to index
          %get3A_2350 = tpu.vector_load %arg11[%get3A_2348, %get3A_2349] {strides = array<i32>} : memref<16x5136xf32, #tpu.memory_space<vmem>>, vector<16xf32>,
          %slice3A_2351 = vector.extract_strided_slice %get3A_2350 {offsets = [0], sizes = [1], strides = [1]} : vector<16xf32> to vector<1xf32>
          %squeeze3A_2352 = vector.extract %slice3A_2351[0] : f32 from vector<1xf32>
          %mul3A_2353 = vector.broadcast %squeeze3A_2352 : f32 to vector<16xf32>
          %mul3A_2354 = arith.mulf %mul3A_2353, %get3A_2171 : vector<16xf32>
          %add3A_2355 = arith.addf %add3A_2117, %mul3A_2354 : vector<16xf32>
          %mul3A_2356 = vector.broadcast %squeeze3A_2352 : f32 to vector<16xf32>
          %mul3A_2357 = arith.mulf %mul3A_2356, %get3A_2176 : vector<16xf32>
          %add3A_2358 = arith.addf %add3A_2120, %mul3A_2357 : vector<16xf32>
          %add3A_2359 = arith.constant 130 : i32
          %add3A_2360 = arith.addi %add3A_498, %add3A_2359 : i32
          %get3A_2361 = arith.constant 7 : i32
          %get3A_2362 = arith.index_cast %get3A_2361 : i32 to index
          %get3A_2363 = arith.index_cast %add3A_2360 : i32 to index
          %get3A_2364 = tpu.vector_load %arg11[%get3A_2362, %get3A_2363] {strides = array<i32>} : memref<16x5136xf32, #tpu.memory_space<vmem>>, vector<16xf32>,
          %slice3A_2365 = vector.extract_strided_slice %get3A_2364 {offsets = [0], sizes = [1], strides = [1]} : vector<16xf32> to vector<1xf32>
          %squeeze3A_2366 = vector.extract %slice3A_2365[0] : f32 from vector<1xf32>
          %mul3A_2367 = vector.broadcast %squeeze3A_2366 : f32 to vector<16xf32>
          %mul3A_2368 = arith.mulf %mul3A_2367, %get3A_2171 : vector<16xf32>
          %add3A_2369 = arith.addf %add3A_2131, %mul3A_2368 : vector<16xf32>
          %mul3A_2370 = vector.broadcast %squeeze3A_2366 : f32 to vector<16xf32>
          %mul3A_2371 = arith.mulf %mul3A_2370, %get3A_2176 : vector<16xf32>
          %add3A_2372 = arith.addf %add3A_2134, %mul3A_2371 : vector<16xf32>
          %add3A_2373 = arith.constant 140 : i32
          %add3A_2374 = arith.addi %add3A_498, %add3A_2373 : i32
          %get3A_2375 = arith.constant 7 : i32
          %get3A_2376 = arith.index_cast %get3A_2375 : i32 to index
          %get3A_2377 = arith.index_cast %add3A_2374 : i32 to index
          %get3A_2378 = tpu.vector_load %arg11[%get3A_2376, %get3A_2377] {strides = array<i32>} : memref<16x5136xf32, #tpu.memory_space<vmem>>, vector<16xf32>,
          %slice3A_2379 = vector.extract_strided_slice %get3A_2378 {offsets = [0], sizes = [1], strides = [1]} : vector<16xf32> to vector<1xf32>
          %squeeze3A_2380 = vector.extract %slice3A_2379[0] : f32 from vector<1xf32>
          %mul3A_2381 = vector.broadcast %squeeze3A_2380 : f32 to vector<16xf32>
          %mul3A_2382 = arith.mulf %mul3A_2381, %get3A_2171 : vector<16xf32>
          %add3A_2383 = arith.addf %add3A_2145, %mul3A_2382 : vector<16xf32>
          %mul3A_2384 = vector.broadcast %squeeze3A_2380 : f32 to vector<16xf32>
          %mul3A_2385 = arith.mulf %mul3A_2384, %get3A_2176 : vector<16xf32>
          %add3A_2386 = arith.addf %add3A_2148, %mul3A_2385 : vector<16xf32>
          %add3A_2387 = arith.constant 150 : i32
          %add3A_2388 = arith.addi %add3A_498, %add3A_2387 : i32
          %get3A_2389 = arith.constant 7 : i32
          %get3A_2390 = arith.index_cast %get3A_2389 : i32 to index
          %get3A_2391 = arith.index_cast %add3A_2388 : i32 to index
          %get3A_2392 = tpu.vector_load %arg11[%get3A_2390, %get3A_2391] {strides = array<i32>} : memref<16x5136xf32, #tpu.memory_space<vmem>>, vector<16xf32>,
          %slice3A_2393 = vector.extract_strided_slice %get3A_2392 {offsets = [0], sizes = [1], strides = [1]} : vector<16xf32> to vector<1xf32>
          %squeeze3A_2394 = vector.extract %slice3A_2393[0] : f32 from vector<1xf32>
          %mul3A_2395 = vector.broadcast %squeeze3A_2394 : f32 to vector<16xf32>
          %mul3A_2396 = arith.mulf %mul3A_2395, %get3A_2171 : vector<16xf32>
          %add3A_2397 = arith.addf %add3A_2159, %mul3A_2396 : vector<16xf32>
          %mul3A_2398 = vector.broadcast %squeeze3A_2394 : f32 to vector<16xf32>
          %mul3A_2399 = arith.mulf %mul3A_2398, %get3A_2176 : vector<16xf32>
          %add3A_2400 = arith.addf %add3A_2162, %mul3A_2399 : vector<16xf32>
          %mul3A_2401 = arith.constant 16 : i32
          %mul3A_2402 = arith.muli %scan3A_463, %mul3A_2401 : i32
          %add3A_2403 = arith.constant 8 : i32
          %add3A_2404 = arith.addi %mul3A_2402, %add3A_2403 : i32
          %mul3A_2405 = arith.constant 2 : i32
          %mul3A_2406 = arith.muli %mul3A_2405, %add3A_2404 : i32
          %get3A_2407 = arith.index_cast %mul3A_2406 : i32 to index
          %get3A_2408 = arith.constant 0 : index
          %get3A_2409 = tpu.vector_load %arg12[%get3A_2407, %get3A_2408] {strides = array<i32>} : memref<320x16xf32, #tpu.memory_space<vmem>>, vector<16xf32>,
          %add3A_2410 = arith.constant 1 : i32
          %add3A_2411 = arith.addi %mul3A_2406, %add3A_2410 : i32
          %get3A_2412 = arith.index_cast %add3A_2411 : i32 to index
          %get3A_2413 = arith.constant 0 : index
          %get3A_2414 = tpu.vector_load %arg12[%get3A_2412, %get3A_2413] {strides = array<i32>} : memref<320x16xf32, #tpu.memory_space<vmem>>, vector<16xf32>,
          %add3A_2415 = arith.constant 0 : i32
          %add3A_2416 = arith.addi %add3A_498, %add3A_2415 : i32
          %get3A_2417 = arith.constant 8 : i32
          %get3A_2418 = arith.index_cast %get3A_2417 : i32 to index
          %get3A_2419 = arith.index_cast %add3A_2416 : i32 to index
          %get3A_2420 = tpu.vector_load %arg11[%get3A_2418, %get3A_2419] {strides = array<i32>} : memref<16x5136xf32, #tpu.memory_space<vmem>>, vector<16xf32>,
          %slice3A_2421 = vector.extract_strided_slice %get3A_2420 {offsets = [0], sizes = [1], strides = [1]} : vector<16xf32> to vector<1xf32>
          %squeeze3A_2422 = vector.extract %slice3A_2421[0] : f32 from vector<1xf32>
          %mul3A_2423 = vector.broadcast %squeeze3A_2422 : f32 to vector<16xf32>
          %mul3A_2424 = arith.mulf %mul3A_2423, %get3A_2409 : vector<16xf32>
          %add3A_2425 = arith.addf %add3A_2187, %mul3A_2424 : vector<16xf32>
          %mul3A_2426 = vector.broadcast %squeeze3A_2422 : f32 to vector<16xf32>
          %mul3A_2427 = arith.mulf %mul3A_2426, %get3A_2414 : vector<16xf32>
          %add3A_2428 = arith.addf %add3A_2190, %mul3A_2427 : vector<16xf32>
          %add3A_2429 = arith.constant 10 : i32
          %add3A_2430 = arith.addi %add3A_498, %add3A_2429 : i32
          %get3A_2431 = arith.constant 8 : i32
          %get3A_2432 = arith.index_cast %get3A_2431 : i32 to index
          %get3A_2433 = arith.index_cast %add3A_2430 : i32 to index
          %get3A_2434 = tpu.vector_load %arg11[%get3A_2432, %get3A_2433] {strides = array<i32>} : memref<16x5136xf32, #tpu.memory_space<vmem>>, vector<16xf32>,
          %slice3A_2435 = vector.extract_strided_slice %get3A_2434 {offsets = [0], sizes = [1], strides = [1]} : vector<16xf32> to vector<1xf32>
          %squeeze3A_2436 = vector.extract %slice3A_2435[0] : f32 from vector<1xf32>
          %mul3A_2437 = vector.broadcast %squeeze3A_2436 : f32 to vector<16xf32>
          %mul3A_2438 = arith.mulf %mul3A_2437, %get3A_2409 : vector<16xf32>
          %add3A_2439 = arith.addf %add3A_2201, %mul3A_2438 : vector<16xf32>
          %mul3A_2440 = vector.broadcast %squeeze3A_2436 : f32 to vector<16xf32>
          %mul3A_2441 = arith.mulf %mul3A_2440, %get3A_2414 : vector<16xf32>
          %add3A_2442 = arith.addf %add3A_2204, %mul3A_2441 : vector<16xf32>
          %add3A_2443 = arith.constant 20 : i32
          %add3A_2444 = arith.addi %add3A_498, %add3A_2443 : i32
          %get3A_2445 = arith.constant 8 : i32
          %get3A_2446 = arith.index_cast %get3A_2445 : i32 to index
          %get3A_2447 = arith.index_cast %add3A_2444 : i32 to index
          %get3A_2448 = tpu.vector_load %arg11[%get3A_2446, %get3A_2447] {strides = array<i32>} : memref<16x5136xf32, #tpu.memory_space<vmem>>, vector<16xf32>,
          %slice3A_2449 = vector.extract_strided_slice %get3A_2448 {offsets = [0], sizes = [1], strides = [1]} : vector<16xf32> to vector<1xf32>
          %squeeze3A_2450 = vector.extract %slice3A_2449[0] : f32 from vector<1xf32>
          %mul3A_2451 = vector.broadcast %squeeze3A_2450 : f32 to vector<16xf32>
          %mul3A_2452 = arith.mulf %mul3A_2451, %get3A_2409 : vector<16xf32>
          %add3A_2453 = arith.addf %add3A_2215, %mul3A_2452 : vector<16xf32>
          %mul3A_2454 = vector.broadcast %squeeze3A_2450 : f32 to vector<16xf32>
          %mul3A_2455 = arith.mulf %mul3A_2454, %get3A_2414 : vector<16xf32>
          %add3A_2456 = arith.addf %add3A_2218, %mul3A_2455 : vector<16xf32>
          %add3A_2457 = arith.constant 30 : i32
          %add3A_2458 = arith.addi %add3A_498, %add3A_2457 : i32
          %get3A_2459 = arith.constant 8 : i32
          %get3A_2460 = arith.index_cast %get3A_2459 : i32 to index
          %get3A_2461 = arith.index_cast %add3A_2458 : i32 to index
          %get3A_2462 = tpu.vector_load %arg11[%get3A_2460, %get3A_2461] {strides = array<i32>} : memref<16x5136xf32, #tpu.memory_space<vmem>>, vector<16xf32>,
          %slice3A_2463 = vector.extract_strided_slice %get3A_2462 {offsets = [0], sizes = [1], strides = [1]} : vector<16xf32> to vector<1xf32>
          %squeeze3A_2464 = vector.extract %slice3A_2463[0] : f32 from vector<1xf32>
          %mul3A_2465 = vector.broadcast %squeeze3A_2464 : f32 to vector<16xf32>
          %mul3A_2466 = arith.mulf %mul3A_2465, %get3A_2409 : vector<16xf32>
          %add3A_2467 = arith.addf %add3A_2229, %mul3A_2466 : vector<16xf32>
          %mul3A_2468 = vector.broadcast %squeeze3A_2464 : f32 to vector<16xf32>
          %mul3A_2469 = arith.mulf %mul3A_2468, %get3A_2414 : vector<16xf32>
          %add3A_2470 = arith.addf %add3A_2232, %mul3A_2469 : vector<16xf32>
          %add3A_2471 = arith.constant 40 : i32
          %add3A_2472 = arith.addi %add3A_498, %add3A_2471 : i32
          %get3A_2473 = arith.constant 8 : i32
          %get3A_2474 = arith.index_cast %get3A_2473 : i32 to index
          %get3A_2475 = arith.index_cast %add3A_2472 : i32 to index
          %get3A_2476 = tpu.vector_load %arg11[%get3A_2474, %get3A_2475] {strides = array<i32>} : memref<16x5136xf32, #tpu.memory_space<vmem>>, vector<16xf32>,
          %slice3A_2477 = vector.extract_strided_slice %get3A_2476 {offsets = [0], sizes = [1], strides = [1]} : vector<16xf32> to vector<1xf32>
          %squeeze3A_2478 = vector.extract %slice3A_2477[0] : f32 from vector<1xf32>
          %mul3A_2479 = vector.broadcast %squeeze3A_2478 : f32 to vector<16xf32>
          %mul3A_2480 = arith.mulf %mul3A_2479, %get3A_2409 : vector<16xf32>
          %add3A_2481 = arith.addf %add3A_2243, %mul3A_2480 : vector<16xf32>
          %mul3A_2482 = vector.broadcast %squeeze3A_2478 : f32 to vector<16xf32>
          %mul3A_2483 = arith.mulf %mul3A_2482, %get3A_2414 : vector<16xf32>
          %add3A_2484 = arith.addf %add3A_2246, %mul3A_2483 : vector<16xf32>
          %add3A_2485 = arith.constant 50 : i32
          %add3A_2486 = arith.addi %add3A_498, %add3A_2485 : i32
          %get3A_2487 = arith.constant 8 : i32
          %get3A_2488 = arith.index_cast %get3A_2487 : i32 to index
          %get3A_2489 = arith.index_cast %add3A_2486 : i32 to index
          %get3A_2490 = tpu.vector_load %arg11[%get3A_2488, %get3A_2489] {strides = array<i32>} : memref<16x5136xf32, #tpu.memory_space<vmem>>, vector<16xf32>,
          %slice3A_2491 = vector.extract_strided_slice %get3A_2490 {offsets = [0], sizes = [1], strides = [1]} : vector<16xf32> to vector<1xf32>
          %squeeze3A_2492 = vector.extract %slice3A_2491[0] : f32 from vector<1xf32>
          %mul3A_2493 = vector.broadcast %squeeze3A_2492 : f32 to vector<16xf32>
          %mul3A_2494 = arith.mulf %mul3A_2493, %get3A_2409 : vector<16xf32>
          %add3A_2495 = arith.addf %add3A_2257, %mul3A_2494 : vector<16xf32>
          %mul3A_2496 = vector.broadcast %squeeze3A_2492 : f32 to vector<16xf32>
          %mul3A_2497 = arith.mulf %mul3A_2496, %get3A_2414 : vector<16xf32>
          %add3A_2498 = arith.addf %add3A_2260, %mul3A_2497 : vector<16xf32>
          %add3A_2499 = arith.constant 60 : i32
          %add3A_2500 = arith.addi %add3A_498, %add3A_2499 : i32
          %get3A_2501 = arith.constant 8 : i32
          %get3A_2502 = arith.index_cast %get3A_2501 : i32 to index
          %get3A_2503 = arith.index_cast %add3A_2500 : i32 to index
          %get3A_2504 = tpu.vector_load %arg11[%get3A_2502, %get3A_2503] {strides = array<i32>} : memref<16x5136xf32, #tpu.memory_space<vmem>>, vector<16xf32>,
          %slice3A_2505 = vector.extract_strided_slice %get3A_2504 {offsets = [0], sizes = [1], strides = [1]} : vector<16xf32> to vector<1xf32>
          %squeeze3A_2506 = vector.extract %slice3A_2505[0] : f32 from vector<1xf32>
          %mul3A_2507 = vector.broadcast %squeeze3A_2506 : f32 to vector<16xf32>
          %mul3A_2508 = arith.mulf %mul3A_2507, %get3A_2409 : vector<16xf32>
          %add3A_2509 = arith.addf %add3A_2271, %mul3A_2508 : vector<16xf32>
          %mul3A_2510 = vector.broadcast %squeeze3A_2506 : f32 to vector<16xf32>
          %mul3A_2511 = arith.mulf %mul3A_2510, %get3A_2414 : vector<16xf32>
          %add3A_2512 = arith.addf %add3A_2274, %mul3A_2511 : vector<16xf32>
          %add3A_2513 = arith.constant 70 : i32
          %add3A_2514 = arith.addi %add3A_498, %add3A_2513 : i32
          %get3A_2515 = arith.constant 8 : i32
          %get3A_2516 = arith.index_cast %get3A_2515 : i32 to index
          %get3A_2517 = arith.index_cast %add3A_2514 : i32 to index
          %get3A_2518 = tpu.vector_load %arg11[%get3A_2516, %get3A_2517] {strides = array<i32>} : memref<16x5136xf32, #tpu.memory_space<vmem>>, vector<16xf32>,
          %slice3A_2519 = vector.extract_strided_slice %get3A_2518 {offsets = [0], sizes = [1], strides = [1]} : vector<16xf32> to vector<1xf32>
          %squeeze3A_2520 = vector.extract %slice3A_2519[0] : f32 from vector<1xf32>
          %mul3A_2521 = vector.broadcast %squeeze3A_2520 : f32 to vector<16xf32>
          %mul3A_2522 = arith.mulf %mul3A_2521, %get3A_2409 : vector<16xf32>
          %add3A_2523 = arith.addf %add3A_2285, %mul3A_2522 : vector<16xf32>
          %mul3A_2524 = vector.broadcast %squeeze3A_2520 : f32 to vector<16xf32>
          %mul3A_2525 = arith.mulf %mul3A_2524, %get3A_2414 : vector<16xf32>
          %add3A_2526 = arith.addf %add3A_2288, %mul3A_2525 : vector<16xf32>
          %add3A_2527 = arith.constant 80 : i32
          %add3A_2528 = arith.addi %add3A_498, %add3A_2527 : i32
          %get3A_2529 = arith.constant 8 : i32
          %get3A_2530 = arith.index_cast %get3A_2529 : i32 to index
          %get3A_2531 = arith.index_cast %add3A_2528 : i32 to index
          %get3A_2532 = tpu.vector_load %arg11[%get3A_2530, %get3A_2531] {strides = array<i32>} : memref<16x5136xf32, #tpu.memory_space<vmem>>, vector<16xf32>,
          %slice3A_2533 = vector.extract_strided_slice %get3A_2532 {offsets = [0], sizes = [1], strides = [1]} : vector<16xf32> to vector<1xf32>
          %squeeze3A_2534 = vector.extract %slice3A_2533[0] : f32 from vector<1xf32>
          %mul3A_2535 = vector.broadcast %squeeze3A_2534 : f32 to vector<16xf32>
          %mul3A_2536 = arith.mulf %mul3A_2535, %get3A_2409 : vector<16xf32>
          %add3A_2537 = arith.addf %add3A_2299, %mul3A_2536 : vector<16xf32>
          %mul3A_2538 = vector.broadcast %squeeze3A_2534 : f32 to vector<16xf32>
          %mul3A_2539 = arith.mulf %mul3A_2538, %get3A_2414 : vector<16xf32>
          %add3A_2540 = arith.addf %add3A_2302, %mul3A_2539 : vector<16xf32>
          %add3A_2541 = arith.constant 90 : i32
          %add3A_2542 = arith.addi %add3A_498, %add3A_2541 : i32
          %get3A_2543 = arith.constant 8 : i32
          %get3A_2544 = arith.index_cast %get3A_2543 : i32 to index
          %get3A_2545 = arith.index_cast %add3A_2542 : i32 to index
          %get3A_2546 = tpu.vector_load %arg11[%get3A_2544, %get3A_2545] {strides = array<i32>} : memref<16x5136xf32, #tpu.memory_space<vmem>>, vector<16xf32>,
          %slice3A_2547 = vector.extract_strided_slice %get3A_2546 {offsets = [0], sizes = [1], strides = [1]} : vector<16xf32> to vector<1xf32>
          %squeeze3A_2548 = vector.extract %slice3A_2547[0] : f32 from vector<1xf32>
          %mul3A_2549 = vector.broadcast %squeeze3A_2548 : f32 to vector<16xf32>
          %mul3A_2550 = arith.mulf %mul3A_2549, %get3A_2409 : vector<16xf32>
          %add3A_2551 = arith.addf %add3A_2313, %mul3A_2550 : vector<16xf32>
          %mul3A_2552 = vector.broadcast %squeeze3A_2548 : f32 to vector<16xf32>
          %mul3A_2553 = arith.mulf %mul3A_2552, %get3A_2414 : vector<16xf32>
          %add3A_2554 = arith.addf %add3A_2316, %mul3A_2553 : vector<16xf32>
          %add3A_2555 = arith.constant 100 : i32
          %add3A_2556 = arith.addi %add3A_498, %add3A_2555 : i32
          %get3A_2557 = arith.constant 8 : i32
          %get3A_2558 = arith.index_cast %get3A_2557 : i32 to index
          %get3A_2559 = arith.index_cast %add3A_2556 : i32 to index
          %get3A_2560 = tpu.vector_load %arg11[%get3A_2558, %get3A_2559] {strides = array<i32>} : memref<16x5136xf32, #tpu.memory_space<vmem>>, vector<16xf32>,
          %slice3A_2561 = vector.extract_strided_slice %get3A_2560 {offsets = [0], sizes = [1], strides = [1]} : vector<16xf32> to vector<1xf32>
          %squeeze3A_2562 = vector.extract %slice3A_2561[0] : f32 from vector<1xf32>
          %mul3A_2563 = vector.broadcast %squeeze3A_2562 : f32 to vector<16xf32>
          %mul3A_2564 = arith.mulf %mul3A_2563, %get3A_2409 : vector<16xf32>
          %add3A_2565 = arith.addf %add3A_2327, %mul3A_2564 : vector<16xf32>
          %mul3A_2566 = vector.broadcast %squeeze3A_2562 : f32 to vector<16xf32>
          %mul3A_2567 = arith.mulf %mul3A_2566, %get3A_2414 : vector<16xf32>
          %add3A_2568 = arith.addf %add3A_2330, %mul3A_2567 : vector<16xf32>
          %add3A_2569 = arith.constant 110 : i32
          %add3A_2570 = arith.addi %add3A_498, %add3A_2569 : i32
          %get3A_2571 = arith.constant 8 : i32
          %get3A_2572 = arith.index_cast %get3A_2571 : i32 to index
          %get3A_2573 = arith.index_cast %add3A_2570 : i32 to index
          %get3A_2574 = tpu.vector_load %arg11[%get3A_2572, %get3A_2573] {strides = array<i32>} : memref<16x5136xf32, #tpu.memory_space<vmem>>, vector<16xf32>,
          %slice3A_2575 = vector.extract_strided_slice %get3A_2574 {offsets = [0], sizes = [1], strides = [1]} : vector<16xf32> to vector<1xf32>
          %squeeze3A_2576 = vector.extract %slice3A_2575[0] : f32 from vector<1xf32>
          %mul3A_2577 = vector.broadcast %squeeze3A_2576 : f32 to vector<16xf32>
          %mul3A_2578 = arith.mulf %mul3A_2577, %get3A_2409 : vector<16xf32>
          %add3A_2579 = arith.addf %add3A_2341, %mul3A_2578 : vector<16xf32>
          %mul3A_2580 = vector.broadcast %squeeze3A_2576 : f32 to vector<16xf32>
          %mul3A_2581 = arith.mulf %mul3A_2580, %get3A_2414 : vector<16xf32>
          %add3A_2582 = arith.addf %add3A_2344, %mul3A_2581 : vector<16xf32>
          %add3A_2583 = arith.constant 120 : i32
          %add3A_2584 = arith.addi %add3A_498, %add3A_2583 : i32
          %get3A_2585 = arith.constant 8 : i32
          %get3A_2586 = arith.index_cast %get3A_2585 : i32 to index
          %get3A_2587 = arith.index_cast %add3A_2584 : i32 to index
          %get3A_2588 = tpu.vector_load %arg11[%get3A_2586, %get3A_2587] {strides = array<i32>} : memref<16x5136xf32, #tpu.memory_space<vmem>>, vector<16xf32>,
          %slice3A_2589 = vector.extract_strided_slice %get3A_2588 {offsets = [0], sizes = [1], strides = [1]} : vector<16xf32> to vector<1xf32>
          %squeeze3A_2590 = vector.extract %slice3A_2589[0] : f32 from vector<1xf32>
          %mul3A_2591 = vector.broadcast %squeeze3A_2590 : f32 to vector<16xf32>
          %mul3A_2592 = arith.mulf %mul3A_2591, %get3A_2409 : vector<16xf32>
          %add3A_2593 = arith.addf %add3A_2355, %mul3A_2592 : vector<16xf32>
          %mul3A_2594 = vector.broadcast %squeeze3A_2590 : f32 to vector<16xf32>
          %mul3A_2595 = arith.mulf %mul3A_2594, %get3A_2414 : vector<16xf32>
          %add3A_2596 = arith.addf %add3A_2358, %mul3A_2595 : vector<16xf32>
          %add3A_2597 = arith.constant 130 : i32
          %add3A_2598 = arith.addi %add3A_498, %add3A_2597 : i32
          %get3A_2599 = arith.constant 8 : i32
          %get3A_2600 = arith.index_cast %get3A_2599 : i32 to index
          %get3A_2601 = arith.index_cast %add3A_2598 : i32 to index
          %get3A_2602 = tpu.vector_load %arg11[%get3A_2600, %get3A_2601] {strides = array<i32>} : memref<16x5136xf32, #tpu.memory_space<vmem>>, vector<16xf32>,
          %slice3A_2603 = vector.extract_strided_slice %get3A_2602 {offsets = [0], sizes = [1], strides = [1]} : vector<16xf32> to vector<1xf32>
          %squeeze3A_2604 = vector.extract %slice3A_2603[0] : f32 from vector<1xf32>
          %mul3A_2605 = vector.broadcast %squeeze3A_2604 : f32 to vector<16xf32>
          %mul3A_2606 = arith.mulf %mul3A_2605, %get3A_2409 : vector<16xf32>
          %add3A_2607 = arith.addf %add3A_2369, %mul3A_2606 : vector<16xf32>
          %mul3A_2608 = vector.broadcast %squeeze3A_2604 : f32 to vector<16xf32>
          %mul3A_2609 = arith.mulf %mul3A_2608, %get3A_2414 : vector<16xf32>
          %add3A_2610 = arith.addf %add3A_2372, %mul3A_2609 : vector<16xf32>
          %add3A_2611 = arith.constant 140 : i32
          %add3A_2612 = arith.addi %add3A_498, %add3A_2611 : i32
          %get3A_2613 = arith.constant 8 : i32
          %get3A_2614 = arith.index_cast %get3A_2613 : i32 to index
          %get3A_2615 = arith.index_cast %add3A_2612 : i32 to index
          %get3A_2616 = tpu.vector_load %arg11[%get3A_2614, %get3A_2615] {strides = array<i32>} : memref<16x5136xf32, #tpu.memory_space<vmem>>, vector<16xf32>,
          %slice3A_2617 = vector.extract_strided_slice %get3A_2616 {offsets = [0], sizes = [1], strides = [1]} : vector<16xf32> to vector<1xf32>
          %squeeze3A_2618 = vector.extract %slice3A_2617[0] : f32 from vector<1xf32>
          %mul3A_2619 = vector.broadcast %squeeze3A_2618 : f32 to vector<16xf32>
          %mul3A_2620 = arith.mulf %mul3A_2619, %get3A_2409 : vector<16xf32>
          %add3A_2621 = arith.addf %add3A_2383, %mul3A_2620 : vector<16xf32>
          %mul3A_2622 = vector.broadcast %squeeze3A_2618 : f32 to vector<16xf32>
          %mul3A_2623 = arith.mulf %mul3A_2622, %get3A_2414 : vector<16xf32>
          %add3A_2624 = arith.addf %add3A_2386, %mul3A_2623 : vector<16xf32>
          %add3A_2625 = arith.constant 150 : i32
          %add3A_2626 = arith.addi %add3A_498, %add3A_2625 : i32
          %get3A_2627 = arith.constant 8 : i32
          %get3A_2628 = arith.index_cast %get3A_2627 : i32 to index
          %get3A_2629 = arith.index_cast %add3A_2626 : i32 to index
          %get3A_2630 = tpu.vector_load %arg11[%get3A_2628, %get3A_2629] {strides = array<i32>} : memref<16x5136xf32, #tpu.memory_space<vmem>>, vector<16xf32>,
          %slice3A_2631 = vector.extract_strided_slice %get3A_2630 {offsets = [0], sizes = [1], strides = [1]} : vector<16xf32> to vector<1xf32>
          %squeeze3A_2632 = vector.extract %slice3A_2631[0] : f32 from vector<1xf32>
          %mul3A_2633 = vector.broadcast %squeeze3A_2632 : f32 to vector<16xf32>
          %mul3A_2634 = arith.mulf %mul3A_2633, %get3A_2409 : vector<16xf32>
          %add3A_2635 = arith.addf %add3A_2397, %mul3A_2634 : vector<16xf32>
          %mul3A_2636 = vector.broadcast %squeeze3A_2632 : f32 to vector<16xf32>
          %mul3A_2637 = arith.mulf %mul3A_2636, %get3A_2414 : vector<16xf32>
          %add3A_2638 = arith.addf %add3A_2400, %mul3A_2637 : vector<16xf32>
          %mul3A_2639 = arith.constant 16 : i32
          %mul3A_2640 = arith.muli %scan3A_463, %mul3A_2639 : i32
          %add3A_2641 = arith.constant 9 : i32
          %add3A_2642 = arith.addi %mul3A_2640, %add3A_2641 : i32
          %mul3A_2643 = arith.constant 2 : i32
          %mul3A_2644 = arith.muli %mul3A_2643, %add3A_2642 : i32
          %get3A_2645 = arith.index_cast %mul3A_2644 : i32 to index
          %get3A_2646 = arith.constant 0 : index
          %get3A_2647 = tpu.vector_load %arg12[%get3A_2645, %get3A_2646] {strides = array<i32>} : memref<320x16xf32, #tpu.memory_space<vmem>>, vector<16xf32>,
          %add3A_2648 = arith.constant 1 : i32
          %add3A_2649 = arith.addi %mul3A_2644, %add3A_2648 : i32
          %get3A_2650 = arith.index_cast %add3A_2649 : i32 to index
          %get3A_2651 = arith.constant 0 : index
          %get3A_2652 = tpu.vector_load %arg12[%get3A_2650, %get3A_2651] {strides = array<i32>} : memref<320x16xf32, #tpu.memory_space<vmem>>, vector<16xf32>,
          %add3A_2653 = arith.constant 0 : i32
          %add3A_2654 = arith.addi %add3A_498, %add3A_2653 : i32
          %get3A_2655 = arith.constant 9 : i32
          %get3A_2656 = arith.index_cast %get3A_2655 : i32 to index
          %get3A_2657 = arith.index_cast %add3A_2654 : i32 to index
          %get3A_2658 = tpu.vector_load %arg11[%get3A_2656, %get3A_2657] {strides = array<i32>} : memref<16x5136xf32, #tpu.memory_space<vmem>>, vector<16xf32>,
          %slice3A_2659 = vector.extract_strided_slice %get3A_2658 {offsets = [0], sizes = [1], strides = [1]} : vector<16xf32> to vector<1xf32>
          %squeeze3A_2660 = vector.extract %slice3A_2659[0] : f32 from vector<1xf32>
          %mul3A_2661 = vector.broadcast %squeeze3A_2660 : f32 to vector<16xf32>
          %mul3A_2662 = arith.mulf %mul3A_2661, %get3A_2647 : vector<16xf32>
          %add3A_2663 = arith.addf %add3A_2425, %mul3A_2662 : vector<16xf32>
          %mul3A_2664 = vector.broadcast %squeeze3A_2660 : f32 to vector<16xf32>
          %mul3A_2665 = arith.mulf %mul3A_2664, %get3A_2652 : vector<16xf32>
          %add3A_2666 = arith.addf %add3A_2428, %mul3A_2665 : vector<16xf32>
          %add3A_2667 = arith.constant 10 : i32
          %add3A_2668 = arith.addi %add3A_498, %add3A_2667 : i32
          %get3A_2669 = arith.constant 9 : i32
          %get3A_2670 = arith.index_cast %get3A_2669 : i32 to index
          %get3A_2671 = arith.index_cast %add3A_2668 : i32 to index
          %get3A_2672 = tpu.vector_load %arg11[%get3A_2670, %get3A_2671] {strides = array<i32>} : memref<16x5136xf32, #tpu.memory_space<vmem>>, vector<16xf32>,
          %slice3A_2673 = vector.extract_strided_slice %get3A_2672 {offsets = [0], sizes = [1], strides = [1]} : vector<16xf32> to vector<1xf32>
          %squeeze3A_2674 = vector.extract %slice3A_2673[0] : f32 from vector<1xf32>
          %mul3A_2675 = vector.broadcast %squeeze3A_2674 : f32 to vector<16xf32>
          %mul3A_2676 = arith.mulf %mul3A_2675, %get3A_2647 : vector<16xf32>
          %add3A_2677 = arith.addf %add3A_2439, %mul3A_2676 : vector<16xf32>
          %mul3A_2678 = vector.broadcast %squeeze3A_2674 : f32 to vector<16xf32>
          %mul3A_2679 = arith.mulf %mul3A_2678, %get3A_2652 : vector<16xf32>
          %add3A_2680 = arith.addf %add3A_2442, %mul3A_2679 : vector<16xf32>
          %add3A_2681 = arith.constant 20 : i32
          %add3A_2682 = arith.addi %add3A_498, %add3A_2681 : i32
          %get3A_2683 = arith.constant 9 : i32
          %get3A_2684 = arith.index_cast %get3A_2683 : i32 to index
          %get3A_2685 = arith.index_cast %add3A_2682 : i32 to index
          %get3A_2686 = tpu.vector_load %arg11[%get3A_2684, %get3A_2685] {strides = array<i32>} : memref<16x5136xf32, #tpu.memory_space<vmem>>, vector<16xf32>,
          %slice3A_2687 = vector.extract_strided_slice %get3A_2686 {offsets = [0], sizes = [1], strides = [1]} : vector<16xf32> to vector<1xf32>
          %squeeze3A_2688 = vector.extract %slice3A_2687[0] : f32 from vector<1xf32>
          %mul3A_2689 = vector.broadcast %squeeze3A_2688 : f32 to vector<16xf32>
          %mul3A_2690 = arith.mulf %mul3A_2689, %get3A_2647 : vector<16xf32>
          %add3A_2691 = arith.addf %add3A_2453, %mul3A_2690 : vector<16xf32>
          %mul3A_2692 = vector.broadcast %squeeze3A_2688 : f32 to vector<16xf32>
          %mul3A_2693 = arith.mulf %mul3A_2692, %get3A_2652 : vector<16xf32>
          %add3A_2694 = arith.addf %add3A_2456, %mul3A_2693 : vector<16xf32>
          %add3A_2695 = arith.constant 30 : i32
          %add3A_2696 = arith.addi %add3A_498, %add3A_2695 : i32
          %get3A_2697 = arith.constant 9 : i32
          %get3A_2698 = arith.index_cast %get3A_2697 : i32 to index
          %get3A_2699 = arith.index_cast %add3A_2696 : i32 to index
          %get3A_2700 = tpu.vector_load %arg11[%get3A_2698, %get3A_2699] {strides = array<i32>} : memref<16x5136xf32, #tpu.memory_space<vmem>>, vector<16xf32>,
          %slice3A_2701 = vector.extract_strided_slice %get3A_2700 {offsets = [0], sizes = [1], strides = [1]} : vector<16xf32> to vector<1xf32>
          %squeeze3A_2702 = vector.extract %slice3A_2701[0] : f32 from vector<1xf32>
          %mul3A_2703 = vector.broadcast %squeeze3A_2702 : f32 to vector<16xf32>
          %mul3A_2704 = arith.mulf %mul3A_2703, %get3A_2647 : vector<16xf32>
          %add3A_2705 = arith.addf %add3A_2467, %mul3A_2704 : vector<16xf32>
          %mul3A_2706 = vector.broadcast %squeeze3A_2702 : f32 to vector<16xf32>
          %mul3A_2707 = arith.mulf %mul3A_2706, %get3A_2652 : vector<16xf32>
          %add3A_2708 = arith.addf %add3A_2470, %mul3A_2707 : vector<16xf32>
          %add3A_2709 = arith.constant 40 : i32
          %add3A_2710 = arith.addi %add3A_498, %add3A_2709 : i32
          %get3A_2711 = arith.constant 9 : i32
          %get3A_2712 = arith.index_cast %get3A_2711 : i32 to index
          %get3A_2713 = arith.index_cast %add3A_2710 : i32 to index
          %get3A_2714 = tpu.vector_load %arg11[%get3A_2712, %get3A_2713] {strides = array<i32>} : memref<16x5136xf32, #tpu.memory_space<vmem>>, vector<16xf32>,
          %slice3A_2715 = vector.extract_strided_slice %get3A_2714 {offsets = [0], sizes = [1], strides = [1]} : vector<16xf32> to vector<1xf32>
          %squeeze3A_2716 = vector.extract %slice3A_2715[0] : f32 from vector<1xf32>
          %mul3A_2717 = vector.broadcast %squeeze3A_2716 : f32 to vector<16xf32>
          %mul3A_2718 = arith.mulf %mul3A_2717, %get3A_2647 : vector<16xf32>
          %add3A_2719 = arith.addf %add3A_2481, %mul3A_2718 : vector<16xf32>
          %mul3A_2720 = vector.broadcast %squeeze3A_2716 : f32 to vector<16xf32>
          %mul3A_2721 = arith.mulf %mul3A_2720, %get3A_2652 : vector<16xf32>
          %add3A_2722 = arith.addf %add3A_2484, %mul3A_2721 : vector<16xf32>
          %add3A_2723 = arith.constant 50 : i32
          %add3A_2724 = arith.addi %add3A_498, %add3A_2723 : i32
          %get3A_2725 = arith.constant 9 : i32
          %get3A_2726 = arith.index_cast %get3A_2725 : i32 to index
          %get3A_2727 = arith.index_cast %add3A_2724 : i32 to index
          %get3A_2728 = tpu.vector_load %arg11[%get3A_2726, %get3A_2727] {strides = array<i32>} : memref<16x5136xf32, #tpu.memory_space<vmem>>, vector<16xf32>,
          %slice3A_2729 = vector.extract_strided_slice %get3A_2728 {offsets = [0], sizes = [1], strides = [1]} : vector<16xf32> to vector<1xf32>
          %squeeze3A_2730 = vector.extract %slice3A_2729[0] : f32 from vector<1xf32>
          %mul3A_2731 = vector.broadcast %squeeze3A_2730 : f32 to vector<16xf32>
          %mul3A_2732 = arith.mulf %mul3A_2731, %get3A_2647 : vector<16xf32>
          %add3A_2733 = arith.addf %add3A_2495, %mul3A_2732 : vector<16xf32>
          %mul3A_2734 = vector.broadcast %squeeze3A_2730 : f32 to vector<16xf32>
          %mul3A_2735 = arith.mulf %mul3A_2734, %get3A_2652 : vector<16xf32>
          %add3A_2736 = arith.addf %add3A_2498, %mul3A_2735 : vector<16xf32>
          %add3A_2737 = arith.constant 60 : i32
          %add3A_2738 = arith.addi %add3A_498, %add3A_2737 : i32
          %get3A_2739 = arith.constant 9 : i32
          %get3A_2740 = arith.index_cast %get3A_2739 : i32 to index
          %get3A_2741 = arith.index_cast %add3A_2738 : i32 to index
          %get3A_2742 = tpu.vector_load %arg11[%get3A_2740, %get3A_2741] {strides = array<i32>} : memref<16x5136xf32, #tpu.memory_space<vmem>>, vector<16xf32>,
          %slice3A_2743 = vector.extract_strided_slice %get3A_2742 {offsets = [0], sizes = [1], strides = [1]} : vector<16xf32> to vector<1xf32>
          %squeeze3A_2744 = vector.extract %slice3A_2743[0] : f32 from vector<1xf32>
          %mul3A_2745 = vector.broadcast %squeeze3A_2744 : f32 to vector<16xf32>
          %mul3A_2746 = arith.mulf %mul3A_2745, %get3A_2647 : vector<16xf32>
          %add3A_2747 = arith.addf %add3A_2509, %mul3A_2746 : vector<16xf32>
          %mul3A_2748 = vector.broadcast %squeeze3A_2744 : f32 to vector<16xf32>
          %mul3A_2749 = arith.mulf %mul3A_2748, %get3A_2652 : vector<16xf32>
          %add3A_2750 = arith.addf %add3A_2512, %mul3A_2749 : vector<16xf32>
          %add3A_2751 = arith.constant 70 : i32
          %add3A_2752 = arith.addi %add3A_498, %add3A_2751 : i32
          %get3A_2753 = arith.constant 9 : i32
          %get3A_2754 = arith.index_cast %get3A_2753 : i32 to index
          %get3A_2755 = arith.index_cast %add3A_2752 : i32 to index
          %get3A_2756 = tpu.vector_load %arg11[%get3A_2754, %get3A_2755] {strides = array<i32>} : memref<16x5136xf32, #tpu.memory_space<vmem>>, vector<16xf32>,
          %slice3A_2757 = vector.extract_strided_slice %get3A_2756 {offsets = [0], sizes = [1], strides = [1]} : vector<16xf32> to vector<1xf32>
          %squeeze3A_2758 = vector.extract %slice3A_2757[0] : f32 from vector<1xf32>
          %mul3A_2759 = vector.broadcast %squeeze3A_2758 : f32 to vector<16xf32>
          %mul3A_2760 = arith.mulf %mul3A_2759, %get3A_2647 : vector<16xf32>
          %add3A_2761 = arith.addf %add3A_2523, %mul3A_2760 : vector<16xf32>
          %mul3A_2762 = vector.broadcast %squeeze3A_2758 : f32 to vector<16xf32>
          %mul3A_2763 = arith.mulf %mul3A_2762, %get3A_2652 : vector<16xf32>
          %add3A_2764 = arith.addf %add3A_2526, %mul3A_2763 : vector<16xf32>
          %add3A_2765 = arith.constant 80 : i32
          %add3A_2766 = arith.addi %add3A_498, %add3A_2765 : i32
          %get3A_2767 = arith.constant 9 : i32
          %get3A_2768 = arith.index_cast %get3A_2767 : i32 to index
          %get3A_2769 = arith.index_cast %add3A_2766 : i32 to index
          %get3A_2770 = tpu.vector_load %arg11[%get3A_2768, %get3A_2769] {strides = array<i32>} : memref<16x5136xf32, #tpu.memory_space<vmem>>, vector<16xf32>,
          %slice3A_2771 = vector.extract_strided_slice %get3A_2770 {offsets = [0], sizes = [1], strides = [1]} : vector<16xf32> to vector<1xf32>
          %squeeze3A_2772 = vector.extract %slice3A_2771[0] : f32 from vector<1xf32>
          %mul3A_2773 = vector.broadcast %squeeze3A_2772 : f32 to vector<16xf32>
          %mul3A_2774 = arith.mulf %mul3A_2773, %get3A_2647 : vector<16xf32>
          %add3A_2775 = arith.addf %add3A_2537, %mul3A_2774 : vector<16xf32>
          %mul3A_2776 = vector.broadcast %squeeze3A_2772 : f32 to vector<16xf32>
          %mul3A_2777 = arith.mulf %mul3A_2776, %get3A_2652 : vector<16xf32>
          %add3A_2778 = arith.addf %add3A_2540, %mul3A_2777 : vector<16xf32>
          %add3A_2779 = arith.constant 90 : i32
          %add3A_2780 = arith.addi %add3A_498, %add3A_2779 : i32
          %get3A_2781 = arith.constant 9 : i32
          %get3A_2782 = arith.index_cast %get3A_2781 : i32 to index
          %get3A_2783 = arith.index_cast %add3A_2780 : i32 to index
          %get3A_2784 = tpu.vector_load %arg11[%get3A_2782, %get3A_2783] {strides = array<i32>} : memref<16x5136xf32, #tpu.memory_space<vmem>>, vector<16xf32>,
          %slice3A_2785 = vector.extract_strided_slice %get3A_2784 {offsets = [0], sizes = [1], strides = [1]} : vector<16xf32> to vector<1xf32>
          %squeeze3A_2786 = vector.extract %slice3A_2785[0] : f32 from vector<1xf32>
          %mul3A_2787 = vector.broadcast %squeeze3A_2786 : f32 to vector<16xf32>
          %mul3A_2788 = arith.mulf %mul3A_2787, %get3A_2647 : vector<16xf32>
          %add3A_2789 = arith.addf %add3A_2551, %mul3A_2788 : vector<16xf32>
          %mul3A_2790 = vector.broadcast %squeeze3A_2786 : f32 to vector<16xf32>
          %mul3A_2791 = arith.mulf %mul3A_2790, %get3A_2652 : vector<16xf32>
          %add3A_2792 = arith.addf %add3A_2554, %mul3A_2791 : vector<16xf32>
          %add3A_2793 = arith.constant 100 : i32
          %add3A_2794 = arith.addi %add3A_498, %add3A_2793 : i32
          %get3A_2795 = arith.constant 9 : i32
          %get3A_2796 = arith.index_cast %get3A_2795 : i32 to index
          %get3A_2797 = arith.index_cast %add3A_2794 : i32 to index
          %get3A_2798 = tpu.vector_load %arg11[%get3A_2796, %get3A_2797] {strides = array<i32>} : memref<16x5136xf32, #tpu.memory_space<vmem>>, vector<16xf32>,
          %slice3A_2799 = vector.extract_strided_slice %get3A_2798 {offsets = [0], sizes = [1], strides = [1]} : vector<16xf32> to vector<1xf32>
          %squeeze3A_2800 = vector.extract %slice3A_2799[0] : f32 from vector<1xf32>
          %mul3A_2801 = vector.broadcast %squeeze3A_2800 : f32 to vector<16xf32>
          %mul3A_2802 = arith.mulf %mul3A_2801, %get3A_2647 : vector<16xf32>
          %add3A_2803 = arith.addf %add3A_2565, %mul3A_2802 : vector<16xf32>
          %mul3A_2804 = vector.broadcast %squeeze3A_2800 : f32 to vector<16xf32>
          %mul3A_2805 = arith.mulf %mul3A_2804, %get3A_2652 : vector<16xf32>
          %add3A_2806 = arith.addf %add3A_2568, %mul3A_2805 : vector<16xf32>
          %add3A_2807 = arith.constant 110 : i32
          %add3A_2808 = arith.addi %add3A_498, %add3A_2807 : i32
          %get3A_2809 = arith.constant 9 : i32
          %get3A_2810 = arith.index_cast %get3A_2809 : i32 to index
          %get3A_2811 = arith.index_cast %add3A_2808 : i32 to index
          %get3A_2812 = tpu.vector_load %arg11[%get3A_2810, %get3A_2811] {strides = array<i32>} : memref<16x5136xf32, #tpu.memory_space<vmem>>, vector<16xf32>,
          %slice3A_2813 = vector.extract_strided_slice %get3A_2812 {offsets = [0], sizes = [1], strides = [1]} : vector<16xf32> to vector<1xf32>
          %squeeze3A_2814 = vector.extract %slice3A_2813[0] : f32 from vector<1xf32>
          %mul3A_2815 = vector.broadcast %squeeze3A_2814 : f32 to vector<16xf32>
          %mul3A_2816 = arith.mulf %mul3A_2815, %get3A_2647 : vector<16xf32>
          %add3A_2817 = arith.addf %add3A_2579, %mul3A_2816 : vector<16xf32>
          %mul3A_2818 = vector.broadcast %squeeze3A_2814 : f32 to vector<16xf32>
          %mul3A_2819 = arith.mulf %mul3A_2818, %get3A_2652 : vector<16xf32>
          %add3A_2820 = arith.addf %add3A_2582, %mul3A_2819 : vector<16xf32>
          %add3A_2821 = arith.constant 120 : i32
          %add3A_2822 = arith.addi %add3A_498, %add3A_2821 : i32
          %get3A_2823 = arith.constant 9 : i32
          %get3A_2824 = arith.index_cast %get3A_2823 : i32 to index
          %get3A_2825 = arith.index_cast %add3A_2822 : i32 to index
          %get3A_2826 = tpu.vector_load %arg11[%get3A_2824, %get3A_2825] {strides = array<i32>} : memref<16x5136xf32, #tpu.memory_space<vmem>>, vector<16xf32>,
          %slice3A_2827 = vector.extract_strided_slice %get3A_2826 {offsets = [0], sizes = [1], strides = [1]} : vector<16xf32> to vector<1xf32>
          %squeeze3A_2828 = vector.extract %slice3A_2827[0] : f32 from vector<1xf32>
          %mul3A_2829 = vector.broadcast %squeeze3A_2828 : f32 to vector<16xf32>
          %mul3A_2830 = arith.mulf %mul3A_2829, %get3A_2647 : vector<16xf32>
          %add3A_2831 = arith.addf %add3A_2593, %mul3A_2830 : vector<16xf32>
          %mul3A_2832 = vector.broadcast %squeeze3A_2828 : f32 to vector<16xf32>
          %mul3A_2833 = arith.mulf %mul3A_2832, %get3A_2652 : vector<16xf32>
          %add3A_2834 = arith.addf %add3A_2596, %mul3A_2833 : vector<16xf32>
          %add3A_2835 = arith.constant 130 : i32
          %add3A_2836 = arith.addi %add3A_498, %add3A_2835 : i32
          %get3A_2837 = arith.constant 9 : i32
          %get3A_2838 = arith.index_cast %get3A_2837 : i32 to index
          %get3A_2839 = arith.index_cast %add3A_2836 : i32 to index
          %get3A_2840 = tpu.vector_load %arg11[%get3A_2838, %get3A_2839] {strides = array<i32>} : memref<16x5136xf32, #tpu.memory_space<vmem>>, vector<16xf32>,
          %slice3A_2841 = vector.extract_strided_slice %get3A_2840 {offsets = [0], sizes = [1], strides = [1]} : vector<16xf32> to vector<1xf32>
          %squeeze3A_2842 = vector.extract %slice3A_2841[0] : f32 from vector<1xf32>
          %mul3A_2843 = vector.broadcast %squeeze3A_2842 : f32 to vector<16xf32>
          %mul3A_2844 = arith.mulf %mul3A_2843, %get3A_2647 : vector<16xf32>
          %add3A_2845 = arith.addf %add3A_2607, %mul3A_2844 : vector<16xf32>
          %mul3A_2846 = vector.broadcast %squeeze3A_2842 : f32 to vector<16xf32>
          %mul3A_2847 = arith.mulf %mul3A_2846, %get3A_2652 : vector<16xf32>
          %add3A_2848 = arith.addf %add3A_2610, %mul3A_2847 : vector<16xf32>
          %add3A_2849 = arith.constant 140 : i32
          %add3A_2850 = arith.addi %add3A_498, %add3A_2849 : i32
          %get3A_2851 = arith.constant 9 : i32
          %get3A_2852 = arith.index_cast %get3A_2851 : i32 to index
          %get3A_2853 = arith.index_cast %add3A_2850 : i32 to index
          %get3A_2854 = tpu.vector_load %arg11[%get3A_2852, %get3A_2853] {strides = array<i32>} : memref<16x5136xf32, #tpu.memory_space<vmem>>, vector<16xf32>,
          %slice3A_2855 = vector.extract_strided_slice %get3A_2854 {offsets = [0], sizes = [1], strides = [1]} : vector<16xf32> to vector<1xf32>
          %squeeze3A_2856 = vector.extract %slice3A_2855[0] : f32 from vector<1xf32>
          %mul3A_2857 = vector.broadcast %squeeze3A_2856 : f32 to vector<16xf32>
          %mul3A_2858 = arith.mulf %mul3A_2857, %get3A_2647 : vector<16xf32>
          %add3A_2859 = arith.addf %add3A_2621, %mul3A_2858 : vector<16xf32>
          %mul3A_2860 = vector.broadcast %squeeze3A_2856 : f32 to vector<16xf32>
          %mul3A_2861 = arith.mulf %mul3A_2860, %get3A_2652 : vector<16xf32>
          %add3A_2862 = arith.addf %add3A_2624, %mul3A_2861 : vector<16xf32>
          %add3A_2863 = arith.constant 150 : i32
          %add3A_2864 = arith.addi %add3A_498, %add3A_2863 : i32
          %get3A_2865 = arith.constant 9 : i32
          %get3A_2866 = arith.index_cast %get3A_2865 : i32 to index
          %get3A_2867 = arith.index_cast %add3A_2864 : i32 to index
          %get3A_2868 = tpu.vector_load %arg11[%get3A_2866, %get3A_2867] {strides = array<i32>} : memref<16x5136xf32, #tpu.memory_space<vmem>>, vector<16xf32>,
          %slice3A_2869 = vector.extract_strided_slice %get3A_2868 {offsets = [0], sizes = [1], strides = [1]} : vector<16xf32> to vector<1xf32>
          %squeeze3A_2870 = vector.extract %slice3A_2869[0] : f32 from vector<1xf32>
          %mul3A_2871 = vector.broadcast %squeeze3A_2870 : f32 to vector<16xf32>
          %mul3A_2872 = arith.mulf %mul3A_2871, %get3A_2647 : vector<16xf32>
          %add3A_2873 = arith.addf %add3A_2635, %mul3A_2872 : vector<16xf32>
          %mul3A_2874 = vector.broadcast %squeeze3A_2870 : f32 to vector<16xf32>
          %mul3A_2875 = arith.mulf %mul3A_2874, %get3A_2652 : vector<16xf32>
          %add3A_2876 = arith.addf %add3A_2638, %mul3A_2875 : vector<16xf32>
          %mul3A_2877 = arith.constant 16 : i32
          %mul3A_2878 = arith.muli %scan3A_463, %mul3A_2877 : i32
          %add3A_2879 = arith.constant 10 : i32
          %add3A_2880 = arith.addi %mul3A_2878, %add3A_2879 : i32
          %mul3A_2881 = arith.constant 2 : i32
          %mul3A_2882 = arith.muli %mul3A_2881, %add3A_2880 : i32
          %get3A_2883 = arith.index_cast %mul3A_2882 : i32 to index
          %get3A_2884 = arith.constant 0 : index
          %get3A_2885 = tpu.vector_load %arg12[%get3A_2883, %get3A_2884] {strides = array<i32>} : memref<320x16xf32, #tpu.memory_space<vmem>>, vector<16xf32>,
          %add3A_2886 = arith.constant 1 : i32
          %add3A_2887 = arith.addi %mul3A_2882, %add3A_2886 : i32
          %get3A_2888 = arith.index_cast %add3A_2887 : i32 to index
          %get3A_2889 = arith.constant 0 : index
          %get3A_2890 = tpu.vector_load %arg12[%get3A_2888, %get3A_2889] {strides = array<i32>} : memref<320x16xf32, #tpu.memory_space<vmem>>, vector<16xf32>,
          %add3A_2891 = arith.constant 0 : i32
          %add3A_2892 = arith.addi %add3A_498, %add3A_2891 : i32
          %get3A_2893 = arith.constant 10 : i32
          %get3A_2894 = arith.index_cast %get3A_2893 : i32 to index
          %get3A_2895 = arith.index_cast %add3A_2892 : i32 to index
          %get3A_2896 = tpu.vector_load %arg11[%get3A_2894, %get3A_2895] {strides = array<i32>} : memref<16x5136xf32, #tpu.memory_space<vmem>>, vector<16xf32>,
          %slice3A_2897 = vector.extract_strided_slice %get3A_2896 {offsets = [0], sizes = [1], strides = [1]} : vector<16xf32> to vector<1xf32>
          %squeeze3A_2898 = vector.extract %slice3A_2897[0] : f32 from vector<1xf32>
          %mul3A_2899 = vector.broadcast %squeeze3A_2898 : f32 to vector<16xf32>
          %mul3A_2900 = arith.mulf %mul3A_2899, %get3A_2885 : vector<16xf32>
          %add3A_2901 = arith.addf %add3A_2663, %mul3A_2900 : vector<16xf32>
          %mul3A_2902 = vector.broadcast %squeeze3A_2898 : f32 to vector<16xf32>
          %mul3A_2903 = arith.mulf %mul3A_2902, %get3A_2890 : vector<16xf32>
          %add3A_2904 = arith.addf %add3A_2666, %mul3A_2903 : vector<16xf32>
          %add3A_2905 = arith.constant 10 : i32
          %add3A_2906 = arith.addi %add3A_498, %add3A_2905 : i32
          %get3A_2907 = arith.constant 10 : i32
          %get3A_2908 = arith.index_cast %get3A_2907 : i32 to index
          %get3A_2909 = arith.index_cast %add3A_2906 : i32 to index
          %get3A_2910 = tpu.vector_load %arg11[%get3A_2908, %get3A_2909] {strides = array<i32>} : memref<16x5136xf32, #tpu.memory_space<vmem>>, vector<16xf32>,
          %slice3A_2911 = vector.extract_strided_slice %get3A_2910 {offsets = [0], sizes = [1], strides = [1]} : vector<16xf32> to vector<1xf32>
          %squeeze3A_2912 = vector.extract %slice3A_2911[0] : f32 from vector<1xf32>
          %mul3A_2913 = vector.broadcast %squeeze3A_2912 : f32 to vector<16xf32>
          %mul3A_2914 = arith.mulf %mul3A_2913, %get3A_2885 : vector<16xf32>
          %add3A_2915 = arith.addf %add3A_2677, %mul3A_2914 : vector<16xf32>
          %mul3A_2916 = vector.broadcast %squeeze3A_2912 : f32 to vector<16xf32>
          %mul3A_2917 = arith.mulf %mul3A_2916, %get3A_2890 : vector<16xf32>
          %add3A_2918 = arith.addf %add3A_2680, %mul3A_2917 : vector<16xf32>
          %add3A_2919 = arith.constant 20 : i32
          %add3A_2920 = arith.addi %add3A_498, %add3A_2919 : i32
          %get3A_2921 = arith.constant 10 : i32
          %get3A_2922 = arith.index_cast %get3A_2921 : i32 to index
          %get3A_2923 = arith.index_cast %add3A_2920 : i32 to index
          %get3A_2924 = tpu.vector_load %arg11[%get3A_2922, %get3A_2923] {strides = array<i32>} : memref<16x5136xf32, #tpu.memory_space<vmem>>, vector<16xf32>,
          %slice3A_2925 = vector.extract_strided_slice %get3A_2924 {offsets = [0], sizes = [1], strides = [1]} : vector<16xf32> to vector<1xf32>
          %squeeze3A_2926 = vector.extract %slice3A_2925[0] : f32 from vector<1xf32>
          %mul3A_2927 = vector.broadcast %squeeze3A_2926 : f32 to vector<16xf32>
          %mul3A_2928 = arith.mulf %mul3A_2927, %get3A_2885 : vector<16xf32>
          %add3A_2929 = arith.addf %add3A_2691, %mul3A_2928 : vector<16xf32>
          %mul3A_2930 = vector.broadcast %squeeze3A_2926 : f32 to vector<16xf32>
          %mul3A_2931 = arith.mulf %mul3A_2930, %get3A_2890 : vector<16xf32>
          %add3A_2932 = arith.addf %add3A_2694, %mul3A_2931 : vector<16xf32>
          %add3A_2933 = arith.constant 30 : i32
          %add3A_2934 = arith.addi %add3A_498, %add3A_2933 : i32
          %get3A_2935 = arith.constant 10 : i32
          %get3A_2936 = arith.index_cast %get3A_2935 : i32 to index
          %get3A_2937 = arith.index_cast %add3A_2934 : i32 to index
          %get3A_2938 = tpu.vector_load %arg11[%get3A_2936, %get3A_2937] {strides = array<i32>} : memref<16x5136xf32, #tpu.memory_space<vmem>>, vector<16xf32>,
          %slice3A_2939 = vector.extract_strided_slice %get3A_2938 {offsets = [0], sizes = [1], strides = [1]} : vector<16xf32> to vector<1xf32>
          %squeeze3A_2940 = vector.extract %slice3A_2939[0] : f32 from vector<1xf32>
          %mul3A_2941 = vector.broadcast %squeeze3A_2940 : f32 to vector<16xf32>
          %mul3A_2942 = arith.mulf %mul3A_2941, %get3A_2885 : vector<16xf32>
          %add3A_2943 = arith.addf %add3A_2705, %mul3A_2942 : vector<16xf32>
          %mul3A_2944 = vector.broadcast %squeeze3A_2940 : f32 to vector<16xf32>
          %mul3A_2945 = arith.mulf %mul3A_2944, %get3A_2890 : vector<16xf32>
          %add3A_2946 = arith.addf %add3A_2708, %mul3A_2945 : vector<16xf32>
          %add3A_2947 = arith.constant 40 : i32
          %add3A_2948 = arith.addi %add3A_498, %add3A_2947 : i32
          %get3A_2949 = arith.constant 10 : i32
          %get3A_2950 = arith.index_cast %get3A_2949 : i32 to index
          %get3A_2951 = arith.index_cast %add3A_2948 : i32 to index
          %get3A_2952 = tpu.vector_load %arg11[%get3A_2950, %get3A_2951] {strides = array<i32>} : memref<16x5136xf32, #tpu.memory_space<vmem>>, vector<16xf32>,
          %slice3A_2953 = vector.extract_strided_slice %get3A_2952 {offsets = [0], sizes = [1], strides = [1]} : vector<16xf32> to vector<1xf32>
          %squeeze3A_2954 = vector.extract %slice3A_2953[0] : f32 from vector<1xf32>
          %mul3A_2955 = vector.broadcast %squeeze3A_2954 : f32 to vector<16xf32>
          %mul3A_2956 = arith.mulf %mul3A_2955, %get3A_2885 : vector<16xf32>
          %add3A_2957 = arith.addf %add3A_2719, %mul3A_2956 : vector<16xf32>
          %mul3A_2958 = vector.broadcast %squeeze3A_2954 : f32 to vector<16xf32>
          %mul3A_2959 = arith.mulf %mul3A_2958, %get3A_2890 : vector<16xf32>
          %add3A_2960 = arith.addf %add3A_2722, %mul3A_2959 : vector<16xf32>
          %add3A_2961 = arith.constant 50 : i32
          %add3A_2962 = arith.addi %add3A_498, %add3A_2961 : i32
          %get3A_2963 = arith.constant 10 : i32
          %get3A_2964 = arith.index_cast %get3A_2963 : i32 to index
          %get3A_2965 = arith.index_cast %add3A_2962 : i32 to index
          %get3A_2966 = tpu.vector_load %arg11[%get3A_2964, %get3A_2965] {strides = array<i32>} : memref<16x5136xf32, #tpu.memory_space<vmem>>, vector<16xf32>,
          %slice3A_2967 = vector.extract_strided_slice %get3A_2966 {offsets = [0], sizes = [1], strides = [1]} : vector<16xf32> to vector<1xf32>
          %squeeze3A_2968 = vector.extract %slice3A_2967[0] : f32 from vector<1xf32>
          %mul3A_2969 = vector.broadcast %squeeze3A_2968 : f32 to vector<16xf32>
          %mul3A_2970 = arith.mulf %mul3A_2969, %get3A_2885 : vector<16xf32>
          %add3A_2971 = arith.addf %add3A_2733, %mul3A_2970 : vector<16xf32>
          %mul3A_2972 = vector.broadcast %squeeze3A_2968 : f32 to vector<16xf32>
          %mul3A_2973 = arith.mulf %mul3A_2972, %get3A_2890 : vector<16xf32>
          %add3A_2974 = arith.addf %add3A_2736, %mul3A_2973 : vector<16xf32>
          %add3A_2975 = arith.constant 60 : i32
          %add3A_2976 = arith.addi %add3A_498, %add3A_2975 : i32
          %get3A_2977 = arith.constant 10 : i32
          %get3A_2978 = arith.index_cast %get3A_2977 : i32 to index
          %get3A_2979 = arith.index_cast %add3A_2976 : i32 to index
          %get3A_2980 = tpu.vector_load %arg11[%get3A_2978, %get3A_2979] {strides = array<i32>} : memref<16x5136xf32, #tpu.memory_space<vmem>>, vector<16xf32>,
          %slice3A_2981 = vector.extract_strided_slice %get3A_2980 {offsets = [0], sizes = [1], strides = [1]} : vector<16xf32> to vector<1xf32>
          %squeeze3A_2982 = vector.extract %slice3A_2981[0] : f32 from vector<1xf32>
          %mul3A_2983 = vector.broadcast %squeeze3A_2982 : f32 to vector<16xf32>
          %mul3A_2984 = arith.mulf %mul3A_2983, %get3A_2885 : vector<16xf32>
          %add3A_2985 = arith.addf %add3A_2747, %mul3A_2984 : vector<16xf32>
          %mul3A_2986 = vector.broadcast %squeeze3A_2982 : f32 to vector<16xf32>
          %mul3A_2987 = arith.mulf %mul3A_2986, %get3A_2890 : vector<16xf32>
          %add3A_2988 = arith.addf %add3A_2750, %mul3A_2987 : vector<16xf32>
          %add3A_2989 = arith.constant 70 : i32
          %add3A_2990 = arith.addi %add3A_498, %add3A_2989 : i32
          %get3A_2991 = arith.constant 10 : i32
          %get3A_2992 = arith.index_cast %get3A_2991 : i32 to index
          %get3A_2993 = arith.index_cast %add3A_2990 : i32 to index
          %get3A_2994 = tpu.vector_load %arg11[%get3A_2992, %get3A_2993] {strides = array<i32>} : memref<16x5136xf32, #tpu.memory_space<vmem>>, vector<16xf32>,
          %slice3A_2995 = vector.extract_strided_slice %get3A_2994 {offsets = [0], sizes = [1], strides = [1]} : vector<16xf32> to vector<1xf32>
          %squeeze3A_2996 = vector.extract %slice3A_2995[0] : f32 from vector<1xf32>
          %mul3A_2997 = vector.broadcast %squeeze3A_2996 : f32 to vector<16xf32>
          %mul3A_2998 = arith.mulf %mul3A_2997, %get3A_2885 : vector<16xf32>
          %add3A_2999 = arith.addf %add3A_2761, %mul3A_2998 : vector<16xf32>
          %mul3A_3000 = vector.broadcast %squeeze3A_2996 : f32 to vector<16xf32>
          %mul3A_3001 = arith.mulf %mul3A_3000, %get3A_2890 : vector<16xf32>
          %add3A_3002 = arith.addf %add3A_2764, %mul3A_3001 : vector<16xf32>
          %add3A_3003 = arith.constant 80 : i32
          %add3A_3004 = arith.addi %add3A_498, %add3A_3003 : i32
          %get3A_3005 = arith.constant 10 : i32
          %get3A_3006 = arith.index_cast %get3A_3005 : i32 to index
          %get3A_3007 = arith.index_cast %add3A_3004 : i32 to index
          %get3A_3008 = tpu.vector_load %arg11[%get3A_3006, %get3A_3007] {strides = array<i32>} : memref<16x5136xf32, #tpu.memory_space<vmem>>, vector<16xf32>,
          %slice3A_3009 = vector.extract_strided_slice %get3A_3008 {offsets = [0], sizes = [1], strides = [1]} : vector<16xf32> to vector<1xf32>
          %squeeze3A_3010 = vector.extract %slice3A_3009[0] : f32 from vector<1xf32>
          %mul3A_3011 = vector.broadcast %squeeze3A_3010 : f32 to vector<16xf32>
          %mul3A_3012 = arith.mulf %mul3A_3011, %get3A_2885 : vector<16xf32>
          %add3A_3013 = arith.addf %add3A_2775, %mul3A_3012 : vector<16xf32>
          %mul3A_3014 = vector.broadcast %squeeze3A_3010 : f32 to vector<16xf32>
          %mul3A_3015 = arith.mulf %mul3A_3014, %get3A_2890 : vector<16xf32>
          %add3A_3016 = arith.addf %add3A_2778, %mul3A_3015 : vector<16xf32>
          %add3A_3017 = arith.constant 90 : i32
          %add3A_3018 = arith.addi %add3A_498, %add3A_3017 : i32
          %get3A_3019 = arith.constant 10 : i32
          %get3A_3020 = arith.index_cast %get3A_3019 : i32 to index
          %get3A_3021 = arith.index_cast %add3A_3018 : i32 to index
          %get3A_3022 = tpu.vector_load %arg11[%get3A_3020, %get3A_3021] {strides = array<i32>} : memref<16x5136xf32, #tpu.memory_space<vmem>>, vector<16xf32>,
          %slice3A_3023 = vector.extract_strided_slice %get3A_3022 {offsets = [0], sizes = [1], strides = [1]} : vector<16xf32> to vector<1xf32>
          %squeeze3A_3024 = vector.extract %slice3A_3023[0] : f32 from vector<1xf32>
          %mul3A_3025 = vector.broadcast %squeeze3A_3024 : f32 to vector<16xf32>
          %mul3A_3026 = arith.mulf %mul3A_3025, %get3A_2885 : vector<16xf32>
          %add3A_3027 = arith.addf %add3A_2789, %mul3A_3026 : vector<16xf32>
          %mul3A_3028 = vector.broadcast %squeeze3A_3024 : f32 to vector<16xf32>
          %mul3A_3029 = arith.mulf %mul3A_3028, %get3A_2890 : vector<16xf32>
          %add3A_3030 = arith.addf %add3A_2792, %mul3A_3029 : vector<16xf32>
          %add3A_3031 = arith.constant 100 : i32
          %add3A_3032 = arith.addi %add3A_498, %add3A_3031 : i32
          %get3A_3033 = arith.constant 10 : i32
          %get3A_3034 = arith.index_cast %get3A_3033 : i32 to index
          %get3A_3035 = arith.index_cast %add3A_3032 : i32 to index
          %get3A_3036 = tpu.vector_load %arg11[%get3A_3034, %get3A_3035] {strides = array<i32>} : memref<16x5136xf32, #tpu.memory_space<vmem>>, vector<16xf32>,
          %slice3A_3037 = vector.extract_strided_slice %get3A_3036 {offsets = [0], sizes = [1], strides = [1]} : vector<16xf32> to vector<1xf32>
          %squeeze3A_3038 = vector.extract %slice3A_3037[0] : f32 from vector<1xf32>
          %mul3A_3039 = vector.broadcast %squeeze3A_3038 : f32 to vector<16xf32>
          %mul3A_3040 = arith.mulf %mul3A_3039, %get3A_2885 : vector<16xf32>
          %add3A_3041 = arith.addf %add3A_2803, %mul3A_3040 : vector<16xf32>
          %mul3A_3042 = vector.broadcast %squeeze3A_3038 : f32 to vector<16xf32>
          %mul3A_3043 = arith.mulf %mul3A_3042, %get3A_2890 : vector<16xf32>
          %add3A_3044 = arith.addf %add3A_2806, %mul3A_3043 : vector<16xf32>
          %add3A_3045 = arith.constant 110 : i32
          %add3A_3046 = arith.addi %add3A_498, %add3A_3045 : i32
          %get3A_3047 = arith.constant 10 : i32
          %get3A_3048 = arith.index_cast %get3A_3047 : i32 to index
          %get3A_3049 = arith.index_cast %add3A_3046 : i32 to index
          %get3A_3050 = tpu.vector_load %arg11[%get3A_3048, %get3A_3049] {strides = array<i32>} : memref<16x5136xf32, #tpu.memory_space<vmem>>, vector<16xf32>,
          %slice3A_3051 = vector.extract_strided_slice %get3A_3050 {offsets = [0], sizes = [1], strides = [1]} : vector<16xf32> to vector<1xf32>
          %squeeze3A_3052 = vector.extract %slice3A_3051[0] : f32 from vector<1xf32>
          %mul3A_3053 = vector.broadcast %squeeze3A_3052 : f32 to vector<16xf32>
          %mul3A_3054 = arith.mulf %mul3A_3053, %get3A_2885 : vector<16xf32>
          %add3A_3055 = arith.addf %add3A_2817, %mul3A_3054 : vector<16xf32>
          %mul3A_3056 = vector.broadcast %squeeze3A_3052 : f32 to vector<16xf32>
          %mul3A_3057 = arith.mulf %mul3A_3056, %get3A_2890 : vector<16xf32>
          %add3A_3058 = arith.addf %add3A_2820, %mul3A_3057 : vector<16xf32>
          %add3A_3059 = arith.constant 120 : i32
          %add3A_3060 = arith.addi %add3A_498, %add3A_3059 : i32
          %get3A_3061 = arith.constant 10 : i32
          %get3A_3062 = arith.index_cast %get3A_3061 : i32 to index
          %get3A_3063 = arith.index_cast %add3A_3060 : i32 to index
          %get3A_3064 = tpu.vector_load %arg11[%get3A_3062, %get3A_3063] {strides = array<i32>} : memref<16x5136xf32, #tpu.memory_space<vmem>>, vector<16xf32>,
          %slice3A_3065 = vector.extract_strided_slice %get3A_3064 {offsets = [0], sizes = [1], strides = [1]} : vector<16xf32> to vector<1xf32>
          %squeeze3A_3066 = vector.extract %slice3A_3065[0] : f32 from vector<1xf32>
          %mul3A_3067 = vector.broadcast %squeeze3A_3066 : f32 to vector<16xf32>
          %mul3A_3068 = arith.mulf %mul3A_3067, %get3A_2885 : vector<16xf32>
          %add3A_3069 = arith.addf %add3A_2831, %mul3A_3068 : vector<16xf32>
          %mul3A_3070 = vector.broadcast %squeeze3A_3066 : f32 to vector<16xf32>
          %mul3A_3071 = arith.mulf %mul3A_3070, %get3A_2890 : vector<16xf32>
          %add3A_3072 = arith.addf %add3A_2834, %mul3A_3071 : vector<16xf32>
          %add3A_3073 = arith.constant 130 : i32
          %add3A_3074 = arith.addi %add3A_498, %add3A_3073 : i32
          %get3A_3075 = arith.constant 10 : i32
          %get3A_3076 = arith.index_cast %get3A_3075 : i32 to index
          %get3A_3077 = arith.index_cast %add3A_3074 : i32 to index
          %get3A_3078 = tpu.vector_load %arg11[%get3A_3076, %get3A_3077] {strides = array<i32>} : memref<16x5136xf32, #tpu.memory_space<vmem>>, vector<16xf32>,
          %slice3A_3079 = vector.extract_strided_slice %get3A_3078 {offsets = [0], sizes = [1], strides = [1]} : vector<16xf32> to vector<1xf32>
          %squeeze3A_3080 = vector.extract %slice3A_3079[0] : f32 from vector<1xf32>
          %mul3A_3081 = vector.broadcast %squeeze3A_3080 : f32 to vector<16xf32>
          %mul3A_3082 = arith.mulf %mul3A_3081, %get3A_2885 : vector<16xf32>
          %add3A_3083 = arith.addf %add3A_2845, %mul3A_3082 : vector<16xf32>
          %mul3A_3084 = vector.broadcast %squeeze3A_3080 : f32 to vector<16xf32>
          %mul3A_3085 = arith.mulf %mul3A_3084, %get3A_2890 : vector<16xf32>
          %add3A_3086 = arith.addf %add3A_2848, %mul3A_3085 : vector<16xf32>
          %add3A_3087 = arith.constant 140 : i32
          %add3A_3088 = arith.addi %add3A_498, %add3A_3087 : i32
          %get3A_3089 = arith.constant 10 : i32
          %get3A_3090 = arith.index_cast %get3A_3089 : i32 to index
          %get3A_3091 = arith.index_cast %add3A_3088 : i32 to index
          %get3A_3092 = tpu.vector_load %arg11[%get3A_3090, %get3A_3091] {strides = array<i32>} : memref<16x5136xf32, #tpu.memory_space<vmem>>, vector<16xf32>,
          %slice3A_3093 = vector.extract_strided_slice %get3A_3092 {offsets = [0], sizes = [1], strides = [1]} : vector<16xf32> to vector<1xf32>
          %squeeze3A_3094 = vector.extract %slice3A_3093[0] : f32 from vector<1xf32>
          %mul3A_3095 = vector.broadcast %squeeze3A_3094 : f32 to vector<16xf32>
          %mul3A_3096 = arith.mulf %mul3A_3095, %get3A_2885 : vector<16xf32>
          %add3A_3097 = arith.addf %add3A_2859, %mul3A_3096 : vector<16xf32>
          %mul3A_3098 = vector.broadcast %squeeze3A_3094 : f32 to vector<16xf32>
          %mul3A_3099 = arith.mulf %mul3A_3098, %get3A_2890 : vector<16xf32>
          %add3A_3100 = arith.addf %add3A_2862, %mul3A_3099 : vector<16xf32>
          %add3A_3101 = arith.constant 150 : i32
          %add3A_3102 = arith.addi %add3A_498, %add3A_3101 : i32
          %get3A_3103 = arith.constant 10 : i32
          %get3A_3104 = arith.index_cast %get3A_3103 : i32 to index
          %get3A_3105 = arith.index_cast %add3A_3102 : i32 to index
          %get3A_3106 = tpu.vector_load %arg11[%get3A_3104, %get3A_3105] {strides = array<i32>} : memref<16x5136xf32, #tpu.memory_space<vmem>>, vector<16xf32>,
          %slice3A_3107 = vector.extract_strided_slice %get3A_3106 {offsets = [0], sizes = [1], strides = [1]} : vector<16xf32> to vector<1xf32>
          %squeeze3A_3108 = vector.extract %slice3A_3107[0] : f32 from vector<1xf32>
          %mul3A_3109 = vector.broadcast %squeeze3A_3108 : f32 to vector<16xf32>
          %mul3A_3110 = arith.mulf %mul3A_3109, %get3A_2885 : vector<16xf32>
          %add3A_3111 = arith.addf %add3A_2873, %mul3A_3110 : vector<16xf32>
          %mul3A_3112 = vector.broadcast %squeeze3A_3108 : f32 to vector<16xf32>
          %mul3A_3113 = arith.mulf %mul3A_3112, %get3A_2890 : vector<16xf32>
          %add3A_3114 = arith.addf %add3A_2876, %mul3A_3113 : vector<16xf32>
          %mul3A_3115 = arith.constant 16 : i32
          %mul3A_3116 = arith.muli %scan3A_463, %mul3A_3115 : i32
          %add3A_3117 = arith.constant 11 : i32
          %add3A_3118 = arith.addi %mul3A_3116, %add3A_3117 : i32
          %mul3A_3119 = arith.constant 2 : i32
          %mul3A_3120 = arith.muli %mul3A_3119, %add3A_3118 : i32
          %get3A_3121 = arith.index_cast %mul3A_3120 : i32 to index
          %get3A_3122 = arith.constant 0 : index
          %get3A_3123 = tpu.vector_load %arg12[%get3A_3121, %get3A_3122] {strides = array<i32>} : memref<320x16xf32, #tpu.memory_space<vmem>>, vector<16xf32>,
          %add3A_3124 = arith.constant 1 : i32
          %add3A_3125 = arith.addi %mul3A_3120, %add3A_3124 : i32
          %get3A_3126 = arith.index_cast %add3A_3125 : i32 to index
          %get3A_3127 = arith.constant 0 : index
          %get3A_3128 = tpu.vector_load %arg12[%get3A_3126, %get3A_3127] {strides = array<i32>} : memref<320x16xf32, #tpu.memory_space<vmem>>, vector<16xf32>,
          %add3A_3129 = arith.constant 0 : i32
          %add3A_3130 = arith.addi %add3A_498, %add3A_3129 : i32
          %get3A_3131 = arith.constant 11 : i32
          %get3A_3132 = arith.index_cast %get3A_3131 : i32 to index
          %get3A_3133 = arith.index_cast %add3A_3130 : i32 to index
          %get3A_3134 = tpu.vector_load %arg11[%get3A_3132, %get3A_3133] {strides = array<i32>} : memref<16x5136xf32, #tpu.memory_space<vmem>>, vector<16xf32>,
          %slice3A_3135 = vector.extract_strided_slice %get3A_3134 {offsets = [0], sizes = [1], strides = [1]} : vector<16xf32> to vector<1xf32>
          %squeeze3A_3136 = vector.extract %slice3A_3135[0] : f32 from vector<1xf32>
          %mul3A_3137 = vector.broadcast %squeeze3A_3136 : f32 to vector<16xf32>
          %mul3A_3138 = arith.mulf %mul3A_3137, %get3A_3123 : vector<16xf32>
          %add3A_3139 = arith.addf %add3A_2901, %mul3A_3138 : vector<16xf32>
          %mul3A_3140 = vector.broadcast %squeeze3A_3136 : f32 to vector<16xf32>
          %mul3A_3141 = arith.mulf %mul3A_3140, %get3A_3128 : vector<16xf32>
          %add3A_3142 = arith.addf %add3A_2904, %mul3A_3141 : vector<16xf32>
          %add3A_3143 = arith.constant 10 : i32
          %add3A_3144 = arith.addi %add3A_498, %add3A_3143 : i32
          %get3A_3145 = arith.constant 11 : i32
          %get3A_3146 = arith.index_cast %get3A_3145 : i32 to index
          %get3A_3147 = arith.index_cast %add3A_3144 : i32 to index
          %get3A_3148 = tpu.vector_load %arg11[%get3A_3146, %get3A_3147] {strides = array<i32>} : memref<16x5136xf32, #tpu.memory_space<vmem>>, vector<16xf32>,
          %slice3A_3149 = vector.extract_strided_slice %get3A_3148 {offsets = [0], sizes = [1], strides = [1]} : vector<16xf32> to vector<1xf32>
          %squeeze3A_3150 = vector.extract %slice3A_3149[0] : f32 from vector<1xf32>
          %mul3A_3151 = vector.broadcast %squeeze3A_3150 : f32 to vector<16xf32>
          %mul3A_3152 = arith.mulf %mul3A_3151, %get3A_3123 : vector<16xf32>
          %add3A_3153 = arith.addf %add3A_2915, %mul3A_3152 : vector<16xf32>
          %mul3A_3154 = vector.broadcast %squeeze3A_3150 : f32 to vector<16xf32>
          %mul3A_3155 = arith.mulf %mul3A_3154, %get3A_3128 : vector<16xf32>
          %add3A_3156 = arith.addf %add3A_2918, %mul3A_3155 : vector<16xf32>
          %add3A_3157 = arith.constant 20 : i32
          %add3A_3158 = arith.addi %add3A_498, %add3A_3157 : i32
          %get3A_3159 = arith.constant 11 : i32
          %get3A_3160 = arith.index_cast %get3A_3159 : i32 to index
          %get3A_3161 = arith.index_cast %add3A_3158 : i32 to index
          %get3A_3162 = tpu.vector_load %arg11[%get3A_3160, %get3A_3161] {strides = array<i32>} : memref<16x5136xf32, #tpu.memory_space<vmem>>, vector<16xf32>,
          %slice3A_3163 = vector.extract_strided_slice %get3A_3162 {offsets = [0], sizes = [1], strides = [1]} : vector<16xf32> to vector<1xf32>
          %squeeze3A_3164 = vector.extract %slice3A_3163[0] : f32 from vector<1xf32>
          %mul3A_3165 = vector.broadcast %squeeze3A_3164 : f32 to vector<16xf32>
          %mul3A_3166 = arith.mulf %mul3A_3165, %get3A_3123 : vector<16xf32>
          %add3A_3167 = arith.addf %add3A_2929, %mul3A_3166 : vector<16xf32>
          %mul3A_3168 = vector.broadcast %squeeze3A_3164 : f32 to vector<16xf32>
          %mul3A_3169 = arith.mulf %mul3A_3168, %get3A_3128 : vector<16xf32>
          %add3A_3170 = arith.addf %add3A_2932, %mul3A_3169 : vector<16xf32>
          %add3A_3171 = arith.constant 30 : i32
          %add3A_3172 = arith.addi %add3A_498, %add3A_3171 : i32
          %get3A_3173 = arith.constant 11 : i32
          %get3A_3174 = arith.index_cast %get3A_3173 : i32 to index
          %get3A_3175 = arith.index_cast %add3A_3172 : i32 to index
          %get3A_3176 = tpu.vector_load %arg11[%get3A_3174, %get3A_3175] {strides = array<i32>} : memref<16x5136xf32, #tpu.memory_space<vmem>>, vector<16xf32>,
          %slice3A_3177 = vector.extract_strided_slice %get3A_3176 {offsets = [0], sizes = [1], strides = [1]} : vector<16xf32> to vector<1xf32>
          %squeeze3A_3178 = vector.extract %slice3A_3177[0] : f32 from vector<1xf32>
          %mul3A_3179 = vector.broadcast %squeeze3A_3178 : f32 to vector<16xf32>
          %mul3A_3180 = arith.mulf %mul3A_3179, %get3A_3123 : vector<16xf32>
          %add3A_3181 = arith.addf %add3A_2943, %mul3A_3180 : vector<16xf32>
          %mul3A_3182 = vector.broadcast %squeeze3A_3178 : f32 to vector<16xf32>
          %mul3A_3183 = arith.mulf %mul3A_3182, %get3A_3128 : vector<16xf32>
          %add3A_3184 = arith.addf %add3A_2946, %mul3A_3183 : vector<16xf32>
          %add3A_3185 = arith.constant 40 : i32
          %add3A_3186 = arith.addi %add3A_498, %add3A_3185 : i32
          %get3A_3187 = arith.constant 11 : i32
          %get3A_3188 = arith.index_cast %get3A_3187 : i32 to index
          %get3A_3189 = arith.index_cast %add3A_3186 : i32 to index
          %get3A_3190 = tpu.vector_load %arg11[%get3A_3188, %get3A_3189] {strides = array<i32>} : memref<16x5136xf32, #tpu.memory_space<vmem>>, vector<16xf32>,
          %slice3A_3191 = vector.extract_strided_slice %get3A_3190 {offsets = [0], sizes = [1], strides = [1]} : vector<16xf32> to vector<1xf32>
          %squeeze3A_3192 = vector.extract %slice3A_3191[0] : f32 from vector<1xf32>
          %mul3A_3193 = vector.broadcast %squeeze3A_3192 : f32 to vector<16xf32>
          %mul3A_3194 = arith.mulf %mul3A_3193, %get3A_3123 : vector<16xf32>
          %add3A_3195 = arith.addf %add3A_2957, %mul3A_3194 : vector<16xf32>
          %mul3A_3196 = vector.broadcast %squeeze3A_3192 : f32 to vector<16xf32>
          %mul3A_3197 = arith.mulf %mul3A_3196, %get3A_3128 : vector<16xf32>
          %add3A_3198 = arith.addf %add3A_2960, %mul3A_3197 : vector<16xf32>
          %add3A_3199 = arith.constant 50 : i32
          %add3A_3200 = arith.addi %add3A_498, %add3A_3199 : i32
          %get3A_3201 = arith.constant 11 : i32
          %get3A_3202 = arith.index_cast %get3A_3201 : i32 to index
          %get3A_3203 = arith.index_cast %add3A_3200 : i32 to index
          %get3A_3204 = tpu.vector_load %arg11[%get3A_3202, %get3A_3203] {strides = array<i32>} : memref<16x5136xf32, #tpu.memory_space<vmem>>, vector<16xf32>,
          %slice3A_3205 = vector.extract_strided_slice %get3A_3204 {offsets = [0], sizes = [1], strides = [1]} : vector<16xf32> to vector<1xf32>
          %squeeze3A_3206 = vector.extract %slice3A_3205[0] : f32 from vector<1xf32>
          %mul3A_3207 = vector.broadcast %squeeze3A_3206 : f32 to vector<16xf32>
          %mul3A_3208 = arith.mulf %mul3A_3207, %get3A_3123 : vector<16xf32>
          %add3A_3209 = arith.addf %add3A_2971, %mul3A_3208 : vector<16xf32>
          %mul3A_3210 = vector.broadcast %squeeze3A_3206 : f32 to vector<16xf32>
          %mul3A_3211 = arith.mulf %mul3A_3210, %get3A_3128 : vector<16xf32>
          %add3A_3212 = arith.addf %add3A_2974, %mul3A_3211 : vector<16xf32>
          %add3A_3213 = arith.constant 60 : i32
          %add3A_3214 = arith.addi %add3A_498, %add3A_3213 : i32
          %get3A_3215 = arith.constant 11 : i32
          %get3A_3216 = arith.index_cast %get3A_3215 : i32 to index
          %get3A_3217 = arith.index_cast %add3A_3214 : i32 to index
          %get3A_3218 = tpu.vector_load %arg11[%get3A_3216, %get3A_3217] {strides = array<i32>} : memref<16x5136xf32, #tpu.memory_space<vmem>>, vector<16xf32>,
          %slice3A_3219 = vector.extract_strided_slice %get3A_3218 {offsets = [0], sizes = [1], strides = [1]} : vector<16xf32> to vector<1xf32>
          %squeeze3A_3220 = vector.extract %slice3A_3219[0] : f32 from vector<1xf32>
          %mul3A_3221 = vector.broadcast %squeeze3A_3220 : f32 to vector<16xf32>
          %mul3A_3222 = arith.mulf %mul3A_3221, %get3A_3123 : vector<16xf32>
          %add3A_3223 = arith.addf %add3A_2985, %mul3A_3222 : vector<16xf32>
          %mul3A_3224 = vector.broadcast %squeeze3A_3220 : f32 to vector<16xf32>
          %mul3A_3225 = arith.mulf %mul3A_3224, %get3A_3128 : vector<16xf32>
          %add3A_3226 = arith.addf %add3A_2988, %mul3A_3225 : vector<16xf32>
          %add3A_3227 = arith.constant 70 : i32
          %add3A_3228 = arith.addi %add3A_498, %add3A_3227 : i32
          %get3A_3229 = arith.constant 11 : i32
          %get3A_3230 = arith.index_cast %get3A_3229 : i32 to index
          %get3A_3231 = arith.index_cast %add3A_3228 : i32 to index
          %get3A_3232 = tpu.vector_load %arg11[%get3A_3230, %get3A_3231] {strides = array<i32>} : memref<16x5136xf32, #tpu.memory_space<vmem>>, vector<16xf32>,
          %slice3A_3233 = vector.extract_strided_slice %get3A_3232 {offsets = [0], sizes = [1], strides = [1]} : vector<16xf32> to vector<1xf32>
          %squeeze3A_3234 = vector.extract %slice3A_3233[0] : f32 from vector<1xf32>
          %mul3A_3235 = vector.broadcast %squeeze3A_3234 : f32 to vector<16xf32>
          %mul3A_3236 = arith.mulf %mul3A_3235, %get3A_3123 : vector<16xf32>
          %add3A_3237 = arith.addf %add3A_2999, %mul3A_3236 : vector<16xf32>
          %mul3A_3238 = vector.broadcast %squeeze3A_3234 : f32 to vector<16xf32>
          %mul3A_3239 = arith.mulf %mul3A_3238, %get3A_3128 : vector<16xf32>
          %add3A_3240 = arith.addf %add3A_3002, %mul3A_3239 : vector<16xf32>
          %add3A_3241 = arith.constant 80 : i32
          %add3A_3242 = arith.addi %add3A_498, %add3A_3241 : i32
          %get3A_3243 = arith.constant 11 : i32
          %get3A_3244 = arith.index_cast %get3A_3243 : i32 to index
          %get3A_3245 = arith.index_cast %add3A_3242 : i32 to index
          %get3A_3246 = tpu.vector_load %arg11[%get3A_3244, %get3A_3245] {strides = array<i32>} : memref<16x5136xf32, #tpu.memory_space<vmem>>, vector<16xf32>,
          %slice3A_3247 = vector.extract_strided_slice %get3A_3246 {offsets = [0], sizes = [1], strides = [1]} : vector<16xf32> to vector<1xf32>
          %squeeze3A_3248 = vector.extract %slice3A_3247[0] : f32 from vector<1xf32>
          %mul3A_3249 = vector.broadcast %squeeze3A_3248 : f32 to vector<16xf32>
          %mul3A_3250 = arith.mulf %mul3A_3249, %get3A_3123 : vector<16xf32>
          %add3A_3251 = arith.addf %add3A_3013, %mul3A_3250 : vector<16xf32>
          %mul3A_3252 = vector.broadcast %squeeze3A_3248 : f32 to vector<16xf32>
          %mul3A_3253 = arith.mulf %mul3A_3252, %get3A_3128 : vector<16xf32>
          %add3A_3254 = arith.addf %add3A_3016, %mul3A_3253 : vector<16xf32>
          %add3A_3255 = arith.constant 90 : i32
          %add3A_3256 = arith.addi %add3A_498, %add3A_3255 : i32
          %get3A_3257 = arith.constant 11 : i32
          %get3A_3258 = arith.index_cast %get3A_3257 : i32 to index
          %get3A_3259 = arith.index_cast %add3A_3256 : i32 to index
          %get3A_3260 = tpu.vector_load %arg11[%get3A_3258, %get3A_3259] {strides = array<i32>} : memref<16x5136xf32, #tpu.memory_space<vmem>>, vector<16xf32>,
          %slice3A_3261 = vector.extract_strided_slice %get3A_3260 {offsets = [0], sizes = [1], strides = [1]} : vector<16xf32> to vector<1xf32>
          %squeeze3A_3262 = vector.extract %slice3A_3261[0] : f32 from vector<1xf32>
          %mul3A_3263 = vector.broadcast %squeeze3A_3262 : f32 to vector<16xf32>
          %mul3A_3264 = arith.mulf %mul3A_3263, %get3A_3123 : vector<16xf32>
          %add3A_3265 = arith.addf %add3A_3027, %mul3A_3264 : vector<16xf32>
          %mul3A_3266 = vector.broadcast %squeeze3A_3262 : f32 to vector<16xf32>
          %mul3A_3267 = arith.mulf %mul3A_3266, %get3A_3128 : vector<16xf32>
          %add3A_3268 = arith.addf %add3A_3030, %mul3A_3267 : vector<16xf32>
          %add3A_3269 = arith.constant 100 : i32
          %add3A_3270 = arith.addi %add3A_498, %add3A_3269 : i32
          %get3A_3271 = arith.constant 11 : i32
          %get3A_3272 = arith.index_cast %get3A_3271 : i32 to index
          %get3A_3273 = arith.index_cast %add3A_3270 : i32 to index
          %get3A_3274 = tpu.vector_load %arg11[%get3A_3272, %get3A_3273] {strides = array<i32>} : memref<16x5136xf32, #tpu.memory_space<vmem>>, vector<16xf32>,
          %slice3A_3275 = vector.extract_strided_slice %get3A_3274 {offsets = [0], sizes = [1], strides = [1]} : vector<16xf32> to vector<1xf32>
          %squeeze3A_3276 = vector.extract %slice3A_3275[0] : f32 from vector<1xf32>
          %mul3A_3277 = vector.broadcast %squeeze3A_3276 : f32 to vector<16xf32>
          %mul3A_3278 = arith.mulf %mul3A_3277, %get3A_3123 : vector<16xf32>
          %add3A_3279 = arith.addf %add3A_3041, %mul3A_3278 : vector<16xf32>
          %mul3A_3280 = vector.broadcast %squeeze3A_3276 : f32 to vector<16xf32>
          %mul3A_3281 = arith.mulf %mul3A_3280, %get3A_3128 : vector<16xf32>
          %add3A_3282 = arith.addf %add3A_3044, %mul3A_3281 : vector<16xf32>
          %add3A_3283 = arith.constant 110 : i32
          %add3A_3284 = arith.addi %add3A_498, %add3A_3283 : i32
          %get3A_3285 = arith.constant 11 : i32
          %get3A_3286 = arith.index_cast %get3A_3285 : i32 to index
          %get3A_3287 = arith.index_cast %add3A_3284 : i32 to index
          %get3A_3288 = tpu.vector_load %arg11[%get3A_3286, %get3A_3287] {strides = array<i32>} : memref<16x5136xf32, #tpu.memory_space<vmem>>, vector<16xf32>,
          %slice3A_3289 = vector.extract_strided_slice %get3A_3288 {offsets = [0], sizes = [1], strides = [1]} : vector<16xf32> to vector<1xf32>
          %squeeze3A_3290 = vector.extract %slice3A_3289[0] : f32 from vector<1xf32>
          %mul3A_3291 = vector.broadcast %squeeze3A_3290 : f32 to vector<16xf32>
          %mul3A_3292 = arith.mulf %mul3A_3291, %get3A_3123 : vector<16xf32>
          %add3A_3293 = arith.addf %add3A_3055, %mul3A_3292 : vector<16xf32>
          %mul3A_3294 = vector.broadcast %squeeze3A_3290 : f32 to vector<16xf32>
          %mul3A_3295 = arith.mulf %mul3A_3294, %get3A_3128 : vector<16xf32>
          %add3A_3296 = arith.addf %add3A_3058, %mul3A_3295 : vector<16xf32>
          %add3A_3297 = arith.constant 120 : i32
          %add3A_3298 = arith.addi %add3A_498, %add3A_3297 : i32
          %get3A_3299 = arith.constant 11 : i32
          %get3A_3300 = arith.index_cast %get3A_3299 : i32 to index
          %get3A_3301 = arith.index_cast %add3A_3298 : i32 to index
          %get3A_3302 = tpu.vector_load %arg11[%get3A_3300, %get3A_3301] {strides = array<i32>} : memref<16x5136xf32, #tpu.memory_space<vmem>>, vector<16xf32>,
          %slice3A_3303 = vector.extract_strided_slice %get3A_3302 {offsets = [0], sizes = [1], strides = [1]} : vector<16xf32> to vector<1xf32>
          %squeeze3A_3304 = vector.extract %slice3A_3303[0] : f32 from vector<1xf32>
          %mul3A_3305 = vector.broadcast %squeeze3A_3304 : f32 to vector<16xf32>
          %mul3A_3306 = arith.mulf %mul3A_3305, %get3A_3123 : vector<16xf32>
          %add3A_3307 = arith.addf %add3A_3069, %mul3A_3306 : vector<16xf32>
          %mul3A_3308 = vector.broadcast %squeeze3A_3304 : f32 to vector<16xf32>
          %mul3A_3309 = arith.mulf %mul3A_3308, %get3A_3128 : vector<16xf32>
          %add3A_3310 = arith.addf %add3A_3072, %mul3A_3309 : vector<16xf32>
          %add3A_3311 = arith.constant 130 : i32
          %add3A_3312 = arith.addi %add3A_498, %add3A_3311 : i32
          %get3A_3313 = arith.constant 11 : i32
          %get3A_3314 = arith.index_cast %get3A_3313 : i32 to index
          %get3A_3315 = arith.index_cast %add3A_3312 : i32 to index
          %get3A_3316 = tpu.vector_load %arg11[%get3A_3314, %get3A_3315] {strides = array<i32>} : memref<16x5136xf32, #tpu.memory_space<vmem>>, vector<16xf32>,
          %slice3A_3317 = vector.extract_strided_slice %get3A_3316 {offsets = [0], sizes = [1], strides = [1]} : vector<16xf32> to vector<1xf32>
          %squeeze3A_3318 = vector.extract %slice3A_3317[0] : f32 from vector<1xf32>
          %mul3A_3319 = vector.broadcast %squeeze3A_3318 : f32 to vector<16xf32>
          %mul3A_3320 = arith.mulf %mul3A_3319, %get3A_3123 : vector<16xf32>
          %add3A_3321 = arith.addf %add3A_3083, %mul3A_3320 : vector<16xf32>
          %mul3A_3322 = vector.broadcast %squeeze3A_3318 : f32 to vector<16xf32>
          %mul3A_3323 = arith.mulf %mul3A_3322, %get3A_3128 : vector<16xf32>
          %add3A_3324 = arith.addf %add3A_3086, %mul3A_3323 : vector<16xf32>
          %add3A_3325 = arith.constant 140 : i32
          %add3A_3326 = arith.addi %add3A_498, %add3A_3325 : i32
          %get3A_3327 = arith.constant 11 : i32
          %get3A_3328 = arith.index_cast %get3A_3327 : i32 to index
          %get3A_3329 = arith.index_cast %add3A_3326 : i32 to index
          %get3A_3330 = tpu.vector_load %arg11[%get3A_3328, %get3A_3329] {strides = array<i32>} : memref<16x5136xf32, #tpu.memory_space<vmem>>, vector<16xf32>,
          %slice3A_3331 = vector.extract_strided_slice %get3A_3330 {offsets = [0], sizes = [1], strides = [1]} : vector<16xf32> to vector<1xf32>
          %squeeze3A_3332 = vector.extract %slice3A_3331[0] : f32 from vector<1xf32>
          %mul3A_3333 = vector.broadcast %squeeze3A_3332 : f32 to vector<16xf32>
          %mul3A_3334 = arith.mulf %mul3A_3333, %get3A_3123 : vector<16xf32>
          %add3A_3335 = arith.addf %add3A_3097, %mul3A_3334 : vector<16xf32>
          %mul3A_3336 = vector.broadcast %squeeze3A_3332 : f32 to vector<16xf32>
          %mul3A_3337 = arith.mulf %mul3A_3336, %get3A_3128 : vector<16xf32>
          %add3A_3338 = arith.addf %add3A_3100, %mul3A_3337 : vector<16xf32>
          %add3A_3339 = arith.constant 150 : i32
          %add3A_3340 = arith.addi %add3A_498, %add3A_3339 : i32
          %get3A_3341 = arith.constant 11 : i32
          %get3A_3342 = arith.index_cast %get3A_3341 : i32 to index
          %get3A_3343 = arith.index_cast %add3A_3340 : i32 to index
          %get3A_3344 = tpu.vector_load %arg11[%get3A_3342, %get3A_3343] {strides = array<i32>} : memref<16x5136xf32, #tpu.memory_space<vmem>>, vector<16xf32>,
          %slice3A_3345 = vector.extract_strided_slice %get3A_3344 {offsets = [0], sizes = [1], strides = [1]} : vector<16xf32> to vector<1xf32>
          %squeeze3A_3346 = vector.extract %slice3A_3345[0] : f32 from vector<1xf32>
          %mul3A_3347 = vector.broadcast %squeeze3A_3346 : f32 to vector<16xf32>
          %mul3A_3348 = arith.mulf %mul3A_3347, %get3A_3123 : vector<16xf32>
          %add3A_3349 = arith.addf %add3A_3111, %mul3A_3348 : vector<16xf32>
          %mul3A_3350 = vector.broadcast %squeeze3A_3346 : f32 to vector<16xf32>
          %mul3A_3351 = arith.mulf %mul3A_3350, %get3A_3128 : vector<16xf32>
          %add3A_3352 = arith.addf %add3A_3114, %mul3A_3351 : vector<16xf32>
          %mul3A_3353 = arith.constant 16 : i32
          %mul3A_3354 = arith.muli %scan3A_463, %mul3A_3353 : i32
          %add3A_3355 = arith.constant 12 : i32
          %add3A_3356 = arith.addi %mul3A_3354, %add3A_3355 : i32
          %mul3A_3357 = arith.constant 2 : i32
          %mul3A_3358 = arith.muli %mul3A_3357, %add3A_3356 : i32
          %get3A_3359 = arith.index_cast %mul3A_3358 : i32 to index
          %get3A_3360 = arith.constant 0 : index
          %get3A_3361 = tpu.vector_load %arg12[%get3A_3359, %get3A_3360] {strides = array<i32>} : memref<320x16xf32, #tpu.memory_space<vmem>>, vector<16xf32>,
          %add3A_3362 = arith.constant 1 : i32
          %add3A_3363 = arith.addi %mul3A_3358, %add3A_3362 : i32
          %get3A_3364 = arith.index_cast %add3A_3363 : i32 to index
          %get3A_3365 = arith.constant 0 : index
          %get3A_3366 = tpu.vector_load %arg12[%get3A_3364, %get3A_3365] {strides = array<i32>} : memref<320x16xf32, #tpu.memory_space<vmem>>, vector<16xf32>,
          %add3A_3367 = arith.constant 0 : i32
          %add3A_3368 = arith.addi %add3A_498, %add3A_3367 : i32
          %get3A_3369 = arith.constant 12 : i32
          %get3A_3370 = arith.index_cast %get3A_3369 : i32 to index
          %get3A_3371 = arith.index_cast %add3A_3368 : i32 to index
          %get3A_3372 = tpu.vector_load %arg11[%get3A_3370, %get3A_3371] {strides = array<i32>} : memref<16x5136xf32, #tpu.memory_space<vmem>>, vector<16xf32>,
          %slice3A_3373 = vector.extract_strided_slice %get3A_3372 {offsets = [0], sizes = [1], strides = [1]} : vector<16xf32> to vector<1xf32>
          %squeeze3A_3374 = vector.extract %slice3A_3373[0] : f32 from vector<1xf32>
          %mul3A_3375 = vector.broadcast %squeeze3A_3374 : f32 to vector<16xf32>
          %mul3A_3376 = arith.mulf %mul3A_3375, %get3A_3361 : vector<16xf32>
          %add3A_3377 = arith.addf %add3A_3139, %mul3A_3376 : vector<16xf32>
          %mul3A_3378 = vector.broadcast %squeeze3A_3374 : f32 to vector<16xf32>
          %mul3A_3379 = arith.mulf %mul3A_3378, %get3A_3366 : vector<16xf32>
          %add3A_3380 = arith.addf %add3A_3142, %mul3A_3379 : vector<16xf32>
          %add3A_3381 = arith.constant 10 : i32
          %add3A_3382 = arith.addi %add3A_498, %add3A_3381 : i32
          %get3A_3383 = arith.constant 12 : i32
          %get3A_3384 = arith.index_cast %get3A_3383 : i32 to index
          %get3A_3385 = arith.index_cast %add3A_3382 : i32 to index
          %get3A_3386 = tpu.vector_load %arg11[%get3A_3384, %get3A_3385] {strides = array<i32>} : memref<16x5136xf32, #tpu.memory_space<vmem>>, vector<16xf32>,
          %slice3A_3387 = vector.extract_strided_slice %get3A_3386 {offsets = [0], sizes = [1], strides = [1]} : vector<16xf32> to vector<1xf32>
          %squeeze3A_3388 = vector.extract %slice3A_3387[0] : f32 from vector<1xf32>
          %mul3A_3389 = vector.broadcast %squeeze3A_3388 : f32 to vector<16xf32>
          %mul3A_3390 = arith.mulf %mul3A_3389, %get3A_3361 : vector<16xf32>
          %add3A_3391 = arith.addf %add3A_3153, %mul3A_3390 : vector<16xf32>
          %mul3A_3392 = vector.broadcast %squeeze3A_3388 : f32 to vector<16xf32>
          %mul3A_3393 = arith.mulf %mul3A_3392, %get3A_3366 : vector<16xf32>
          %add3A_3394 = arith.addf %add3A_3156, %mul3A_3393 : vector<16xf32>
          %add3A_3395 = arith.constant 20 : i32
          %add3A_3396 = arith.addi %add3A_498, %add3A_3395 : i32
          %get3A_3397 = arith.constant 12 : i32
          %get3A_3398 = arith.index_cast %get3A_3397 : i32 to index
          %get3A_3399 = arith.index_cast %add3A_3396 : i32 to index
          %get3A_3400 = tpu.vector_load %arg11[%get3A_3398, %get3A_3399] {strides = array<i32>} : memref<16x5136xf32, #tpu.memory_space<vmem>>, vector<16xf32>,
          %slice3A_3401 = vector.extract_strided_slice %get3A_3400 {offsets = [0], sizes = [1], strides = [1]} : vector<16xf32> to vector<1xf32>
          %squeeze3A_3402 = vector.extract %slice3A_3401[0] : f32 from vector<1xf32>
          %mul3A_3403 = vector.broadcast %squeeze3A_3402 : f32 to vector<16xf32>
          %mul3A_3404 = arith.mulf %mul3A_3403, %get3A_3361 : vector<16xf32>
          %add3A_3405 = arith.addf %add3A_3167, %mul3A_3404 : vector<16xf32>
          %mul3A_3406 = vector.broadcast %squeeze3A_3402 : f32 to vector<16xf32>
          %mul3A_3407 = arith.mulf %mul3A_3406, %get3A_3366 : vector<16xf32>
          %add3A_3408 = arith.addf %add3A_3170, %mul3A_3407 : vector<16xf32>
          %add3A_3409 = arith.constant 30 : i32
          %add3A_3410 = arith.addi %add3A_498, %add3A_3409 : i32
          %get3A_3411 = arith.constant 12 : i32
          %get3A_3412 = arith.index_cast %get3A_3411 : i32 to index
          %get3A_3413 = arith.index_cast %add3A_3410 : i32 to index
          %get3A_3414 = tpu.vector_load %arg11[%get3A_3412, %get3A_3413] {strides = array<i32>} : memref<16x5136xf32, #tpu.memory_space<vmem>>, vector<16xf32>,
          %slice3A_3415 = vector.extract_strided_slice %get3A_3414 {offsets = [0], sizes = [1], strides = [1]} : vector<16xf32> to vector<1xf32>
          %squeeze3A_3416 = vector.extract %slice3A_3415[0] : f32 from vector<1xf32>
          %mul3A_3417 = vector.broadcast %squeeze3A_3416 : f32 to vector<16xf32>
          %mul3A_3418 = arith.mulf %mul3A_3417, %get3A_3361 : vector<16xf32>
          %add3A_3419 = arith.addf %add3A_3181, %mul3A_3418 : vector<16xf32>
          %mul3A_3420 = vector.broadcast %squeeze3A_3416 : f32 to vector<16xf32>
          %mul3A_3421 = arith.mulf %mul3A_3420, %get3A_3366 : vector<16xf32>
          %add3A_3422 = arith.addf %add3A_3184, %mul3A_3421 : vector<16xf32>
          %add3A_3423 = arith.constant 40 : i32
          %add3A_3424 = arith.addi %add3A_498, %add3A_3423 : i32
          %get3A_3425 = arith.constant 12 : i32
          %get3A_3426 = arith.index_cast %get3A_3425 : i32 to index
          %get3A_3427 = arith.index_cast %add3A_3424 : i32 to index
          %get3A_3428 = tpu.vector_load %arg11[%get3A_3426, %get3A_3427] {strides = array<i32>} : memref<16x5136xf32, #tpu.memory_space<vmem>>, vector<16xf32>,
          %slice3A_3429 = vector.extract_strided_slice %get3A_3428 {offsets = [0], sizes = [1], strides = [1]} : vector<16xf32> to vector<1xf32>
          %squeeze3A_3430 = vector.extract %slice3A_3429[0] : f32 from vector<1xf32>
          %mul3A_3431 = vector.broadcast %squeeze3A_3430 : f32 to vector<16xf32>
          %mul3A_3432 = arith.mulf %mul3A_3431, %get3A_3361 : vector<16xf32>
          %add3A_3433 = arith.addf %add3A_3195, %mul3A_3432 : vector<16xf32>
          %mul3A_3434 = vector.broadcast %squeeze3A_3430 : f32 to vector<16xf32>
          %mul3A_3435 = arith.mulf %mul3A_3434, %get3A_3366 : vector<16xf32>
          %add3A_3436 = arith.addf %add3A_3198, %mul3A_3435 : vector<16xf32>
          %add3A_3437 = arith.constant 50 : i32
          %add3A_3438 = arith.addi %add3A_498, %add3A_3437 : i32
          %get3A_3439 = arith.constant 12 : i32
          %get3A_3440 = arith.index_cast %get3A_3439 : i32 to index
          %get3A_3441 = arith.index_cast %add3A_3438 : i32 to index
          %get3A_3442 = tpu.vector_load %arg11[%get3A_3440, %get3A_3441] {strides = array<i32>} : memref<16x5136xf32, #tpu.memory_space<vmem>>, vector<16xf32>,
          %slice3A_3443 = vector.extract_strided_slice %get3A_3442 {offsets = [0], sizes = [1], strides = [1]} : vector<16xf32> to vector<1xf32>
          %squeeze3A_3444 = vector.extract %slice3A_3443[0] : f32 from vector<1xf32>
          %mul3A_3445 = vector.broadcast %squeeze3A_3444 : f32 to vector<16xf32>
          %mul3A_3446 = arith.mulf %mul3A_3445, %get3A_3361 : vector<16xf32>
          %add3A_3447 = arith.addf %add3A_3209, %mul3A_3446 : vector<16xf32>
          %mul3A_3448 = vector.broadcast %squeeze3A_3444 : f32 to vector<16xf32>
          %mul3A_3449 = arith.mulf %mul3A_3448, %get3A_3366 : vector<16xf32>
          %add3A_3450 = arith.addf %add3A_3212, %mul3A_3449 : vector<16xf32>
          %add3A_3451 = arith.constant 60 : i32
          %add3A_3452 = arith.addi %add3A_498, %add3A_3451 : i32
          %get3A_3453 = arith.constant 12 : i32
          %get3A_3454 = arith.index_cast %get3A_3453 : i32 to index
          %get3A_3455 = arith.index_cast %add3A_3452 : i32 to index
          %get3A_3456 = tpu.vector_load %arg11[%get3A_3454, %get3A_3455] {strides = array<i32>} : memref<16x5136xf32, #tpu.memory_space<vmem>>, vector<16xf32>,
          %slice3A_3457 = vector.extract_strided_slice %get3A_3456 {offsets = [0], sizes = [1], strides = [1]} : vector<16xf32> to vector<1xf32>
          %squeeze3A_3458 = vector.extract %slice3A_3457[0] : f32 from vector<1xf32>
          %mul3A_3459 = vector.broadcast %squeeze3A_3458 : f32 to vector<16xf32>
          %mul3A_3460 = arith.mulf %mul3A_3459, %get3A_3361 : vector<16xf32>
          %add3A_3461 = arith.addf %add3A_3223, %mul3A_3460 : vector<16xf32>
          %mul3A_3462 = vector.broadcast %squeeze3A_3458 : f32 to vector<16xf32>
          %mul3A_3463 = arith.mulf %mul3A_3462, %get3A_3366 : vector<16xf32>
          %add3A_3464 = arith.addf %add3A_3226, %mul3A_3463 : vector<16xf32>
          %add3A_3465 = arith.constant 70 : i32
          %add3A_3466 = arith.addi %add3A_498, %add3A_3465 : i32
          %get3A_3467 = arith.constant 12 : i32
          %get3A_3468 = arith.index_cast %get3A_3467 : i32 to index
          %get3A_3469 = arith.index_cast %add3A_3466 : i32 to index
          %get3A_3470 = tpu.vector_load %arg11[%get3A_3468, %get3A_3469] {strides = array<i32>} : memref<16x5136xf32, #tpu.memory_space<vmem>>, vector<16xf32>,
          %slice3A_3471 = vector.extract_strided_slice %get3A_3470 {offsets = [0], sizes = [1], strides = [1]} : vector<16xf32> to vector<1xf32>
          %squeeze3A_3472 = vector.extract %slice3A_3471[0] : f32 from vector<1xf32>
          %mul3A_3473 = vector.broadcast %squeeze3A_3472 : f32 to vector<16xf32>
          %mul3A_3474 = arith.mulf %mul3A_3473, %get3A_3361 : vector<16xf32>
          %add3A_3475 = arith.addf %add3A_3237, %mul3A_3474 : vector<16xf32>
          %mul3A_3476 = vector.broadcast %squeeze3A_3472 : f32 to vector<16xf32>
          %mul3A_3477 = arith.mulf %mul3A_3476, %get3A_3366 : vector<16xf32>
          %add3A_3478 = arith.addf %add3A_3240, %mul3A_3477 : vector<16xf32>
          %add3A_3479 = arith.constant 80 : i32
          %add3A_3480 = arith.addi %add3A_498, %add3A_3479 : i32
          %get3A_3481 = arith.constant 12 : i32
          %get3A_3482 = arith.index_cast %get3A_3481 : i32 to index
          %get3A_3483 = arith.index_cast %add3A_3480 : i32 to index
          %get3A_3484 = tpu.vector_load %arg11[%get3A_3482, %get3A_3483] {strides = array<i32>} : memref<16x5136xf32, #tpu.memory_space<vmem>>, vector<16xf32>,
          %slice3A_3485 = vector.extract_strided_slice %get3A_3484 {offsets = [0], sizes = [1], strides = [1]} : vector<16xf32> to vector<1xf32>
          %squeeze3A_3486 = vector.extract %slice3A_3485[0] : f32 from vector<1xf32>
          %mul3A_3487 = vector.broadcast %squeeze3A_3486 : f32 to vector<16xf32>
          %mul3A_3488 = arith.mulf %mul3A_3487, %get3A_3361 : vector<16xf32>
          %add3A_3489 = arith.addf %add3A_3251, %mul3A_3488 : vector<16xf32>
          %mul3A_3490 = vector.broadcast %squeeze3A_3486 : f32 to vector<16xf32>
          %mul3A_3491 = arith.mulf %mul3A_3490, %get3A_3366 : vector<16xf32>
          %add3A_3492 = arith.addf %add3A_3254, %mul3A_3491 : vector<16xf32>
          %add3A_3493 = arith.constant 90 : i32
          %add3A_3494 = arith.addi %add3A_498, %add3A_3493 : i32
          %get3A_3495 = arith.constant 12 : i32
          %get3A_3496 = arith.index_cast %get3A_3495 : i32 to index
          %get3A_3497 = arith.index_cast %add3A_3494 : i32 to index
          %get3A_3498 = tpu.vector_load %arg11[%get3A_3496, %get3A_3497] {strides = array<i32>} : memref<16x5136xf32, #tpu.memory_space<vmem>>, vector<16xf32>,
          %slice3A_3499 = vector.extract_strided_slice %get3A_3498 {offsets = [0], sizes = [1], strides = [1]} : vector<16xf32> to vector<1xf32>
          %squeeze3A_3500 = vector.extract %slice3A_3499[0] : f32 from vector<1xf32>
          %mul3A_3501 = vector.broadcast %squeeze3A_3500 : f32 to vector<16xf32>
          %mul3A_3502 = arith.mulf %mul3A_3501, %get3A_3361 : vector<16xf32>
          %add3A_3503 = arith.addf %add3A_3265, %mul3A_3502 : vector<16xf32>
          %mul3A_3504 = vector.broadcast %squeeze3A_3500 : f32 to vector<16xf32>
          %mul3A_3505 = arith.mulf %mul3A_3504, %get3A_3366 : vector<16xf32>
          %add3A_3506 = arith.addf %add3A_3268, %mul3A_3505 : vector<16xf32>
          %add3A_3507 = arith.constant 100 : i32
          %add3A_3508 = arith.addi %add3A_498, %add3A_3507 : i32
          %get3A_3509 = arith.constant 12 : i32
          %get3A_3510 = arith.index_cast %get3A_3509 : i32 to index
          %get3A_3511 = arith.index_cast %add3A_3508 : i32 to index
          %get3A_3512 = tpu.vector_load %arg11[%get3A_3510, %get3A_3511] {strides = array<i32>} : memref<16x5136xf32, #tpu.memory_space<vmem>>, vector<16xf32>,
          %slice3A_3513 = vector.extract_strided_slice %get3A_3512 {offsets = [0], sizes = [1], strides = [1]} : vector<16xf32> to vector<1xf32>
          %squeeze3A_3514 = vector.extract %slice3A_3513[0] : f32 from vector<1xf32>
          %mul3A_3515 = vector.broadcast %squeeze3A_3514 : f32 to vector<16xf32>
          %mul3A_3516 = arith.mulf %mul3A_3515, %get3A_3361 : vector<16xf32>
          %add3A_3517 = arith.addf %add3A_3279, %mul3A_3516 : vector<16xf32>
          %mul3A_3518 = vector.broadcast %squeeze3A_3514 : f32 to vector<16xf32>
          %mul3A_3519 = arith.mulf %mul3A_3518, %get3A_3366 : vector<16xf32>
          %add3A_3520 = arith.addf %add3A_3282, %mul3A_3519 : vector<16xf32>
          %add3A_3521 = arith.constant 110 : i32
          %add3A_3522 = arith.addi %add3A_498, %add3A_3521 : i32
          %get3A_3523 = arith.constant 12 : i32
          %get3A_3524 = arith.index_cast %get3A_3523 : i32 to index
          %get3A_3525 = arith.index_cast %add3A_3522 : i32 to index
          %get3A_3526 = tpu.vector_load %arg11[%get3A_3524, %get3A_3525] {strides = array<i32>} : memref<16x5136xf32, #tpu.memory_space<vmem>>, vector<16xf32>,
          %slice3A_3527 = vector.extract_strided_slice %get3A_3526 {offsets = [0], sizes = [1], strides = [1]} : vector<16xf32> to vector<1xf32>
          %squeeze3A_3528 = vector.extract %slice3A_3527[0] : f32 from vector<1xf32>
          %mul3A_3529 = vector.broadcast %squeeze3A_3528 : f32 to vector<16xf32>
          %mul3A_3530 = arith.mulf %mul3A_3529, %get3A_3361 : vector<16xf32>
          %add3A_3531 = arith.addf %add3A_3293, %mul3A_3530 : vector<16xf32>
          %mul3A_3532 = vector.broadcast %squeeze3A_3528 : f32 to vector<16xf32>
          %mul3A_3533 = arith.mulf %mul3A_3532, %get3A_3366 : vector<16xf32>
          %add3A_3534 = arith.addf %add3A_3296, %mul3A_3533 : vector<16xf32>
          %add3A_3535 = arith.constant 120 : i32
          %add3A_3536 = arith.addi %add3A_498, %add3A_3535 : i32
          %get3A_3537 = arith.constant 12 : i32
          %get3A_3538 = arith.index_cast %get3A_3537 : i32 to index
          %get3A_3539 = arith.index_cast %add3A_3536 : i32 to index
          %get3A_3540 = tpu.vector_load %arg11[%get3A_3538, %get3A_3539] {strides = array<i32>} : memref<16x5136xf32, #tpu.memory_space<vmem>>, vector<16xf32>,
          %slice3A_3541 = vector.extract_strided_slice %get3A_3540 {offsets = [0], sizes = [1], strides = [1]} : vector<16xf32> to vector<1xf32>
          %squeeze3A_3542 = vector.extract %slice3A_3541[0] : f32 from vector<1xf32>
          %mul3A_3543 = vector.broadcast %squeeze3A_3542 : f32 to vector<16xf32>
          %mul3A_3544 = arith.mulf %mul3A_3543, %get3A_3361 : vector<16xf32>
          %add3A_3545 = arith.addf %add3A_3307, %mul3A_3544 : vector<16xf32>
          %mul3A_3546 = vector.broadcast %squeeze3A_3542 : f32 to vector<16xf32>
          %mul3A_3547 = arith.mulf %mul3A_3546, %get3A_3366 : vector<16xf32>
          %add3A_3548 = arith.addf %add3A_3310, %mul3A_3547 : vector<16xf32>
          %add3A_3549 = arith.constant 130 : i32
          %add3A_3550 = arith.addi %add3A_498, %add3A_3549 : i32
          %get3A_3551 = arith.constant 12 : i32
          %get3A_3552 = arith.index_cast %get3A_3551 : i32 to index
          %get3A_3553 = arith.index_cast %add3A_3550 : i32 to index
          %get3A_3554 = tpu.vector_load %arg11[%get3A_3552, %get3A_3553] {strides = array<i32>} : memref<16x5136xf32, #tpu.memory_space<vmem>>, vector<16xf32>,
          %slice3A_3555 = vector.extract_strided_slice %get3A_3554 {offsets = [0], sizes = [1], strides = [1]} : vector<16xf32> to vector<1xf32>
          %squeeze3A_3556 = vector.extract %slice3A_3555[0] : f32 from vector<1xf32>
          %mul3A_3557 = vector.broadcast %squeeze3A_3556 : f32 to vector<16xf32>
          %mul3A_3558 = arith.mulf %mul3A_3557, %get3A_3361 : vector<16xf32>
          %add3A_3559 = arith.addf %add3A_3321, %mul3A_3558 : vector<16xf32>
          %mul3A_3560 = vector.broadcast %squeeze3A_3556 : f32 to vector<16xf32>
          %mul3A_3561 = arith.mulf %mul3A_3560, %get3A_3366 : vector<16xf32>
          %add3A_3562 = arith.addf %add3A_3324, %mul3A_3561 : vector<16xf32>
          %add3A_3563 = arith.constant 140 : i32
          %add3A_3564 = arith.addi %add3A_498, %add3A_3563 : i32
          %get3A_3565 = arith.constant 12 : i32
          %get3A_3566 = arith.index_cast %get3A_3565 : i32 to index
          %get3A_3567 = arith.index_cast %add3A_3564 : i32 to index
          %get3A_3568 = tpu.vector_load %arg11[%get3A_3566, %get3A_3567] {strides = array<i32>} : memref<16x5136xf32, #tpu.memory_space<vmem>>, vector<16xf32>,
          %slice3A_3569 = vector.extract_strided_slice %get3A_3568 {offsets = [0], sizes = [1], strides = [1]} : vector<16xf32> to vector<1xf32>
          %squeeze3A_3570 = vector.extract %slice3A_3569[0] : f32 from vector<1xf32>
          %mul3A_3571 = vector.broadcast %squeeze3A_3570 : f32 to vector<16xf32>
          %mul3A_3572 = arith.mulf %mul3A_3571, %get3A_3361 : vector<16xf32>
          %add3A_3573 = arith.addf %add3A_3335, %mul3A_3572 : vector<16xf32>
          %mul3A_3574 = vector.broadcast %squeeze3A_3570 : f32 to vector<16xf32>
          %mul3A_3575 = arith.mulf %mul3A_3574, %get3A_3366 : vector<16xf32>
          %add3A_3576 = arith.addf %add3A_3338, %mul3A_3575 : vector<16xf32>
          %add3A_3577 = arith.constant 150 : i32
          %add3A_3578 = arith.addi %add3A_498, %add3A_3577 : i32
          %get3A_3579 = arith.constant 12 : i32
          %get3A_3580 = arith.index_cast %get3A_3579 : i32 to index
          %get3A_3581 = arith.index_cast %add3A_3578 : i32 to index
          %get3A_3582 = tpu.vector_load %arg11[%get3A_3580, %get3A_3581] {strides = array<i32>} : memref<16x5136xf32, #tpu.memory_space<vmem>>, vector<16xf32>,
          %slice3A_3583 = vector.extract_strided_slice %get3A_3582 {offsets = [0], sizes = [1], strides = [1]} : vector<16xf32> to vector<1xf32>
          %squeeze3A_3584 = vector.extract %slice3A_3583[0] : f32 from vector<1xf32>
          %mul3A_3585 = vector.broadcast %squeeze3A_3584 : f32 to vector<16xf32>
          %mul3A_3586 = arith.mulf %mul3A_3585, %get3A_3361 : vector<16xf32>
          %add3A_3587 = arith.addf %add3A_3349, %mul3A_3586 : vector<16xf32>
          %mul3A_3588 = vector.broadcast %squeeze3A_3584 : f32 to vector<16xf32>
          %mul3A_3589 = arith.mulf %mul3A_3588, %get3A_3366 : vector<16xf32>
          %add3A_3590 = arith.addf %add3A_3352, %mul3A_3589 : vector<16xf32>
          %mul3A_3591 = arith.constant 16 : i32
          %mul3A_3592 = arith.muli %scan3A_463, %mul3A_3591 : i32
          %add3A_3593 = arith.constant 13 : i32
          %add3A_3594 = arith.addi %mul3A_3592, %add3A_3593 : i32
          %mul3A_3595 = arith.constant 2 : i32
          %mul3A_3596 = arith.muli %mul3A_3595, %add3A_3594 : i32
          %get3A_3597 = arith.index_cast %mul3A_3596 : i32 to index
          %get3A_3598 = arith.constant 0 : index
          %get3A_3599 = tpu.vector_load %arg12[%get3A_3597, %get3A_3598] {strides = array<i32>} : memref<320x16xf32, #tpu.memory_space<vmem>>, vector<16xf32>,
          %add3A_3600 = arith.constant 1 : i32
          %add3A_3601 = arith.addi %mul3A_3596, %add3A_3600 : i32
          %get3A_3602 = arith.index_cast %add3A_3601 : i32 to index
          %get3A_3603 = arith.constant 0 : index
          %get3A_3604 = tpu.vector_load %arg12[%get3A_3602, %get3A_3603] {strides = array<i32>} : memref<320x16xf32, #tpu.memory_space<vmem>>, vector<16xf32>,
          %add3A_3605 = arith.constant 0 : i32
          %add3A_3606 = arith.addi %add3A_498, %add3A_3605 : i32
          %get3A_3607 = arith.constant 13 : i32
          %get3A_3608 = arith.index_cast %get3A_3607 : i32 to index
          %get3A_3609 = arith.index_cast %add3A_3606 : i32 to index
          %get3A_3610 = tpu.vector_load %arg11[%get3A_3608, %get3A_3609] {strides = array<i32>} : memref<16x5136xf32, #tpu.memory_space<vmem>>, vector<16xf32>,
          %slice3A_3611 = vector.extract_strided_slice %get3A_3610 {offsets = [0], sizes = [1], strides = [1]} : vector<16xf32> to vector<1xf32>
          %squeeze3A_3612 = vector.extract %slice3A_3611[0] : f32 from vector<1xf32>
          %mul3A_3613 = vector.broadcast %squeeze3A_3612 : f32 to vector<16xf32>
          %mul3A_3614 = arith.mulf %mul3A_3613, %get3A_3599 : vector<16xf32>
          %add3A_3615 = arith.addf %add3A_3377, %mul3A_3614 : vector<16xf32>
          %mul3A_3616 = vector.broadcast %squeeze3A_3612 : f32 to vector<16xf32>
          %mul3A_3617 = arith.mulf %mul3A_3616, %get3A_3604 : vector<16xf32>
          %add3A_3618 = arith.addf %add3A_3380, %mul3A_3617 : vector<16xf32>
          %add3A_3619 = arith.constant 10 : i32
          %add3A_3620 = arith.addi %add3A_498, %add3A_3619 : i32
          %get3A_3621 = arith.constant 13 : i32
          %get3A_3622 = arith.index_cast %get3A_3621 : i32 to index
          %get3A_3623 = arith.index_cast %add3A_3620 : i32 to index
          %get3A_3624 = tpu.vector_load %arg11[%get3A_3622, %get3A_3623] {strides = array<i32>} : memref<16x5136xf32, #tpu.memory_space<vmem>>, vector<16xf32>,
          %slice3A_3625 = vector.extract_strided_slice %get3A_3624 {offsets = [0], sizes = [1], strides = [1]} : vector<16xf32> to vector<1xf32>
          %squeeze3A_3626 = vector.extract %slice3A_3625[0] : f32 from vector<1xf32>
          %mul3A_3627 = vector.broadcast %squeeze3A_3626 : f32 to vector<16xf32>
          %mul3A_3628 = arith.mulf %mul3A_3627, %get3A_3599 : vector<16xf32>
          %add3A_3629 = arith.addf %add3A_3391, %mul3A_3628 : vector<16xf32>
          %mul3A_3630 = vector.broadcast %squeeze3A_3626 : f32 to vector<16xf32>
          %mul3A_3631 = arith.mulf %mul3A_3630, %get3A_3604 : vector<16xf32>
          %add3A_3632 = arith.addf %add3A_3394, %mul3A_3631 : vector<16xf32>
          %add3A_3633 = arith.constant 20 : i32
          %add3A_3634 = arith.addi %add3A_498, %add3A_3633 : i32
          %get3A_3635 = arith.constant 13 : i32
          %get3A_3636 = arith.index_cast %get3A_3635 : i32 to index
          %get3A_3637 = arith.index_cast %add3A_3634 : i32 to index
          %get3A_3638 = tpu.vector_load %arg11[%get3A_3636, %get3A_3637] {strides = array<i32>} : memref<16x5136xf32, #tpu.memory_space<vmem>>, vector<16xf32>,
          %slice3A_3639 = vector.extract_strided_slice %get3A_3638 {offsets = [0], sizes = [1], strides = [1]} : vector<16xf32> to vector<1xf32>
          %squeeze3A_3640 = vector.extract %slice3A_3639[0] : f32 from vector<1xf32>
          %mul3A_3641 = vector.broadcast %squeeze3A_3640 : f32 to vector<16xf32>
          %mul3A_3642 = arith.mulf %mul3A_3641, %get3A_3599 : vector<16xf32>
          %add3A_3643 = arith.addf %add3A_3405, %mul3A_3642 : vector<16xf32>
          %mul3A_3644 = vector.broadcast %squeeze3A_3640 : f32 to vector<16xf32>
          %mul3A_3645 = arith.mulf %mul3A_3644, %get3A_3604 : vector<16xf32>
          %add3A_3646 = arith.addf %add3A_3408, %mul3A_3645 : vector<16xf32>
          %add3A_3647 = arith.constant 30 : i32
          %add3A_3648 = arith.addi %add3A_498, %add3A_3647 : i32
          %get3A_3649 = arith.constant 13 : i32
          %get3A_3650 = arith.index_cast %get3A_3649 : i32 to index
          %get3A_3651 = arith.index_cast %add3A_3648 : i32 to index
          %get3A_3652 = tpu.vector_load %arg11[%get3A_3650, %get3A_3651] {strides = array<i32>} : memref<16x5136xf32, #tpu.memory_space<vmem>>, vector<16xf32>,
          %slice3A_3653 = vector.extract_strided_slice %get3A_3652 {offsets = [0], sizes = [1], strides = [1]} : vector<16xf32> to vector<1xf32>
          %squeeze3A_3654 = vector.extract %slice3A_3653[0] : f32 from vector<1xf32>
          %mul3A_3655 = vector.broadcast %squeeze3A_3654 : f32 to vector<16xf32>
          %mul3A_3656 = arith.mulf %mul3A_3655, %get3A_3599 : vector<16xf32>
          %add3A_3657 = arith.addf %add3A_3419, %mul3A_3656 : vector<16xf32>
          %mul3A_3658 = vector.broadcast %squeeze3A_3654 : f32 to vector<16xf32>
          %mul3A_3659 = arith.mulf %mul3A_3658, %get3A_3604 : vector<16xf32>
          %add3A_3660 = arith.addf %add3A_3422, %mul3A_3659 : vector<16xf32>
          %add3A_3661 = arith.constant 40 : i32
          %add3A_3662 = arith.addi %add3A_498, %add3A_3661 : i32
          %get3A_3663 = arith.constant 13 : i32
          %get3A_3664 = arith.index_cast %get3A_3663 : i32 to index
          %get3A_3665 = arith.index_cast %add3A_3662 : i32 to index
          %get3A_3666 = tpu.vector_load %arg11[%get3A_3664, %get3A_3665] {strides = array<i32>} : memref<16x5136xf32, #tpu.memory_space<vmem>>, vector<16xf32>,
          %slice3A_3667 = vector.extract_strided_slice %get3A_3666 {offsets = [0], sizes = [1], strides = [1]} : vector<16xf32> to vector<1xf32>
          %squeeze3A_3668 = vector.extract %slice3A_3667[0] : f32 from vector<1xf32>
          %mul3A_3669 = vector.broadcast %squeeze3A_3668 : f32 to vector<16xf32>
          %mul3A_3670 = arith.mulf %mul3A_3669, %get3A_3599 : vector<16xf32>
          %add3A_3671 = arith.addf %add3A_3433, %mul3A_3670 : vector<16xf32>
          %mul3A_3672 = vector.broadcast %squeeze3A_3668 : f32 to vector<16xf32>
          %mul3A_3673 = arith.mulf %mul3A_3672, %get3A_3604 : vector<16xf32>
          %add3A_3674 = arith.addf %add3A_3436, %mul3A_3673 : vector<16xf32>
          %add3A_3675 = arith.constant 50 : i32
          %add3A_3676 = arith.addi %add3A_498, %add3A_3675 : i32
          %get3A_3677 = arith.constant 13 : i32
          %get3A_3678 = arith.index_cast %get3A_3677 : i32 to index
          %get3A_3679 = arith.index_cast %add3A_3676 : i32 to index
          %get3A_3680 = tpu.vector_load %arg11[%get3A_3678, %get3A_3679] {strides = array<i32>} : memref<16x5136xf32, #tpu.memory_space<vmem>>, vector<16xf32>,
          %slice3A_3681 = vector.extract_strided_slice %get3A_3680 {offsets = [0], sizes = [1], strides = [1]} : vector<16xf32> to vector<1xf32>
          %squeeze3A_3682 = vector.extract %slice3A_3681[0] : f32 from vector<1xf32>
          %mul3A_3683 = vector.broadcast %squeeze3A_3682 : f32 to vector<16xf32>
          %mul3A_3684 = arith.mulf %mul3A_3683, %get3A_3599 : vector<16xf32>
          %add3A_3685 = arith.addf %add3A_3447, %mul3A_3684 : vector<16xf32>
          %mul3A_3686 = vector.broadcast %squeeze3A_3682 : f32 to vector<16xf32>
          %mul3A_3687 = arith.mulf %mul3A_3686, %get3A_3604 : vector<16xf32>
          %add3A_3688 = arith.addf %add3A_3450, %mul3A_3687 : vector<16xf32>
          %add3A_3689 = arith.constant 60 : i32
          %add3A_3690 = arith.addi %add3A_498, %add3A_3689 : i32
          %get3A_3691 = arith.constant 13 : i32
          %get3A_3692 = arith.index_cast %get3A_3691 : i32 to index
          %get3A_3693 = arith.index_cast %add3A_3690 : i32 to index
          %get3A_3694 = tpu.vector_load %arg11[%get3A_3692, %get3A_3693] {strides = array<i32>} : memref<16x5136xf32, #tpu.memory_space<vmem>>, vector<16xf32>,
          %slice3A_3695 = vector.extract_strided_slice %get3A_3694 {offsets = [0], sizes = [1], strides = [1]} : vector<16xf32> to vector<1xf32>
          %squeeze3A_3696 = vector.extract %slice3A_3695[0] : f32 from vector<1xf32>
          %mul3A_3697 = vector.broadcast %squeeze3A_3696 : f32 to vector<16xf32>
          %mul3A_3698 = arith.mulf %mul3A_3697, %get3A_3599 : vector<16xf32>
          %add3A_3699 = arith.addf %add3A_3461, %mul3A_3698 : vector<16xf32>
          %mul3A_3700 = vector.broadcast %squeeze3A_3696 : f32 to vector<16xf32>
          %mul3A_3701 = arith.mulf %mul3A_3700, %get3A_3604 : vector<16xf32>
          %add3A_3702 = arith.addf %add3A_3464, %mul3A_3701 : vector<16xf32>
          %add3A_3703 = arith.constant 70 : i32
          %add3A_3704 = arith.addi %add3A_498, %add3A_3703 : i32
          %get3A_3705 = arith.constant 13 : i32
          %get3A_3706 = arith.index_cast %get3A_3705 : i32 to index
          %get3A_3707 = arith.index_cast %add3A_3704 : i32 to index
          %get3A_3708 = tpu.vector_load %arg11[%get3A_3706, %get3A_3707] {strides = array<i32>} : memref<16x5136xf32, #tpu.memory_space<vmem>>, vector<16xf32>,
          %slice3A_3709 = vector.extract_strided_slice %get3A_3708 {offsets = [0], sizes = [1], strides = [1]} : vector<16xf32> to vector<1xf32>
          %squeeze3A_3710 = vector.extract %slice3A_3709[0] : f32 from vector<1xf32>
          %mul3A_3711 = vector.broadcast %squeeze3A_3710 : f32 to vector<16xf32>
          %mul3A_3712 = arith.mulf %mul3A_3711, %get3A_3599 : vector<16xf32>
          %add3A_3713 = arith.addf %add3A_3475, %mul3A_3712 : vector<16xf32>
          %mul3A_3714 = vector.broadcast %squeeze3A_3710 : f32 to vector<16xf32>
          %mul3A_3715 = arith.mulf %mul3A_3714, %get3A_3604 : vector<16xf32>
          %add3A_3716 = arith.addf %add3A_3478, %mul3A_3715 : vector<16xf32>
          %add3A_3717 = arith.constant 80 : i32
          %add3A_3718 = arith.addi %add3A_498, %add3A_3717 : i32
          %get3A_3719 = arith.constant 13 : i32
          %get3A_3720 = arith.index_cast %get3A_3719 : i32 to index
          %get3A_3721 = arith.index_cast %add3A_3718 : i32 to index
          %get3A_3722 = tpu.vector_load %arg11[%get3A_3720, %get3A_3721] {strides = array<i32>} : memref<16x5136xf32, #tpu.memory_space<vmem>>, vector<16xf32>,
          %slice3A_3723 = vector.extract_strided_slice %get3A_3722 {offsets = [0], sizes = [1], strides = [1]} : vector<16xf32> to vector<1xf32>
          %squeeze3A_3724 = vector.extract %slice3A_3723[0] : f32 from vector<1xf32>
          %mul3A_3725 = vector.broadcast %squeeze3A_3724 : f32 to vector<16xf32>
          %mul3A_3726 = arith.mulf %mul3A_3725, %get3A_3599 : vector<16xf32>
          %add3A_3727 = arith.addf %add3A_3489, %mul3A_3726 : vector<16xf32>
          %mul3A_3728 = vector.broadcast %squeeze3A_3724 : f32 to vector<16xf32>
          %mul3A_3729 = arith.mulf %mul3A_3728, %get3A_3604 : vector<16xf32>
          %add3A_3730 = arith.addf %add3A_3492, %mul3A_3729 : vector<16xf32>
          %add3A_3731 = arith.constant 90 : i32
          %add3A_3732 = arith.addi %add3A_498, %add3A_3731 : i32
          %get3A_3733 = arith.constant 13 : i32
          %get3A_3734 = arith.index_cast %get3A_3733 : i32 to index
          %get3A_3735 = arith.index_cast %add3A_3732 : i32 to index
          %get3A_3736 = tpu.vector_load %arg11[%get3A_3734, %get3A_3735] {strides = array<i32>} : memref<16x5136xf32, #tpu.memory_space<vmem>>, vector<16xf32>,
          %slice3A_3737 = vector.extract_strided_slice %get3A_3736 {offsets = [0], sizes = [1], strides = [1]} : vector<16xf32> to vector<1xf32>
          %squeeze3A_3738 = vector.extract %slice3A_3737[0] : f32 from vector<1xf32>
          %mul3A_3739 = vector.broadcast %squeeze3A_3738 : f32 to vector<16xf32>
          %mul3A_3740 = arith.mulf %mul3A_3739, %get3A_3599 : vector<16xf32>
          %add3A_3741 = arith.addf %add3A_3503, %mul3A_3740 : vector<16xf32>
          %mul3A_3742 = vector.broadcast %squeeze3A_3738 : f32 to vector<16xf32>
          %mul3A_3743 = arith.mulf %mul3A_3742, %get3A_3604 : vector<16xf32>
          %add3A_3744 = arith.addf %add3A_3506, %mul3A_3743 : vector<16xf32>
          %add3A_3745 = arith.constant 100 : i32
          %add3A_3746 = arith.addi %add3A_498, %add3A_3745 : i32
          %get3A_3747 = arith.constant 13 : i32
          %get3A_3748 = arith.index_cast %get3A_3747 : i32 to index
          %get3A_3749 = arith.index_cast %add3A_3746 : i32 to index
          %get3A_3750 = tpu.vector_load %arg11[%get3A_3748, %get3A_3749] {strides = array<i32>} : memref<16x5136xf32, #tpu.memory_space<vmem>>, vector<16xf32>,
          %slice3A_3751 = vector.extract_strided_slice %get3A_3750 {offsets = [0], sizes = [1], strides = [1]} : vector<16xf32> to vector<1xf32>
          %squeeze3A_3752 = vector.extract %slice3A_3751[0] : f32 from vector<1xf32>
          %mul3A_3753 = vector.broadcast %squeeze3A_3752 : f32 to vector<16xf32>
          %mul3A_3754 = arith.mulf %mul3A_3753, %get3A_3599 : vector<16xf32>
          %add3A_3755 = arith.addf %add3A_3517, %mul3A_3754 : vector<16xf32>
          %mul3A_3756 = vector.broadcast %squeeze3A_3752 : f32 to vector<16xf32>
          %mul3A_3757 = arith.mulf %mul3A_3756, %get3A_3604 : vector<16xf32>
          %add3A_3758 = arith.addf %add3A_3520, %mul3A_3757 : vector<16xf32>
          %add3A_3759 = arith.constant 110 : i32
          %add3A_3760 = arith.addi %add3A_498, %add3A_3759 : i32
          %get3A_3761 = arith.constant 13 : i32
          %get3A_3762 = arith.index_cast %get3A_3761 : i32 to index
          %get3A_3763 = arith.index_cast %add3A_3760 : i32 to index
          %get3A_3764 = tpu.vector_load %arg11[%get3A_3762, %get3A_3763] {strides = array<i32>} : memref<16x5136xf32, #tpu.memory_space<vmem>>, vector<16xf32>,
          %slice3A_3765 = vector.extract_strided_slice %get3A_3764 {offsets = [0], sizes = [1], strides = [1]} : vector<16xf32> to vector<1xf32>
          %squeeze3A_3766 = vector.extract %slice3A_3765[0] : f32 from vector<1xf32>
          %mul3A_3767 = vector.broadcast %squeeze3A_3766 : f32 to vector<16xf32>
          %mul3A_3768 = arith.mulf %mul3A_3767, %get3A_3599 : vector<16xf32>
          %add3A_3769 = arith.addf %add3A_3531, %mul3A_3768 : vector<16xf32>
          %mul3A_3770 = vector.broadcast %squeeze3A_3766 : f32 to vector<16xf32>
          %mul3A_3771 = arith.mulf %mul3A_3770, %get3A_3604 : vector<16xf32>
          %add3A_3772 = arith.addf %add3A_3534, %mul3A_3771 : vector<16xf32>
          %add3A_3773 = arith.constant 120 : i32
          %add3A_3774 = arith.addi %add3A_498, %add3A_3773 : i32
          %get3A_3775 = arith.constant 13 : i32
          %get3A_3776 = arith.index_cast %get3A_3775 : i32 to index
          %get3A_3777 = arith.index_cast %add3A_3774 : i32 to index
          %get3A_3778 = tpu.vector_load %arg11[%get3A_3776, %get3A_3777] {strides = array<i32>} : memref<16x5136xf32, #tpu.memory_space<vmem>>, vector<16xf32>,
          %slice3A_3779 = vector.extract_strided_slice %get3A_3778 {offsets = [0], sizes = [1], strides = [1]} : vector<16xf32> to vector<1xf32>
          %squeeze3A_3780 = vector.extract %slice3A_3779[0] : f32 from vector<1xf32>
          %mul3A_3781 = vector.broadcast %squeeze3A_3780 : f32 to vector<16xf32>
          %mul3A_3782 = arith.mulf %mul3A_3781, %get3A_3599 : vector<16xf32>
          %add3A_3783 = arith.addf %add3A_3545, %mul3A_3782 : vector<16xf32>
          %mul3A_3784 = vector.broadcast %squeeze3A_3780 : f32 to vector<16xf32>
          %mul3A_3785 = arith.mulf %mul3A_3784, %get3A_3604 : vector<16xf32>
          %add3A_3786 = arith.addf %add3A_3548, %mul3A_3785 : vector<16xf32>
          %add3A_3787 = arith.constant 130 : i32
          %add3A_3788 = arith.addi %add3A_498, %add3A_3787 : i32
          %get3A_3789 = arith.constant 13 : i32
          %get3A_3790 = arith.index_cast %get3A_3789 : i32 to index
          %get3A_3791 = arith.index_cast %add3A_3788 : i32 to index
          %get3A_3792 = tpu.vector_load %arg11[%get3A_3790, %get3A_3791] {strides = array<i32>} : memref<16x5136xf32, #tpu.memory_space<vmem>>, vector<16xf32>,
          %slice3A_3793 = vector.extract_strided_slice %get3A_3792 {offsets = [0], sizes = [1], strides = [1]} : vector<16xf32> to vector<1xf32>
          %squeeze3A_3794 = vector.extract %slice3A_3793[0] : f32 from vector<1xf32>
          %mul3A_3795 = vector.broadcast %squeeze3A_3794 : f32 to vector<16xf32>
          %mul3A_3796 = arith.mulf %mul3A_3795, %get3A_3599 : vector<16xf32>
          %add3A_3797 = arith.addf %add3A_3559, %mul3A_3796 : vector<16xf32>
          %mul3A_3798 = vector.broadcast %squeeze3A_3794 : f32 to vector<16xf32>
          %mul3A_3799 = arith.mulf %mul3A_3798, %get3A_3604 : vector<16xf32>
          %add3A_3800 = arith.addf %add3A_3562, %mul3A_3799 : vector<16xf32>
          %add3A_3801 = arith.constant 140 : i32
          %add3A_3802 = arith.addi %add3A_498, %add3A_3801 : i32
          %get3A_3803 = arith.constant 13 : i32
          %get3A_3804 = arith.index_cast %get3A_3803 : i32 to index
          %get3A_3805 = arith.index_cast %add3A_3802 : i32 to index
          %get3A_3806 = tpu.vector_load %arg11[%get3A_3804, %get3A_3805] {strides = array<i32>} : memref<16x5136xf32, #tpu.memory_space<vmem>>, vector<16xf32>,
          %slice3A_3807 = vector.extract_strided_slice %get3A_3806 {offsets = [0], sizes = [1], strides = [1]} : vector<16xf32> to vector<1xf32>
          %squeeze3A_3808 = vector.extract %slice3A_3807[0] : f32 from vector<1xf32>
          %mul3A_3809 = vector.broadcast %squeeze3A_3808 : f32 to vector<16xf32>
          %mul3A_3810 = arith.mulf %mul3A_3809, %get3A_3599 : vector<16xf32>
          %add3A_3811 = arith.addf %add3A_3573, %mul3A_3810 : vector<16xf32>
          %mul3A_3812 = vector.broadcast %squeeze3A_3808 : f32 to vector<16xf32>
          %mul3A_3813 = arith.mulf %mul3A_3812, %get3A_3604 : vector<16xf32>
          %add3A_3814 = arith.addf %add3A_3576, %mul3A_3813 : vector<16xf32>
          %add3A_3815 = arith.constant 150 : i32
          %add3A_3816 = arith.addi %add3A_498, %add3A_3815 : i32
          %get3A_3817 = arith.constant 13 : i32
          %get3A_3818 = arith.index_cast %get3A_3817 : i32 to index
          %get3A_3819 = arith.index_cast %add3A_3816 : i32 to index
          %get3A_3820 = tpu.vector_load %arg11[%get3A_3818, %get3A_3819] {strides = array<i32>} : memref<16x5136xf32, #tpu.memory_space<vmem>>, vector<16xf32>,
          %slice3A_3821 = vector.extract_strided_slice %get3A_3820 {offsets = [0], sizes = [1], strides = [1]} : vector<16xf32> to vector<1xf32>
          %squeeze3A_3822 = vector.extract %slice3A_3821[0] : f32 from vector<1xf32>
          %mul3A_3823 = vector.broadcast %squeeze3A_3822 : f32 to vector<16xf32>
          %mul3A_3824 = arith.mulf %mul3A_3823, %get3A_3599 : vector<16xf32>
          %add3A_3825 = arith.addf %add3A_3587, %mul3A_3824 : vector<16xf32>
          %mul3A_3826 = vector.broadcast %squeeze3A_3822 : f32 to vector<16xf32>
          %mul3A_3827 = arith.mulf %mul3A_3826, %get3A_3604 : vector<16xf32>
          %add3A_3828 = arith.addf %add3A_3590, %mul3A_3827 : vector<16xf32>
          %mul3A_3829 = arith.constant 16 : i32
          %mul3A_3830 = arith.muli %scan3A_463, %mul3A_3829 : i32
          %add3A_3831 = arith.constant 14 : i32
          %add3A_3832 = arith.addi %mul3A_3830, %add3A_3831 : i32
          %mul3A_3833 = arith.constant 2 : i32
          %mul3A_3834 = arith.muli %mul3A_3833, %add3A_3832 : i32
          %get3A_3835 = arith.index_cast %mul3A_3834 : i32 to index
          %get3A_3836 = arith.constant 0 : index
          %get3A_3837 = tpu.vector_load %arg12[%get3A_3835, %get3A_3836] {strides = array<i32>} : memref<320x16xf32, #tpu.memory_space<vmem>>, vector<16xf32>,
          %add3A_3838 = arith.constant 1 : i32
          %add3A_3839 = arith.addi %mul3A_3834, %add3A_3838 : i32
          %get3A_3840 = arith.index_cast %add3A_3839 : i32 to index
          %get3A_3841 = arith.constant 0 : index
          %get3A_3842 = tpu.vector_load %arg12[%get3A_3840, %get3A_3841] {strides = array<i32>} : memref<320x16xf32, #tpu.memory_space<vmem>>, vector<16xf32>,
          %add3A_3843 = arith.constant 0 : i32
          %add3A_3844 = arith.addi %add3A_498, %add3A_3843 : i32
          %get3A_3845 = arith.constant 14 : i32
          %get3A_3846 = arith.index_cast %get3A_3845 : i32 to index
          %get3A_3847 = arith.index_cast %add3A_3844 : i32 to index
          %get3A_3848 = tpu.vector_load %arg11[%get3A_3846, %get3A_3847] {strides = array<i32>} : memref<16x5136xf32, #tpu.memory_space<vmem>>, vector<16xf32>,
          %slice3A_3849 = vector.extract_strided_slice %get3A_3848 {offsets = [0], sizes = [1], strides = [1]} : vector<16xf32> to vector<1xf32>
          %squeeze3A_3850 = vector.extract %slice3A_3849[0] : f32 from vector<1xf32>
          %mul3A_3851 = vector.broadcast %squeeze3A_3850 : f32 to vector<16xf32>
          %mul3A_3852 = arith.mulf %mul3A_3851, %get3A_3837 : vector<16xf32>
          %add3A_3853 = arith.addf %add3A_3615, %mul3A_3852 : vector<16xf32>
          %mul3A_3854 = vector.broadcast %squeeze3A_3850 : f32 to vector<16xf32>
          %mul3A_3855 = arith.mulf %mul3A_3854, %get3A_3842 : vector<16xf32>
          %add3A_3856 = arith.addf %add3A_3618, %mul3A_3855 : vector<16xf32>
          %add3A_3857 = arith.constant 10 : i32
          %add3A_3858 = arith.addi %add3A_498, %add3A_3857 : i32
          %get3A_3859 = arith.constant 14 : i32
          %get3A_3860 = arith.index_cast %get3A_3859 : i32 to index
          %get3A_3861 = arith.index_cast %add3A_3858 : i32 to index
          %get3A_3862 = tpu.vector_load %arg11[%get3A_3860, %get3A_3861] {strides = array<i32>} : memref<16x5136xf32, #tpu.memory_space<vmem>>, vector<16xf32>,
          %slice3A_3863 = vector.extract_strided_slice %get3A_3862 {offsets = [0], sizes = [1], strides = [1]} : vector<16xf32> to vector<1xf32>
          %squeeze3A_3864 = vector.extract %slice3A_3863[0] : f32 from vector<1xf32>
          %mul3A_3865 = vector.broadcast %squeeze3A_3864 : f32 to vector<16xf32>
          %mul3A_3866 = arith.mulf %mul3A_3865, %get3A_3837 : vector<16xf32>
          %add3A_3867 = arith.addf %add3A_3629, %mul3A_3866 : vector<16xf32>
          %mul3A_3868 = vector.broadcast %squeeze3A_3864 : f32 to vector<16xf32>
          %mul3A_3869 = arith.mulf %mul3A_3868, %get3A_3842 : vector<16xf32>
          %add3A_3870 = arith.addf %add3A_3632, %mul3A_3869 : vector<16xf32>
          %add3A_3871 = arith.constant 20 : i32
          %add3A_3872 = arith.addi %add3A_498, %add3A_3871 : i32
          %get3A_3873 = arith.constant 14 : i32
          %get3A_3874 = arith.index_cast %get3A_3873 : i32 to index
          %get3A_3875 = arith.index_cast %add3A_3872 : i32 to index
          %get3A_3876 = tpu.vector_load %arg11[%get3A_3874, %get3A_3875] {strides = array<i32>} : memref<16x5136xf32, #tpu.memory_space<vmem>>, vector<16xf32>,
          %slice3A_3877 = vector.extract_strided_slice %get3A_3876 {offsets = [0], sizes = [1], strides = [1]} : vector<16xf32> to vector<1xf32>
          %squeeze3A_3878 = vector.extract %slice3A_3877[0] : f32 from vector<1xf32>
          %mul3A_3879 = vector.broadcast %squeeze3A_3878 : f32 to vector<16xf32>
          %mul3A_3880 = arith.mulf %mul3A_3879, %get3A_3837 : vector<16xf32>
          %add3A_3881 = arith.addf %add3A_3643, %mul3A_3880 : vector<16xf32>
          %mul3A_3882 = vector.broadcast %squeeze3A_3878 : f32 to vector<16xf32>
          %mul3A_3883 = arith.mulf %mul3A_3882, %get3A_3842 : vector<16xf32>
          %add3A_3884 = arith.addf %add3A_3646, %mul3A_3883 : vector<16xf32>
          %add3A_3885 = arith.constant 30 : i32
          %add3A_3886 = arith.addi %add3A_498, %add3A_3885 : i32
          %get3A_3887 = arith.constant 14 : i32
          %get3A_3888 = arith.index_cast %get3A_3887 : i32 to index
          %get3A_3889 = arith.index_cast %add3A_3886 : i32 to index
          %get3A_3890 = tpu.vector_load %arg11[%get3A_3888, %get3A_3889] {strides = array<i32>} : memref<16x5136xf32, #tpu.memory_space<vmem>>, vector<16xf32>,
          %slice3A_3891 = vector.extract_strided_slice %get3A_3890 {offsets = [0], sizes = [1], strides = [1]} : vector<16xf32> to vector<1xf32>
          %squeeze3A_3892 = vector.extract %slice3A_3891[0] : f32 from vector<1xf32>
          %mul3A_3893 = vector.broadcast %squeeze3A_3892 : f32 to vector<16xf32>
          %mul3A_3894 = arith.mulf %mul3A_3893, %get3A_3837 : vector<16xf32>
          %add3A_3895 = arith.addf %add3A_3657, %mul3A_3894 : vector<16xf32>
          %mul3A_3896 = vector.broadcast %squeeze3A_3892 : f32 to vector<16xf32>
          %mul3A_3897 = arith.mulf %mul3A_3896, %get3A_3842 : vector<16xf32>
          %add3A_3898 = arith.addf %add3A_3660, %mul3A_3897 : vector<16xf32>
          %add3A_3899 = arith.constant 40 : i32
          %add3A_3900 = arith.addi %add3A_498, %add3A_3899 : i32
          %get3A_3901 = arith.constant 14 : i32
          %get3A_3902 = arith.index_cast %get3A_3901 : i32 to index
          %get3A_3903 = arith.index_cast %add3A_3900 : i32 to index
          %get3A_3904 = tpu.vector_load %arg11[%get3A_3902, %get3A_3903] {strides = array<i32>} : memref<16x5136xf32, #tpu.memory_space<vmem>>, vector<16xf32>,
          %slice3A_3905 = vector.extract_strided_slice %get3A_3904 {offsets = [0], sizes = [1], strides = [1]} : vector<16xf32> to vector<1xf32>
          %squeeze3A_3906 = vector.extract %slice3A_3905[0] : f32 from vector<1xf32>
          %mul3A_3907 = vector.broadcast %squeeze3A_3906 : f32 to vector<16xf32>
          %mul3A_3908 = arith.mulf %mul3A_3907, %get3A_3837 : vector<16xf32>
          %add3A_3909 = arith.addf %add3A_3671, %mul3A_3908 : vector<16xf32>
          %mul3A_3910 = vector.broadcast %squeeze3A_3906 : f32 to vector<16xf32>
          %mul3A_3911 = arith.mulf %mul3A_3910, %get3A_3842 : vector<16xf32>
          %add3A_3912 = arith.addf %add3A_3674, %mul3A_3911 : vector<16xf32>
          %add3A_3913 = arith.constant 50 : i32
          %add3A_3914 = arith.addi %add3A_498, %add3A_3913 : i32
          %get3A_3915 = arith.constant 14 : i32
          %get3A_3916 = arith.index_cast %get3A_3915 : i32 to index
          %get3A_3917 = arith.index_cast %add3A_3914 : i32 to index
          %get3A_3918 = tpu.vector_load %arg11[%get3A_3916, %get3A_3917] {strides = array<i32>} : memref<16x5136xf32, #tpu.memory_space<vmem>>, vector<16xf32>,
          %slice3A_3919 = vector.extract_strided_slice %get3A_3918 {offsets = [0], sizes = [1], strides = [1]} : vector<16xf32> to vector<1xf32>
          %squeeze3A_3920 = vector.extract %slice3A_3919[0] : f32 from vector<1xf32>
          %mul3A_3921 = vector.broadcast %squeeze3A_3920 : f32 to vector<16xf32>
          %mul3A_3922 = arith.mulf %mul3A_3921, %get3A_3837 : vector<16xf32>
          %add3A_3923 = arith.addf %add3A_3685, %mul3A_3922 : vector<16xf32>
          %mul3A_3924 = vector.broadcast %squeeze3A_3920 : f32 to vector<16xf32>
          %mul3A_3925 = arith.mulf %mul3A_3924, %get3A_3842 : vector<16xf32>
          %add3A_3926 = arith.addf %add3A_3688, %mul3A_3925 : vector<16xf32>
          %add3A_3927 = arith.constant 60 : i32
          %add3A_3928 = arith.addi %add3A_498, %add3A_3927 : i32
          %get3A_3929 = arith.constant 14 : i32
          %get3A_3930 = arith.index_cast %get3A_3929 : i32 to index
          %get3A_3931 = arith.index_cast %add3A_3928 : i32 to index
          %get3A_3932 = tpu.vector_load %arg11[%get3A_3930, %get3A_3931] {strides = array<i32>} : memref<16x5136xf32, #tpu.memory_space<vmem>>, vector<16xf32>,
          %slice3A_3933 = vector.extract_strided_slice %get3A_3932 {offsets = [0], sizes = [1], strides = [1]} : vector<16xf32> to vector<1xf32>
          %squeeze3A_3934 = vector.extract %slice3A_3933[0] : f32 from vector<1xf32>
          %mul3A_3935 = vector.broadcast %squeeze3A_3934 : f32 to vector<16xf32>
          %mul3A_3936 = arith.mulf %mul3A_3935, %get3A_3837 : vector<16xf32>
          %add3A_3937 = arith.addf %add3A_3699, %mul3A_3936 : vector<16xf32>
          %mul3A_3938 = vector.broadcast %squeeze3A_3934 : f32 to vector<16xf32>
          %mul3A_3939 = arith.mulf %mul3A_3938, %get3A_3842 : vector<16xf32>
          %add3A_3940 = arith.addf %add3A_3702, %mul3A_3939 : vector<16xf32>
          %add3A_3941 = arith.constant 70 : i32
          %add3A_3942 = arith.addi %add3A_498, %add3A_3941 : i32
          %get3A_3943 = arith.constant 14 : i32
          %get3A_3944 = arith.index_cast %get3A_3943 : i32 to index
          %get3A_3945 = arith.index_cast %add3A_3942 : i32 to index
          %get3A_3946 = tpu.vector_load %arg11[%get3A_3944, %get3A_3945] {strides = array<i32>} : memref<16x5136xf32, #tpu.memory_space<vmem>>, vector<16xf32>,
          %slice3A_3947 = vector.extract_strided_slice %get3A_3946 {offsets = [0], sizes = [1], strides = [1]} : vector<16xf32> to vector<1xf32>
          %squeeze3A_3948 = vector.extract %slice3A_3947[0] : f32 from vector<1xf32>
          %mul3A_3949 = vector.broadcast %squeeze3A_3948 : f32 to vector<16xf32>
          %mul3A_3950 = arith.mulf %mul3A_3949, %get3A_3837 : vector<16xf32>
          %add3A_3951 = arith.addf %add3A_3713, %mul3A_3950 : vector<16xf32>
          %mul3A_3952 = vector.broadcast %squeeze3A_3948 : f32 to vector<16xf32>
          %mul3A_3953 = arith.mulf %mul3A_3952, %get3A_3842 : vector<16xf32>
          %add3A_3954 = arith.addf %add3A_3716, %mul3A_3953 : vector<16xf32>
          %add3A_3955 = arith.constant 80 : i32
          %add3A_3956 = arith.addi %add3A_498, %add3A_3955 : i32
          %get3A_3957 = arith.constant 14 : i32
          %get3A_3958 = arith.index_cast %get3A_3957 : i32 to index
          %get3A_3959 = arith.index_cast %add3A_3956 : i32 to index
          %get3A_3960 = tpu.vector_load %arg11[%get3A_3958, %get3A_3959] {strides = array<i32>} : memref<16x5136xf32, #tpu.memory_space<vmem>>, vector<16xf32>,
          %slice3A_3961 = vector.extract_strided_slice %get3A_3960 {offsets = [0], sizes = [1], strides = [1]} : vector<16xf32> to vector<1xf32>
          %squeeze3A_3962 = vector.extract %slice3A_3961[0] : f32 from vector<1xf32>
          %mul3A_3963 = vector.broadcast %squeeze3A_3962 : f32 to vector<16xf32>
          %mul3A_3964 = arith.mulf %mul3A_3963, %get3A_3837 : vector<16xf32>
          %add3A_3965 = arith.addf %add3A_3727, %mul3A_3964 : vector<16xf32>
          %mul3A_3966 = vector.broadcast %squeeze3A_3962 : f32 to vector<16xf32>
          %mul3A_3967 = arith.mulf %mul3A_3966, %get3A_3842 : vector<16xf32>
          %add3A_3968 = arith.addf %add3A_3730, %mul3A_3967 : vector<16xf32>
          %add3A_3969 = arith.constant 90 : i32
          %add3A_3970 = arith.addi %add3A_498, %add3A_3969 : i32
          %get3A_3971 = arith.constant 14 : i32
          %get3A_3972 = arith.index_cast %get3A_3971 : i32 to index
          %get3A_3973 = arith.index_cast %add3A_3970 : i32 to index
          %get3A_3974 = tpu.vector_load %arg11[%get3A_3972, %get3A_3973] {strides = array<i32>} : memref<16x5136xf32, #tpu.memory_space<vmem>>, vector<16xf32>,
          %slice3A_3975 = vector.extract_strided_slice %get3A_3974 {offsets = [0], sizes = [1], strides = [1]} : vector<16xf32> to vector<1xf32>
          %squeeze3A_3976 = vector.extract %slice3A_3975[0] : f32 from vector<1xf32>
          %mul3A_3977 = vector.broadcast %squeeze3A_3976 : f32 to vector<16xf32>
          %mul3A_3978 = arith.mulf %mul3A_3977, %get3A_3837 : vector<16xf32>
          %add3A_3979 = arith.addf %add3A_3741, %mul3A_3978 : vector<16xf32>
          %mul3A_3980 = vector.broadcast %squeeze3A_3976 : f32 to vector<16xf32>
          %mul3A_3981 = arith.mulf %mul3A_3980, %get3A_3842 : vector<16xf32>
          %add3A_3982 = arith.addf %add3A_3744, %mul3A_3981 : vector<16xf32>
          %add3A_3983 = arith.constant 100 : i32
          %add3A_3984 = arith.addi %add3A_498, %add3A_3983 : i32
          %get3A_3985 = arith.constant 14 : i32
          %get3A_3986 = arith.index_cast %get3A_3985 : i32 to index
          %get3A_3987 = arith.index_cast %add3A_3984 : i32 to index
          %get3A_3988 = tpu.vector_load %arg11[%get3A_3986, %get3A_3987] {strides = array<i32>} : memref<16x5136xf32, #tpu.memory_space<vmem>>, vector<16xf32>,
          %slice3A_3989 = vector.extract_strided_slice %get3A_3988 {offsets = [0], sizes = [1], strides = [1]} : vector<16xf32> to vector<1xf32>
          %squeeze3A_3990 = vector.extract %slice3A_3989[0] : f32 from vector<1xf32>
          %mul3A_3991 = vector.broadcast %squeeze3A_3990 : f32 to vector<16xf32>
          %mul3A_3992 = arith.mulf %mul3A_3991, %get3A_3837 : vector<16xf32>
          %add3A_3993 = arith.addf %add3A_3755, %mul3A_3992 : vector<16xf32>
          %mul3A_3994 = vector.broadcast %squeeze3A_3990 : f32 to vector<16xf32>
          %mul3A_3995 = arith.mulf %mul3A_3994, %get3A_3842 : vector<16xf32>
          %add3A_3996 = arith.addf %add3A_3758, %mul3A_3995 : vector<16xf32>
          %add3A_3997 = arith.constant 110 : i32
          %add3A_3998 = arith.addi %add3A_498, %add3A_3997 : i32
          %get3A_3999 = arith.constant 14 : i32
          %get3A_4000 = arith.index_cast %get3A_3999 : i32 to index
          %get3A_4001 = arith.index_cast %add3A_3998 : i32 to index
          %get3A_4002 = tpu.vector_load %arg11[%get3A_4000, %get3A_4001] {strides = array<i32>} : memref<16x5136xf32, #tpu.memory_space<vmem>>, vector<16xf32>,
          %slice3A_4003 = vector.extract_strided_slice %get3A_4002 {offsets = [0], sizes = [1], strides = [1]} : vector<16xf32> to vector<1xf32>
          %squeeze3A_4004 = vector.extract %slice3A_4003[0] : f32 from vector<1xf32>
          %mul3A_4005 = vector.broadcast %squeeze3A_4004 : f32 to vector<16xf32>
          %mul3A_4006 = arith.mulf %mul3A_4005, %get3A_3837 : vector<16xf32>
          %add3A_4007 = arith.addf %add3A_3769, %mul3A_4006 : vector<16xf32>
          %mul3A_4008 = vector.broadcast %squeeze3A_4004 : f32 to vector<16xf32>
          %mul3A_4009 = arith.mulf %mul3A_4008, %get3A_3842 : vector<16xf32>
          %add3A_4010 = arith.addf %add3A_3772, %mul3A_4009 : vector<16xf32>
          %add3A_4011 = arith.constant 120 : i32
          %add3A_4012 = arith.addi %add3A_498, %add3A_4011 : i32
          %get3A_4013 = arith.constant 14 : i32
          %get3A_4014 = arith.index_cast %get3A_4013 : i32 to index
          %get3A_4015 = arith.index_cast %add3A_4012 : i32 to index
          %get3A_4016 = tpu.vector_load %arg11[%get3A_4014, %get3A_4015] {strides = array<i32>} : memref<16x5136xf32, #tpu.memory_space<vmem>>, vector<16xf32>,
          %slice3A_4017 = vector.extract_strided_slice %get3A_4016 {offsets = [0], sizes = [1], strides = [1]} : vector<16xf32> to vector<1xf32>
          %squeeze3A_4018 = vector.extract %slice3A_4017[0] : f32 from vector<1xf32>
          %mul3A_4019 = vector.broadcast %squeeze3A_4018 : f32 to vector<16xf32>
          %mul3A_4020 = arith.mulf %mul3A_4019, %get3A_3837 : vector<16xf32>
          %add3A_4021 = arith.addf %add3A_3783, %mul3A_4020 : vector<16xf32>
          %mul3A_4022 = vector.broadcast %squeeze3A_4018 : f32 to vector<16xf32>
          %mul3A_4023 = arith.mulf %mul3A_4022, %get3A_3842 : vector<16xf32>
          %add3A_4024 = arith.addf %add3A_3786, %mul3A_4023 : vector<16xf32>
          %add3A_4025 = arith.constant 130 : i32
          %add3A_4026 = arith.addi %add3A_498, %add3A_4025 : i32
          %get3A_4027 = arith.constant 14 : i32
          %get3A_4028 = arith.index_cast %get3A_4027 : i32 to index
          %get3A_4029 = arith.index_cast %add3A_4026 : i32 to index
          %get3A_4030 = tpu.vector_load %arg11[%get3A_4028, %get3A_4029] {strides = array<i32>} : memref<16x5136xf32, #tpu.memory_space<vmem>>, vector<16xf32>,
          %slice3A_4031 = vector.extract_strided_slice %get3A_4030 {offsets = [0], sizes = [1], strides = [1]} : vector<16xf32> to vector<1xf32>
          %squeeze3A_4032 = vector.extract %slice3A_4031[0] : f32 from vector<1xf32>
          %mul3A_4033 = vector.broadcast %squeeze3A_4032 : f32 to vector<16xf32>
          %mul3A_4034 = arith.mulf %mul3A_4033, %get3A_3837 : vector<16xf32>
          %add3A_4035 = arith.addf %add3A_3797, %mul3A_4034 : vector<16xf32>
          %mul3A_4036 = vector.broadcast %squeeze3A_4032 : f32 to vector<16xf32>
          %mul3A_4037 = arith.mulf %mul3A_4036, %get3A_3842 : vector<16xf32>
          %add3A_4038 = arith.addf %add3A_3800, %mul3A_4037 : vector<16xf32>
          %add3A_4039 = arith.constant 140 : i32
          %add3A_4040 = arith.addi %add3A_498, %add3A_4039 : i32
          %get3A_4041 = arith.constant 14 : i32
          %get3A_4042 = arith.index_cast %get3A_4041 : i32 to index
          %get3A_4043 = arith.index_cast %add3A_4040 : i32 to index
          %get3A_4044 = tpu.vector_load %arg11[%get3A_4042, %get3A_4043] {strides = array<i32>} : memref<16x5136xf32, #tpu.memory_space<vmem>>, vector<16xf32>,
          %slice3A_4045 = vector.extract_strided_slice %get3A_4044 {offsets = [0], sizes = [1], strides = [1]} : vector<16xf32> to vector<1xf32>
          %squeeze3A_4046 = vector.extract %slice3A_4045[0] : f32 from vector<1xf32>
          %mul3A_4047 = vector.broadcast %squeeze3A_4046 : f32 to vector<16xf32>
          %mul3A_4048 = arith.mulf %mul3A_4047, %get3A_3837 : vector<16xf32>
          %add3A_4049 = arith.addf %add3A_3811, %mul3A_4048 : vector<16xf32>
          %mul3A_4050 = vector.broadcast %squeeze3A_4046 : f32 to vector<16xf32>
          %mul3A_4051 = arith.mulf %mul3A_4050, %get3A_3842 : vector<16xf32>
          %add3A_4052 = arith.addf %add3A_3814, %mul3A_4051 : vector<16xf32>
          %add3A_4053 = arith.constant 150 : i32
          %add3A_4054 = arith.addi %add3A_498, %add3A_4053 : i32
          %get3A_4055 = arith.constant 14 : i32
          %get3A_4056 = arith.index_cast %get3A_4055 : i32 to index
          %get3A_4057 = arith.index_cast %add3A_4054 : i32 to index
          %get3A_4058 = tpu.vector_load %arg11[%get3A_4056, %get3A_4057] {strides = array<i32>} : memref<16x5136xf32, #tpu.memory_space<vmem>>, vector<16xf32>,
          %slice3A_4059 = vector.extract_strided_slice %get3A_4058 {offsets = [0], sizes = [1], strides = [1]} : vector<16xf32> to vector<1xf32>
          %squeeze3A_4060 = vector.extract %slice3A_4059[0] : f32 from vector<1xf32>
          %mul3A_4061 = vector.broadcast %squeeze3A_4060 : f32 to vector<16xf32>
          %mul3A_4062 = arith.mulf %mul3A_4061, %get3A_3837 : vector<16xf32>
          %add3A_4063 = arith.addf %add3A_3825, %mul3A_4062 : vector<16xf32>
          %mul3A_4064 = vector.broadcast %squeeze3A_4060 : f32 to vector<16xf32>
          %mul3A_4065 = arith.mulf %mul3A_4064, %get3A_3842 : vector<16xf32>
          %add3A_4066 = arith.addf %add3A_3828, %mul3A_4065 : vector<16xf32>
          %mul3A_4067 = arith.constant 16 : i32
          %mul3A_4068 = arith.muli %scan3A_463, %mul3A_4067 : i32
          %add3A_4069 = arith.constant 15 : i32
          %add3A_4070 = arith.addi %mul3A_4068, %add3A_4069 : i32
          %mul3A_4071 = arith.constant 2 : i32
          %mul3A_4072 = arith.muli %mul3A_4071, %add3A_4070 : i32
          %get3A_4073 = arith.index_cast %mul3A_4072 : i32 to index
          %get3A_4074 = arith.constant 0 : index
          %get3A_4075 = tpu.vector_load %arg12[%get3A_4073, %get3A_4074] {strides = array<i32>} : memref<320x16xf32, #tpu.memory_space<vmem>>, vector<16xf32>,
          %add3A_4076 = arith.constant 1 : i32
          %add3A_4077 = arith.addi %mul3A_4072, %add3A_4076 : i32
          %get3A_4078 = arith.index_cast %add3A_4077 : i32 to index
          %get3A_4079 = arith.constant 0 : index
          %get3A_4080 = tpu.vector_load %arg12[%get3A_4078, %get3A_4079] {strides = array<i32>} : memref<320x16xf32, #tpu.memory_space<vmem>>, vector<16xf32>,
          %add3A_4081 = arith.constant 0 : i32
          %add3A_4082 = arith.addi %add3A_498, %add3A_4081 : i32
          %get3A_4083 = arith.constant 15 : i32
          %get3A_4084 = arith.index_cast %get3A_4083 : i32 to index
          %get3A_4085 = arith.index_cast %add3A_4082 : i32 to index
          %get3A_4086 = tpu.vector_load %arg11[%get3A_4084, %get3A_4085] {strides = array<i32>} : memref<16x5136xf32, #tpu.memory_space<vmem>>, vector<16xf32>,
          %slice3A_4087 = vector.extract_strided_slice %get3A_4086 {offsets = [0], sizes = [1], strides = [1]} : vector<16xf32> to vector<1xf32>
          %squeeze3A_4088 = vector.extract %slice3A_4087[0] : f32 from vector<1xf32>
          %mul3A_4089 = vector.broadcast %squeeze3A_4088 : f32 to vector<16xf32>
          %mul3A_4090 = arith.mulf %mul3A_4089, %get3A_4075 : vector<16xf32>
          %add3A_4091 = arith.addf %add3A_3853, %mul3A_4090 : vector<16xf32>
          %mul3A_4092 = vector.broadcast %squeeze3A_4088 : f32 to vector<16xf32>
          %mul3A_4093 = arith.mulf %mul3A_4092, %get3A_4080 : vector<16xf32>
          %add3A_4094 = arith.addf %add3A_3856, %mul3A_4093 : vector<16xf32>
          %add3A_4095 = arith.constant 10 : i32
          %add3A_4096 = arith.addi %add3A_498, %add3A_4095 : i32
          %get3A_4097 = arith.constant 15 : i32
          %get3A_4098 = arith.index_cast %get3A_4097 : i32 to index
          %get3A_4099 = arith.index_cast %add3A_4096 : i32 to index
          %get3A_4100 = tpu.vector_load %arg11[%get3A_4098, %get3A_4099] {strides = array<i32>} : memref<16x5136xf32, #tpu.memory_space<vmem>>, vector<16xf32>,
          %slice3A_4101 = vector.extract_strided_slice %get3A_4100 {offsets = [0], sizes = [1], strides = [1]} : vector<16xf32> to vector<1xf32>
          %squeeze3A_4102 = vector.extract %slice3A_4101[0] : f32 from vector<1xf32>
          %mul3A_4103 = vector.broadcast %squeeze3A_4102 : f32 to vector<16xf32>
          %mul3A_4104 = arith.mulf %mul3A_4103, %get3A_4075 : vector<16xf32>
          %add3A_4105 = arith.addf %add3A_3867, %mul3A_4104 : vector<16xf32>
          %mul3A_4106 = vector.broadcast %squeeze3A_4102 : f32 to vector<16xf32>
          %mul3A_4107 = arith.mulf %mul3A_4106, %get3A_4080 : vector<16xf32>
          %add3A_4108 = arith.addf %add3A_3870, %mul3A_4107 : vector<16xf32>
          %add3A_4109 = arith.constant 20 : i32
          %add3A_4110 = arith.addi %add3A_498, %add3A_4109 : i32
          %get3A_4111 = arith.constant 15 : i32
          %get3A_4112 = arith.index_cast %get3A_4111 : i32 to index
          %get3A_4113 = arith.index_cast %add3A_4110 : i32 to index
          %get3A_4114 = tpu.vector_load %arg11[%get3A_4112, %get3A_4113] {strides = array<i32>} : memref<16x5136xf32, #tpu.memory_space<vmem>>, vector<16xf32>,
          %slice3A_4115 = vector.extract_strided_slice %get3A_4114 {offsets = [0], sizes = [1], strides = [1]} : vector<16xf32> to vector<1xf32>
          %squeeze3A_4116 = vector.extract %slice3A_4115[0] : f32 from vector<1xf32>
          %mul3A_4117 = vector.broadcast %squeeze3A_4116 : f32 to vector<16xf32>
          %mul3A_4118 = arith.mulf %mul3A_4117, %get3A_4075 : vector<16xf32>
          %add3A_4119 = arith.addf %add3A_3881, %mul3A_4118 : vector<16xf32>
          %mul3A_4120 = vector.broadcast %squeeze3A_4116 : f32 to vector<16xf32>
          %mul3A_4121 = arith.mulf %mul3A_4120, %get3A_4080 : vector<16xf32>
          %add3A_4122 = arith.addf %add3A_3884, %mul3A_4121 : vector<16xf32>
          %add3A_4123 = arith.constant 30 : i32
          %add3A_4124 = arith.addi %add3A_498, %add3A_4123 : i32
          %get3A_4125 = arith.constant 15 : i32
          %get3A_4126 = arith.index_cast %get3A_4125 : i32 to index
          %get3A_4127 = arith.index_cast %add3A_4124 : i32 to index
          %get3A_4128 = tpu.vector_load %arg11[%get3A_4126, %get3A_4127] {strides = array<i32>} : memref<16x5136xf32, #tpu.memory_space<vmem>>, vector<16xf32>,
          %slice3A_4129 = vector.extract_strided_slice %get3A_4128 {offsets = [0], sizes = [1], strides = [1]} : vector<16xf32> to vector<1xf32>
          %squeeze3A_4130 = vector.extract %slice3A_4129[0] : f32 from vector<1xf32>
          %mul3A_4131 = vector.broadcast %squeeze3A_4130 : f32 to vector<16xf32>
          %mul3A_4132 = arith.mulf %mul3A_4131, %get3A_4075 : vector<16xf32>
          %add3A_4133 = arith.addf %add3A_3895, %mul3A_4132 : vector<16xf32>
          %mul3A_4134 = vector.broadcast %squeeze3A_4130 : f32 to vector<16xf32>
          %mul3A_4135 = arith.mulf %mul3A_4134, %get3A_4080 : vector<16xf32>
          %add3A_4136 = arith.addf %add3A_3898, %mul3A_4135 : vector<16xf32>
          %add3A_4137 = arith.constant 40 : i32
          %add3A_4138 = arith.addi %add3A_498, %add3A_4137 : i32
          %get3A_4139 = arith.constant 15 : i32
          %get3A_4140 = arith.index_cast %get3A_4139 : i32 to index
          %get3A_4141 = arith.index_cast %add3A_4138 : i32 to index
          %get3A_4142 = tpu.vector_load %arg11[%get3A_4140, %get3A_4141] {strides = array<i32>} : memref<16x5136xf32, #tpu.memory_space<vmem>>, vector<16xf32>,
          %slice3A_4143 = vector.extract_strided_slice %get3A_4142 {offsets = [0], sizes = [1], strides = [1]} : vector<16xf32> to vector<1xf32>
          %squeeze3A_4144 = vector.extract %slice3A_4143[0] : f32 from vector<1xf32>
          %mul3A_4145 = vector.broadcast %squeeze3A_4144 : f32 to vector<16xf32>
          %mul3A_4146 = arith.mulf %mul3A_4145, %get3A_4075 : vector<16xf32>
          %add3A_4147 = arith.addf %add3A_3909, %mul3A_4146 : vector<16xf32>
          %mul3A_4148 = vector.broadcast %squeeze3A_4144 : f32 to vector<16xf32>
          %mul3A_4149 = arith.mulf %mul3A_4148, %get3A_4080 : vector<16xf32>
          %add3A_4150 = arith.addf %add3A_3912, %mul3A_4149 : vector<16xf32>
          %add3A_4151 = arith.constant 50 : i32
          %add3A_4152 = arith.addi %add3A_498, %add3A_4151 : i32
          %get3A_4153 = arith.constant 15 : i32
          %get3A_4154 = arith.index_cast %get3A_4153 : i32 to index
          %get3A_4155 = arith.index_cast %add3A_4152 : i32 to index
          %get3A_4156 = tpu.vector_load %arg11[%get3A_4154, %get3A_4155] {strides = array<i32>} : memref<16x5136xf32, #tpu.memory_space<vmem>>, vector<16xf32>,
          %slice3A_4157 = vector.extract_strided_slice %get3A_4156 {offsets = [0], sizes = [1], strides = [1]} : vector<16xf32> to vector<1xf32>
          %squeeze3A_4158 = vector.extract %slice3A_4157[0] : f32 from vector<1xf32>
          %mul3A_4159 = vector.broadcast %squeeze3A_4158 : f32 to vector<16xf32>
          %mul3A_4160 = arith.mulf %mul3A_4159, %get3A_4075 : vector<16xf32>
          %add3A_4161 = arith.addf %add3A_3923, %mul3A_4160 : vector<16xf32>
          %mul3A_4162 = vector.broadcast %squeeze3A_4158 : f32 to vector<16xf32>
          %mul3A_4163 = arith.mulf %mul3A_4162, %get3A_4080 : vector<16xf32>
          %add3A_4164 = arith.addf %add3A_3926, %mul3A_4163 : vector<16xf32>
          %add3A_4165 = arith.constant 60 : i32
          %add3A_4166 = arith.addi %add3A_498, %add3A_4165 : i32
          %get3A_4167 = arith.constant 15 : i32
          %get3A_4168 = arith.index_cast %get3A_4167 : i32 to index
          %get3A_4169 = arith.index_cast %add3A_4166 : i32 to index
          %get3A_4170 = tpu.vector_load %arg11[%get3A_4168, %get3A_4169] {strides = array<i32>} : memref<16x5136xf32, #tpu.memory_space<vmem>>, vector<16xf32>,
          %slice3A_4171 = vector.extract_strided_slice %get3A_4170 {offsets = [0], sizes = [1], strides = [1]} : vector<16xf32> to vector<1xf32>
          %squeeze3A_4172 = vector.extract %slice3A_4171[0] : f32 from vector<1xf32>
          %mul3A_4173 = vector.broadcast %squeeze3A_4172 : f32 to vector<16xf32>
          %mul3A_4174 = arith.mulf %mul3A_4173, %get3A_4075 : vector<16xf32>
          %add3A_4175 = arith.addf %add3A_3937, %mul3A_4174 : vector<16xf32>
          %mul3A_4176 = vector.broadcast %squeeze3A_4172 : f32 to vector<16xf32>
          %mul3A_4177 = arith.mulf %mul3A_4176, %get3A_4080 : vector<16xf32>
          %add3A_4178 = arith.addf %add3A_3940, %mul3A_4177 : vector<16xf32>
          %add3A_4179 = arith.constant 70 : i32
          %add3A_4180 = arith.addi %add3A_498, %add3A_4179 : i32
          %get3A_4181 = arith.constant 15 : i32
          %get3A_4182 = arith.index_cast %get3A_4181 : i32 to index
          %get3A_4183 = arith.index_cast %add3A_4180 : i32 to index
          %get3A_4184 = tpu.vector_load %arg11[%get3A_4182, %get3A_4183] {strides = array<i32>} : memref<16x5136xf32, #tpu.memory_space<vmem>>, vector<16xf32>,
          %slice3A_4185 = vector.extract_strided_slice %get3A_4184 {offsets = [0], sizes = [1], strides = [1]} : vector<16xf32> to vector<1xf32>
          %squeeze3A_4186 = vector.extract %slice3A_4185[0] : f32 from vector<1xf32>
          %mul3A_4187 = vector.broadcast %squeeze3A_4186 : f32 to vector<16xf32>
          %mul3A_4188 = arith.mulf %mul3A_4187, %get3A_4075 : vector<16xf32>
          %add3A_4189 = arith.addf %add3A_3951, %mul3A_4188 : vector<16xf32>
          %mul3A_4190 = vector.broadcast %squeeze3A_4186 : f32 to vector<16xf32>
          %mul3A_4191 = arith.mulf %mul3A_4190, %get3A_4080 : vector<16xf32>
          %add3A_4192 = arith.addf %add3A_3954, %mul3A_4191 : vector<16xf32>
          %add3A_4193 = arith.constant 80 : i32
          %add3A_4194 = arith.addi %add3A_498, %add3A_4193 : i32
          %get3A_4195 = arith.constant 15 : i32
          %get3A_4196 = arith.index_cast %get3A_4195 : i32 to index
          %get3A_4197 = arith.index_cast %add3A_4194 : i32 to index
          %get3A_4198 = tpu.vector_load %arg11[%get3A_4196, %get3A_4197] {strides = array<i32>} : memref<16x5136xf32, #tpu.memory_space<vmem>>, vector<16xf32>,
          %slice3A_4199 = vector.extract_strided_slice %get3A_4198 {offsets = [0], sizes = [1], strides = [1]} : vector<16xf32> to vector<1xf32>
          %squeeze3A_4200 = vector.extract %slice3A_4199[0] : f32 from vector<1xf32>
          %mul3A_4201 = vector.broadcast %squeeze3A_4200 : f32 to vector<16xf32>
          %mul3A_4202 = arith.mulf %mul3A_4201, %get3A_4075 : vector<16xf32>
          %add3A_4203 = arith.addf %add3A_3965, %mul3A_4202 : vector<16xf32>
          %mul3A_4204 = vector.broadcast %squeeze3A_4200 : f32 to vector<16xf32>
          %mul3A_4205 = arith.mulf %mul3A_4204, %get3A_4080 : vector<16xf32>
          %add3A_4206 = arith.addf %add3A_3968, %mul3A_4205 : vector<16xf32>
          %add3A_4207 = arith.constant 90 : i32
          %add3A_4208 = arith.addi %add3A_498, %add3A_4207 : i32
          %get3A_4209 = arith.constant 15 : i32
          %get3A_4210 = arith.index_cast %get3A_4209 : i32 to index
          %get3A_4211 = arith.index_cast %add3A_4208 : i32 to index
          %get3A_4212 = tpu.vector_load %arg11[%get3A_4210, %get3A_4211] {strides = array<i32>} : memref<16x5136xf32, #tpu.memory_space<vmem>>, vector<16xf32>,
          %slice3A_4213 = vector.extract_strided_slice %get3A_4212 {offsets = [0], sizes = [1], strides = [1]} : vector<16xf32> to vector<1xf32>
          %squeeze3A_4214 = vector.extract %slice3A_4213[0] : f32 from vector<1xf32>
          %mul3A_4215 = vector.broadcast %squeeze3A_4214 : f32 to vector<16xf32>
          %mul3A_4216 = arith.mulf %mul3A_4215, %get3A_4075 : vector<16xf32>
          %add3A_4217 = arith.addf %add3A_3979, %mul3A_4216 : vector<16xf32>
          %mul3A_4218 = vector.broadcast %squeeze3A_4214 : f32 to vector<16xf32>
          %mul3A_4219 = arith.mulf %mul3A_4218, %get3A_4080 : vector<16xf32>
          %add3A_4220 = arith.addf %add3A_3982, %mul3A_4219 : vector<16xf32>
          %add3A_4221 = arith.constant 100 : i32
          %add3A_4222 = arith.addi %add3A_498, %add3A_4221 : i32
          %get3A_4223 = arith.constant 15 : i32
          %get3A_4224 = arith.index_cast %get3A_4223 : i32 to index
          %get3A_4225 = arith.index_cast %add3A_4222 : i32 to index
          %get3A_4226 = tpu.vector_load %arg11[%get3A_4224, %get3A_4225] {strides = array<i32>} : memref<16x5136xf32, #tpu.memory_space<vmem>>, vector<16xf32>,
          %slice3A_4227 = vector.extract_strided_slice %get3A_4226 {offsets = [0], sizes = [1], strides = [1]} : vector<16xf32> to vector<1xf32>
          %squeeze3A_4228 = vector.extract %slice3A_4227[0] : f32 from vector<1xf32>
          %mul3A_4229 = vector.broadcast %squeeze3A_4228 : f32 to vector<16xf32>
          %mul3A_4230 = arith.mulf %mul3A_4229, %get3A_4075 : vector<16xf32>
          %add3A_4231 = arith.addf %add3A_3993, %mul3A_4230 : vector<16xf32>
          %mul3A_4232 = vector.broadcast %squeeze3A_4228 : f32 to vector<16xf32>
          %mul3A_4233 = arith.mulf %mul3A_4232, %get3A_4080 : vector<16xf32>
          %add3A_4234 = arith.addf %add3A_3996, %mul3A_4233 : vector<16xf32>
          %add3A_4235 = arith.constant 110 : i32
          %add3A_4236 = arith.addi %add3A_498, %add3A_4235 : i32
          %get3A_4237 = arith.constant 15 : i32
          %get3A_4238 = arith.index_cast %get3A_4237 : i32 to index
          %get3A_4239 = arith.index_cast %add3A_4236 : i32 to index
          %get3A_4240 = tpu.vector_load %arg11[%get3A_4238, %get3A_4239] {strides = array<i32>} : memref<16x5136xf32, #tpu.memory_space<vmem>>, vector<16xf32>,
          %slice3A_4241 = vector.extract_strided_slice %get3A_4240 {offsets = [0], sizes = [1], strides = [1]} : vector<16xf32> to vector<1xf32>
          %squeeze3A_4242 = vector.extract %slice3A_4241[0] : f32 from vector<1xf32>
          %mul3A_4243 = vector.broadcast %squeeze3A_4242 : f32 to vector<16xf32>
          %mul3A_4244 = arith.mulf %mul3A_4243, %get3A_4075 : vector<16xf32>
          %add3A_4245 = arith.addf %add3A_4007, %mul3A_4244 : vector<16xf32>
          %mul3A_4246 = vector.broadcast %squeeze3A_4242 : f32 to vector<16xf32>
          %mul3A_4247 = arith.mulf %mul3A_4246, %get3A_4080 : vector<16xf32>
          %add3A_4248 = arith.addf %add3A_4010, %mul3A_4247 : vector<16xf32>
          %add3A_4249 = arith.constant 120 : i32
          %add3A_4250 = arith.addi %add3A_498, %add3A_4249 : i32
          %get3A_4251 = arith.constant 15 : i32
          %get3A_4252 = arith.index_cast %get3A_4251 : i32 to index
          %get3A_4253 = arith.index_cast %add3A_4250 : i32 to index
          %get3A_4254 = tpu.vector_load %arg11[%get3A_4252, %get3A_4253] {strides = array<i32>} : memref<16x5136xf32, #tpu.memory_space<vmem>>, vector<16xf32>,
          %slice3A_4255 = vector.extract_strided_slice %get3A_4254 {offsets = [0], sizes = [1], strides = [1]} : vector<16xf32> to vector<1xf32>
          %squeeze3A_4256 = vector.extract %slice3A_4255[0] : f32 from vector<1xf32>
          %mul3A_4257 = vector.broadcast %squeeze3A_4256 : f32 to vector<16xf32>
          %mul3A_4258 = arith.mulf %mul3A_4257, %get3A_4075 : vector<16xf32>
          %add3A_4259 = arith.addf %add3A_4021, %mul3A_4258 : vector<16xf32>
          %mul3A_4260 = vector.broadcast %squeeze3A_4256 : f32 to vector<16xf32>
          %mul3A_4261 = arith.mulf %mul3A_4260, %get3A_4080 : vector<16xf32>
          %add3A_4262 = arith.addf %add3A_4024, %mul3A_4261 : vector<16xf32>
          %add3A_4263 = arith.constant 130 : i32
          %add3A_4264 = arith.addi %add3A_498, %add3A_4263 : i32
          %get3A_4265 = arith.constant 15 : i32
          %get3A_4266 = arith.index_cast %get3A_4265 : i32 to index
          %get3A_4267 = arith.index_cast %add3A_4264 : i32 to index
          %get3A_4268 = tpu.vector_load %arg11[%get3A_4266, %get3A_4267] {strides = array<i32>} : memref<16x5136xf32, #tpu.memory_space<vmem>>, vector<16xf32>,
          %slice3A_4269 = vector.extract_strided_slice %get3A_4268 {offsets = [0], sizes = [1], strides = [1]} : vector<16xf32> to vector<1xf32>
          %squeeze3A_4270 = vector.extract %slice3A_4269[0] : f32 from vector<1xf32>
          %mul3A_4271 = vector.broadcast %squeeze3A_4270 : f32 to vector<16xf32>
          %mul3A_4272 = arith.mulf %mul3A_4271, %get3A_4075 : vector<16xf32>
          %add3A_4273 = arith.addf %add3A_4035, %mul3A_4272 : vector<16xf32>
          %mul3A_4274 = vector.broadcast %squeeze3A_4270 : f32 to vector<16xf32>
          %mul3A_4275 = arith.mulf %mul3A_4274, %get3A_4080 : vector<16xf32>
          %add3A_4276 = arith.addf %add3A_4038, %mul3A_4275 : vector<16xf32>
          %add3A_4277 = arith.constant 140 : i32
          %add3A_4278 = arith.addi %add3A_498, %add3A_4277 : i32
          %get3A_4279 = arith.constant 15 : i32
          %get3A_4280 = arith.index_cast %get3A_4279 : i32 to index
          %get3A_4281 = arith.index_cast %add3A_4278 : i32 to index
          %get3A_4282 = tpu.vector_load %arg11[%get3A_4280, %get3A_4281] {strides = array<i32>} : memref<16x5136xf32, #tpu.memory_space<vmem>>, vector<16xf32>,
          %slice3A_4283 = vector.extract_strided_slice %get3A_4282 {offsets = [0], sizes = [1], strides = [1]} : vector<16xf32> to vector<1xf32>
          %squeeze3A_4284 = vector.extract %slice3A_4283[0] : f32 from vector<1xf32>
          %mul3A_4285 = vector.broadcast %squeeze3A_4284 : f32 to vector<16xf32>
          %mul3A_4286 = arith.mulf %mul3A_4285, %get3A_4075 : vector<16xf32>
          %add3A_4287 = arith.addf %add3A_4049, %mul3A_4286 : vector<16xf32>
          %mul3A_4288 = vector.broadcast %squeeze3A_4284 : f32 to vector<16xf32>
          %mul3A_4289 = arith.mulf %mul3A_4288, %get3A_4080 : vector<16xf32>
          %add3A_4290 = arith.addf %add3A_4052, %mul3A_4289 : vector<16xf32>
          %add3A_4291 = arith.constant 150 : i32
          %add3A_4292 = arith.addi %add3A_498, %add3A_4291 : i32
          %get3A_4293 = arith.constant 15 : i32
          %get3A_4294 = arith.index_cast %get3A_4293 : i32 to index
          %get3A_4295 = arith.index_cast %add3A_4292 : i32 to index
          %get3A_4296 = tpu.vector_load %arg11[%get3A_4294, %get3A_4295] {strides = array<i32>} : memref<16x5136xf32, #tpu.memory_space<vmem>>, vector<16xf32>,
          %slice3A_4297 = vector.extract_strided_slice %get3A_4296 {offsets = [0], sizes = [1], strides = [1]} : vector<16xf32> to vector<1xf32>
          %squeeze3A_4298 = vector.extract %slice3A_4297[0] : f32 from vector<1xf32>
          %mul3A_4299 = vector.broadcast %squeeze3A_4298 : f32 to vector<16xf32>
          %mul3A_4300 = arith.mulf %mul3A_4299, %get3A_4075 : vector<16xf32>
          %add3A_4301 = arith.addf %add3A_4063, %mul3A_4300 : vector<16xf32>
          %mul3A_4302 = vector.broadcast %squeeze3A_4298 : f32 to vector<16xf32>
          %mul3A_4303 = arith.mulf %mul3A_4302, %get3A_4080 : vector<16xf32>
          %add3A_4304 = arith.addf %add3A_4066, %mul3A_4303 : vector<16xf32>
          scf.yield %add3A_4091, %add3A_4094, %add3A_4105, %add3A_4108, %add3A_4119, %add3A_4122, %add3A_4133, %add3A_4136, %add3A_4147, %add3A_4150, %add3A_4161, %add3A_4164, %add3A_4175, %add3A_4178, %add3A_4189, %add3A_4192, %add3A_4203, %add3A_4206, %add3A_4217, %add3A_4220, %add3A_4231, %add3A_4234, %add3A_4245, %add3A_4248, %add3A_4259, %add3A_4262, %add3A_4273, %add3A_4276, %add3A_4287, %add3A_4290, %add3A_4301, %add3A_4304 : vector<16xf32>, vector<16xf32>, vector<16xf32>, vector<16xf32>, vector<16xf32>, vector<16xf32>, vector<16xf32>, vector<16xf32>, vector<16xf32>, vector<16xf32>, vector<16xf32>, vector<16xf32>, vector<16xf32>, vector<16xf32>, vector<16xf32>, vector<16xf32>, vector<16xf32>, vector<16xf32>, vector<16xf32>, vector<16xf32>, vector<16xf32>, vector<16xf32>, vector<16xf32>, vector<16xf32>, vector<16xf32>, vector<16xf32>, vector<16xf32>, vector<16xf32>, vector<16xf32>, vector<16xf32>, vector<16xf32>, vector<16xf32>
        }
        %scan3A_117 = arith.constant 10 : i32
        %broadcast_in_dim3A_118 = arith.constant 0.000000e+00 : f32
        %broadcast_in_dim3A_119 = vector.broadcast %broadcast_in_dim3A_118 : f32 to vector<16xf32>
        %add3A_120 = arith.addf %scan3A_116#0, %get3A_10 : vector<16xf32>
        %max3A = arith.constant 0.000000e+00 : f32
        %max3A_121 = vector.broadcast %max3A : f32 to vector<16xf32>
        %max3A_122 = arith.maximumf %add3A_120, %max3A_121 : vector<16xf32>
        %mul3A_123 = arith.mulf %max3A_122, %get3A_14 : vector<16xf32>
        %add3A_124 = arith.addf %scan3A_116#1, %get3A_12 : vector<16xf32>
        %max3A_125 = arith.constant 0.000000e+00 : f32
        %max3A_126 = vector.broadcast %max3A_125 : f32 to vector<16xf32>
        %max3A_127 = arith.maximumf %add3A_124, %max3A_126 : vector<16xf32>
        %mul3A_128 = arith.mulf %max3A_127, %get3A_16 : vector<16xf32>
        %add3A_129 = arith.addf %mul3A_123, %mul3A_128 : vector<16xf32>
        %reduce_sum3A = arith.constant true
        %reduce_sum3A_130 = vector.broadcast %reduce_sum3A : i1 to vector<16xi1>
        %reduce_sum3A_131 = tpu.scan <sum>, %add3A_129 masked %reduce_sum3A_130 : vector<16xf32>, vector<16xi1> -> vector<16xf32>
        %reduce_sum3A_132 = vector.extract %reduce_sum3A_131[15] : f32 from vector<16xf32>
        %eq3A = arith.constant 0 : i32
        %eq3A_133 = vector.broadcast %eq3A : i32 to vector<16xi32>
        %eq3A_134 = arith.cmpi eq, %iota3A, %eq3A_133 : vector<16xi32>
        %add3A_135 = vector.broadcast %reduce_sum3A_132 : f32 to vector<16xf32>
        %add3A_136 = arith.addf %broadcast_in_dim3A_119, %add3A_135 : vector<16xf32>
        %select_n3A = arith.select %eq3A_134, %add3A_136, %broadcast_in_dim3A_119 : vector<16xi1>, vector<16xf32>
        %add3A_137 = arith.addf %scan3A_116#2, %get3A_10 : vector<16xf32>
        %max3A_138 = arith.constant 0.000000e+00 : f32
        %max3A_139 = vector.broadcast %max3A_138 : f32 to vector<16xf32>
        %max3A_140 = arith.maximumf %add3A_137, %max3A_139 : vector<16xf32>
        %mul3A_141 = arith.mulf %max3A_140, %get3A_14 : vector<16xf32>
        %add3A_142 = arith.addf %scan3A_116#3, %get3A_12 : vector<16xf32>
        %max3A_143 = arith.constant 0.000000e+00 : f32
        %max3A_144 = vector.broadcast %max3A_143 : f32 to vector<16xf32>
        %max3A_145 = arith.maximumf %add3A_142, %max3A_144 : vector<16xf32>
        %mul3A_146 = arith.mulf %max3A_145, %get3A_16 : vector<16xf32>
        %add3A_147 = arith.addf %mul3A_141, %mul3A_146 : vector<16xf32>
        %reduce_sum3A_148 = arith.constant true
        %reduce_sum3A_149 = vector.broadcast %reduce_sum3A_148 : i1 to vector<16xi1>
        %reduce_sum3A_150 = tpu.scan <sum>, %add3A_147 masked %reduce_sum3A_149 : vector<16xf32>, vector<16xi1> -> vector<16xf32>
        %reduce_sum3A_151 = vector.extract %reduce_sum3A_150[15] : f32 from vector<16xf32>
        %eq3A_152 = arith.constant 1 : i32
        %eq3A_153 = vector.broadcast %eq3A_152 : i32 to vector<16xi32>
        %eq3A_154 = arith.cmpi eq, %iota3A, %eq3A_153 : vector<16xi32>
        %add3A_155 = vector.broadcast %reduce_sum3A_151 : f32 to vector<16xf32>
        %add3A_156 = arith.addf %select_n3A, %add3A_155 : vector<16xf32>
        %select_n3A_157 = arith.select %eq3A_154, %add3A_156, %select_n3A : vector<16xi1>, vector<16xf32>
        %add3A_158 = arith.addf %scan3A_116#4, %get3A_10 : vector<16xf32>
        %max3A_159 = arith.constant 0.000000e+00 : f32
        %max3A_160 = vector.broadcast %max3A_159 : f32 to vector<16xf32>
        %max3A_161 = arith.maximumf %add3A_158, %max3A_160 : vector<16xf32>
        %mul3A_162 = arith.mulf %max3A_161, %get3A_14 : vector<16xf32>
        %add3A_163 = arith.addf %scan3A_116#5, %get3A_12 : vector<16xf32>
        %max3A_164 = arith.constant 0.000000e+00 : f32
        %max3A_165 = vector.broadcast %max3A_164 : f32 to vector<16xf32>
        %max3A_166 = arith.maximumf %add3A_163, %max3A_165 : vector<16xf32>
        %mul3A_167 = arith.mulf %max3A_166, %get3A_16 : vector<16xf32>
        %add3A_168 = arith.addf %mul3A_162, %mul3A_167 : vector<16xf32>
        %reduce_sum3A_169 = arith.constant true
        %reduce_sum3A_170 = vector.broadcast %reduce_sum3A_169 : i1 to vector<16xi1>
        %reduce_sum3A_171 = tpu.scan <sum>, %add3A_168 masked %reduce_sum3A_170 : vector<16xf32>, vector<16xi1> -> vector<16xf32>
        %reduce_sum3A_172 = vector.extract %reduce_sum3A_171[15] : f32 from vector<16xf32>
        %eq3A_173 = arith.constant 2 : i32
        %eq3A_174 = vector.broadcast %eq3A_173 : i32 to vector<16xi32>
        %eq3A_175 = arith.cmpi eq, %iota3A, %eq3A_174 : vector<16xi32>
        %add3A_176 = vector.broadcast %reduce_sum3A_172 : f32 to vector<16xf32>
        %add3A_177 = arith.addf %select_n3A_157, %add3A_176 : vector<16xf32>
        %select_n3A_178 = arith.select %eq3A_175, %add3A_177, %select_n3A_157 : vector<16xi1>, vector<16xf32>
        %add3A_179 = arith.addf %scan3A_116#6, %get3A_10 : vector<16xf32>
        %max3A_180 = arith.constant 0.000000e+00 : f32
        %max3A_181 = vector.broadcast %max3A_180 : f32 to vector<16xf32>
        %max3A_182 = arith.maximumf %add3A_179, %max3A_181 : vector<16xf32>
        %mul3A_183 = arith.mulf %max3A_182, %get3A_14 : vector<16xf32>
        %add3A_184 = arith.addf %scan3A_116#7, %get3A_12 : vector<16xf32>
        %max3A_185 = arith.constant 0.000000e+00 : f32
        %max3A_186 = vector.broadcast %max3A_185 : f32 to vector<16xf32>
        %max3A_187 = arith.maximumf %add3A_184, %max3A_186 : vector<16xf32>
        %mul3A_188 = arith.mulf %max3A_187, %get3A_16 : vector<16xf32>
        %add3A_189 = arith.addf %mul3A_183, %mul3A_188 : vector<16xf32>
        %reduce_sum3A_190 = arith.constant true
        %reduce_sum3A_191 = vector.broadcast %reduce_sum3A_190 : i1 to vector<16xi1>
        %reduce_sum3A_192 = tpu.scan <sum>, %add3A_189 masked %reduce_sum3A_191 : vector<16xf32>, vector<16xi1> -> vector<16xf32>
        %reduce_sum3A_193 = vector.extract %reduce_sum3A_192[15] : f32 from vector<16xf32>
        %eq3A_194 = arith.constant 3 : i32
        %eq3A_195 = vector.broadcast %eq3A_194 : i32 to vector<16xi32>
        %eq3A_196 = arith.cmpi eq, %iota3A, %eq3A_195 : vector<16xi32>
        %add3A_197 = vector.broadcast %reduce_sum3A_193 : f32 to vector<16xf32>
        %add3A_198 = arith.addf %select_n3A_178, %add3A_197 : vector<16xf32>
        %select_n3A_199 = arith.select %eq3A_196, %add3A_198, %select_n3A_178 : vector<16xi1>, vector<16xf32>
        %add3A_200 = arith.addf %scan3A_116#8, %get3A_10 : vector<16xf32>
        %max3A_201 = arith.constant 0.000000e+00 : f32
        %max3A_202 = vector.broadcast %max3A_201 : f32 to vector<16xf32>
        %max3A_203 = arith.maximumf %add3A_200, %max3A_202 : vector<16xf32>
        %mul3A_204 = arith.mulf %max3A_203, %get3A_14 : vector<16xf32>
        %add3A_205 = arith.addf %scan3A_116#9, %get3A_12 : vector<16xf32>
        %max3A_206 = arith.constant 0.000000e+00 : f32
        %max3A_207 = vector.broadcast %max3A_206 : f32 to vector<16xf32>
        %max3A_208 = arith.maximumf %add3A_205, %max3A_207 : vector<16xf32>
        %mul3A_209 = arith.mulf %max3A_208, %get3A_16 : vector<16xf32>
        %add3A_210 = arith.addf %mul3A_204, %mul3A_209 : vector<16xf32>
        %reduce_sum3A_211 = arith.constant true
        %reduce_sum3A_212 = vector.broadcast %reduce_sum3A_211 : i1 to vector<16xi1>
        %reduce_sum3A_213 = tpu.scan <sum>, %add3A_210 masked %reduce_sum3A_212 : vector<16xf32>, vector<16xi1> -> vector<16xf32>
        %reduce_sum3A_214 = vector.extract %reduce_sum3A_213[15] : f32 from vector<16xf32>
        %eq3A_215 = arith.constant 4 : i32
        %eq3A_216 = vector.broadcast %eq3A_215 : i32 to vector<16xi32>
        %eq3A_217 = arith.cmpi eq, %iota3A, %eq3A_216 : vector<16xi32>
        %add3A_218 = vector.broadcast %reduce_sum3A_214 : f32 to vector<16xf32>
        %add3A_219 = arith.addf %select_n3A_199, %add3A_218 : vector<16xf32>
        %select_n3A_220 = arith.select %eq3A_217, %add3A_219, %select_n3A_199 : vector<16xi1>, vector<16xf32>
        %add3A_221 = arith.addf %scan3A_116#10, %get3A_10 : vector<16xf32>
        %max3A_222 = arith.constant 0.000000e+00 : f32
        %max3A_223 = vector.broadcast %max3A_222 : f32 to vector<16xf32>
        %max3A_224 = arith.maximumf %add3A_221, %max3A_223 : vector<16xf32>
        %mul3A_225 = arith.mulf %max3A_224, %get3A_14 : vector<16xf32>
        %add3A_226 = arith.addf %scan3A_116#11, %get3A_12 : vector<16xf32>
        %max3A_227 = arith.constant 0.000000e+00 : f32
        %max3A_228 = vector.broadcast %max3A_227 : f32 to vector<16xf32>
        %max3A_229 = arith.maximumf %add3A_226, %max3A_228 : vector<16xf32>
        %mul3A_230 = arith.mulf %max3A_229, %get3A_16 : vector<16xf32>
        %add3A_231 = arith.addf %mul3A_225, %mul3A_230 : vector<16xf32>
        %reduce_sum3A_232 = arith.constant true
        %reduce_sum3A_233 = vector.broadcast %reduce_sum3A_232 : i1 to vector<16xi1>
        %reduce_sum3A_234 = tpu.scan <sum>, %add3A_231 masked %reduce_sum3A_233 : vector<16xf32>, vector<16xi1> -> vector<16xf32>
        %reduce_sum3A_235 = vector.extract %reduce_sum3A_234[15] : f32 from vector<16xf32>
        %eq3A_236 = arith.constant 5 : i32
        %eq3A_237 = vector.broadcast %eq3A_236 : i32 to vector<16xi32>
        %eq3A_238 = arith.cmpi eq, %iota3A, %eq3A_237 : vector<16xi32>
        %add3A_239 = vector.broadcast %reduce_sum3A_235 : f32 to vector<16xf32>
        %add3A_240 = arith.addf %select_n3A_220, %add3A_239 : vector<16xf32>
        %select_n3A_241 = arith.select %eq3A_238, %add3A_240, %select_n3A_220 : vector<16xi1>, vector<16xf32>
        %add3A_242 = arith.addf %scan3A_116#12, %get3A_10 : vector<16xf32>
        %max3A_243 = arith.constant 0.000000e+00 : f32
        %max3A_244 = vector.broadcast %max3A_243 : f32 to vector<16xf32>
        %max3A_245 = arith.maximumf %add3A_242, %max3A_244 : vector<16xf32>
        %mul3A_246 = arith.mulf %max3A_245, %get3A_14 : vector<16xf32>
        %add3A_247 = arith.addf %scan3A_116#13, %get3A_12 : vector<16xf32>
        %max3A_248 = arith.constant 0.000000e+00 : f32
        %max3A_249 = vector.broadcast %max3A_248 : f32 to vector<16xf32>
        %max3A_250 = arith.maximumf %add3A_247, %max3A_249 : vector<16xf32>
        %mul3A_251 = arith.mulf %max3A_250, %get3A_16 : vector<16xf32>
        %add3A_252 = arith.addf %mul3A_246, %mul3A_251 : vector<16xf32>
        %reduce_sum3A_253 = arith.constant true
        %reduce_sum3A_254 = vector.broadcast %reduce_sum3A_253 : i1 to vector<16xi1>
        %reduce_sum3A_255 = tpu.scan <sum>, %add3A_252 masked %reduce_sum3A_254 : vector<16xf32>, vector<16xi1> -> vector<16xf32>
        %reduce_sum3A_256 = vector.extract %reduce_sum3A_255[15] : f32 from vector<16xf32>
        %eq3A_257 = arith.constant 6 : i32
        %eq3A_258 = vector.broadcast %eq3A_257 : i32 to vector<16xi32>
        %eq3A_259 = arith.cmpi eq, %iota3A, %eq3A_258 : vector<16xi32>
        %add3A_260 = vector.broadcast %reduce_sum3A_256 : f32 to vector<16xf32>
        %add3A_261 = arith.addf %select_n3A_241, %add3A_260 : vector<16xf32>
        %select_n3A_262 = arith.select %eq3A_259, %add3A_261, %select_n3A_241 : vector<16xi1>, vector<16xf32>
        %add3A_263 = arith.addf %scan3A_116#14, %get3A_10 : vector<16xf32>
        %max3A_264 = arith.constant 0.000000e+00 : f32
        %max3A_265 = vector.broadcast %max3A_264 : f32 to vector<16xf32>
        %max3A_266 = arith.maximumf %add3A_263, %max3A_265 : vector<16xf32>
        %mul3A_267 = arith.mulf %max3A_266, %get3A_14 : vector<16xf32>
        %add3A_268 = arith.addf %scan3A_116#15, %get3A_12 : vector<16xf32>
        %max3A_269 = arith.constant 0.000000e+00 : f32
        %max3A_270 = vector.broadcast %max3A_269 : f32 to vector<16xf32>
        %max3A_271 = arith.maximumf %add3A_268, %max3A_270 : vector<16xf32>
        %mul3A_272 = arith.mulf %max3A_271, %get3A_16 : vector<16xf32>
        %add3A_273 = arith.addf %mul3A_267, %mul3A_272 : vector<16xf32>
        %reduce_sum3A_274 = arith.constant true
        %reduce_sum3A_275 = vector.broadcast %reduce_sum3A_274 : i1 to vector<16xi1>
        %reduce_sum3A_276 = tpu.scan <sum>, %add3A_273 masked %reduce_sum3A_275 : vector<16xf32>, vector<16xi1> -> vector<16xf32>
        %reduce_sum3A_277 = vector.extract %reduce_sum3A_276[15] : f32 from vector<16xf32>
        %eq3A_278 = arith.constant 7 : i32
        %eq3A_279 = vector.broadcast %eq3A_278 : i32 to vector<16xi32>
        %eq3A_280 = arith.cmpi eq, %iota3A, %eq3A_279 : vector<16xi32>
        %add3A_281 = vector.broadcast %reduce_sum3A_277 : f32 to vector<16xf32>
        %add3A_282 = arith.addf %select_n3A_262, %add3A_281 : vector<16xf32>
        %select_n3A_283 = arith.select %eq3A_280, %add3A_282, %select_n3A_262 : vector<16xi1>, vector<16xf32>
        %add3A_284 = arith.addf %scan3A_116#16, %get3A_10 : vector<16xf32>
        %max3A_285 = arith.constant 0.000000e+00 : f32
        %max3A_286 = vector.broadcast %max3A_285 : f32 to vector<16xf32>
        %max3A_287 = arith.maximumf %add3A_284, %max3A_286 : vector<16xf32>
        %mul3A_288 = arith.mulf %max3A_287, %get3A_14 : vector<16xf32>
        %add3A_289 = arith.addf %scan3A_116#17, %get3A_12 : vector<16xf32>
        %max3A_290 = arith.constant 0.000000e+00 : f32
        %max3A_291 = vector.broadcast %max3A_290 : f32 to vector<16xf32>
        %max3A_292 = arith.maximumf %add3A_289, %max3A_291 : vector<16xf32>
        %mul3A_293 = arith.mulf %max3A_292, %get3A_16 : vector<16xf32>
        %add3A_294 = arith.addf %mul3A_288, %mul3A_293 : vector<16xf32>
        %reduce_sum3A_295 = arith.constant true
        %reduce_sum3A_296 = vector.broadcast %reduce_sum3A_295 : i1 to vector<16xi1>
        %reduce_sum3A_297 = tpu.scan <sum>, %add3A_294 masked %reduce_sum3A_296 : vector<16xf32>, vector<16xi1> -> vector<16xf32>
        %reduce_sum3A_298 = vector.extract %reduce_sum3A_297[15] : f32 from vector<16xf32>
        %eq3A_299 = arith.constant 8 : i32
        %eq3A_300 = vector.broadcast %eq3A_299 : i32 to vector<16xi32>
        %eq3A_301 = arith.cmpi eq, %iota3A, %eq3A_300 : vector<16xi32>
        %add3A_302 = vector.broadcast %reduce_sum3A_298 : f32 to vector<16xf32>
        %add3A_303 = arith.addf %select_n3A_283, %add3A_302 : vector<16xf32>
        %select_n3A_304 = arith.select %eq3A_301, %add3A_303, %select_n3A_283 : vector<16xi1>, vector<16xf32>
        %add3A_305 = arith.addf %scan3A_116#18, %get3A_10 : vector<16xf32>
        %max3A_306 = arith.constant 0.000000e+00 : f32
        %max3A_307 = vector.broadcast %max3A_306 : f32 to vector<16xf32>
        %max3A_308 = arith.maximumf %add3A_305, %max3A_307 : vector<16xf32>
        %mul3A_309 = arith.mulf %max3A_308, %get3A_14 : vector<16xf32>
        %add3A_310 = arith.addf %scan3A_116#19, %get3A_12 : vector<16xf32>
        %max3A_311 = arith.constant 0.000000e+00 : f32
        %max3A_312 = vector.broadcast %max3A_311 : f32 to vector<16xf32>
        %max3A_313 = arith.maximumf %add3A_310, %max3A_312 : vector<16xf32>
        %mul3A_314 = arith.mulf %max3A_313, %get3A_16 : vector<16xf32>
        %add3A_315 = arith.addf %mul3A_309, %mul3A_314 : vector<16xf32>
        %reduce_sum3A_316 = arith.constant true
        %reduce_sum3A_317 = vector.broadcast %reduce_sum3A_316 : i1 to vector<16xi1>
        %reduce_sum3A_318 = tpu.scan <sum>, %add3A_315 masked %reduce_sum3A_317 : vector<16xf32>, vector<16xi1> -> vector<16xf32>
        %reduce_sum3A_319 = vector.extract %reduce_sum3A_318[15] : f32 from vector<16xf32>
        %eq3A_320 = arith.constant 9 : i32
        %eq3A_321 = vector.broadcast %eq3A_320 : i32 to vector<16xi32>
        %eq3A_322 = arith.cmpi eq, %iota3A, %eq3A_321 : vector<16xi32>
        %add3A_323 = vector.broadcast %reduce_sum3A_319 : f32 to vector<16xf32>
        %add3A_324 = arith.addf %select_n3A_304, %add3A_323 : vector<16xf32>
        %select_n3A_325 = arith.select %eq3A_322, %add3A_324, %select_n3A_304 : vector<16xi1>, vector<16xf32>
        %add3A_326 = arith.addf %scan3A_116#20, %get3A_10 : vector<16xf32>
        %max3A_327 = arith.constant 0.000000e+00 : f32
        %max3A_328 = vector.broadcast %max3A_327 : f32 to vector<16xf32>
        %max3A_329 = arith.maximumf %add3A_326, %max3A_328 : vector<16xf32>
        %mul3A_330 = arith.mulf %max3A_329, %get3A_14 : vector<16xf32>
        %add3A_331 = arith.addf %scan3A_116#21, %get3A_12 : vector<16xf32>
        %max3A_332 = arith.constant 0.000000e+00 : f32
        %max3A_333 = vector.broadcast %max3A_332 : f32 to vector<16xf32>
        %max3A_334 = arith.maximumf %add3A_331, %max3A_333 : vector<16xf32>
        %mul3A_335 = arith.mulf %max3A_334, %get3A_16 : vector<16xf32>
        %add3A_336 = arith.addf %mul3A_330, %mul3A_335 : vector<16xf32>
        %reduce_sum3A_337 = arith.constant true
        %reduce_sum3A_338 = vector.broadcast %reduce_sum3A_337 : i1 to vector<16xi1>
        %reduce_sum3A_339 = tpu.scan <sum>, %add3A_336 masked %reduce_sum3A_338 : vector<16xf32>, vector<16xi1> -> vector<16xf32>
        %reduce_sum3A_340 = vector.extract %reduce_sum3A_339[15] : f32 from vector<16xf32>
        %eq3A_341 = arith.constant 10 : i32
        %eq3A_342 = vector.broadcast %eq3A_341 : i32 to vector<16xi32>
        %eq3A_343 = arith.cmpi eq, %iota3A, %eq3A_342 : vector<16xi32>
        %add3A_344 = vector.broadcast %reduce_sum3A_340 : f32 to vector<16xf32>
        %add3A_345 = arith.addf %select_n3A_325, %add3A_344 : vector<16xf32>
        %select_n3A_346 = arith.select %eq3A_343, %add3A_345, %select_n3A_325 : vector<16xi1>, vector<16xf32>
        %add3A_347 = arith.addf %scan3A_116#22, %get3A_10 : vector<16xf32>
        %max3A_348 = arith.constant 0.000000e+00 : f32
        %max3A_349 = vector.broadcast %max3A_348 : f32 to vector<16xf32>
        %max3A_350 = arith.maximumf %add3A_347, %max3A_349 : vector<16xf32>
        %mul3A_351 = arith.mulf %max3A_350, %get3A_14 : vector<16xf32>
        %add3A_352 = arith.addf %scan3A_116#23, %get3A_12 : vector<16xf32>
        %max3A_353 = arith.constant 0.000000e+00 : f32
        %max3A_354 = vector.broadcast %max3A_353 : f32 to vector<16xf32>
        %max3A_355 = arith.maximumf %add3A_352, %max3A_354 : vector<16xf32>
        %mul3A_356 = arith.mulf %max3A_355, %get3A_16 : vector<16xf32>
        %add3A_357 = arith.addf %mul3A_351, %mul3A_356 : vector<16xf32>
        %reduce_sum3A_358 = arith.constant true
        %reduce_sum3A_359 = vector.broadcast %reduce_sum3A_358 : i1 to vector<16xi1>
        %reduce_sum3A_360 = tpu.scan <sum>, %add3A_357 masked %reduce_sum3A_359 : vector<16xf32>, vector<16xi1> -> vector<16xf32>
        %reduce_sum3A_361 = vector.extract %reduce_sum3A_360[15] : f32 from vector<16xf32>
        %eq3A_362 = arith.constant 11 : i32
        %eq3A_363 = vector.broadcast %eq3A_362 : i32 to vector<16xi32>
        %eq3A_364 = arith.cmpi eq, %iota3A, %eq3A_363 : vector<16xi32>
        %add3A_365 = vector.broadcast %reduce_sum3A_361 : f32 to vector<16xf32>
        %add3A_366 = arith.addf %select_n3A_346, %add3A_365 : vector<16xf32>
        %select_n3A_367 = arith.select %eq3A_364, %add3A_366, %select_n3A_346 : vector<16xi1>, vector<16xf32>
        %add3A_368 = arith.addf %scan3A_116#24, %get3A_10 : vector<16xf32>
        %max3A_369 = arith.constant 0.000000e+00 : f32
        %max3A_370 = vector.broadcast %max3A_369 : f32 to vector<16xf32>
        %max3A_371 = arith.maximumf %add3A_368, %max3A_370 : vector<16xf32>
        %mul3A_372 = arith.mulf %max3A_371, %get3A_14 : vector<16xf32>
        %add3A_373 = arith.addf %scan3A_116#25, %get3A_12 : vector<16xf32>
        %max3A_374 = arith.constant 0.000000e+00 : f32
        %max3A_375 = vector.broadcast %max3A_374 : f32 to vector<16xf32>
        %max3A_376 = arith.maximumf %add3A_373, %max3A_375 : vector<16xf32>
        %mul3A_377 = arith.mulf %max3A_376, %get3A_16 : vector<16xf32>
        %add3A_378 = arith.addf %mul3A_372, %mul3A_377 : vector<16xf32>
        %reduce_sum3A_379 = arith.constant true
        %reduce_sum3A_380 = vector.broadcast %reduce_sum3A_379 : i1 to vector<16xi1>
        %reduce_sum3A_381 = tpu.scan <sum>, %add3A_378 masked %reduce_sum3A_380 : vector<16xf32>, vector<16xi1> -> vector<16xf32>
        %reduce_sum3A_382 = vector.extract %reduce_sum3A_381[15] : f32 from vector<16xf32>
        %eq3A_383 = arith.constant 12 : i32
        %eq3A_384 = vector.broadcast %eq3A_383 : i32 to vector<16xi32>
        %eq3A_385 = arith.cmpi eq, %iota3A, %eq3A_384 : vector<16xi32>
        %add3A_386 = vector.broadcast %reduce_sum3A_382 : f32 to vector<16xf32>
        %add3A_387 = arith.addf %select_n3A_367, %add3A_386 : vector<16xf32>
        %select_n3A_388 = arith.select %eq3A_385, %add3A_387, %select_n3A_367 : vector<16xi1>, vector<16xf32>
        %add3A_389 = arith.addf %scan3A_116#26, %get3A_10 : vector<16xf32>
        %max3A_390 = arith.constant 0.000000e+00 : f32
        %max3A_391 = vector.broadcast %max3A_390 : f32 to vector<16xf32>
        %max3A_392 = arith.maximumf %add3A_389, %max3A_391 : vector<16xf32>
        %mul3A_393 = arith.mulf %max3A_392, %get3A_14 : vector<16xf32>
        %add3A_394 = arith.addf %scan3A_116#27, %get3A_12 : vector<16xf32>
        %max3A_395 = arith.constant 0.000000e+00 : f32
        %max3A_396 = vector.broadcast %max3A_395 : f32 to vector<16xf32>
        %max3A_397 = arith.maximumf %add3A_394, %max3A_396 : vector<16xf32>
        %mul3A_398 = arith.mulf %max3A_397, %get3A_16 : vector<16xf32>
        %add3A_399 = arith.addf %mul3A_393, %mul3A_398 : vector<16xf32>
        %reduce_sum3A_400 = arith.constant true
        %reduce_sum3A_401 = vector.broadcast %reduce_sum3A_400 : i1 to vector<16xi1>
        %reduce_sum3A_402 = tpu.scan <sum>, %add3A_399 masked %reduce_sum3A_401 : vector<16xf32>, vector<16xi1> -> vector<16xf32>
        %reduce_sum3A_403 = vector.extract %reduce_sum3A_402[15] : f32 from vector<16xf32>
        %eq3A_404 = arith.constant 13 : i32
        %eq3A_405 = vector.broadcast %eq3A_404 : i32 to vector<16xi32>
        %eq3A_406 = arith.cmpi eq, %iota3A, %eq3A_405 : vector<16xi32>
        %add3A_407 = vector.broadcast %reduce_sum3A_403 : f32 to vector<16xf32>
        %add3A_408 = arith.addf %select_n3A_388, %add3A_407 : vector<16xf32>
        %select_n3A_409 = arith.select %eq3A_406, %add3A_408, %select_n3A_388 : vector<16xi1>, vector<16xf32>
        %add3A_410 = arith.addf %scan3A_116#28, %get3A_10 : vector<16xf32>
        %max3A_411 = arith.constant 0.000000e+00 : f32
        %max3A_412 = vector.broadcast %max3A_411 : f32 to vector<16xf32>
        %max3A_413 = arith.maximumf %add3A_410, %max3A_412 : vector<16xf32>
        %mul3A_414 = arith.mulf %max3A_413, %get3A_14 : vector<16xf32>
        %add3A_415 = arith.addf %scan3A_116#29, %get3A_12 : vector<16xf32>
        %max3A_416 = arith.constant 0.000000e+00 : f32
        %max3A_417 = vector.broadcast %max3A_416 : f32 to vector<16xf32>
        %max3A_418 = arith.maximumf %add3A_415, %max3A_417 : vector<16xf32>
        %mul3A_419 = arith.mulf %max3A_418, %get3A_16 : vector<16xf32>
        %add3A_420 = arith.addf %mul3A_414, %mul3A_419 : vector<16xf32>
        %reduce_sum3A_421 = arith.constant true
        %reduce_sum3A_422 = vector.broadcast %reduce_sum3A_421 : i1 to vector<16xi1>
        %reduce_sum3A_423 = tpu.scan <sum>, %add3A_420 masked %reduce_sum3A_422 : vector<16xf32>, vector<16xi1> -> vector<16xf32>
        %reduce_sum3A_424 = vector.extract %reduce_sum3A_423[15] : f32 from vector<16xf32>
        %eq3A_425 = arith.constant 14 : i32
        %eq3A_426 = vector.broadcast %eq3A_425 : i32 to vector<16xi32>
        %eq3A_427 = arith.cmpi eq, %iota3A, %eq3A_426 : vector<16xi32>
        %add3A_428 = vector.broadcast %reduce_sum3A_424 : f32 to vector<16xf32>
        %add3A_429 = arith.addf %select_n3A_409, %add3A_428 : vector<16xf32>
        %select_n3A_430 = arith.select %eq3A_427, %add3A_429, %select_n3A_409 : vector<16xi1>, vector<16xf32>
        %add3A_431 = arith.addf %scan3A_116#30, %get3A_10 : vector<16xf32>
        %max3A_432 = arith.constant 0.000000e+00 : f32
        %max3A_433 = vector.broadcast %max3A_432 : f32 to vector<16xf32>
        %max3A_434 = arith.maximumf %add3A_431, %max3A_433 : vector<16xf32>
        %mul3A_435 = arith.mulf %max3A_434, %get3A_14 : vector<16xf32>
        %add3A_436 = arith.addf %scan3A_116#31, %get3A_12 : vector<16xf32>
        %max3A_437 = arith.constant 0.000000e+00 : f32
        %max3A_438 = vector.broadcast %max3A_437 : f32 to vector<16xf32>
        %max3A_439 = arith.maximumf %add3A_436, %max3A_438 : vector<16xf32>
        %mul3A_440 = arith.mulf %max3A_439, %get3A_16 : vector<16xf32>
        %add3A_441 = arith.addf %mul3A_435, %mul3A_440 : vector<16xf32>
        %reduce_sum3A_442 = arith.constant true
        %reduce_sum3A_443 = vector.broadcast %reduce_sum3A_442 : i1 to vector<16xi1>
        %reduce_sum3A_444 = tpu.scan <sum>, %add3A_441 masked %reduce_sum3A_443 : vector<16xf32>, vector<16xi1> -> vector<16xf32>
        %reduce_sum3A_445 = vector.extract %reduce_sum3A_444[15] : f32 from vector<16xf32>
        %eq3A_446 = arith.constant 15 : i32
        %eq3A_447 = vector.broadcast %eq3A_446 : i32 to vector<16xi32>
        %eq3A_448 = arith.cmpi eq, %iota3A, %eq3A_447 : vector<16xi32>
        %add3A_449 = vector.broadcast %reduce_sum3A_445 : f32 to vector<16xf32>
        %add3A_450 = arith.addf %select_n3A_430, %add3A_449 : vector<16xf32>
        %select_n3A_451 = arith.select %eq3A_448, %add3A_450, %select_n3A_430 : vector<16xi1>, vector<16xf32>
        %add3A_452 = arith.addf %select_n3A_451, %get3A_18 : vector<16xf32>
        %neg3A = arith.constant 0.000000e+00 : f32
        %neg3A_453 = vector.broadcast %neg3A : f32 to vector<16xf32>
        %neg3A_454 = arith.subf %neg3A_453, %add3A_452 : vector<16xf32>
        %exp3A = math.exp %neg3A_454 : vector<16xf32>
        %add3A_455 = arith.constant 1.000000e+00 : f32
        %add3A_456 = vector.broadcast %add3A_455 : f32 to vector<16xf32>
        %add3A_457 = arith.addf %add3A_456, %exp3A : vector<16xf32>
        %div3A = arith.constant 1.000000e+00 : f32
        %div3A_458 = vector.broadcast %div3A : f32 to vector<16xf32>
        %div3A_459 = arith.divf %div3A_458, %add3A_457 : vector<16xf32>
        %mul3A_460 = arith.constant 16 : i32
        %mul3A_461 = arith.muli %add3A_48, %mul3A_460 : i32
        %swap3A = arith.index_cast %mul3A_461 : i32 to index
        %swap3A_462 = tpu.vector_load %arg16[%swap3A] {strides = array<i32>} : memref<512xf32, #tpu.memory_space<vmem>>, vector<16xf32>,
        tpu.vector_store %arg16[%swap3A], %div3A_459 {strides = array<i32>} : memref<512xf32, #tpu.memory_space<vmem>>, vector<16xf32>,
      }
      %scan3A_40 = arith.constant 8 : i32
    }
    %scan3A_23 = arith.constant 4 : i32
    %mul3A_24 = arith.constant 512 : i32
    %mul3A_25 = arith.muli %add3A, %mul3A_24 : i32
    "tpu.region"() ({
      %run_scoped3A = tpu.sem_alloc : memref<!tpu.dma_semaphore, #tpu.memory_space<semaphore_mem>>
      %dma_start3A = tpu.memref_slice %arg8[%mul3A_25] : memref<16384xf32, #tpu.memory_space<hbm>> -> memref<512xf32, #tpu.memory_space<hbm>>
      %dma_start3A_26 = tpu.memref_slice %arg8[%mul3A_25] : memref<16384xf32, #tpu.memory_space<hbm>> -> memref<512xf32, #tpu.memory_space<hbm>>
      tpu.enqueue_dma source(%arg16 : memref<512xf32, #tpu.memory_space<vmem>>) target(%dma_start3A_26 : memref<512xf32, #tpu.memory_space<hbm>>) target_semaphore(%run_scoped3A : memref<!tpu.dma_semaphore, #tpu.memory_space<semaphore_mem>>)
      %dma_wait3A = tpu.memref_slice %arg8[%mul3A_25] : memref<16384xf32, #tpu.memory_space<hbm>> -> memref<512xf32, #tpu.memory_space<hbm>>
      %dma_wait3A_27 = tpu.memref_slice %arg8[%mul3A_25] : memref<16384xf32, #tpu.memory_space<hbm>> -> memref<512xf32, #tpu.memory_space<hbm>>
      tpu.wait_dma2 semaphore(%run_scoped3A : memref<!tpu.dma_semaphore, #tpu.memory_space<semaphore_mem>>) src(%arg16 : memref<512xf32, #tpu.memory_space<vmem>>) dst(%dma_wait3A_27 : memref<512xf32, #tpu.memory_space<hbm>>)
      tpu.yield
    }) : () -> ()
    return
  }
}

module attributes {stable_mosaic.version = 14 : i64} {
  func.func @_detile_body(%arg0: i32, %arg1: memref<16x32768xf32, #tpu.memory_space<vmem>>, %arg2: memref<4096x128xf32, #tpu.memory_space<vmem>>) attributes {dimension_semantics = [#tpu.dimension_semantics<arbitrary>], iteration_bounds = array<i64: 31>, scalar_prefetch = 0 : i64, scratch_operands = 0 : i64, tpu.core_type = #tpu.core_type<tc>, window_params = [{transform_indices = @transform_0, window_bounds = array<i64: 16, 32768>}, {transform_indices = @transform_1, window_bounds = array<i64: 4096, 128>}]} {
    %get3A = arith.constant 0 : index
    %get3A_0 = arith.constant 0 : index
    %get3A_1 = vector.load %arg1[%get3A, %get3A_0] : memref<16x32768xf32, #tpu.memory_space<vmem>>, vector<16x32768xf32>
    %reshape3A = vector.shape_cast %get3A_1 : vector<16x32768xf32> to vector<16x256x128xf32>
    %transpose3A = tpu.transpose %reshape3A, [1, 0, 2] : vector<16x256x128xf32> -> vector<256x16x128xf32>
    %reshape3A_2 = vector.shape_cast %transpose3A : vector<256x16x128xf32> to vector<4096x128xf32>
    %swap3A = arith.constant 0 : index
    %swap3A_3 = arith.constant 0 : index
    %swap3A_4 = vector.load %arg2[%swap3A, %swap3A_3] : memref<4096x128xf32, #tpu.memory_space<vmem>>, vector<4096x128xf32>
    tpu.vector_store %arg2[%swap3A, %swap3A_3], %reshape3A_2 {strides = array<i32>} : memref<4096x128xf32, #tpu.memory_space<vmem>>, vector<4096x128xf32>,
    return
  }
  func.func @transform_0(%arg0: i32) -> (i32, i32) {
    %c0_i32 = arith.constant 0 : i32
    %c0_i32_0 = arith.constant 0 : i32
    return %c0_i32, %arg0 : i32, i32
  }
  func.func @transform_1(%arg0: i32) -> (i32, i32) {
    %c0_i32 = arith.constant 0 : i32
    %c0_i32_0 = arith.constant 0 : i32
    return %arg0, %c0_i32 : i32, i32
  }
}

</mosaic_0001>

<sc_bundles>
// kernel: kernel.4.cloned.1.call-start
scs
__scs_entry_jumppad:
0x0: {  	(pc) =	sbr.rel $0x88, $3  }
0x1: {  	(tag) =	ssettag $0x0;
	lr =	simm.s32 $0x1  }
0x2: {  	[smem:$0x3F9B] =	sst lr;
	_ =	strace $0xD0000000  }
0x3: {  	_ = 	snop  }
0x4: {  	_ = 	snop  }
0x5: {  	_ = 	snop  }
0x6: {  	_ = 	snop  }
0x7: {  	_ = 	snop  }
__scs_overlays_trampoline_lowered:
0x8: {  	[smem:$0x3FAA] =	sst s0  }
0x9: {  	[smem:$0x3FAB] =	sst s1  }
0xa: {  	[smem:$0x3FAC] =	sst s2  }
0xb: {  	[smem:$0x3FAD] =	sst s3  }
0xc: {  	[smem:$0x3FAE] =	sst s4  }
0xd: {  	[smem:$0x3FAF] =	sst s5  }
0xe: {  	[smem:$0x3FB0] =	sst s6  }
0xf: {  	[smem:$0x3FB1] =	sst s7  }
0x10: {  	[smem:$0x3FB2] =	sst s8  }
0x11: {  	[smem:$0x3FB3] =	sst s9;
	s0 =	simm.s32 @!p0 $0x0  }
0x12: {  	s1 =	sld [smem:$0x3F99];
	s0 =	simm.s32 @p0 $0x1  }
0x13: {  	[smem:$0x3FB4] =	sst s0;
	s0 =	simm.s32 @!p1 $0x0  }
0x14: {  	s2 =	sld [smem:$0x3F98];
	s0 =	simm.s32 @p1 $0x1  }
0x15: {  	[smem:$0x3FB5] =	sst s0;
	s0 =	simm.s32 @!p2 $0x0  }
0x16: {  	s3 =	sld [smem:$0x3FDB];
	s0 =	simm.s32 @p2 $0x1  }
0x17: {  	s4 =	simm.s32 $0x1BF5;
	[smem:$0x3FB7] =	sst s0  }
0x18: {  	s0 =	sld [smem:$0x3F9A];
	_ =	swait.ge [sflag:s4], $0x0  }
0x19: {  	s7 =	sld [smem:$0x3F9B]  }
0x1a: {  	s8 =	sadd.s32 $0xFFFFE003, lr  }
0x1b: {  	s9 =	sadd.s32 $0xFFFFFEF7, lr;
	s5 =	simm.s32 $0xFFFFFFFF;
	p2 =	slt.u32 s8, $0xFFFFF086  }
0x1c: {  	p1 =	slt.u32 s9, $0xF7A;
	s5 =	simm.s32 @!p2 $0x0  }
0x1d: {  	s5 =	simm.s32 @p1 $0x1;
	p0 =	seq.s32 s7, s2  }
0x1e: {  	s7 =	smul.u32 @!p0 $0xF7A, s2;
	p2 =	seq.s32 @!p0 s5, $0x0  }
0x1f: {  	s9 =	smul.u32 $0xF7A, s1;
	s8 =	simm.s32 @!p0 $0x1BF5;
	p2 =	por !p2, p0  }
0x20: {  	[sflag:s8] =	ssyncset.s32 @!p0 $0xFFFFF086;
	s6 =	sadd.s32 @!p0 s3, s7;
	s7 =	simm.s32 @!p0 $0x108  }
0x21: {  	s3 =	sadd.s32 s3, s9;
	s6 =	sadd.s32 @!p0 $0x88, s6;
	s7 =	simm.s32 @p2 $0x1082  }
0x22: {  	[simem:s7], [sflag:s8] =	dma.local @!p0 [hbm:s6], $0xF7A  }
0x23: {  	s9 =	sor.u32 $0xD0000000, s2;
	s6 =	simm.s32 $0x108;
	_ =	swait.ge @!p0 [sflag:s8], $0x0  }
0x24: {  	s3 =	sadd.s32 $0x88, s3;
	s6 =	simm.s32 @!p1 $0x1082;
	[sflag:s4] =	ssyncset.s32 $0xFFFFF086  }
0x25: {  	[simem:s6], [sflag:s4] =	dma.local [hbm:s3], $0xF7A  }
0x26: {  	[smem:$0x3F9B] =	sst s1;
	(tag) =	ssettag s2;
	_ =	strace s9  }
0x27: {  	s1 =	sld [smem:$0x3FAB]  }
0x28: {  	s2 =	sld [smem:$0x3FAC]  }
0x29: {  	s4 =	sld [smem:$0x3FAE]  }
0x2a: {  	p0 =	seq.s32 s5, $0x0;
	s5 =	sld [smem:$0x3FAF]  }
0x2b: {  	s6 =	sld [smem:$0x3FB0]  }
0x2c: {  	s7 =	sld [smem:$0x3FB1]  }
0x2d: {  	s3 =	simm.s32 $0x108;
	s8 =	sld [smem:$0x3FB2]  }
0x2e: {  	s3 =	simm.s32 @!p0 $0x1082;
	s9 =	sld [smem:$0x3FB3]  }
0x2f: {  	lr =	sadd.s32 s0, s3;
	s0 =	sld [smem:$0x3FAA]  }
0x30: {  	s3 =	sld [smem:$0x3FAD]  }
0x31: {  	[smem:$0x3FB6] =	sst s10  }
0x32: {  	s10 =	sld [smem:$0x3FB4];
	_ =	sdelay $0x3  }
0x33: {  	p0 =	seq.s32 s10, $0x1;
	s10 =	sld [smem:$0x3FB6];
	_ =	sdelay $0x3  }
0x34: {  	[smem:$0x3FB6] =	sst s10  }
0x35: {  	s10 =	sld [smem:$0x3FB5];
	_ =	sdelay $0x3  }
0x36: {  	p1 =	seq.s32 s10, $0x1;
	s10 =	sld [smem:$0x3FB6];
	_ =	sdelay $0x3  }
0x37: {  	[smem:$0x3FB6] =	sst s10  }
0x38: {  	s10 =	sld [smem:$0x3FB7]  }
0x39: {  	_ = 	snop;
	(pc) =	sbr.ind lr, $3  }
0x3a: {  	_ = 	snop  }
0x3b: {  	_ = 	snop  }
0x3c: {  	p2 =	seq.s32 s10, $0x1;
	s10 =	sld [smem:$0x3FB6]  }
0x3d: {  	_ =	shalt  }
0x3e: {  	_ =	shalt  }
0x3f: {  	_ =	shalt  }
0x40: {  	_ =	shalt  }
0x41: {  	_ =	shalt  }
0x42: {  	_ =	shalt  }
0x43: {  	_ =	shalt  }
0x44: {  	_ =	shalt  }
0x45: {  	_ =	shalt  }
0x46: {  	_ =	shalt  }
0x47: {  	_ =	shalt  }
0x48: {  	_ =	shalt  }
0x49: {  	_ =	shalt  }
0x4a: {  	_ =	shalt  }
0x4b: {  	_ =	shalt  }
0x4c: {  	_ =	shalt  }
0x4d: {  	_ =	shalt  }
0x4e: {  	_ =	shalt  }
0x4f: {  	_ =	shalt  }
0x50: {  	_ =	shalt  }
0x51: {  	_ =	shalt  }
0x52: {  	_ =	shalt  }
0x53: {  	_ =	shalt  }
0x54: {  	_ =	shalt  }
0x55: {  	_ =	shalt  }
0x56: {  	_ =	shalt  }
0x57: {  	_ =	shalt  }
0x58: {  	_ =	shalt  }
0x59: {  	_ =	shalt  }
0x5a: {  	_ =	shalt  }
0x5b: {  	_ =	shalt  }
0x5c: {  	_ =	shalt  }
0x5d: {  	_ =	shalt  }
0x5e: {  	_ =	shalt  }
0x5f: {  	_ =	shalt  }
0x60: {  	_ =	shalt  }
0x61: {  	_ =	shalt  }
0x62: {  	_ =	shalt  }
0x63: {  	_ =	shalt  }
0x64: {  	_ =	shalt  }
0x65: {  	_ =	shalt  }
0x66: {  	_ =	shalt  }
0x67: {  	_ =	shalt  }
0x68: {  	_ =	shalt  }
0x69: {  	_ =	shalt  }
0x6a: {  	_ =	shalt  }
0x6b: {  	_ =	shalt  }
0x6c: {  	_ =	shalt  }
0x6d: {  	_ =	shalt  }
0x6e: {  	_ =	shalt  }
0x6f: {  	_ =	shalt  }
0x70: {  	_ =	shalt  }
0x71: {  	_ =	shalt  }
0x72: {  	_ =	shalt  }
0x73: {  	_ =	shalt  }
0x74: {  	_ =	shalt  }
0x75: {  	_ =	shalt  }
0x76: {  	_ =	shalt  }
0x77: {  	_ =	shalt  }
0x78: {  	_ =	shalt  }
0x79: {  	_ =	shalt  }
0x7a: {  	_ =	shalt  }
0x7b: {  	_ =	shalt  }
0x7c: {  	_ =	shalt  }
0x7d: {  	_ =	shalt  }
0x7e: {  	_ =	shalt  }
0x7f: {  	_ =	shalt  }
0x80: {  	_ =	shalt  }
0x81: {  	_ =	shalt  }
0x82: {  	_ =	shalt  }
0x83: {  	_ =	shalt  }
0x84: {  	_ =	shalt  }
0x85: {  	_ =	shalt  }
0x86: {  	_ =	shalt  }
0x87: {  	_ =	shalt  }
.Lfunc_end0:
.L_simem_size_0:
called_computation_lowered:
.L_overlay_start_0:
0x88: {  	s2 =	sld [smem:$0x3FD9]  }
0x89: {  	s3 =	sld [smem:$0x3FFE];
	_ =	sdelay $0x1  }
0x8a: {  	s1 =	srdreg.scid  }
0x8b: {  	s0 =	sand.u32 $0x1, s1  }
0x8c: {  	s17 =	sshll.u32 s0, $0xA;
	s2 =	sadd.s32 s3, s2  }
0x8d: {  	s2 =	sadd.s32 s2, s17  }
0x8e: {  	[smem:$0x3FC2] =	sst s2  }
0x8f: {  	_ = 	snop  }
0x90: {  	s2 =	sld [smem:$0x3FC6]  }
0x91: {  	s18 =	sld [smem:$0x3FC5]  }
0x92: {  	s4 =	sld [smem:$0x3FD0];
	(tm) =	ssettm $0x1  }
0x93: {  	s5 =	sld [smem:$0x3FFB];
	_ =	sdelay $0x3  }
0x94: {  	_ =	strace s5  }
0x95: {  	s5 =	sld [smem:$0x3FFC];
	_ =	sdelay $0x3  }
0x96: {  	_ =	strace s5  }
0x97: {  	s5 =	sld [smem:$0x3FFD];
	_ =	sdelay $0x3  }
0x98: {  	_ =	strace s5  }
0x99: {  	_ =	strace $0x8FFFFFFF  }
0x9a: {  	s19 =	sld [smem:$0x3FDB];
	_ =	sdelay $0x1  }
0x9b: {  	s6 =	simm.s32 $_scs_section_size  }
0x9c: {  	s7 =	simm.s32 $_size__tile_overlayer_lowered;
	s8 =	simm.s32 $_tile_overlayer_lowered  }
0x9d: {  	s22 =	simm.s32 $0x1BFF;
	s21 =	sshll.u32 s8, $0x1;
	s5 =	sadd.s32 s6, s19  }
0x9e: {  	s9 =	simm.s32 $0x0;
	s20 =	sshll.u32 s7, $0x1;
	s7 =	sadd.s32 s21, s5  }
0x9f: {  	[timem:s9], [sflag:s22] =	dma.local [hbm:s7], s20  }
0xa0: {  	_ =	swait.ge [sflag:s22], s20  }
0xa1: {  	s6 =	ssub.s32 $0x0, s20;
	[sflag:s22] =	ssyncset.done $0x0  }
0xa2: {  	[sflag:s22] =	ssyncadd.s32 s6;
	_ =	sdelay $0x1  }
0xa3: {  	s23 =	simm.s32 $0x1B8B  }
0xa4: {  	_ =	swait.ge [sflag:s23], $0x1  }
0xa5: {  	[sflag:s23] =	ssyncset.done $0x0  }
0xa6: {  	s25 =	simm.s32 $0x1B8E;
	s24 =	sld [smem:$0x3FFE];
	[sflag:s23] =	ssyncadd.s32 $0xFFFFFFFF  }
0xa7: {  	s26 =	simm.s32 $execute0_lowered;
	[smem:$0x3FD2] =	sst s25  }
0xa8: {  	s7 =	sshll.u32 s26, $0x1;
	_ =	strace $0x80000046;
	[dreg:$0x1] =	wrdreg $0xFFFFFFFF  }
0xa9: {  	s28 =	simm.s32 $_size_execute0_lowered;
	s5 =	sadd.s32 s5, s7;
	[dreg:$0x0] =	wrdreg $0x0  }
0xaa: {  	s7 =	sshll.u32 s28, $0x1;
	[dreg:$0x2] =	wrdreg s5  }
0xab: {  	[dreg:$0x3] =	wrdreg s7  }
0xac: {  	[dreg:$0x4] =	wrdreg $0xC0  }
0xad: {  	_ =	task [dreg:s9], $0x5FFFF  }
0xae: {  	[dreg:$0x1] =	wrdreg $0xFFFFFFFF  }
0xaf: {  	[dreg:$0x0] =	wrdreg $0x60  }
0xb0: {  	[dreg:$0x2] =	wrdreg s24  }
0xb1: {  	[dreg:$0x3] =	wrdreg s2  }
0xb2: {  	[dreg:$0x4] =	wrdreg s18  }
0xb3: {  	[dreg:$0x5] =	wrdreg s4  }
0xb4: {  	[dreg:$0x6] =	wrdreg $0x9  }
0xb5: {  	_ =	task.clear_ibuf [dreg:s9], $0x7FFFF;
	_ =	strace $0x90000046  }
0xb6: {  	s29 =	simm.s32 $0x9;
	_ =	strace $0x80000048  }
0xb7: {  	_ =	swait.ge [sflag:s29], $0x1  }
0xb8: {  	[sflag:s29] =	ssyncadd.s32 $0xFFFFFFFF  }
0xb9: {  	_ =	strace $0x90000048  }
0xba: {  	_ =	sfence  }
0xbb: {  	s30 =	sld [smem:$0x0];
	_ =	sdelay $0x2  }
0xbc: {  	s31 =	sshll.u32 s1, $0xD;
	s1 =	sshrl.u32 s1, $0x2  }
0xbd: {  	s3 =	sand.u32 $0x4000, s31;
	s1 =	sadd.s32 s1, s30  }
0xbe: {  	s0 =	sor.u32 s3, s0;
	s1 =	sshll.u32 s1, $0x11  }
0xbf: {  	s0 =	sor.u32 s1, s0  }
0xc0: {  	s0 =	sadd.s32 $0x8F2B, s0  }
0xc1: {  	[sflag:s0] =	ssyncadd.remote.s32 $0x1  }
0xc2: {  	_ =	sfence.sel $0xFFFF  }
0xc3: {  	[dreg:$0x0] =	wrdreg $0xFFFFFFFF;
	(pc) =	sbr.abs _section_cstart, $3  }
0xc4: {  	[dreg:$0x1] =	wrdreg $0xFFFFFFFF  }
0xc5: {  	_ =	task.clear_ibuf [dreg:s9], $0x2FFFF;
	_ =	strace $0x9FFFFFFF  }
0xc6: {  	(tm) =	ssettm $0x7FFFFFFF  }
0xc7: {  	_ =	shalt  }
tec
execute0_lowered:
.L_overlay_start_1:
0x0: {  	(tag) =	ssettag $0x1  }
0x1: {  	s0 =	rddreg [dreg:$0x0];
	s1 =	srdreg.scid  }
0x2: {  	s3 =	stileid.u32;
	s2 =	rddreg [dreg:$0x3]  }
0x3: {  	s4 =	simm.s32 $0x0;
	s1 =	sand.u32 $0x1, s1;
	s3 =	sshll.u32 s3, $0x1  }
0x4: {  	[smem:$0x7FF] =	sst s4;
	s5 =	sadd.s32 $0x5800, s0;
	s24 =	sadd.s32 $0x400, s0  }
0x5: {  	s6 =	sadd.s32 $0x1F5800, s0;
	_ =	strace $0x80000047;
	[dreg:$0x5] =	wrdreg s5  }
0x6: {  	s26 =	sadd.s32 $0x5810, s0;
	s28 =	sadd.s32 $0x5820, s0;
	[dreg:$0x8] =	wrdreg s24  }
0x7: {  	s8 =	sadd.s32 $0x5830, s0;
	s9 =	sadd.s32 $0x5840, s0;
	[dreg:$0x9] =	wrdreg s6  }
0x8: {  	s10 =	sadd.s32 $0x5850, s0;
	s11 =	sadd.s32 $0x5860, s0;
	[dreg:$0x6] =	wrdreg s26  }
0x9: {  	s12 =	sadd.s32 $0x5870, s0;
	s13 =	sadd.s32 $0x5880, s0;
	[dreg:$0x7] =	wrdreg s28  }
0xa: {  	s14 =	sadd.s32 $0x5890, s0;
	s15 =	sadd.s32 $0x58A0, s0;
	[dreg:$0xb] =	wrdreg s8  }
0xb: {  	s16 =	sadd.s32 $0x58B0, s0;
	s17 =	sadd.s32 $0x58C0, s0;
	[dreg:$0xc] =	wrdreg s9  }
0xc: {  	s18 =	sadd.s32 $0x58D0, s0;
	s19 =	sadd.s32 $0x58E0, s0;
	[dreg:$0xd] =	wrdreg s10  }
0xd: {  	vm1 =	vcmask $0xF0C;
	s20 =	sadd.s32 $0x58F0, s0;
	s3 =	sor.u32 s1, s3;
	[dreg:$0xe] =	wrdreg s11  }
0xe: {  	vm2 =	vcmask $0x714;
	vm0 =	vcmask $0x30C;
	vm5 =	vcmask $0x1F1C;
	s1 =	ssub.s32 $0x2, s1;
	[dreg:$0xf] =	wrdreg s12;
	s23 =	smul.u32 $0x280, s3  }
0xf: {  	vm6 =	vcmask $0x1724;
	vm3 =	vcmask $0xF18;
	vm4 =	vcmask $0x131C;
	[dreg:$0x10] =	wrdreg s13;
	s25 =	sshrl.u32 s1, $0x1;
	s29 =	sshll.u32 s3, $0x6  }
0x10: {  	vm9 =	vcmask $0x2F2C;
	vm10 =	vcmask $0x2734;
	vm7 =	vcmask $0x1F28;
	s1 =	ssub.s32 s1, s25;
	s4 =	sadd.s32 s23, s0;
	s0 =	sadd.s32 s2, s29  }
0x11: {  	vm8 =	vcmask $0x232C;
	s30 =	simm.s32 $0x80;
	vm11 =	vcmask $0x2F38;
	vm12 =	vcmask $0x333C;
	s1 =	smax.u32 s1, $0x1;
	[dreg:$0x11] =	wrdreg s0  }
0x12: {  	s31 =	simm.s32 $0x1;
	vm1 =	vmor vm2, vm1;
	vm2 =	vcmask $0xB14;
	vm5 =	vmor vm6, vm5;
	s4 =	sadd.s32 $0x800, s4;
	[dreg:$0x12] =	wrdreg s1  }
0x13: {  	vm6 =	vcmask $0x1B24;
	vm9 =	vmor vm10, vm9;
	vm10 =	vcmask $0x2B34;
	s2 =	simm.s32 $0x0;
	s0 =	simm.s32 $0x0;
	[dreg:$0xa] =	wrdreg s4  }
.LBB2_1:
0x14: {  	[dreg:$0x13] =	wrdreg s2  }
0x15: {  	s1 =	rddreg [dreg:$0x8];
	s6 =	simm.s32 $0x16900  }
0x16: {  	[tilespmem:s6], [sflag:$0x2] =	stream.linear.gather [hbm4b:s1+s0], $0x1400, $0x38;
	[tilespmem:$0x17F50] =	vst v63  }
0x17: {  	s7 =	simm.s32 $0x0;
	s21 =	rddreg [dreg:$0x1];
	s22 =	simm.s32 $0x17D00  }
0x18: {  	[tilespmem:s22], [sflag:$0x2] =	stream.linear.gather [hbm4b:s21+s7], $0x20, $0x38;
	[tilespmem:$0x17F50] =	vst v63  }
0x19: {  	s23 =	rddreg [dreg:$0x2];
	s24 =	simm.s32 $0x17D20  }
0x1a: {  	[tilespmem:s24], [sflag:$0x2] =	stream.linear.gather [hbm4b:s23+s7], $0x20, $0x38;
	[tilespmem:$0x17F50] =	vst v63  }
0x1b: {  	s25 =	rddreg [dreg:$0x9];
	s26 =	simm.s32 $0x17D40  }
0x1c: {  	[tilespmem:s26], [sflag:$0x2] =	stream.linear.gather [hbm4b:s25+s7], $0x10, $0x38;
	[tilespmem:$0x17F50] =	vst v63  }
0x1d: {  	s3 =	simm.s32 $0x3;
	s28 =	rddreg [dreg:$0xa]  }
0x1e: {  	[tilespmem:s7], [sflag:$0x3] =	stream.linear.gather [hbm4b:s28+s7], $0x1400, $0x38;
	[tilespmem:$0x17F50] =	vst v63  }
0x1f: {  	_ =	swait.ge [sflag:s3], $0x1400  }
0x20: {  	[sflag:s3] =	ssyncset.done $0x0  }
0x21: {  	s29 =	simm.s32 $0x2;
	[sflag:s3] =	ssyncadd.s32 $0xFFFFEC00  }
0x22: {  	_ =	swait.ge [sflag:s29], $0x1400  }
0x23: {  	[sflag:s29] =	ssyncset.done $0x0  }
0x24: {  	[sflag:s29] =	ssyncadd.s32 $0xFFFFEC00  }
0x25: {  	_ =	swait.ge [sflag:s29], $0x20  }
0x26: {  	[sflag:s29] =	ssyncset.done $0x0  }
0x27: {  	[sflag:s29] =	ssyncadd.s32 $0xFFFFFFE0  }
0x28: {  	_ =	swait.ge [sflag:s29], $0x20  }
0x29: {  	[sflag:s29] =	ssyncset.done $0x0  }
0x2a: {  	[sflag:s29] =	ssyncadd.s32 $0xFFFFFFE0  }
0x2b: {  	_ =	swait.ge [sflag:s29], $0x10  }
0x2c: {  	[sflag:s29] =	ssyncset.done $0x0  }
0x2d: {  	s1 =	simm.s32 $0x0;
	[sflag:s29] =	ssyncadd.s32 $0xFFFFFFF0  }
0x2e: {  	v0 =	vld [tilespmem:s1+$0x70]  }
0x2f: {  	v3 =	vld [tilespmem:s1+$0x20]  }
0x30: {  	v4 =	vld [tilespmem:s1+$0x30]  }
0x31: {  	v5 =	vld [tilespmem:s1+$0x40]  }
0x32: {  	v7 =	vld [tilespmem:s1+$0x50]  }
0x33: {  	v8 =	vld [tilespmem:s1+$0x60];
	_ =	sdelay $0x1  }
0x34: {  	v2 =	vld [tilespmem:s1+$0x10];
	v6 =	vshll.u32 v0, $0x4;
	v0 =	vand.u32 $0x7F, v0;
	v11 =	vshll.u32 v3, $0x4  }
0x35: {  	v1 =	vld [tilespmem:s1+$0x0];
	v12 =	vshll.u32 v4, $0x4;
	v3 =	vand.u32 $0x7F, v3;
	v15 =	vshll.u32 v5, $0x4  }
0x36: {  	v4 =	vand.u32 $0x7F, v4;
	v16 =	vshll.u32 v7, $0x4;
	v6 =	vand.u32 $0xFFFFF800, v6  }
0x37: {  	v5 =	vand.u32 $0x7F, v5;
	v17 =	vshll.u32 v8, $0x4;
	v0 =	vor.u32 v0, v6  }
0x38: {  	s0 =	simm.s32 $0x80;
	v8 =	vand.u32 $0x7F, v8;
	v11 =	vand.u32 $0xFFFFF800, v11;
	v12 =	vand.u32 $0xFFFFF800, v12;
	[tilespmem:s1+$0x1470] =	vst v0  }
0x39: {  	v15 =	vand.u32 $0xFFFFF800, v15;
	v16 =	vand.u32 $0xFFFFF800, v16;
	v6 =	vshll.u32 v2, $0x4;
	v9 =	vld [tilespmem:s0+$0x70]  }
0x3a: {  	v2 =	vand.u32 $0x7F, v2;
	v3 =	vor.u32 v3, v11;
	v0 =	vshll.u32 v1, $0x4;
	v10 =	vld [tilespmem:s0+$0x0]  }
0x3b: {  	v11 =	vor.u32 v4, v12;
	v1 =	vand.u32 $0x7F, v1;
	v0 =	vand.u32 $0xFFFFF800, v0;
	v14 =	vld [tilespmem:s0+$0x20]  }
0x3c: {  	v12 =	vor.u32 v5, v15;
	v6 =	vand.u32 $0xFFFFF800, v6;
	v13 =	vld [tilespmem:s0+$0x10];
	v1 =	vor.u32 v1, v0  }
0x3d: {  	v2 =	vor.u32 v2, v6;
	v6 =	vand.u32 $0x7F, v7;
	v7 =	vand.u32 $0xFFFFF800, v17;
	v0 =	vld [tilespmem:s0+$0x30];
	[tilespmem:s1+$0x1400] =	vst v1  }
0x3e: {  	v15 =	vor.u32 v6, v16;
	v5 =	vor.u32 v8, v7;
	v1 =	vld [tilespmem:s0+$0x40];
	[tilespmem:s1+$0x1410] =	vst v2;
	v4 =	vshll.u32 v9, $0x4  }
0x3f: {  	v2 =	vld [tilespmem:s0+$0x50];
	[tilespmem:s1+$0x1420] =	vst v3;
	v6 =	vshll.u32 v10, $0x4;
	v8 =	vand.u32 $0x7F, v9;
	v7 =	vand.u32 $0xFFFFF800, v4  }
0x40: {  	v3 =	vld [tilespmem:s0+$0x60];
	[tilespmem:s1+$0x1430] =	vst v11;
	v9 =	vshll.u32 v14, $0x4;
	v11 =	vand.u32 $0x7F, v14;
	v7 =	vor.u32 v8, v7  }
0x41: {  	v4 =	vand.u32 $0xFFFFF800, v6;
	v6 =	vshll.u32 v13, $0x4;
	v8 =	vand.u32 $0x7F, v10;
	[tilespmem:s0+$0x1470] =	vst v7  }
0x42: {  	v6 =	vand.u32 $0xFFFFF800, v6;
	v7 =	vand.u32 $0xFFFFF800, v9;
	v9 =	vshll.u32 v0, $0x4;
	[tilespmem:s1+$0x1440] =	vst v12  }
0x43: {  	s2 =	simm.s32 $0x100;
	s3 =	simm.s32 $0x600;
	v10 =	vand.u32 $0x7F, v13;
	v9 =	vand.u32 $0xFFFFF800, v9;
	v12 =	vshll.u32 v1, $0x4;
	[tilespmem:s1+$0x1450] =	vst v15  }
.LBB2_2:
0x44: {  	p0 =	seq.s32 s3, $0x4E00;
	v13 =	vld [tilespmem:s2+$0x70];
	v14 =	vand.u32 $0x7F, v0;
	v12 =	vand.u32 $0xFFFFF800, v12;
	v0 =	vshll.u32 v2, $0x4;
	[tilespmem:s1+$0x1460] =	vst v5;
	s1 =	smov.u32 s0;
	s0 =	smov.u32 s2  }
0x45: {  	v1 =	vand.u32 $0x7F, v1;
	v15 =	vld [tilespmem:s0+$0x0];
	v5 =	vand.u32 $0xFFFFF800, v0;
	v0 =	vshll.u32 v3, $0x4  }
0x46: {  	v2 =	vand.u32 $0x7F, v2;
	v3 =	vand.u32 $0x7F, v3;
	v16 =	vld [tilespmem:s0+$0x10];
	v17 =	vand.u32 $0xFFFFF800, v0  }
0x47: {  	v4 =	vor.u32 v8, v4;
	v6 =	vor.u32 v10, v6;
	v7 =	vor.u32 v11, v7;
	v18 =	vld [tilespmem:s0+$0x20]  }
0x48: {  	v8 =	vor.u32 v14, v9;
	v9 =	vor.u32 v1, v12;
	v14 =	vor.u32 v2, v5;
	v0 =	vld [tilespmem:s0+$0x30];
	[tilespmem:s1+$0x1400] =	vst v4  }
0x49: {  	v5 =	vor.u32 v3, v17;
	v1 =	vld [tilespmem:s0+$0x40];
	v4 =	vshll.u32 v13, $0x4;
	[tilespmem:s1+$0x1410] =	vst v6  }
.Ltmp0:
0x4a: {  	v10 =	vand.u32 $0x7F, v13;
	v3 =	vshll.u32 v15, $0x4;
	v2 =	vld [tilespmem:s0+$0x50];
	v6 =	vand.u32 $0xFFFFF800, v4;
	[tilespmem:s1+$0x1420] =	vst v7;
	(pc) =	sbr.rel @!p0 .LBB2_2-.Ltmp0, $4  }
0x4b: {  	v4 =	vand.u32 $0xFFFFF800, v3;
	v7 =	vshll.u32 v16, $0x4;
	v3 =	vld [tilespmem:s0+$0x60];
	v10 =	vor.u32 v10, v6;
	[tilespmem:s1+$0x1430] =	vst v8  }
0x4c: {  	v8 =	vand.u32 $0x7F, v15;
	v6 =	vand.u32 $0xFFFFF800, v7;
	v7 =	vshll.u32 v18, $0x4;
	[tilespmem:s0+$0x1470] =	vst v10  }
0x4d: {  	v10 =	vand.u32 $0x7F, v16;
	v7 =	vand.u32 $0xFFFFF800, v7;
	v12 =	vshll.u32 v0, $0x4;
	[tilespmem:s1+$0x1440] =	vst v9  }
0x4e: {  	s2 =	sshra.s32 s3, $0x2;
	s3 =	sadd.s32 $0x200, s3;
	v11 =	vand.u32 $0x7F, v18;
	v9 =	vand.u32 $0xFFFFF800, v12;
	v12 =	vshll.u32 v1, $0x4;
	[tilespmem:s1+$0x1450] =	vst v14  }
0x4f: {  	v13 =	vld [tilespmem:s2+$0x70];
	[tilespmem:s1+$0x1460] =	vst v5  }
0x50: {  	v4 =	vor.u32 v8, v4;
	v0 =	vand.u32 $0x7F, v0;
	v5 =	vld [tilespmem:s2+$0x0]  }
0x51: {  	v32 =	vand.u32 $0xFFFFF800, v12;
	v33 =	vshll.u32 v2, $0x4;
	v6 =	vor.u32 v10, v6;
	v14 =	vld [tilespmem:s2+$0x10]  }
0x52: {  	v1 =	vand.u32 $0x7F, v1;
	v35 =	vand.u32 $0x7F, v2;
	v7 =	vor.u32 v11, v7;
	v15 =	vld [tilespmem:s2+$0x20]  }
0x53: {  	v31 =	vld [tilespmem:s2+$0x30];
	[tilespmem:s0+$0x1400] =	vst v4;
	v12 =	vand.u32 $0xFFFFF800, v33;
	v16 =	vshll.u32 v3, $0x4;
	v38 =	vand.u32 $0x7F, v3  }
0x54: {  	v0 =	vor.u32 v0, v9;
	v1 =	vor.u32 v1, v32;
	v34 =	vld [tilespmem:s2+$0x40];
	[tilespmem:s0+$0x1410] =	vst v6;
	v39 =	vshll.u32 v13, $0x4  }
0x55: {  	v36 =	vand.u32 $0xFFFFF800, v16;
	v37 =	vld [tilespmem:s2+$0x50];
	[tilespmem:s0+$0x1420] =	vst v7;
	v41 =	vand.u32 $0x7F, v13;
	v40 =	vand.u32 $0xFFFFF800, v39  }
0x56: {  	v2 =	vor.u32 v35, v12;
	v44 =	vor.u32 v38, v36;
	v42 =	vld [tilespmem:s2+$0x60];
	[tilespmem:s0+$0x1430] =	vst v0;
	v4 =	vor.u32 v41, v40  }
0x57: {  	v43 =	vshll.u32 v5, $0x4;
	v46 =	vshll.u32 v14, $0x4;
	v47 =	vand.u32 $0x7F, v5;
	[tilespmem:s2+$0x1470] =	vst v4  }
0x58: {  	v49 =	vshll.u32 v15, $0x4;
	v50 =	vand.u32 $0x7F, v14;
	v51 =	vshll.u32 v31, $0x4;
	[tilespmem:s0+$0x1440] =	vst v1  }
0x59: {  	v52 =	vand.u32 $0x7F, v15;
	v55 =	vand.u32 $0x7F, v31;
	v45 =	vand.u32 $0xFFFFF800, v43;
	[tilespmem:s0+$0x1450] =	vst v2  }
0x5a: {  	v48 =	vand.u32 $0xFFFFF800, v46;
	v6 =	vand.u32 $0xFFFFF800, v49;
	v53 =	vor.u32 v47, v45;
	[tilespmem:s0+$0x1460] =	vst v44  }
0x5b: {  	v7 =	vand.u32 $0xFFFFF800, v51;
	v54 =	vshll.u32 v34, $0x4;
	v1 =	vor.u32 v50, v48;
	[tilespmem:s2+$0x1400] =	vst v53  }
0x5c: {  	v58 =	vand.u32 $0x7F, v34;
	v56 =	vand.u32 $0xFFFFF800, v54;
	v2 =	vor.u32 v52, v6;
	[tilespmem:s2+$0x1410] =	vst v1  }
0x5d: {  	v57 =	vshll.u32 v37, $0x4;
	v4 =	vor.u32 v55, v7;
	v60 =	vand.u32 $0x7F, v37;
	[tilespmem:s2+$0x1420] =	vst v2  }
0x5e: {  	v3 =	vand.u32 $0xFFFFF800, v57;
	v59 =	vshll.u32 v42, $0x4;
	v0 =	vor.u32 v58, v56;
	[tilespmem:s2+$0x1430] =	vst v4  }
0x5f: {  	v62 =	vand.u32 $0x7F, v42;
	v61 =	vand.u32 $0xFFFFF800, v59;
	v3 =	vor.u32 v60, v3;
	[tilespmem:s2+$0x1440] =	vst v0  }
0x60: {  	v63 =	vor.u32 v62, v61;
	[tilespmem:s2+$0x1450] =	vst v3  }
0x61: {  	s25 =	rddreg [dreg:$0x5];
	s26 =	simm.s32 $0x2800;
	s1 =	simm.s32 $0x1400;
	[tilespmem:s2+$0x1460] =	vst v63  }
0x62: {  	[tilespmem:s26], [sflag:$0x1] =	stream.indirect.gather [hbm4b:s25+s30], $0x1, s1, s30, $0xb8;
	[tilespmem:$0x17F50] =	vst v63  }
0x63: {  	s3 =	rddreg [dreg:$0x6];
	s28 =	simm.s32 $0x3C10  }
0x64: {  	[tilespmem:s28], [sflag:$0x1] =	stream.indirect.gather [hbm4b:s3+s30], $0x1, s1, s30, $0xb8;
	[tilespmem:$0x17F50] =	vst v63  }
0x65: {  	s29 =	rddreg [dreg:$0x7];
	s3 =	simm.s32 $0x5020  }
0x66: {  	[tilespmem:s3], [sflag:$0x1] =	stream.indirect.gather [hbm4b:s29+s30], $0x1, s1, s30, $0xb8;
	[tilespmem:$0x17F50] =	vst v63  }
0x67: {  	s4 =	simm.s32 $0x6430  }
0x68: {  	[tilespmem:s4], [sflag:$0x1] =	stream.indirect.gather [hbm4b:s8+s30], $0x1, s1, s30, $0xb8;
	[tilespmem:$0x17F50] =	vst v63  }
0x69: {  	s5 =	simm.s32 $0x7840  }
0x6a: {  	[tilespmem:s5], [sflag:$0x1] =	stream.indirect.gather [hbm4b:s9+s30], $0x1, s1, s30, $0xb8;
	[tilespmem:$0x17F50] =	vst v63  }
0x6b: {  	s6 =	simm.s32 $0x8C50  }
0x6c: {  	[tilespmem:s6], [sflag:$0x1] =	stream.indirect.gather [hbm4b:s10+s30], $0x1, s1, s30, $0xb8;
	[tilespmem:$0x17F50] =	vst v63  }
0x6d: {  	s7 =	simm.s32 $0xA060  }
0x6e: {  	[tilespmem:s7], [sflag:$0x1] =	stream.indirect.gather [hbm4b:s11+s30], $0x1, s1, s30, $0xb8;
	[tilespmem:$0x17F50] =	vst v63  }
0x6f: {  	s21 =	simm.s32 $0xB470  }
0x70: {  	[tilespmem:s21], [sflag:$0x1] =	stream.indirect.gather [hbm4b:s12+s30], $0x1, s1, s30, $0xb8;
	[tilespmem:$0x17F50] =	vst v63  }
0x71: {  	s22 =	simm.s32 $0xC880  }
0x72: {  	[tilespmem:s22], [sflag:$0x1] =	stream.indirect.gather [hbm4b:s13+s30], $0x1, s1, s30, $0xb8;
	[tilespmem:$0x17F50] =	vst v63  }
0x73: {  	s23 =	simm.s32 $0xDC90  }
0x74: {  	[tilespmem:s23], [sflag:$0x1] =	stream.indirect.gather [hbm4b:s14+s30], $0x1, s1, s30, $0xb8;
	[tilespmem:$0x17F50] =	vst v63  }
0x75: {  	s24 =	simm.s32 $0xF0A0  }
0x76: {  	[tilespmem:s24], [sflag:$0x1] =	stream.indirect.gather [hbm4b:s15+s30], $0x1, s1, s30, $0xb8;
	[tilespmem:$0x17F50] =	vst v63  }
0x77: {  	s25 =	simm.s32 $0x104B0  }
0x78: {  	[tilespmem:s25], [sflag:$0x1] =	stream.indirect.gather [hbm4b:s16+s30], $0x1, s1, s30, $0xb8;
	[tilespmem:$0x17F50] =	vst v63  }
0x79: {  	s26 =	simm.s32 $0x118C0  }
0x7a: {  	[tilespmem:s26], [sflag:$0x1] =	stream.indirect.gather [hbm4b:s17+s30], $0x1, s1, s30, $0xb8;
	[tilespmem:$0x17F50] =	vst v63  }
0x7b: {  	s0 =	simm.s32 $0x80;
	s28 =	simm.s32 $0x12CD0;
	s29 =	simm.s32 $0x140E0  }
0x7c: {  	[tilespmem:s28], [sflag:$0x1] =	stream.indirect.gather [hbm4b:s18+s30], $0x1, s1, s30, $0xb8;
	[tilespmem:$0x17F50] =	vst v63  }
0x7d: {  	s3 =	simm.s32 $0x400;
	s4 =	rddreg [dreg:$0x5];
	s5 =	simm.s32 $0x154F0  }
0x7e: {  	[tilespmem:s29], [sflag:$0x1] =	stream.indirect.gather [hbm4b:s19+s30], $0x1, s1, s30, $0xb8;
	[tilespmem:$0x17F50] =	vst v63  }
.LBB2_4:
0x7f: {  	[tilespmem:s5], [sflag:$0x1] =	stream.indirect.gather [hbm4b:s20+s30], $0x1, s1, s30, $0xb8;
	[tilespmem:$0x17F50] =	vst v63  }
0x80: {  	s24 =	sadd.s32 $0x2800, s0;
	s1 =	sadd.s32 $0x1400, s0  }
0x81: {  	[tilespmem:s24], [sflag:$0x1] =	stream.indirect.gather [hbm4b:s4+s30], $0x1, s1, s30, $0xb8;
	[tilespmem:$0x17F50] =	vst v63  }
0x82: {  	s6 =	rddreg [dreg:$0x6];
	s25 =	sadd.s32 $0x3C10, s0  }
0x83: {  	[tilespmem:s25], [sflag:$0x1] =	stream.indirect.gather [hbm4b:s6+s30], $0x1, s1, s30, $0xb8;
	[tilespmem:$0x17F50] =	vst v63  }
0x84: {  	s26 =	rddreg [dreg:$0x7];
	s28 =	sadd.s32 $0x5020, s0  }
0x85: {  	[tilespmem:s28], [sflag:$0x1] =	stream.indirect.gather [hbm4b:s26+s30], $0x1, s1, s30, $0xb8;
	[tilespmem:$0x17F50] =	vst v63  }
0x86: {  	s29 =	sadd.s32 $0x6430, s0  }
0x87: {  	[tilespmem:s29], [sflag:$0x1] =	stream.indirect.gather [hbm4b:s8+s30], $0x1, s1, s30, $0xb8;
	[tilespmem:$0x17F50] =	vst v63  }
0x88: {  	s4 =	sadd.s32 $0x7840, s0  }
0x89: {  	[tilespmem:s4], [sflag:$0x1] =	stream.indirect.gather [hbm4b:s9+s30], $0x1, s1, s30, $0xb8;
	[tilespmem:$0x17F50] =	vst v63  }
0x8a: {  	s5 =	sadd.s32 $0x8C50, s0  }
0x8b: {  	[tilespmem:s5], [sflag:$0x1] =	stream.indirect.gather [hbm4b:s10+s30], $0x1, s1, s30, $0xb8;
	[tilespmem:$0x17F50] =	vst v63  }
0x8c: {  	s6 =	sadd.s32 $0xA060, s0  }
0x8d: {  	[tilespmem:s6], [sflag:$0x1] =	stream.indirect.gather [hbm4b:s11+s30], $0x1, s1, s30, $0xb8;
	[tilespmem:$0x17F50] =	vst v63  }
0x8e: {  	s21 =	sadd.s32 $0xB470, s0  }
0x8f: {  	[tilespmem:s21], [sflag:$0x1] =	stream.indirect.gather [hbm4b:s12+s30], $0x1, s1, s30, $0xb8;
	[tilespmem:$0x17F50] =	vst v63  }
0x90: {  	s22 =	sadd.s32 $0xC880, s0  }
0x91: {  	[tilespmem:s22], [sflag:$0x1] =	stream.indirect.gather [hbm4b:s13+s30], $0x1, s1, s30, $0xb8;
	[tilespmem:$0x17F50] =	vst v63  }
0x92: {  	s23 =	sadd.s32 $0xDC90, s0  }
0x93: {  	[tilespmem:s23], [sflag:$0x1] =	stream.indirect.gather [hbm4b:s14+s30], $0x1, s1, s30, $0xb8;
	[tilespmem:$0x17F50] =	vst v63  }
0x94: {  	s24 =	sadd.s32 $0xF0A0, s0  }
0x95: {  	[tilespmem:s24], [sflag:$0x1] =	stream.indirect.gather [hbm4b:s15+s30], $0x1, s1, s30, $0xb8;
	[tilespmem:$0x17F50] =	vst v63  }
0x96: {  	s25 =	sadd.s32 $0x104B0, s0  }
0x97: {  	[tilespmem:s25], [sflag:$0x1] =	stream.indirect.gather [hbm4b:s16+s30], $0x1, s1, s30, $0xb8;
	[tilespmem:$0x17F50] =	vst v63  }
0x98: {  	p0 =	sne.s32 s3, $0x4E00;
	s26 =	sadd.s32 $0x118C0, s0  }
0x99: {  	[tilespmem:s26], [sflag:$0x1] =	stream.indirect.gather [hbm4b:s17+s30], $0x1, s1, s30, $0xb8;
	[tilespmem:$0x17F50] =	vst v63  }
.Ltmp1:
0x9a: {  	s2 =	smov.u32 s3;
	s7 =	sadd.s32 $0x200, s3;
	(pc) =	sbr.rel @p0 .LBB2_4-.Ltmp1, $4  }
0x9b: {  	s3 =	smov.u32 s7;
	s28 =	sadd.s32 $0x12CD0, s0;
	s29 =	sadd.s32 $0x140E0, s0  }
0x9c: {  	[tilespmem:s28], [sflag:$0x1] =	stream.indirect.gather [hbm4b:s18+s30], $0x1, s1, s30, $0xb8;
	[tilespmem:$0x17F50] =	vst v63  }
0x9d: {  	s4 =	rddreg [dreg:$0x5];
	s5 =	sadd.s32 $0x154F0, s0;
	s0 =	sshra.s32 s2, $0x2  }
0x9e: {  	[tilespmem:s29], [sflag:$0x1] =	stream.indirect.gather [hbm4b:s19+s30], $0x1, s1, s30, $0xb8;
	[tilespmem:$0x17F50] =	vst v63  }
0x9f: {  	[tilespmem:s5], [sflag:$0x1] =	stream.indirect.gather [hbm4b:s20+s30], $0x1, s1, s30, $0xb8;
	[tilespmem:$0x17F50] =	vst v63  }
0xa0: {  	s29 =	sadd.s32 $0x2800, s0;
	s2 =	sadd.s32 $0x1400, s0  }
0xa1: {  	[tilespmem:s29], [sflag:$0x1] =	stream.indirect.gather [hbm4b:s4+s30], $0x1, s2, s30, $0xb8;
	[tilespmem:$0x17F50] =	vst v63  }
0xa2: {  	s3 =	rddreg [dreg:$0x6];
	s4 =	sadd.s32 $0x3C10, s0  }
0xa3: {  	[tilespmem:s4], [sflag:$0x1] =	stream.indirect.gather [hbm4b:s3+s30], $0x1, s2, s30, $0xb8;
	[tilespmem:$0x17F50] =	vst v63  }
0xa4: {  	s5 =	rddreg [dreg:$0x7];
	s6 =	sadd.s32 $0x5020, s0  }
0xa5: {  	[tilespmem:s6], [sflag:$0x1] =	stream.indirect.gather [hbm4b:s5+s30], $0x1, s2, s30, $0xb8;
	[tilespmem:$0x17F50] =	vst v63  }
0xa6: {  	s7 =	sadd.s32 $0x6430, s0  }
0xa7: {  	[tilespmem:s7], [sflag:$0x1] =	stream.indirect.gather [hbm4b:s8+s30], $0x1, s2, s30, $0xb8;
	[tilespmem:$0x17F50] =	vst v63  }
0xa8: {  	s8 =	sadd.s32 $0x7840, s0  }
0xa9: {  	[tilespmem:s8], [sflag:$0x1] =	stream.indirect.gather [hbm4b:s9+s30], $0x1, s2, s30, $0xb8;
	[tilespmem:$0x17F50] =	vst v63  }
0xaa: {  	s9 =	sadd.s32 $0x8C50, s0  }
0xab: {  	[tilespmem:s9], [sflag:$0x1] =	stream.indirect.gather [hbm4b:s10+s30], $0x1, s2, s30, $0xb8;
	[tilespmem:$0x17F50] =	vst v63  }
0xac: {  	s10 =	sadd.s32 $0xA060, s0  }
0xad: {  	[tilespmem:s10], [sflag:$0x1] =	stream.indirect.gather [hbm4b:s11+s30], $0x1, s2, s30, $0xb8;
	[tilespmem:$0x17F50] =	vst v63  }
0xae: {  	s11 =	sadd.s32 $0xB470, s0  }
0xaf: {  	[tilespmem:s11], [sflag:$0x1] =	stream.indirect.gather [hbm4b:s12+s30], $0x1, s2, s30, $0xb8;
	[tilespmem:$0x17F50] =	vst v63  }
0xb0: {  	s21 =	sadd.s32 $0xC880, s0  }
0xb1: {  	[tilespmem:s21], [sflag:$0x1] =	stream.indirect.gather [hbm4b:s13+s30], $0x1, s2, s30, $0xb8;
	[tilespmem:$0x17F50] =	vst v63  }
0xb2: {  	s22 =	sadd.s32 $0xDC90, s0  }
0xb3: {  	[tilespmem:s22], [sflag:$0x1] =	stream.indirect.gather [hbm4b:s14+s30], $0x1, s2, s30, $0xb8;
	[tilespmem:$0x17F50] =	vst v63  }
0xb4: {  	s23 =	sadd.s32 $0xF0A0, s0  }
0xb5: {  	[tilespmem:s23], [sflag:$0x1] =	stream.indirect.gather [hbm4b:s15+s30], $0x1, s2, s30, $0xb8;
	[tilespmem:$0x17F50] =	vst v63  }
0xb6: {  	s24 =	sadd.s32 $0x104B0, s0  }
0xb7: {  	[tilespmem:s24], [sflag:$0x1] =	stream.indirect.gather [hbm4b:s16+s30], $0x1, s2, s30, $0xb8;
	[tilespmem:$0x17F50] =	vst v63  }
0xb8: {  	s25 =	sadd.s32 $0x118C0, s0  }
0xb9: {  	[tilespmem:s25], [sflag:$0x1] =	stream.indirect.gather [hbm4b:s17+s30], $0x1, s2, s30, $0xb8;
	[tilespmem:$0x17F50] =	vst v63  }
0xba: {  	s26 =	sadd.s32 $0x12CD0, s0  }
0xbb: {  	[tilespmem:s26], [sflag:$0x1] =	stream.indirect.gather [hbm4b:s18+s30], $0x1, s2, s30, $0xb8;
	[tilespmem:$0x17F50] =	vst v63  }
0xbc: {  	s28 =	sadd.s32 $0x140E0, s0  }
0xbd: {  	[tilespmem:s28], [sflag:$0x1] =	stream.indirect.gather [hbm4b:s19+s30], $0x1, s2, s30, $0xb8;
	[tilespmem:$0x17F50] =	vst v63  }
0xbe: {  	s29 =	sadd.s32 $0x154F0, s0  }
0xbf: {  	[tilespmem:s29], [sflag:$0x1] =	stream.indirect.gather [hbm4b:s20+s30], $0x1, s2, s30, $0xb8;
	[tilespmem:$0x17F50] =	vst v63  }
0xc0: {  	v0 =	vld [tilespmem:$0x17D00]  }
0xc1: {  	v1 =	vld [tilespmem:$0x17D10]  }
0xc2: {  	v2 =	vld [tilespmem:$0x17D20]  }
0xc3: {  	v3 =	vld [tilespmem:$0x17D30]  }
0xc4: {  	s1 =	simm.s32 $0x0;
	s26 =	simm.s32 $0x285A;
	s2 =	simm.s32 $0x0;
	v4 =	vld [tilespmem:$0x17D40]  }
.LBB2_6:
0xc5: {  	_ =	swait.ge [sflag:s31], $0x80  }
0xc6: {  	[sflag:s31] =	ssyncset.done $0x0  }
0xc7: {  	[sflag:s31] =	ssyncadd.s32 $0xFFFFFF80  }
0xc8: {  	_ =	swait.ge [sflag:s31], $0x80  }
0xc9: {  	[sflag:s31] =	ssyncset.done $0x0  }
0xca: {  	[sflag:s31] =	ssyncadd.s32 $0xFFFFFF80  }
0xcb: {  	_ =	swait.ge [sflag:s31], $0x80  }
0xcc: {  	[sflag:s31] =	ssyncset.done $0x0  }
0xcd: {  	[sflag:s31] =	ssyncadd.s32 $0xFFFFFF80  }
0xce: {  	_ =	swait.ge [sflag:s31], $0x80  }
0xcf: {  	[sflag:s31] =	ssyncset.done $0x0  }
0xd0: {  	[sflag:s31] =	ssyncadd.s32 $0xFFFFFF80  }
0xd1: {  	_ =	swait.ge [sflag:s31], $0x80  }
0xd2: {  	[sflag:s31] =	ssyncset.done $0x0  }
0xd3: {  	[sflag:s31] =	ssyncadd.s32 $0xFFFFFF80  }
0xd4: {  	_ =	swait.ge [sflag:s31], $0x80  }
0xd5: {  	[sflag:s31] =	ssyncset.done $0x0  }
0xd6: {  	[sflag:s31] =	ssyncadd.s32 $0xFFFFFF80  }
0xd7: {  	_ =	swait.ge [sflag:s31], $0x80  }
0xd8: {  	[sflag:s31] =	ssyncset.done $0x0  }
0xd9: {  	[sflag:s31] =	ssyncadd.s32 $0xFFFFFF80  }
0xda: {  	_ =	swait.ge [sflag:s31], $0x80  }
0xdb: {  	[sflag:s31] =	ssyncset.done $0x0  }
0xdc: {  	[sflag:s31] =	ssyncadd.s32 $0xFFFFFF80  }
0xdd: {  	_ =	swait.ge [sflag:s31], $0x80  }
0xde: {  	[sflag:s31] =	ssyncset.done $0x0  }
0xdf: {  	[sflag:s31] =	ssyncadd.s32 $0xFFFFFF80  }
0xe0: {  	_ =	swait.ge [sflag:s31], $0x80  }
0xe1: {  	[sflag:s31] =	ssyncset.done $0x0  }
0xe2: {  	[sflag:s31] =	ssyncadd.s32 $0xFFFFFF80  }
0xe3: {  	_ =	swait.ge [sflag:s31], $0x80  }
0xe4: {  	[sflag:s31] =	ssyncset.done $0x0  }
0xe5: {  	[sflag:s31] =	ssyncadd.s32 $0xFFFFFF80  }
0xe6: {  	_ =	swait.ge [sflag:s31], $0x80  }
0xe7: {  	[sflag:s31] =	ssyncset.done $0x0  }
0xe8: {  	[sflag:s31] =	ssyncadd.s32 $0xFFFFFF80  }
0xe9: {  	_ =	swait.ge [sflag:s31], $0x80  }
0xea: {  	[sflag:s31] =	ssyncset.done $0x0  }
0xeb: {  	[sflag:s31] =	ssyncadd.s32 $0xFFFFFF80  }
0xec: {  	_ =	swait.ge [sflag:s31], $0x80  }
0xed: {  	[sflag:s31] =	ssyncset.done $0x0  }
0xee: {  	[sflag:s31] =	ssyncadd.s32 $0xFFFFFF80  }
0xef: {  	_ =	swait.ge [sflag:s31], $0x80  }
0xf0: {  	[sflag:s31] =	ssyncset.done $0x0  }
0xf1: {  	[sflag:s31] =	ssyncadd.s32 $0xFFFFFF80  }
0xf2: {  	_ =	swait.ge [sflag:s31], $0x80  }
0xf3: {  	s0 =	simm.s32 $0x9;
	[sflag:s31] =	ssyncset.done $0x0  }
.LBB2_7:
0xf4: {  	p0 =	seq.s32 s0, $0x1;
	s0 =	sadd.s32 $0xFFFFFFFF, s0;
	[sflag:s31] =	ssyncadd.s32 $0xFFFFFF80  }
0xf5: {  	_ =	swait.ge [sflag:s31], $0x80  }
0xf6: {  	[sflag:s31] =	ssyncset.done $0x0  }
0xf7: {  	[sflag:s31] =	ssyncadd.s32 $0xFFFFFF80  }
0xf8: {  	_ =	swait.ge [sflag:s31], $0x80  }
0xf9: {  	[sflag:s31] =	ssyncset.done $0x0  }
0xfa: {  	[sflag:s31] =	ssyncadd.s32 $0xFFFFFF80  }
0xfb: {  	_ =	swait.ge [sflag:s31], $0x80  }
0xfc: {  	[sflag:s31] =	ssyncset.done $0x0  }
0xfd: {  	[sflag:s31] =	ssyncadd.s32 $0xFFFFFF80  }
0xfe: {  	_ =	swait.ge [sflag:s31], $0x80  }
0xff: {  	[sflag:s31] =	ssyncset.done $0x0  }
0x100: {  	[sflag:s31] =	ssyncadd.s32 $0xFFFFFF80  }
0x101: {  	_ =	swait.ge [sflag:s31], $0x80  }
0x102: {  	[sflag:s31] =	ssyncset.done $0x0  }
0x103: {  	[sflag:s31] =	ssyncadd.s32 $0xFFFFFF80  }
0x104: {  	_ =	swait.ge [sflag:s31], $0x80  }
0x105: {  	[sflag:s31] =	ssyncset.done $0x0  }
0x106: {  	[sflag:s31] =	ssyncadd.s32 $0xFFFFFF80  }
0x107: {  	_ =	swait.ge [sflag:s31], $0x80  }
0x108: {  	[sflag:s31] =	ssyncset.done $0x0  }
0x109: {  	[sflag:s31] =	ssyncadd.s32 $0xFFFFFF80  }
0x10a: {  	_ =	swait.ge [sflag:s31], $0x80  }
0x10b: {  	[sflag:s31] =	ssyncset.done $0x0  }
0x10c: {  	[sflag:s31] =	ssyncadd.s32 $0xFFFFFF80  }
0x10d: {  	_ =	swait.ge [sflag:s31], $0x80  }
0x10e: {  	[sflag:s31] =	ssyncset.done $0x0  }
0x10f: {  	[sflag:s31] =	ssyncadd.s32 $0xFFFFFF80  }
0x110: {  	_ =	swait.ge [sflag:s31], $0x80  }
0x111: {  	[sflag:s31] =	ssyncset.done $0x0  }
0x112: {  	[sflag:s31] =	ssyncadd.s32 $0xFFFFFF80  }
0x113: {  	_ =	swait.ge [sflag:s31], $0x80  }
0x114: {  	[sflag:s31] =	ssyncset.done $0x0  }
0x115: {  	[sflag:s31] =	ssyncadd.s32 $0xFFFFFF80  }
0x116: {  	_ =	swait.ge [sflag:s31], $0x80  }
0x117: {  	[sflag:s31] =	ssyncset.done $0x0  }
0x118: {  	[sflag:s31] =	ssyncadd.s32 $0xFFFFFF80  }
0x119: {  	_ =	swait.ge [sflag:s31], $0x80  }
0x11a: {  	[sflag:s31] =	ssyncset.done $0x0  }
0x11b: {  	[sflag:s31] =	ssyncadd.s32 $0xFFFFFF80  }
0x11c: {  	_ =	swait.ge [sflag:s31], $0x80  }
0x11d: {  	[sflag:s31] =	ssyncset.done $0x0  }
0x11e: {  	[sflag:s31] =	ssyncadd.s32 $0xFFFFFF80  }
.Ltmp2:
0x11f: {  	_ =	swait.ge [sflag:s31], $0x80;
	(pc) =	sbr.rel @!p0 .LBB2_7-.Ltmp2, $4  }
0x120: {  	[sflag:s31] =	ssyncset.done $0x0  }
0x121: {  	[sflag:s31] =	ssyncadd.s32 $0xFFFFFF80  }
0x122: {  	_ =	swait.ge [sflag:s31], $0x80  }
0x123: {  	[sflag:s31] =	ssyncset.done $0x0  }
0x124: {  	[dreg:$0x16] =	wrdreg s2  }
0x125: {  	[sflag:s31] =	ssyncadd.s32 $0xFFFFFF80;
	[dreg:$0x15] =	wrdreg s26  }
0x126: {  	s24 =	sshll.u32 s2, $0x3;
	s25 =	simm.s32 $0x0;
	[dreg:$0x14] =	wrdreg s1  }
.LBB2_9:
0x127: {  	v5 =	vimm.f32 $0.0e+00;
	v6 =	vimm.f32 $0.0e+00  }
0x128: {  	v7 =	vimm.f32 $0.0e+00;
	v8 =	vimm.f32 $0.0e+00;
	v9 =	vimm.f32 $0.0e+00  }
0x129: {  	v10 =	vimm.f32 $0.0e+00;
	v11 =	vimm.f32 $0.0e+00;
	v12 =	vimm.f32 $0.0e+00  }
0x12a: {  	v13 =	vimm.f32 $0.0e+00;
	v14 =	vimm.f32 $0.0e+00;
	v15 =	vimm.f32 $0.0e+00  }
0x12b: {  	v16 =	vimm.f32 $0.0e+00;
	v17 =	vimm.f32 $0.0e+00;
	v18 =	vimm.f32 $0.0e+00  }
0x12c: {  	v19 =	vimm.f32 $0.0e+00;
	v20 =	vimm.f32 $0.0e+00;
	v21 =	vimm.f32 $0.0e+00  }
0x12d: {  	v22 =	vimm.f32 $0.0e+00;
	v23 =	vimm.f32 $0.0e+00;
	v24 =	vimm.f32 $0.0e+00  }
0x12e: {  	v25 =	vimm.f32 $0.0e+00;
	v26 =	vimm.f32 $0.0e+00;
	v27 =	vimm.f32 $0.0e+00  }
0x12f: {  	v28 =	vimm.f32 $0.0e+00;
	v29 =	vimm.f32 $0.0e+00;
	v30 =	vimm.f32 $0.0e+00  }
0x130: {  	v31 =	vimm.f32 $0.0e+00;
	v32 =	vimm.f32 $0.0e+00;
	v33 =	vimm.f32 $0.0e+00;
	s5 =	sadd.s32 s24, s25  }
0x131: {  	s6 =	simm.s32 $0x16A00;
	s3 =	smov.u32 s26;
	v34 =	vimm.f32 $0.0e+00;
	v35 =	vimm.f32 $0.0e+00;
	v36 =	vimm.f32 $0.0e+00;
	s21 =	simm.s32 $0x0  }
.LBB2_10:
0x132: {  	v37 =	vld [tilespmem:s6+$0xFFFFFF00]  }
0x133: {  	v38 =	vld [tilespmem:s6+$0xFFFFFF10]  }
0x134: {  	v39 =	vld.msk [tilespmem:s3+$0xFFFFFFA6 ss:$0x0], $0xffff  }
0x135: {  	v40 =	vld.msk [tilespmem:s3+$0xFFFFFFB0 ss:$0x0], $0xffff  }
0x136: {  	v41 =	vld.msk [tilespmem:s3+$0xFFFFFFBA ss:$0x0], $0xffff  }
0x137: {  	v42 =	vld.msk [tilespmem:s3+$0xFFFFFFC4 ss:$0x0], $0xffff  }
0x138: {  	v61 =	vld.msk [tilespmem:s3+$0xFFFFFFD8 ss:$0x0], $0xffff  }
0x139: {  	v43 =	vmul.f32 v39, v37;
	v39 =	vmul.f32 v39, v38  }
0x13a: {  	v63 =	vld.msk [tilespmem:s3+$0xFFFFFFE2 ss:$0x0], $0xffff;
	v45 =	vmul.f32 v40, v37;
	v60 =	vmul.f32 v40, v38  }
0x13b: {  	v62 =	vmul.f32 v41, v37;
	v41 =	vmul.f32 v41, v38  }
0x13c: {  	v46 =	vld.msk [tilespmem:s3+$0xFFFFFFEC ss:$0x0], $0xffff;
	v48 =	vmul.f32 v42, v37;
	v42 =	vmul.f32 v42, v38  }
0x13d: {  	s10 =	sadd.s32 s21, s1;
	v53 =	vld.msk [tilespmem:s3+$0x0 ss:$0x0], $0xffff;
	v52 =	vmul.f32 v61, v37;
	v36 =	vadd.f32 v43, v36;
	v35 =	vadd.f32 v39, v35  }
0x13e: {  	s2 =	sand.u32 $0x7, s21;
	v56 =	vld.msk [tilespmem:s3+$0xA ss:$0x0], $0xffff;
	s0 =	sand.u32 $0x1FE8, s10;
	v40 =	vmul.f32 v61, v38;
	v34 =	vadd.f32 v45, v34;
	v33 =	vadd.f32 v60, v33  }
0x13f: {  	v59 =	vld.msk [tilespmem:s3+$0x14 ss:$0x0], $0xffff;
	s22 =	sor.u32 s2, s0;
	v54 =	vmul.f32 v63, v37;
	v32 =	vadd.f32 v62, v32;
	v31 =	vadd.f32 v41, v31  }
0x140: {  	v44 =	vld.msk [tilespmem:s22+$0x2828 ss:$0x0], $0xffff;
	v55 =	vmul.f32 v63, v38;
	v30 =	vadd.f32 v48, v30;
	v29 =	vadd.f32 v42, v29  }
0x141: {  	v51 =	vld.msk [tilespmem:s22+$0x2850 ss:$0x0], $0xffff;
	v57 =	vmul.f32 v46, v37;
	v26 =	vadd.f32 v52, v26;
	v25 =	vadd.f32 v40, v25  }
0x142: {  	v47 =	vld.msk [tilespmem:s22+$0x3C10 ss:$0x0], $0xffff;
	v58 =	vmul.f32 v46, v38;
	v24 =	vadd.f32 v54, v24;
	v23 =	vadd.f32 v55, v23  }
0x143: {  	v61 =	vld.msk [tilespmem:s22+$0x2878 ss:$0x0], $0xffff;
	v22 =	vadd.f32 v57, v22;
	v62 =	vmul.f32 v53, v37;
	v43 =	vmul.f32 v53, v38  }
0x144: {  	s4 =	sadd.s32 $0xA, s10;
	s7 =	sadd.s32 $0x14, s10;
	v63 =	vld.msk [tilespmem:s3+$0x28 ss:$0x0], $0xffff;
	v21 =	vadd.f32 v58, v21;
	v48 =	vmul.f32 v56, v37;
	v52 =	vmul.f32 v59, v37  }
0x145: {  	s8 =	sadd.s32 $0x1E, s10;
	s28 =	sand.u32 $0x7FFFFFFF, s4;
	s4 =	sand.u32 $0x7FFFFFFF, s7;
	v41 =	vmul.f32 v59, v38;
	v45 =	vld [tilespmem:s6+$0xFFFFFF20];
	v49 =	vmul.f32 v44, v37;
	v18 =	vadd.f32 v62, v18  }
0x146: {  	s29 =	sand.u32 $0x7FFFFFFF, s8;
	v58 =	vld.msk [tilespmem:s4+$0x3C10 ss:$0x0], $0xffff;
	v50 =	vmul.f32 v44, v38;
	v17 =	vadd.f32 v43, v17;
	v16 =	vadd.f32 v48, v16  }
0x147: {  	s11 =	sadd.s32 $0x3C, s10;
	v59 =	vld.msk [tilespmem:s29+$0x3C10 ss:$0x0], $0xffff;
	v60 =	vmul.f32 v51, v37;
	v14 =	vadd.f32 v52, v14;
	v13 =	vadd.f32 v41, v13  }
0x148: {  	s2 =	sand.u32 $0x7FFFFFFF, s11;
	v42 =	vmul.f32 v51, v38;
	v41 =	vld [tilespmem:s6+$0xFFFFFF30];
	v28 =	vadd.f32 v49, v28;
	v27 =	vadd.f32 v50, v27  }
0x149: {  	v52 =	vld.msk [tilespmem:s2+$0x3C10 ss:$0x0], $0xffff;
	v20 =	vadd.f32 v60, v20;
	v50 =	vmul.f32 v56, v38;
	v53 =	vmul.f32 v61, v37  }
0x14a: {  	v19 =	vadd.f32 v42, v19;
	v49 =	vld.msk [tilespmem:s3+$0x32 ss:$0x0], $0xffff;
	v44 =	vmul.f32 v61, v38;
	v54 =	vmul.f32 v63, v37  }
0x14b: {  	v51 =	vld.msk [tilespmem:s3+$0x3C ss:$0x0], $0xffff;
	v55 =	vmul.f32 v63, v38;
	v15 =	vadd.f32 v50, v15;
	v12 =	vadd.f32 v53, v12  }
0x14c: {  	v56 =	vld.msk [tilespmem:s28+$0x3C10 ss:$0x0], $0xffff;
	v11 =	vadd.f32 v44, v11;
	v10 =	vadd.f32 v54, v10;
	v60 =	vmul.f32 v47, v45  }
0x14d: {  	v9 =	vadd.f32 v55, v9;
	v50 =	vmul.f32 v58, v45;
	v53 =	vmul.f32 v59, v45  }
0x14e: {  	s7 =	sadd.s32 $0x46, s10;
	v61 =	vmul.f32 v47, v41;
	v36 =	vadd.f32 v60, v36;
	v54 =	vmul.f32 v59, v41  }
0x14f: {  	s12 =	sadd.s32 $0x5A, s10;
	s23 =	sand.u32 $0x7FFFFFFF, s7;
	v62 =	vld.msk [tilespmem:s22+$0x3C38 ss:$0x0], $0xffff;
	v32 =	vadd.f32 v50, v32;
	v60 =	vmul.f32 v52, v45;
	v57 =	vmul.f32 v49, v37  }
0x150: {  	s7 =	sand.u32 $0x7FFFFFFF, s12;
	v55 =	vld.msk [tilespmem:s23+$0x3C10 ss:$0x0], $0xffff;
	v30 =	vadd.f32 v53, v30;
	v42 =	vmul.f32 v49, v38;
	v37 =	vmul.f32 v51, v37  }
0x151: {  	v59 =	vld.msk [tilespmem:s7+$0x3C10 ss:$0x0], $0xffff;
	v38 =	vmul.f32 v51, v38;
	v63 =	vmul.f32 v56, v45;
	v35 =	vadd.f32 v61, v35  }
0x152: {  	s9 =	sadd.s32 $0x32, s10;
	s13 =	sadd.s32 $0x82, s10;
	s8 =	sadd.s32 $0x64, s10;
	v50 =	vld.msk [tilespmem:s22+$0x3C88 ss:$0x0], $0xffff;
	v48 =	vmul.f32 v56, v41;
	v29 =	vadd.f32 v54, v29;
	v24 =	vadd.f32 v60, v24  }
0x153: {  	s0 =	sand.u32 $0x7FFFFFFF, s9;
	s11 =	sadd.s32 $0x6E, s10;
	s9 =	sand.u32 $0x7FFFFFFF, s8;
	v47 =	vld [tilespmem:s6+$0xFFFFFF40];
	v51 =	vmul.f32 v58, v41;
	v8 =	vadd.f32 v57, v8;
	v7 =	vadd.f32 v42, v7  }
0x154: {  	s8 =	sand.u32 $0x7FFFFFFF, s11;
	s12 =	sadd.s32 $0x8C, s10;
	s11 =	sand.u32 $0x7FFFFFFF, s13;
	v49 =	vld.msk [tilespmem:s0+$0x3C10 ss:$0x0], $0xffff;
	v56 =	vmul.f32 v62, v45;
	v6 =	vadd.f32 v37, v6;
	v5 =	vadd.f32 v38, v5  }
0x155: {  	s12 =	sand.u32 $0x7FFFFFFF, s12;
	v61 =	vmul.f32 v52, v41;
	v52 =	vld.msk [tilespmem:s11+$0x3C10 ss:$0x0], $0xffff;
	v34 =	vadd.f32 v63, v34;
	v33 =	vadd.f32 v48, v33  }
0x156: {  	v54 =	vld.msk [tilespmem:s12+$0x3C10 ss:$0x0], $0xffff;
	v31 =	vadd.f32 v51, v31;
	v38 =	vmul.f32 v62, v41;
	v63 =	vmul.f32 v55, v45  }
0x157: {  	v60 =	vld.msk [tilespmem:s22+$0x5020 ss:$0x0], $0xffff;
	v28 =	vadd.f32 v56, v28;
	v39 =	vmul.f32 v55, v41;
	v23 =	vadd.f32 v61, v23  }
0x158: {  	v57 =	vld.msk [tilespmem:s22+$0x3C60 ss:$0x0], $0xffff;
	v27 =	vadd.f32 v38, v27;
	v22 =	vadd.f32 v63, v22;
	v51 =	vmul.f32 v59, v45  }
0x159: {  	v62 =	vld.msk [tilespmem:s9+$0x3C10 ss:$0x0], $0xffff;
	v21 =	vadd.f32 v39, v21;
	v53 =	vmul.f32 v59, v41;
	v59 =	vmul.f32 v50, v41  }
0x15a: {  	v48 =	vld.msk [tilespmem:s8+$0x3C10 ss:$0x0], $0xffff;
	v58 =	vmul.f32 v49, v45;
	v43 =	vmul.f32 v49, v41;
	v18 =	vadd.f32 v51, v18  }
0x15b: {  	s13 =	sadd.s32 $0x96, s10;
	v17 =	vadd.f32 v53, v17;
	v61 =	vmul.f32 v52, v45;
	v39 =	vmul.f32 v52, v41  }
0x15c: {  	s13 =	sand.u32 $0x7FFFFFFF, s13;
	v11 =	vadd.f32 v59, v11;
	v63 =	vmul.f32 v54, v45;
	v52 =	vmul.f32 v60, v47  }
0x15d: {  	v56 =	vld.msk [tilespmem:s13+$0x3C10 ss:$0x0], $0xffff;
	v26 =	vadd.f32 v58, v26;
	v49 =	vmul.f32 v57, v45;
	v42 =	vmul.f32 v57, v41  }
0x15e: {  	v25 =	vadd.f32 v43, v25;
	v55 =	vmul.f32 v62, v45;
	v40 =	vmul.f32 v62, v41  }
0x15f: {  	v51 =	vld.msk [tilespmem:s29+$0x5020 ss:$0x0], $0xffff;
	v57 =	vmul.f32 v48, v45;
	v10 =	vadd.f32 v61, v10;
	v9 =	vadd.f32 v39, v9  }
0x160: {  	v43 =	vmul.f32 v48, v41;
	v62 =	vld.msk [tilespmem:s28+$0x5020 ss:$0x0], $0xffff;
	v8 =	vadd.f32 v63, v8;
	v36 =	vadd.f32 v52, v36  }
0x161: {  	v58 =	vmul.f32 v50, v45;
	v48 =	vld.msk [tilespmem:s4+$0x5020 ss:$0x0], $0xffff;
	v20 =	vadd.f32 v49, v20;
	v19 =	vadd.f32 v42, v19  }
0x162: {  	v50 =	vmul.f32 v56, v41;
	v16 =	vadd.f32 v55, v16;
	v15 =	vadd.f32 v40, v15;
	v40 =	vld [tilespmem:s6+$0xFFFFFF50]  }
0x163: {  	v14 =	vadd.f32 v57, v14;
	v13 =	vadd.f32 v43, v13;
	v42 =	vmul.f32 v54, v41  }
0x164: {  	v12 =	vadd.f32 v58, v12;
	v49 =	vmul.f32 v56, v45;
	v54 =	vld.msk [tilespmem:s22+$0x5048 ss:$0x0], $0xffff;
	v61 =	vmul.f32 v51, v47  }
0x165: {  	v5 =	vadd.f32 v50, v5;
	v57 =	vld.msk [tilespmem:s0+$0x5020 ss:$0x0], $0xffff;
	v7 =	vadd.f32 v42, v7;
	v55 =	vmul.f32 v62, v47  }
0x166: {  	v6 =	vadd.f32 v49, v6;
	v58 =	vmul.f32 v48, v47;
	v30 =	vadd.f32 v61, v30  }
0x167: {  	v53 =	vmul.f32 v60, v40;
	v56 =	vmul.f32 v62, v40;
	v34 =	vadd.f32 v55, v34;
	v60 =	vld.msk [tilespmem:s2+$0x5020 ss:$0x0], $0xffff  }
0x168: {  	v59 =	vmul.f32 v48, v40;
	v32 =	vadd.f32 v58, v32;
	v39 =	vmul.f32 v51, v40;
	v62 =	vld.msk [tilespmem:s23+$0x5020 ss:$0x0], $0xffff  }
0x169: {  	v63 =	vmul.f32 v54, v47;
	v42 =	vmul.f32 v54, v40;
	v48 =	vld.msk [tilespmem:s22+$0x5070 ss:$0x0], $0xffff;
	v35 =	vadd.f32 v53, v35  }
0x16a: {  	v49 =	vmul.f32 v57, v47;
	v51 =	vld.msk [tilespmem:s7+$0x5020 ss:$0x0], $0xffff;
	v33 =	vadd.f32 v56, v33;
	v31 =	vadd.f32 v59, v31  }
0x16b: {  	v61 =	vld.msk [tilespmem:s12+$0x5020 ss:$0x0], $0xffff;
	v50 =	vmul.f32 v57, v40;
	v29 =	vadd.f32 v39, v29;
	v28 =	vadd.f32 v63, v28  }
0x16c: {  	v55 =	vld.msk [tilespmem:s8+$0x5020 ss:$0x0], $0xffff;
	v27 =	vadd.f32 v42, v27;
	v52 =	vmul.f32 v60, v47;
	v41 =	vmul.f32 v60, v40  }
0x16d: {  	v26 =	vadd.f32 v49, v26;
	v53 =	vld.msk [tilespmem:s9+$0x5020 ss:$0x0], $0xffff;
	v54 =	vmul.f32 v62, v47;
	v43 =	vmul.f32 v62, v40  }
0x16e: {  	v57 =	vld.msk [tilespmem:s22+$0x5098 ss:$0x0], $0xffff;
	v25 =	vadd.f32 v50, v25;
	v56 =	vmul.f32 v48, v47;
	v58 =	vmul.f32 v48, v40  }
0x16f: {  	v59 =	vld.msk [tilespmem:s11+$0x5020 ss:$0x0], $0xffff;
	v60 =	vmul.f32 v51, v47;
	v24 =	vadd.f32 v52, v24;
	v23 =	vadd.f32 v41, v23  }
0x170: {  	v63 =	vld.msk [tilespmem:s13+$0x5020 ss:$0x0], $0xffff;
	v39 =	vmul.f32 v51, v40;
	v22 =	vadd.f32 v54, v22;
	v21 =	vadd.f32 v43, v21  }
0x171: {  	v49 =	vld.msk [tilespmem:s0+$0x6430 ss:$0x0], $0xffff;
	v51 =	vmul.f32 v55, v47;
	v20 =	vadd.f32 v56, v20;
	v19 =	vadd.f32 v58, v19  }
0x172: {  	v62 =	vmul.f32 v53, v47;
	v42 =	vmul.f32 v53, v40;
	v17 =	vadd.f32 v39, v17;
	v39 =	vld [tilespmem:s6+$0xFFFFFF60]  }
0x173: {  	v18 =	vadd.f32 v60, v18;
	v52 =	vmul.f32 v55, v40;
	v53 =	vmul.f32 v57, v47;
	v54 =	vld.msk [tilespmem:s22+$0x6430 ss:$0x0], $0xffff  }
0x174: {  	v14 =	vadd.f32 v51, v14;
	v41 =	vmul.f32 v57, v40;
	v55 =	vmul.f32 v59, v47;
	v56 =	vld.msk [tilespmem:s28+$0x6430 ss:$0x0], $0xffff  }
0x175: {  	v43 =	vmul.f32 v59, v40;
	v57 =	vmul.f32 v61, v47;
	v59 =	vld.msk [tilespmem:s4+$0x6430 ss:$0x0], $0xffff;
	v16 =	vadd.f32 v62, v16  }
0x176: {  	v58 =	vmul.f32 v61, v40;
	v61 =	vld.msk [tilespmem:s29+$0x6430 ss:$0x0], $0xffff;
	v15 =	vadd.f32 v42, v15;
	v13 =	vadd.f32 v52, v13  }
0x177: {  	v60 =	vmul.f32 v63, v47;
	v42 =	vld [tilespmem:s6+$0xFFFFFF70];
	v12 =	vadd.f32 v53, v12;
	v11 =	vadd.f32 v41, v11  }
0x178: {  	v40 =	vmul.f32 v63, v40;
	v10 =	vadd.f32 v55, v10;
	v9 =	vadd.f32 v43, v9  }
0x179: {  	v63 =	vld.msk [tilespmem:s22+$0x6458 ss:$0x0], $0xffff;
	v8 =	vadd.f32 v57, v8;
	v7 =	vadd.f32 v58, v7;
	v62 =	vmul.f32 v54, v39  }
0x17a: {  	v51 =	vld.msk [tilespmem:s2+$0x6430 ss:$0x0], $0xffff;
	v6 =	vadd.f32 v60, v6;
	v47 =	vmul.f32 v56, v39;
	v50 =	vmul.f32 v59, v39  }
0x17b: {  	v5 =	vadd.f32 v40, v5;
	v53 =	vld.msk [tilespmem:s23+$0x6430 ss:$0x0], $0xffff;
	v52 =	vmul.f32 v61, v39;
	v57 =	vmul.f32 v49, v39  }
0x17c: {  	v44 =	vmul.f32 v54, v42;
	v36 =	vadd.f32 v62, v36;
	v48 =	vmul.f32 v56, v42  }
0x17d: {  	v58 =	vld.msk [tilespmem:s7+$0x6430 ss:$0x0], $0xffff;
	v34 =	vadd.f32 v47, v34;
	v41 =	vmul.f32 v59, v42;
	v43 =	vmul.f32 v61, v42  }
0x17e: {  	v60 =	vld.msk [tilespmem:s9+$0x6430 ss:$0x0], $0xffff;
	v32 =	vadd.f32 v50, v32;
	v54 =	vmul.f32 v63, v39;
	v55 =	vmul.f32 v63, v42  }
0x17f: {  	v30 =	vadd.f32 v52, v30;
	v40 =	vmul.f32 v49, v42;
	v59 =	vmul.f32 v51, v39  }
0x180: {  	v26 =	vadd.f32 v57, v26;
	v61 =	vmul.f32 v53, v39;
	v35 =	vadd.f32 v44, v35  }
0x181: {  	v45 =	vld [tilespmem:s6+$0xFFFFFF80];
	v62 =	vmul.f32 v53, v42;
	v33 =	vadd.f32 v48, v33;
	v31 =	vadd.f32 v41, v31  }
0x182: {  	v56 =	vld.msk [tilespmem:s22+$0x6480 ss:$0x0], $0xffff;
	v50 =	vmul.f32 v58, v39;
	v29 =	vadd.f32 v43, v29;
	v28 =	vadd.f32 v54, v28  }
0x183: {  	v63 =	vld.msk [tilespmem:s8+$0x6430 ss:$0x0], $0xffff;
	v52 =	vmul.f32 v60, v39;
	v27 =	vadd.f32 v55, v27;
	v25 =	vadd.f32 v40, v25  }
0x184: {  	v49 =	vld.msk [tilespmem:s22+$0x64A8 ss:$0x0], $0xffff;
	v44 =	vmul.f32 v51, v42;
	v24 =	vadd.f32 v59, v24;
	v22 =	vadd.f32 v61, v22  }
0x185: {  	v53 =	vld.msk [tilespmem:s12+$0x6430 ss:$0x0], $0xffff;
	v21 =	vadd.f32 v62, v21;
	v43 =	vmul.f32 v58, v42;
	v18 =	vadd.f32 v50, v18  }
0x186: {  	v51 =	vld.msk [tilespmem:s11+$0x6430 ss:$0x0], $0xffff;
	v54 =	vmul.f32 v60, v42;
	v16 =	vadd.f32 v52, v16;
	v23 =	vadd.f32 v44, v23  }
0x187: {  	v55 =	vld.msk [tilespmem:s13+$0x6430 ss:$0x0], $0xffff;
	v17 =	vadd.f32 v43, v17;
	v48 =	vmul.f32 v56, v39;
	v41 =	vmul.f32 v56, v42  }
0x188: {  	v58 =	vld.msk [tilespmem:s22+$0x7840 ss:$0x0], $0xffff;
	v15 =	vadd.f32 v54, v15;
	v56 =	vmul.f32 v63, v39;
	v40 =	vmul.f32 v63, v42  }
0x189: {  	v61 =	vld.msk [tilespmem:s28+$0x7840 ss:$0x0], $0xffff;
	v57 =	vmul.f32 v49, v39;
	v44 =	vmul.f32 v49, v42;
	v20 =	vadd.f32 v48, v20  }
0x18a: {  	v50 =	vld.msk [tilespmem:s29+$0x7840 ss:$0x0], $0xffff;
	v62 =	vmul.f32 v53, v39;
	v19 =	vadd.f32 v41, v19;
	v14 =	vadd.f32 v56, v14  }
0x18b: {  	v63 =	vld.msk [tilespmem:s4+$0x7840 ss:$0x0], $0xffff;
	v13 =	vadd.f32 v40, v13;
	v59 =	vmul.f32 v51, v39;
	v12 =	vadd.f32 v57, v12  }
0x18c: {  	v40 =	vld [tilespmem:s6+$0xFFFFFF90];
	v11 =	vadd.f32 v44, v11;
	v60 =	vmul.f32 v51, v42;
	v41 =	vmul.f32 v53, v42  }
0x18d: {  	v48 =	vmul.f32 v55, v39;
	v49 =	vmul.f32 v55, v42;
	v8 =	vadd.f32 v62, v8  }
0x18e: {  	v51 =	vmul.f32 v58, v45;
	v53 =	vld.msk [tilespmem:s22+$0x7868 ss:$0x0], $0xffff;
	v10 =	vadd.f32 v59, v10;
	v9 =	vadd.f32 v60, v9  }
0x18f: {  	v54 =	vmul.f32 v61, v45;
	v56 =	vld.msk [tilespmem:s0+$0x7840 ss:$0x0], $0xffff;
	v7 =	vadd.f32 v41, v7;
	v6 =	vadd.f32 v48, v6  }
0x190: {  	v62 =	vld.msk [tilespmem:s23+$0x7840 ss:$0x0], $0xffff;
	v5 =	vadd.f32 v49, v5;
	v60 =	vmul.f32 v50, v45;
	v57 =	vmul.f32 v63, v45  }
0x191: {  	v36 =	vadd.f32 v51, v36;
	v52 =	vmul.f32 v58, v40;
	v55 =	vmul.f32 v61, v40  }
0x192: {  	v59 =	vld.msk [tilespmem:s2+$0x7840 ss:$0x0], $0xffff;
	v34 =	vadd.f32 v54, v34;
	v58 =	vmul.f32 v63, v40;
	v61 =	vmul.f32 v50, v40  }
0x193: {  	v30 =	vadd.f32 v60, v30;
	v63 =	vmul.f32 v53, v45;
	v39 =	vmul.f32 v53, v40  }
0x194: {  	v48 =	vld.msk [tilespmem:s22+$0x7890 ss:$0x0], $0xffff;
	v32 =	vadd.f32 v57, v32;
	v49 =	vmul.f32 v56, v45;
	v43 =	vmul.f32 v56, v40  }
0x195: {  	v54 =	vmul.f32 v62, v45;
	v35 =	vadd.f32 v52, v35;
	v33 =	vadd.f32 v55, v33  }
0x196: {  	v50 =	vld.msk [tilespmem:s7+$0x7840 ss:$0x0], $0xffff;
	v41 =	vmul.f32 v62, v40;
	v31 =	vadd.f32 v58, v31;
	v29 =	vadd.f32 v61, v29  }
0x197: {  	v53 =	vld.msk [tilespmem:s9+$0x7840 ss:$0x0], $0xffff;
	v28 =	vadd.f32 v63, v28;
	v27 =	vadd.f32 v39, v27;
	v51 =	vmul.f32 v59, v45  }
0x198: {  	v57 =	vld.msk [tilespmem:s22+$0x78B8 ss:$0x0], $0xffff;
	v26 =	vadd.f32 v49, v26;
	v25 =	vadd.f32 v43, v25;
	v52 =	vmul.f32 v59, v40  }
0x199: {  	v55 =	vld.msk [tilespmem:s8+$0x7840 ss:$0x0], $0xffff;
	v56 =	vmul.f32 v48, v45;
	v22 =	vadd.f32 v54, v22;
	v21 =	vadd.f32 v41, v21  }
0x19a: {  	v47 =	vld [tilespmem:s6+$0xFFFFFFA0];
	v42 =	vmul.f32 v48, v40;
	v24 =	vadd.f32 v51, v24;
	v23 =	vadd.f32 v52, v23  }
0x19b: {  	v59 =	vld.msk [tilespmem:s11+$0x7840 ss:$0x0], $0xffff;
	v20 =	vadd.f32 v56, v20;
	v58 =	vmul.f32 v50, v45;
	v60 =	vmul.f32 v50, v40  }
0x19c: {  	v61 =	vld.msk [tilespmem:s12+$0x7840 ss:$0x0], $0xffff;
	v19 =	vadd.f32 v42, v19;
	v62 =	vmul.f32 v53, v45;
	v39 =	vmul.f32 v53, v40  }
0x19d: {  	v63 =	vld.msk [tilespmem:s13+$0x7840 ss:$0x0], $0xffff;
	v51 =	vmul.f32 v57, v45;
	v52 =	vmul.f32 v57, v40;
	v18 =	vadd.f32 v58, v18  }
0x19e: {  	v53 =	vld.msk [tilespmem:s22+$0x8C50 ss:$0x0], $0xffff;
	v17 =	vadd.f32 v60, v17;
	v50 =	vmul.f32 v55, v45;
	v16 =	vadd.f32 v62, v16  }
0x19f: {  	v57 =	vld.msk [tilespmem:s4+$0x8C50 ss:$0x0], $0xffff;
	v43 =	vmul.f32 v55, v40;
	v15 =	vadd.f32 v39, v15;
	v12 =	vadd.f32 v51, v12  }
0x1a0: {  	v39 =	vld [tilespmem:s6+$0xFFFFFFB0];
	v54 =	vmul.f32 v59, v45;
	v41 =	vmul.f32 v59, v40;
	v11 =	vadd.f32 v52, v11  }
0x1a1: {  	v55 =	vld.msk [tilespmem:s28+$0x8C50 ss:$0x0], $0xffff;
	v56 =	vmul.f32 v61, v45;
	v42 =	vmul.f32 v61, v40;
	v14 =	vadd.f32 v50, v14  }
0x1a2: {  	v58 =	vmul.f32 v63, v45;
	v60 =	vld.msk [tilespmem:s29+$0x8C50 ss:$0x0], $0xffff;
	v13 =	vadd.f32 v43, v13;
	v10 =	vadd.f32 v54, v10  }
0x1a3: {  	v59 =	vmul.f32 v63, v40;
	v63 =	vld.msk [tilespmem:s22+$0x8C78 ss:$0x0], $0xffff;
	v9 =	vadd.f32 v41, v9;
	v8 =	vadd.f32 v56, v8  }
0x1a4: {  	v7 =	vadd.f32 v42, v7;
	v6 =	vadd.f32 v58, v6;
	v61 =	vmul.f32 v53, v47  }
0x1a5: {  	v51 =	vld.msk [tilespmem:s0+$0x8C50 ss:$0x0], $0xffff;
	v5 =	vadd.f32 v59, v5;
	v52 =	vmul.f32 v57, v47;
	v62 =	vmul.f32 v53, v39  }
0x1a6: {  	v49 =	vmul.f32 v55, v47;
	v50 =	vmul.f32 v55, v39;
	v36 =	vadd.f32 v61, v36  }
0x1a7: {  	v54 =	vld.msk [tilespmem:s2+$0x8C50 ss:$0x0], $0xffff;
	v53 =	vmul.f32 v57, v39;
	v32 =	vadd.f32 v52, v32;
	v55 =	vmul.f32 v60, v47  }
0x1a8: {  	v56 =	vld.msk [tilespmem:s23+$0x8C50 ss:$0x0], $0xffff;
	v40 =	vmul.f32 v60, v39;
	v57 =	vmul.f32 v63, v47;
	v35 =	vadd.f32 v62, v35  }
0x1a9: {  	v58 =	vld.msk [tilespmem:s22+$0x8CA0 ss:$0x0], $0xffff;
	v42 =	vmul.f32 v63, v39;
	v34 =	vadd.f32 v49, v34;
	v33 =	vadd.f32 v50, v33  }
0x1aa: {  	v59 =	vmul.f32 v51, v47;
	v31 =	vadd.f32 v53, v31;
	v30 =	vadd.f32 v55, v30  }
0x1ab: {  	v60 =	vmul.f32 v51, v39;
	v61 =	vld.msk [tilespmem:s7+$0x8C50 ss:$0x0], $0xffff;
	v29 =	vadd.f32 v40, v29;
	v28 =	vadd.f32 v57, v28  }
0x1ac: {  	v63 =	vld.msk [tilespmem:s9+$0x8C50 ss:$0x0], $0xffff;
	v27 =	vadd.f32 v42, v27;
	v26 =	vadd.f32 v59, v26;
	v62 =	vmul.f32 v54, v47  }
0x1ad: {  	v51 =	vld.msk [tilespmem:s22+$0x8CC8 ss:$0x0], $0xffff;
	v41 =	vmul.f32 v54, v39;
	v25 =	vadd.f32 v60, v25;
	v48 =	vmul.f32 v56, v47  }
0x1ae: {  	v43 =	vmul.f32 v56, v39;
	v49 =	vld.msk [tilespmem:s8+$0x8C50 ss:$0x0], $0xffff;
	v50 =	vmul.f32 v58, v47;
	v24 =	vadd.f32 v62, v24  }
0x1af: {  	v52 =	vmul.f32 v58, v39;
	v53 =	vld.msk [tilespmem:s11+$0x8C50 ss:$0x0], $0xffff;
	v23 =	vadd.f32 v41, v23;
	v22 =	vadd.f32 v48, v22  }
0x1b0: {  	v55 =	vld.msk [tilespmem:s12+$0x8C50 ss:$0x0], $0xffff;
	v21 =	vadd.f32 v43, v21;
	v54 =	vmul.f32 v61, v47;
	v40 =	vmul.f32 v61, v39  }
0x1b1: {  	v57 =	vld.msk [tilespmem:s13+$0x8C50 ss:$0x0], $0xffff;
	v20 =	vadd.f32 v50, v20;
	v56 =	vmul.f32 v63, v47;
	v42 =	vmul.f32 v63, v39  }
0x1b2: {  	v19 =	vadd.f32 v52, v19;
	v60 =	vmul.f32 v51, v47;
	v41 =	vmul.f32 v51, v39;
	v61 =	vld.msk [tilespmem:s22+$0xA060 ss:$0x0], $0xffff  }
0x1b3: {  	v18 =	vadd.f32 v54, v18;
	v17 =	vadd.f32 v40, v17;
	v58 =	vmul.f32 v49, v47;
	v40 =	vld [tilespmem:s6+$0xFFFFFFC0]  }
0x1b4: {  	v16 =	vadd.f32 v56, v16;
	v15 =	vadd.f32 v42, v15;
	v59 =	vmul.f32 v49, v39;
	v42 =	vld [tilespmem:s6+$0xFFFFFFD0]  }
0x1b5: {  	v63 =	vld.msk [tilespmem:s28+$0xA060 ss:$0x0], $0xffff;
	v62 =	vmul.f32 v53, v47;
	v43 =	vmul.f32 v53, v39;
	v12 =	vadd.f32 v60, v12  }
0x1b6: {  	v51 =	vld.msk [tilespmem:s4+$0xA060 ss:$0x0], $0xffff;
	v11 =	vadd.f32 v41, v11;
	v49 =	vmul.f32 v55, v47;
	v50 =	vmul.f32 v55, v39  }
0x1b7: {  	v52 =	vmul.f32 v57, v47;
	v53 =	vld.msk [tilespmem:s29+$0xA060 ss:$0x0], $0xffff;
	v14 =	vadd.f32 v58, v14;
	v13 =	vadd.f32 v59, v13  }
0x1b8: {  	v39 =	vmul.f32 v57, v39;
	v55 =	vld.msk [tilespmem:s22+$0xA088 ss:$0x0], $0xffff;
	v10 =	vadd.f32 v62, v10;
	v9 =	vadd.f32 v43, v9  }
0x1b9: {  	v8 =	vadd.f32 v49, v8;
	v54 =	vmul.f32 v61, v40;
	v44 =	vmul.f32 v61, v42  }
0x1ba: {  	v60 =	vld.msk [tilespmem:s2+$0xA060 ss:$0x0], $0xffff;
	v7 =	vadd.f32 v50, v7;
	v56 =	vmul.f32 v63, v40;
	v57 =	vmul.f32 v63, v42  }
0x1bb: {  	v6 =	vadd.f32 v52, v6;
	v58 =	vld.msk [tilespmem:s0+$0xA060 ss:$0x0], $0xffff;
	v59 =	vmul.f32 v51, v40;
	v41 =	vmul.f32 v51, v42  }
0x1bc: {  	v5 =	vadd.f32 v39, v5;
	v61 =	vmul.f32 v53, v40;
	v43 =	vmul.f32 v53, v42  }
0x1bd: {  	v62 =	vld.msk [tilespmem:s23+$0xA060 ss:$0x0], $0xffff;
	v63 =	vmul.f32 v55, v40;
	v36 =	vadd.f32 v54, v36;
	v35 =	vadd.f32 v44, v35  }
0x1be: {  	v48 =	vld.msk [tilespmem:s22+$0xA0B0 ss:$0x0], $0xffff;
	v47 =	vmul.f32 v55, v42;
	v34 =	vadd.f32 v56, v34;
	v33 =	vadd.f32 v57, v33  }
0x1bf: {  	v50 =	vld.msk [tilespmem:s7+$0xA060 ss:$0x0], $0xffff;
	v51 =	vmul.f32 v60, v40;
	v32 =	vadd.f32 v59, v32;
	v31 =	vadd.f32 v41, v31  }
0x1c0: {  	v30 =	vadd.f32 v61, v30;
	v29 =	vadd.f32 v43, v29;
	v49 =	vmul.f32 v58, v40  }
0x1c1: {  	v52 =	vld.msk [tilespmem:s9+$0xA060 ss:$0x0], $0xffff;
	v28 =	vadd.f32 v63, v28;
	v39 =	vmul.f32 v58, v42;
	v44 =	vmul.f32 v60, v42  }
0x1c2: {  	v45 =	vld [tilespmem:s6+$0xFFFFFFE0];
	v27 =	vadd.f32 v47, v27;
	v53 =	vmul.f32 v62, v40;
	v54 =	vmul.f32 v62, v42  }
0x1c3: {  	v55 =	vld.msk [tilespmem:s8+$0xA060 ss:$0x0], $0xffff;
	v24 =	vadd.f32 v51, v24;
	v56 =	vmul.f32 v48, v40;
	v41 =	vmul.f32 v48, v42  }
0x1c4: {  	v57 =	vld.msk [tilespmem:s22+$0xA0D8 ss:$0x0], $0xffff;
	v58 =	vmul.f32 v50, v40;
	v26 =	vadd.f32 v49, v26;
	v25 =	vadd.f32 v39, v25  }
0x1c5: {  	v43 =	vmul.f32 v50, v42;
	v59 =	vld.msk [tilespmem:s11+$0xA060 ss:$0x0], $0xffff;
	v23 =	vadd.f32 v44, v23;
	v22 =	vadd.f32 v53, v22  }
0x1c6: {  	v60 =	vmul.f32 v52, v40;
	v61 =	vld.msk [tilespmem:s12+$0xA060 ss:$0x0], $0xffff;
	v21 =	vadd.f32 v54, v21;
	v20 =	vadd.f32 v56, v20  }
0x1c7: {  	v62 =	vmul.f32 v52, v42;
	v63 =	vld.msk [tilespmem:s13+$0xA060 ss:$0x0], $0xffff;
	v19 =	vadd.f32 v41, v19;
	v18 =	vadd.f32 v58, v18  }
0x1c8: {  	v50 =	vld.msk [tilespmem:s22+$0xB470 ss:$0x0], $0xffff;
	v17 =	vadd.f32 v43, v17;
	v16 =	vadd.f32 v60, v16;
	v48 =	vmul.f32 v55, v40  }
0x1c9: {  	v15 =	vadd.f32 v62, v15;
	v53 =	vld.msk [tilespmem:s28+$0xB470 ss:$0x0], $0xffff;
	v39 =	vmul.f32 v55, v42;
	v49 =	vmul.f32 v57, v40  }
0x1ca: {  	v58 =	vld.msk [tilespmem:s29+$0xB470 ss:$0x0], $0xffff;
	v44 =	vmul.f32 v57, v42;
	v14 =	vadd.f32 v48, v14;
	v51 =	vmul.f32 v59, v40  }
0x1cb: {  	v55 =	vld.msk [tilespmem:s4+$0xB470 ss:$0x0], $0xffff;
	v13 =	vadd.f32 v39, v13;
	v52 =	vmul.f32 v59, v42;
	v54 =	vmul.f32 v61, v40  }
0x1cc: {  	v39 =	vld [tilespmem:s6+$0xFFFFFFF0];
	v41 =	vmul.f32 v61, v42;
	v56 =	vmul.f32 v63, v40;
	v12 =	vadd.f32 v49, v12  }
0x1cd: {  	v57 =	vmul.f32 v63, v42;
	v11 =	vadd.f32 v44, v11;
	v10 =	vadd.f32 v51, v10  }
0x1ce: {  	v59 =	vmul.f32 v50, v45;
	v61 =	vld.msk [tilespmem:s22+$0xB498 ss:$0x0], $0xffff;
	v9 =	vadd.f32 v52, v9;
	v8 =	vadd.f32 v54, v8  }
0x1cf: {  	v7 =	vadd.f32 v41, v7;
	v6 =	vadd.f32 v56, v6;
	v62 =	vmul.f32 v53, v45  }
0x1d0: {  	v48 =	vld.msk [tilespmem:s0+$0xB470 ss:$0x0], $0xffff;
	v5 =	vadd.f32 v57, v5;
	v36 =	vadd.f32 v59, v36;
	v52 =	vmul.f32 v58, v45  }
0x1d1: {  	v49 =	vmul.f32 v55, v45;
	v34 =	vadd.f32 v62, v34;
	v60 =	vmul.f32 v50, v39  }
0x1d2: {  	v51 =	vld.msk [tilespmem:s2+$0xB470 ss:$0x0], $0xffff;
	v30 =	vadd.f32 v52, v30;
	v63 =	vmul.f32 v53, v39;
	v50 =	vmul.f32 v55, v39  }
0x1d3: {  	v54 =	vld.msk [tilespmem:s23+$0xB470 ss:$0x0], $0xffff;
	v32 =	vadd.f32 v49, v32;
	v53 =	vmul.f32 v58, v39;
	v55 =	vmul.f32 v61, v45  }
0x1d4: {  	v56 =	vld.msk [tilespmem:s22+$0xB4C0 ss:$0x0], $0xffff;
	v40 =	vmul.f32 v61, v39;
	v35 =	vadd.f32 v60, v35;
	v33 =	vadd.f32 v63, v33  }
0x1d5: {  	v57 =	vmul.f32 v48, v45;
	v31 =	vadd.f32 v50, v31;
	v29 =	vadd.f32 v53, v29  }
0x1d6: {  	v43 =	vmul.f32 v48, v39;
	v58 =	vld.msk [tilespmem:s7+$0xB470 ss:$0x0], $0xffff;
	v28 =	vadd.f32 v55, v28;
	v27 =	vadd.f32 v40, v27  }
0x1d7: {  	v61 =	vld.msk [tilespmem:s9+$0xB470 ss:$0x0], $0xffff;
	v59 =	vmul.f32 v51, v45;
	v26 =	vadd.f32 v57, v26;
	v60 =	vmul.f32 v51, v39  }
0x1d8: {  	v49 =	vld.msk [tilespmem:s22+$0xB4E8 ss:$0x0], $0xffff;
	v25 =	vadd.f32 v43, v25;
	v62 =	vmul.f32 v54, v45;
	v41 =	vmul.f32 v54, v39  }
0x1d9: {  	v63 =	vld.msk [tilespmem:s8+$0xB470 ss:$0x0], $0xffff;
	v48 =	vmul.f32 v56, v45;
	v24 =	vadd.f32 v59, v24;
	v23 =	vadd.f32 v60, v23  }
0x1da: {  	v47 =	vld [tilespmem:s6+$0x0];
	v42 =	vmul.f32 v56, v39;
	v22 =	vadd.f32 v62, v22;
	v21 =	vadd.f32 v41, v21  }
0x1db: {  	v51 =	vld.msk [tilespmem:s11+$0xB470 ss:$0x0], $0xffff;
	v20 =	vadd.f32 v48, v20;
	v50 =	vmul.f32 v58, v45;
	v52 =	vmul.f32 v58, v39  }
0x1dc: {  	v53 =	vld.msk [tilespmem:s12+$0xB470 ss:$0x0], $0xffff;
	v19 =	vadd.f32 v42, v19;
	v54 =	vmul.f32 v61, v45;
	v40 =	vmul.f32 v61, v39  }
0x1dd: {  	v55 =	vld.msk [tilespmem:s13+$0xB470 ss:$0x0], $0xffff;
	v57 =	vmul.f32 v49, v45;
	v58 =	vmul.f32 v49, v39;
	v18 =	vadd.f32 v50, v18  }
0x1de: {  	v59 =	vld.msk [tilespmem:s22+$0xC880 ss:$0x0], $0xffff;
	v17 =	vadd.f32 v52, v17;
	v56 =	vmul.f32 v63, v45;
	v16 =	vadd.f32 v54, v16  }
0x1df: {  	v61 =	vld.msk [tilespmem:s28+$0xC880 ss:$0x0], $0xffff;
	v43 =	vmul.f32 v63, v39;
	v15 =	vadd.f32 v40, v15;
	v12 =	vadd.f32 v57, v12  }
0x1e0: {  	v40 =	vld [tilespmem:s6+$0x10];
	v60 =	vmul.f32 v51, v45;
	v41 =	vmul.f32 v51, v39;
	v11 =	vadd.f32 v58, v11  }
0x1e1: {  	v62 =	vmul.f32 v53, v45;
	v42 =	vmul.f32 v53, v39;
	v63 =	vld.msk [tilespmem:s4+$0xC880 ss:$0x0], $0xffff;
	v14 =	vadd.f32 v56, v14  }
0x1e2: {  	v49 =	vmul.f32 v55, v45;
	v51 =	vld.msk [tilespmem:s29+$0xC880 ss:$0x0], $0xffff;
	v13 =	vadd.f32 v43, v13;
	v10 =	vadd.f32 v60, v10  }
0x1e3: {  	v50 =	vmul.f32 v55, v39;
	v54 =	vld.msk [tilespmem:s22+$0xC8A8 ss:$0x0], $0xffff;
	v9 =	vadd.f32 v41, v9;
	v8 =	vadd.f32 v62, v8  }
0x1e4: {  	v7 =	vadd.f32 v42, v7;
	v6 =	vadd.f32 v49, v6;
	v52 =	vmul.f32 v59, v47  }
0x1e5: {  	v57 =	vld.msk [tilespmem:s0+$0xC880 ss:$0x0], $0xffff;
	v5 =	vadd.f32 v50, v5;
	v55 =	vmul.f32 v61, v47;
	v53 =	vmul.f32 v59, v40  }
0x1e6: {  	v36 =	vadd.f32 v52, v36;
	v56 =	vmul.f32 v61, v40;
	v58 =	vmul.f32 v63, v47  }
0x1e7: {  	v60 =	vld.msk [tilespmem:s2+$0xC880 ss:$0x0], $0xffff;
	v34 =	vadd.f32 v55, v34;
	v59 =	vmul.f32 v63, v40;
	v61 =	vmul.f32 v51, v47  }
0x1e8: {  	v62 =	vld.msk [tilespmem:s23+$0xC880 ss:$0x0], $0xffff;
	v39 =	vmul.f32 v51, v40;
	v63 =	vmul.f32 v54, v47;
	v35 =	vadd.f32 v53, v35  }
0x1e9: {  	v48 =	vld.msk [tilespmem:s22+$0xC8D0 ss:$0x0], $0xffff;
	v42 =	vmul.f32 v54, v40;
	v33 =	vadd.f32 v56, v33;
	v32 =	vadd.f32 v58, v32  }
0x1ea: {  	v49 =	vmul.f32 v57, v47;
	v51 =	vld.msk [tilespmem:s7+$0xC880 ss:$0x0], $0xffff;
	v31 =	vadd.f32 v59, v31;
	v30 =	vadd.f32 v61, v30  }
0x1eb: {  	v50 =	vmul.f32 v57, v40;
	v55 =	vld.msk [tilespmem:s8+$0xC880 ss:$0x0], $0xffff;
	v29 =	vadd.f32 v39, v29;
	v28 =	vadd.f32 v63, v28  }
0x1ec: {  	v57 =	vld.msk [tilespmem:s22+$0xC8F8 ss:$0x0], $0xffff;
	v27 =	vadd.f32 v42, v27;
	v26 =	vadd.f32 v49, v26;
	v52 =	vmul.f32 v60, v47  }
0x1ed: {  	v41 =	vmul.f32 v60, v40;
	v53 =	vld.msk [tilespmem:s9+$0xC880 ss:$0x0], $0xffff;
	v25 =	vadd.f32 v50, v25;
	v54 =	vmul.f32 v62, v47  }
0x1ee: {  	v43 =	vmul.f32 v62, v40;
	v56 =	vmul.f32 v48, v47;
	v59 =	vld.msk [tilespmem:s11+$0xC880 ss:$0x0], $0xffff;
	v24 =	vadd.f32 v52, v24  }
0x1ef: {  	v58 =	vmul.f32 v48, v40;
	v61 =	vld.msk [tilespmem:s12+$0xC880 ss:$0x0], $0xffff;
	v23 =	vadd.f32 v41, v23;
	v22 =	vadd.f32 v54, v22  }
0x1f0: {  	v63 =	vld.msk [tilespmem:s13+$0xC880 ss:$0x0], $0xffff;
	v21 =	vadd.f32 v43, v21;
	v60 =	vmul.f32 v51, v47;
	v39 =	vmul.f32 v51, v40  }
0x1f1: {  	v49 =	vld.msk [tilespmem:s0+$0xDC90 ss:$0x0], $0xffff;
	v20 =	vadd.f32 v56, v20;
	v51 =	vmul.f32 v55, v47;
	v52 =	vmul.f32 v55, v40  }
0x1f2: {  	v19 =	vadd.f32 v58, v19;
	v54 =	vld.msk [tilespmem:s22+$0xDC90 ss:$0x0], $0xffff;
	v41 =	vmul.f32 v57, v40;
	v62 =	vmul.f32 v53, v47  }
0x1f3: {  	v56 =	vld.msk [tilespmem:s28+$0xDC90 ss:$0x0], $0xffff;
	v42 =	vmul.f32 v53, v40;
	v18 =	vadd.f32 v60, v18;
	v17 =	vadd.f32 v39, v17  }
0x1f4: {  	v39 =	vld [tilespmem:s6+$0x20];
	v14 =	vadd.f32 v51, v14;
	v53 =	vmul.f32 v57, v47;
	v13 =	vadd.f32 v52, v13  }
0x1f5: {  	v55 =	vmul.f32 v59, v47;
	v43 =	vmul.f32 v59, v40;
	v11 =	vadd.f32 v41, v11;
	v59 =	vld.msk [tilespmem:s4+$0xDC90 ss:$0x0], $0xffff  }
0x1f6: {  	v57 =	vmul.f32 v61, v47;
	v58 =	vmul.f32 v61, v40;
	v61 =	vld.msk [tilespmem:s29+$0xDC90 ss:$0x0], $0xffff;
	v16 =	vadd.f32 v62, v16  }
0x1f7: {  	v15 =	vadd.f32 v42, v15;
	v42 =	vld [tilespmem:s6+$0x30];
	v12 =	vadd.f32 v53, v12  }
0x1f8: {  	v60 =	vmul.f32 v63, v47;
	v10 =	vadd.f32 v55, v10;
	v9 =	vadd.f32 v43, v9  }
0x1f9: {  	v40 =	vmul.f32 v63, v40;
	v63 =	vld.msk [tilespmem:s22+$0xDCB8 ss:$0x0], $0xffff;
	v8 =	vadd.f32 v57, v8;
	v7 =	vadd.f32 v58, v7  }
0x1fa: {  	v51 =	vld.msk [tilespmem:s2+$0xDC90 ss:$0x0], $0xffff;
	v6 =	vadd.f32 v60, v6;
	v62 =	vmul.f32 v54, v39;
	v47 =	vmul.f32 v56, v39  }
0x1fb: {  	v5 =	vadd.f32 v40, v5;
	v53 =	vld.msk [tilespmem:s23+$0xDC90 ss:$0x0], $0xffff;
	v50 =	vmul.f32 v59, v39;
	v52 =	vmul.f32 v61, v39  }
0x1fc: {  	v57 =	vmul.f32 v49, v39;
	v44 =	vmul.f32 v54, v42;
	v36 =	vadd.f32 v62, v36  }
0x1fd: {  	v58 =	vld.msk [tilespmem:s7+$0xDC90 ss:$0x0], $0xffff;
	v48 =	vmul.f32 v56, v42;
	v34 =	vadd.f32 v47, v34;
	v41 =	vmul.f32 v59, v42  }
0x1fe: {  	v60 =	vld.msk [tilespmem:s9+$0xDC90 ss:$0x0], $0xffff;
	v43 =	vmul.f32 v61, v42;
	v32 =	vadd.f32 v50, v32;
	v54 =	vmul.f32 v63, v39  }
0x1ff: {  	v30 =	vadd.f32 v52, v30;
	v55 =	vmul.f32 v63, v42;
	v40 =	vmul.f32 v49, v42  }
0x200: {  	v59 =	vmul.f32 v51, v39;
	v26 =	vadd.f32 v57, v26;
	v61 =	vmul.f32 v53, v39  }
0x201: {  	v45 =	vld [tilespmem:s6+$0x40];
	v62 =	vmul.f32 v53, v42;
	v35 =	vadd.f32 v44, v35;
	v33 =	vadd.f32 v48, v33  }
0x202: {  	v56 =	vld.msk [tilespmem:s22+$0xDCE0 ss:$0x0], $0xffff;
	v50 =	vmul.f32 v58, v39;
	v31 =	vadd.f32 v41, v31;
	v29 =	vadd.f32 v43, v29  }
0x203: {  	v63 =	vld.msk [tilespmem:s8+$0xDC90 ss:$0x0], $0xffff;
	v52 =	vmul.f32 v60, v39;
	v28 =	vadd.f32 v54, v28;
	v27 =	vadd.f32 v55, v27  }
0x204: {  	v49 =	vld.msk [tilespmem:s22+$0xDD08 ss:$0x0], $0xffff;
	v44 =	vmul.f32 v51, v42;
	v25 =	vadd.f32 v40, v25;
	v24 =	vadd.f32 v59, v24  }
0x205: {  	v53 =	vld.msk [tilespmem:s12+$0xDC90 ss:$0x0], $0xffff;
	v22 =	vadd.f32 v61, v22;
	v21 =	vadd.f32 v62, v21;
	v43 =	vmul.f32 v58, v42  }
0x206: {  	v51 =	vld.msk [tilespmem:s11+$0xDC90 ss:$0x0], $0xffff;
	v18 =	vadd.f32 v50, v18;
	v54 =	vmul.f32 v60, v42;
	v16 =	vadd.f32 v52, v16  }
0x207: {  	v55 =	vld.msk [tilespmem:s13+$0xDC90 ss:$0x0], $0xffff;
	v23 =	vadd.f32 v44, v23;
	v48 =	vmul.f32 v56, v39;
	v41 =	vmul.f32 v56, v42  }
0x208: {  	v58 =	vld.msk [tilespmem:s22+$0xF0A0 ss:$0x0], $0xffff;
	v17 =	vadd.f32 v43, v17;
	v56 =	vmul.f32 v63, v39;
	v40 =	vmul.f32 v63, v42  }
0x209: {  	v61 =	vld.msk [tilespmem:s28+$0xF0A0 ss:$0x0], $0xffff;
	v15 =	vadd.f32 v54, v15;
	v57 =	vmul.f32 v49, v39;
	v44 =	vmul.f32 v49, v42  }
0x20a: {  	v50 =	vld.msk [tilespmem:s29+$0xF0A0 ss:$0x0], $0xffff;
	v62 =	vmul.f32 v53, v39;
	v20 =	vadd.f32 v48, v20;
	v19 =	vadd.f32 v41, v19  }
0x20b: {  	v63 =	vld.msk [tilespmem:s4+$0xF0A0 ss:$0x0], $0xffff;
	v14 =	vadd.f32 v56, v14;
	v13 =	vadd.f32 v40, v13;
	v59 =	vmul.f32 v51, v39  }
0x20c: {  	v40 =	vld [tilespmem:s6+$0x50];
	v12 =	vadd.f32 v57, v12;
	v60 =	vmul.f32 v51, v42;
	v41 =	vmul.f32 v53, v42  }
0x20d: {  	v11 =	vadd.f32 v44, v11;
	v48 =	vmul.f32 v55, v39;
	v49 =	vmul.f32 v55, v42  }
0x20e: {  	v8 =	vadd.f32 v62, v8;
	v51 =	vmul.f32 v58, v45;
	v53 =	vld.msk [tilespmem:s22+$0xF0C8 ss:$0x0], $0xffff;
	v10 =	vadd.f32 v59, v10  }
0x20f: {  	v54 =	vmul.f32 v61, v45;
	v56 =	vld.msk [tilespmem:s0+$0xF0A0 ss:$0x0], $0xffff;
	v9 =	vadd.f32 v60, v9;
	v7 =	vadd.f32 v41, v7  }
0x210: {  	v6 =	vadd.f32 v48, v6;
	v5 =	vadd.f32 v49, v5;
	v60 =	vmul.f32 v50, v45  }
0x211: {  	v62 =	vld.msk [tilespmem:s23+$0xF0A0 ss:$0x0], $0xffff;
	v36 =	vadd.f32 v51, v36;
	v57 =	vmul.f32 v63, v45;
	v52 =	vmul.f32 v58, v40  }
0x212: {  	v34 =	vadd.f32 v54, v34;
	v55 =	vmul.f32 v61, v40;
	v58 =	vmul.f32 v63, v40  }
0x213: {  	v59 =	vld.msk [tilespmem:s2+$0xF0A0 ss:$0x0], $0xffff;
	v30 =	vadd.f32 v60, v30;
	v61 =	vmul.f32 v50, v40;
	v63 =	vmul.f32 v53, v45  }
0x214: {  	v48 =	vld.msk [tilespmem:s22+$0xF0F0 ss:$0x0], $0xffff;
	v32 =	vadd.f32 v57, v32;
	v39 =	vmul.f32 v53, v40;
	v49 =	vmul.f32 v56, v45  }
0x215: {  	v43 =	vmul.f32 v56, v40;
	v35 =	vadd.f32 v52, v35;
	v33 =	vadd.f32 v55, v33  }
0x216: {  	v50 =	vld.msk [tilespmem:s7+$0xF0A0 ss:$0x0], $0xffff;
	v54 =	vmul.f32 v62, v45;
	v31 =	vadd.f32 v58, v31;
	v29 =	vadd.f32 v61, v29  }
0x217: {  	v53 =	vld.msk [tilespmem:s9+$0xF0A0 ss:$0x0], $0xffff;
	v41 =	vmul.f32 v62, v40;
	v28 =	vadd.f32 v63, v28;
	v27 =	vadd.f32 v39, v27  }
0x218: {  	v57 =	vld.msk [tilespmem:s22+$0xF118 ss:$0x0], $0xffff;
	v51 =	vmul.f32 v59, v45;
	v26 =	vadd.f32 v49, v26;
	v25 =	vadd.f32 v43, v25  }
0x219: {  	v52 =	vmul.f32 v59, v40;
	v55 =	vld.msk [tilespmem:s8+$0xF0A0 ss:$0x0], $0xffff;
	v56 =	vmul.f32 v48, v45;
	v22 =	vadd.f32 v54, v22  }
0x21a: {  	v47 =	vld [tilespmem:s6+$0x60];
	v42 =	vmul.f32 v48, v40;
	v21 =	vadd.f32 v41, v21;
	v24 =	vadd.f32 v51, v24  }
0x21b: {  	v59 =	vld.msk [tilespmem:s11+$0xF0A0 ss:$0x0], $0xffff;
	v23 =	vadd.f32 v52, v23;
	v58 =	vmul.f32 v50, v45;
	v60 =	vmul.f32 v50, v40  }
0x21c: {  	v61 =	vld.msk [tilespmem:s12+$0xF0A0 ss:$0x0], $0xffff;
	v20 =	vadd.f32 v56, v20;
	v62 =	vmul.f32 v53, v45;
	v39 =	vmul.f32 v53, v40  }
0x21d: {  	v63 =	vld.msk [tilespmem:s13+$0xF0A0 ss:$0x0], $0xffff;
	v19 =	vadd.f32 v42, v19;
	v51 =	vmul.f32 v57, v45;
	v52 =	vmul.f32 v57, v40  }
0x21e: {  	v53 =	vld.msk [tilespmem:s22+$0x104B0 ss:$0x0], $0xffff;
	v18 =	vadd.f32 v58, v18;
	v17 =	vadd.f32 v60, v17;
	v50 =	vmul.f32 v55, v45  }
0x21f: {  	v57 =	vld.msk [tilespmem:s4+$0x104B0 ss:$0x0], $0xffff;
	v43 =	vmul.f32 v55, v40;
	v16 =	vadd.f32 v62, v16;
	v15 =	vadd.f32 v39, v15  }
0x220: {  	v39 =	vld [tilespmem:s6+$0x70];
	v12 =	vadd.f32 v51, v12;
	v54 =	vmul.f32 v59, v45;
	v41 =	vmul.f32 v59, v40  }
0x221: {  	v55 =	vld.msk [tilespmem:s28+$0x104B0 ss:$0x0], $0xffff;
	v11 =	vadd.f32 v52, v11;
	v56 =	vmul.f32 v61, v45;
	v42 =	vmul.f32 v61, v40  }
0x222: {  	v58 =	vmul.f32 v63, v45;
	v60 =	vld.msk [tilespmem:s29+$0x104B0 ss:$0x0], $0xffff;
	v14 =	vadd.f32 v50, v14;
	v13 =	vadd.f32 v43, v13  }
0x223: {  	v59 =	vmul.f32 v63, v40;
	v63 =	vld.msk [tilespmem:s22+$0x104D8 ss:$0x0], $0xffff;
	v10 =	vadd.f32 v54, v10;
	v9 =	vadd.f32 v41, v9  }
0x224: {  	v8 =	vadd.f32 v56, v8;
	v7 =	vadd.f32 v42, v7;
	v61 =	vmul.f32 v53, v47  }
0x225: {  	v51 =	vld.msk [tilespmem:s0+$0x104B0 ss:$0x0], $0xffff;
	v6 =	vadd.f32 v58, v6;
	v52 =	vmul.f32 v57, v47;
	v62 =	vmul.f32 v53, v39  }
0x226: {  	v5 =	vadd.f32 v59, v5;
	v49 =	vmul.f32 v55, v47;
	v50 =	vmul.f32 v55, v39  }
0x227: {  	v54 =	vld.msk [tilespmem:s2+$0x104B0 ss:$0x0], $0xffff;
	v36 =	vadd.f32 v61, v36;
	v53 =	vmul.f32 v57, v39;
	v55 =	vmul.f32 v60, v47  }
0x228: {  	v56 =	vld.msk [tilespmem:s23+$0x104B0 ss:$0x0], $0xffff;
	v32 =	vadd.f32 v52, v32;
	v40 =	vmul.f32 v60, v39;
	v57 =	vmul.f32 v63, v47  }
0x229: {  	v58 =	vld.msk [tilespmem:s22+$0x10500 ss:$0x0], $0xffff;
	v42 =	vmul.f32 v63, v39;
	v35 =	vadd.f32 v62, v35;
	v34 =	vadd.f32 v49, v34  }
0x22a: {  	v59 =	vmul.f32 v51, v47;
	v33 =	vadd.f32 v50, v33;
	v31 =	vadd.f32 v53, v31  }
0x22b: {  	v60 =	vmul.f32 v51, v39;
	v61 =	vld.msk [tilespmem:s7+$0x104B0 ss:$0x0], $0xffff;
	v30 =	vadd.f32 v55, v30;
	v29 =	vadd.f32 v40, v29  }
0x22c: {  	v63 =	vld.msk [tilespmem:s9+$0x104B0 ss:$0x0], $0xffff;
	v28 =	vadd.f32 v57, v28;
	v27 =	vadd.f32 v42, v27;
	v62 =	vmul.f32 v54, v47  }
0x22d: {  	v51 =	vld.msk [tilespmem:s22+$0x10528 ss:$0x0], $0xffff;
	v26 =	vadd.f32 v59, v26;
	v41 =	vmul.f32 v54, v39;
	v48 =	vmul.f32 v56, v47  }
0x22e: {  	v25 =	vadd.f32 v60, v25;
	v43 =	vmul.f32 v56, v39;
	v49 =	vld.msk [tilespmem:s8+$0x104B0 ss:$0x0], $0xffff;
	v50 =	vmul.f32 v58, v47  }
0x22f: {  	v52 =	vmul.f32 v58, v39;
	v53 =	vld.msk [tilespmem:s11+$0x104B0 ss:$0x0], $0xffff;
	v24 =	vadd.f32 v62, v24;
	v23 =	vadd.f32 v41, v23  }
0x230: {  	v55 =	vld.msk [tilespmem:s12+$0x104B0 ss:$0x0], $0xffff;
	v22 =	vadd.f32 v48, v22;
	v21 =	vadd.f32 v43, v21;
	v54 =	vmul.f32 v61, v47  }
0x231: {  	v57 =	vld.msk [tilespmem:s13+$0x104B0 ss:$0x0], $0xffff;
	v20 =	vadd.f32 v50, v20;
	v40 =	vmul.f32 v61, v39;
	v56 =	vmul.f32 v63, v47  }
0x232: {  	v19 =	vadd.f32 v52, v19;
	v42 =	vmul.f32 v63, v39;
	v60 =	vmul.f32 v51, v47;
	v61 =	vld.msk [tilespmem:s22+$0x118C0 ss:$0x0], $0xffff  }
0x233: {  	v41 =	vmul.f32 v51, v39;
	v63 =	vld.msk [tilespmem:s28+$0x118C0 ss:$0x0], $0xffff;
	v18 =	vadd.f32 v54, v18;
	v17 =	vadd.f32 v40, v17  }
0x234: {  	v58 =	vmul.f32 v49, v47;
	v40 =	vld [tilespmem:s6+$0x80];
	v16 =	vadd.f32 v56, v16;
	v59 =	vmul.f32 v49, v39  }
0x235: {  	v15 =	vadd.f32 v42, v15;
	v42 =	vld [tilespmem:s6+$0x90];
	v62 =	vmul.f32 v53, v47;
	v43 =	vmul.f32 v53, v39  }
0x236: {  	v51 =	vld.msk [tilespmem:s4+$0x118C0 ss:$0x0], $0xffff;
	v12 =	vadd.f32 v60, v12;
	v11 =	vadd.f32 v41, v11;
	v49 =	vmul.f32 v55, v47  }
0x237: {  	v50 =	vmul.f32 v55, v39;
	v52 =	vmul.f32 v57, v47;
	v53 =	vld.msk [tilespmem:s29+$0x118C0 ss:$0x0], $0xffff;
	v14 =	vadd.f32 v58, v14  }
0x238: {  	v39 =	vmul.f32 v57, v39;
	v13 =	vadd.f32 v59, v13;
	v10 =	vadd.f32 v62, v10  }
0x239: {  	v55 =	vld.msk [tilespmem:s22+$0x118E8 ss:$0x0], $0xffff;
	v9 =	vadd.f32 v43, v9;
	v8 =	vadd.f32 v49, v8;
	v54 =	vmul.f32 v61, v40  }
0x23a: {  	v7 =	vadd.f32 v50, v7;
	v44 =	vmul.f32 v61, v42;
	v56 =	vmul.f32 v63, v40  }
0x23b: {  	v60 =	vld.msk [tilespmem:s2+$0x118C0 ss:$0x0], $0xffff;
	v6 =	vadd.f32 v52, v6;
	v57 =	vmul.f32 v63, v42;
	v59 =	vmul.f32 v51, v40  }
0x23c: {  	v5 =	vadd.f32 v39, v5;
	v58 =	vld.msk [tilespmem:s0+$0x118C0 ss:$0x0], $0xffff;
	v41 =	vmul.f32 v51, v42;
	v61 =	vmul.f32 v53, v40  }
0x23d: {  	v62 =	vld.msk [tilespmem:s23+$0x118C0 ss:$0x0], $0xffff;
	v43 =	vmul.f32 v53, v42;
	v36 =	vadd.f32 v54, v36;
	v35 =	vadd.f32 v44, v35  }
0x23e: {  	v48 =	vld.msk [tilespmem:s22+$0x11910 ss:$0x0], $0xffff;
	v63 =	vmul.f32 v55, v40;
	v34 =	vadd.f32 v56, v34;
	v33 =	vadd.f32 v57, v33  }
0x23f: {  	v50 =	vld.msk [tilespmem:s7+$0x118C0 ss:$0x0], $0xffff;
	v47 =	vmul.f32 v55, v42;
	v32 =	vadd.f32 v59, v32;
	v31 =	vadd.f32 v41, v31  }
0x240: {  	v51 =	vmul.f32 v60, v40;
	v30 =	vadd.f32 v61, v30;
	v29 =	vadd.f32 v43, v29  }
0x241: {  	v52 =	vld.msk [tilespmem:s9+$0x118C0 ss:$0x0], $0xffff;
	v28 =	vadd.f32 v63, v28;
	v49 =	vmul.f32 v58, v40;
	v39 =	vmul.f32 v58, v42  }
0x242: {  	v27 =	vadd.f32 v47, v27;
	v44 =	vmul.f32 v60, v42;
	v53 =	vmul.f32 v62, v40  }
0x243: {  	v55 =	vld.msk [tilespmem:s8+$0x118C0 ss:$0x0], $0xffff;
	v24 =	vadd.f32 v51, v24;
	v54 =	vmul.f32 v62, v42;
	v56 =	vmul.f32 v48, v40  }
0x244: {  	v41 =	vmul.f32 v48, v42;
	v57 =	vld.msk [tilespmem:s22+$0x11938 ss:$0x0], $0xffff;
	v58 =	vmul.f32 v50, v40;
	v26 =	vadd.f32 v49, v26  }
0x245: {  	v43 =	vmul.f32 v50, v42;
	v59 =	vld.msk [tilespmem:s11+$0x118C0 ss:$0x0], $0xffff;
	v25 =	vadd.f32 v39, v25;
	v23 =	vadd.f32 v44, v23  }
0x246: {  	v60 =	vmul.f32 v52, v40;
	v61 =	vld.msk [tilespmem:s12+$0x118C0 ss:$0x0], $0xffff;
	v22 =	vadd.f32 v53, v22;
	v21 =	vadd.f32 v54, v21  }
0x247: {  	v62 =	vmul.f32 v52, v42;
	v63 =	vld.msk [tilespmem:s13+$0x118C0 ss:$0x0], $0xffff;
	v20 =	vadd.f32 v56, v20;
	v19 =	vadd.f32 v41, v19  }
0x248: {  	v45 =	vld [tilespmem:s6+$0xA0];
	v18 =	vadd.f32 v58, v18;
	v17 =	vadd.f32 v43, v17;
	v48 =	vmul.f32 v55, v40  }
0x249: {  	v50 =	vld.msk [tilespmem:s22+$0x12CD0 ss:$0x0], $0xffff;
	v16 =	vadd.f32 v60, v16;
	v39 =	vmul.f32 v55, v42;
	v49 =	vmul.f32 v57, v40  }
0x24a: {  	v15 =	vadd.f32 v62, v15;
	v53 =	vld.msk [tilespmem:s28+$0x12CD0 ss:$0x0], $0xffff;
	v44 =	vmul.f32 v57, v42;
	v51 =	vmul.f32 v59, v40  }
0x24b: {  	v58 =	vld.msk [tilespmem:s29+$0x12CD0 ss:$0x0], $0xffff;
	v14 =	vadd.f32 v48, v14;
	v52 =	vmul.f32 v59, v42;
	v54 =	vmul.f32 v61, v40  }
0x24c: {  	v55 =	vld.msk [tilespmem:s4+$0x12CD0 ss:$0x0], $0xffff;
	v13 =	vadd.f32 v39, v13;
	v41 =	vmul.f32 v61, v42;
	v56 =	vmul.f32 v63, v40  }
0x24d: {  	v39 =	vld [tilespmem:s6+$0xB0];
	v57 =	vmul.f32 v63, v42;
	v12 =	vadd.f32 v49, v12;
	v11 =	vadd.f32 v44, v11  }
0x24e: {  	v59 =	vmul.f32 v50, v45;
	v10 =	vadd.f32 v51, v10;
	v9 =	vadd.f32 v52, v9  }
0x24f: {  	v61 =	vld.msk [tilespmem:s22+$0x12CF8 ss:$0x0], $0xffff;
	v8 =	vadd.f32 v54, v8;
	v7 =	vadd.f32 v41, v7;
	v62 =	vmul.f32 v53, v45  }
0x250: {  	v48 =	vld.msk [tilespmem:s0+$0x12CD0 ss:$0x0], $0xffff;
	v6 =	vadd.f32 v56, v6;
	v5 =	vadd.f32 v57, v5;
	v52 =	vmul.f32 v58, v45  }
0x251: {  	v36 =	vadd.f32 v59, v36;
	v49 =	vmul.f32 v55, v45;
	v34 =	vadd.f32 v62, v34  }
0x252: {  	v51 =	vld.msk [tilespmem:s2+$0x12CD0 ss:$0x0], $0xffff;
	v30 =	vadd.f32 v52, v30;
	v60 =	vmul.f32 v50, v39;
	v63 =	vmul.f32 v53, v39  }
0x253: {  	v54 =	vld.msk [tilespmem:s23+$0x12CD0 ss:$0x0], $0xffff;
	v50 =	vmul.f32 v55, v39;
	v32 =	vadd.f32 v49, v32;
	v53 =	vmul.f32 v58, v39  }
0x254: {  	v56 =	vld.msk [tilespmem:s22+$0x12D20 ss:$0x0], $0xffff;
	v55 =	vmul.f32 v61, v45;
	v40 =	vmul.f32 v61, v39;
	v35 =	vadd.f32 v60, v35  }
0x255: {  	v57 =	vmul.f32 v48, v45;
	v33 =	vadd.f32 v63, v33;
	v31 =	vadd.f32 v50, v31  }
0x256: {  	v43 =	vmul.f32 v48, v39;
	v58 =	vld.msk [tilespmem:s7+$0x12CD0 ss:$0x0], $0xffff;
	v29 =	vadd.f32 v53, v29;
	v28 =	vadd.f32 v55, v28  }
0x257: {  	v61 =	vld.msk [tilespmem:s9+$0x12CD0 ss:$0x0], $0xffff;
	v27 =	vadd.f32 v40, v27;
	v59 =	vmul.f32 v51, v45;
	v26 =	vadd.f32 v57, v26  }
0x258: {  	v49 =	vld.msk [tilespmem:s22+$0x12D48 ss:$0x0], $0xffff;
	v25 =	vadd.f32 v43, v25;
	v60 =	vmul.f32 v51, v39;
	v62 =	vmul.f32 v54, v45  }
0x259: {  	v41 =	vmul.f32 v54, v39;
	v63 =	vld.msk [tilespmem:s8+$0x12CD0 ss:$0x0], $0xffff;
	v48 =	vmul.f32 v56, v45;
	v24 =	vadd.f32 v59, v24  }
0x25a: {  	v47 =	vld [tilespmem:s6+$0xC0];
	v42 =	vmul.f32 v56, v39;
	v23 =	vadd.f32 v60, v23;
	v22 =	vadd.f32 v62, v22  }
0x25b: {  	v51 =	vld.msk [tilespmem:s11+$0x12CD0 ss:$0x0], $0xffff;
	v21 =	vadd.f32 v41, v21;
	v50 =	vmul.f32 v58, v45;
	v52 =	vmul.f32 v58, v39  }
0x25c: {  	v53 =	vld.msk [tilespmem:s12+$0x12CD0 ss:$0x0], $0xffff;
	v20 =	vadd.f32 v48, v20;
	v54 =	vmul.f32 v61, v45;
	v40 =	vmul.f32 v61, v39  }
0x25d: {  	v55 =	vld.msk [tilespmem:s13+$0x12CD0 ss:$0x0], $0xffff;
	v19 =	vadd.f32 v42, v19;
	v57 =	vmul.f32 v49, v45;
	v58 =	vmul.f32 v49, v39  }
0x25e: {  	v59 =	vld.msk [tilespmem:s22+$0x140E0 ss:$0x0], $0xffff;
	v18 =	vadd.f32 v50, v18;
	v17 =	vadd.f32 v52, v17;
	v56 =	vmul.f32 v63, v45  }
0x25f: {  	v61 =	vld.msk [tilespmem:s28+$0x140E0 ss:$0x0], $0xffff;
	v43 =	vmul.f32 v63, v39;
	v16 =	vadd.f32 v54, v16;
	v15 =	vadd.f32 v40, v15  }
0x260: {  	v40 =	vld [tilespmem:s6+$0xD0];
	v12 =	vadd.f32 v57, v12;
	v60 =	vmul.f32 v51, v45;
	v41 =	vmul.f32 v51, v39  }
0x261: {  	v11 =	vadd.f32 v58, v11;
	v62 =	vmul.f32 v53, v45;
	v42 =	vmul.f32 v53, v39;
	v63 =	vld.msk [tilespmem:s4+$0x140E0 ss:$0x0], $0xffff  }
0x262: {  	v49 =	vmul.f32 v55, v45;
	v51 =	vld.msk [tilespmem:s29+$0x140E0 ss:$0x0], $0xffff;
	v14 =	vadd.f32 v56, v14;
	v13 =	vadd.f32 v43, v13  }
0x263: {  	v50 =	vmul.f32 v55, v39;
	v54 =	vld.msk [tilespmem:s22+$0x14108 ss:$0x0], $0xffff;
	v10 =	vadd.f32 v60, v10;
	v9 =	vadd.f32 v41, v9  }
0x264: {  	v8 =	vadd.f32 v62, v8;
	v7 =	vadd.f32 v42, v7;
	v52 =	vmul.f32 v59, v47  }
0x265: {  	v57 =	vld.msk [tilespmem:s0+$0x140E0 ss:$0x0], $0xffff;
	v6 =	vadd.f32 v49, v6;
	v55 =	vmul.f32 v61, v47;
	v53 =	vmul.f32 v59, v40  }
0x266: {  	v5 =	vadd.f32 v50, v5;
	v56 =	vmul.f32 v61, v40;
	v58 =	vmul.f32 v63, v47  }
0x267: {  	v60 =	vld.msk [tilespmem:s2+$0x140E0 ss:$0x0], $0xffff;
	v36 =	vadd.f32 v52, v36;
	v59 =	vmul.f32 v63, v40;
	v61 =	vmul.f32 v51, v47  }
0x268: {  	v62 =	vld.msk [tilespmem:s23+$0x140E0 ss:$0x0], $0xffff;
	v34 =	vadd.f32 v55, v34;
	v39 =	vmul.f32 v51, v40;
	v63 =	vmul.f32 v54, v47  }
0x269: {  	v48 =	vld.msk [tilespmem:s22+$0x14130 ss:$0x0], $0xffff;
	v42 =	vmul.f32 v54, v40;
	v35 =	vadd.f32 v53, v35;
	v33 =	vadd.f32 v56, v33  }
0x26a: {  	v49 =	vmul.f32 v57, v47;
	v51 =	vld.msk [tilespmem:s7+$0x140E0 ss:$0x0], $0xffff;
	v32 =	vadd.f32 v58, v32;
	v31 =	vadd.f32 v59, v31  }
0x26b: {  	v50 =	vmul.f32 v57, v40;
	v55 =	vld.msk [tilespmem:s8+$0x140E0 ss:$0x0], $0xffff;
	v30 =	vadd.f32 v61, v30;
	v29 =	vadd.f32 v39, v29  }
0x26c: {  	v57 =	vld.msk [tilespmem:s22+$0x14158 ss:$0x0], $0xffff;
	v28 =	vadd.f32 v63, v28;
	v27 =	vadd.f32 v42, v27;
	v52 =	vmul.f32 v60, v47  }
0x26d: {  	v26 =	vadd.f32 v49, v26;
	v41 =	vmul.f32 v60, v40;
	v53 =	vld.msk [tilespmem:s9+$0x140E0 ss:$0x0], $0xffff;
	v54 =	vmul.f32 v62, v47  }
0x26e: {  	v25 =	vadd.f32 v50, v25;
	v43 =	vmul.f32 v62, v40;
	v56 =	vmul.f32 v48, v47;
	v59 =	vld.msk [tilespmem:s11+$0x140E0 ss:$0x0], $0xffff  }
0x26f: {  	v58 =	vmul.f32 v48, v40;
	v61 =	vld.msk [tilespmem:s12+$0x140E0 ss:$0x0], $0xffff;
	v24 =	vadd.f32 v52, v24;
	v23 =	vadd.f32 v41, v23  }
0x270: {  	v63 =	vld.msk [tilespmem:s13+$0x140E0 ss:$0x0], $0xffff;
	v22 =	vadd.f32 v54, v22;
	v21 =	vadd.f32 v43, v21;
	v60 =	vmul.f32 v51, v47  }
0x271: {  	v49 =	vld.msk [tilespmem:s0+$0x154F0 ss:$0x0], $0xffff;
	v20 =	vadd.f32 v56, v20;
	v39 =	vmul.f32 v51, v40;
	v51 =	vmul.f32 v55, v47  }
0x272: {  	v19 =	vadd.f32 v58, v19;
	v54 =	vld.msk [tilespmem:s22+$0x154F0 ss:$0x0], $0xffff;
	v52 =	vmul.f32 v55, v40;
	v41 =	vmul.f32 v57, v40  }
0x273: {  	v56 =	vld.msk [tilespmem:s28+$0x154F0 ss:$0x0], $0xffff;
	v62 =	vmul.f32 v53, v47;
	v42 =	vmul.f32 v53, v40;
	v18 =	vadd.f32 v60, v18  }
0x274: {  	v17 =	vadd.f32 v39, v17;
	v39 =	vld [tilespmem:s6+$0xE0];
	v14 =	vadd.f32 v51, v14;
	v53 =	vmul.f32 v57, v47  }
0x275: {  	v13 =	vadd.f32 v52, v13;
	v55 =	vmul.f32 v59, v47;
	v43 =	vmul.f32 v59, v40;
	v59 =	vld.msk [tilespmem:s4+$0x154F0 ss:$0x0], $0xffff  }
0x276: {  	v11 =	vadd.f32 v41, v11;
	v57 =	vmul.f32 v61, v47;
	v58 =	vmul.f32 v61, v40;
	v61 =	vld.msk [tilespmem:s29+$0x154F0 ss:$0x0], $0xffff  }
0x277: {  	v16 =	vadd.f32 v62, v16;
	v15 =	vadd.f32 v42, v15;
	v42 =	vld [tilespmem:s6+$0xF0]  }
0x278: {  	v60 =	vmul.f32 v63, v47;
	v12 =	vadd.f32 v53, v12;
	v10 =	vadd.f32 v55, v10  }
0x279: {  	v40 =	vmul.f32 v63, v40;
	v9 =	vadd.f32 v43, v9;
	v8 =	vadd.f32 v57, v8  }
0x27a: {  	v63 =	vld.msk [tilespmem:s22+$0x15518 ss:$0x0], $0xffff;
	v7 =	vadd.f32 v58, v7;
	v62 =	vmul.f32 v54, v39;
	v47 =	vmul.f32 v56, v39  }
0x27b: {  	v51 =	vld.msk [tilespmem:s2+$0x154F0 ss:$0x0], $0xffff;
	v6 =	vadd.f32 v60, v6;
	v50 =	vmul.f32 v59, v39;
	v52 =	vmul.f32 v61, v39  }
0x27c: {  	v5 =	vadd.f32 v40, v5;
	v53 =	vld.msk [tilespmem:s23+$0x154F0 ss:$0x0], $0xffff;
	v57 =	vmul.f32 v49, v39;
	v44 =	vmul.f32 v54, v42  }
0x27d: {  	v58 =	vld.msk [tilespmem:s7+$0x154F0 ss:$0x0], $0xffff;
	v36 =	vadd.f32 v62, v36;
	v48 =	vmul.f32 v56, v42;
	v34 =	vadd.f32 v47, v34  }
0x27e: {  	v60 =	vld.msk [tilespmem:s9+$0x154F0 ss:$0x0], $0xffff;
	v41 =	vmul.f32 v59, v42;
	v43 =	vmul.f32 v61, v42;
	v32 =	vadd.f32 v50, v32  }
0x27f: {  	v54 =	vmul.f32 v63, v39;
	v30 =	vadd.f32 v52, v30;
	v55 =	vmul.f32 v63, v42  }
0x280: {  	v40 =	vmul.f32 v49, v42;
	v59 =	vmul.f32 v51, v39;
	v26 =	vadd.f32 v57, v26  }
0x281: {  	v61 =	vmul.f32 v53, v39;
	v62 =	vmul.f32 v53, v42;
	v35 =	vadd.f32 v44, v35  }
0x282: {  	v56 =	vld.msk [tilespmem:s22+$0x15540 ss:$0x0], $0xffff;
	v50 =	vmul.f32 v58, v39;
	v33 =	vadd.f32 v48, v33;
	v31 =	vadd.f32 v41, v31  }
0x283: {  	v63 =	vld.msk [tilespmem:s8+$0x154F0 ss:$0x0], $0xffff;
	v52 =	vmul.f32 v60, v39;
	v29 =	vadd.f32 v43, v29;
	v28 =	vadd.f32 v54, v28  }
0x284: {  	v49 =	vld.msk [tilespmem:s22+$0x15568 ss:$0x0], $0xffff;
	v53 =	vmul.f32 v60, v42;
	v27 =	vadd.f32 v55, v27;
	v25 =	vadd.f32 v40, v25  }
0x285: {  	v44 =	vmul.f32 v51, v42;
	v24 =	vadd.f32 v59, v24;
	v22 =	vadd.f32 v61, v22  }
0x286: {  	v21 =	vadd.f32 v62, v21;
	v43 =	vmul.f32 v58, v42;
	v51 =	vld.msk [tilespmem:s11+$0x154F0 ss:$0x0], $0xffff;
	v18 =	vadd.f32 v50, v18  }
0x287: {  	v16 =	vadd.f32 v52, v16;
	v15 =	vadd.f32 v53, v15;
	v48 =	vmul.f32 v56, v39  }
0x288: {  	v54 =	vld.msk [tilespmem:s12+$0x154F0 ss:$0x0], $0xffff;
	v23 =	vadd.f32 v44, v23;
	v41 =	vmul.f32 v56, v42;
	v55 =	vmul.f32 v63, v39  }
0x289: {  	v17 =	vadd.f32 v43, v17;
	v40 =	vmul.f32 v63, v42;
	v56 =	vld.msk [tilespmem:s13+$0x154F0 ss:$0x0], $0xffff;
	v57 =	vmul.f32 v49, v39  }
0x28a: {  	v44 =	vmul.f32 v49, v42;
	v20 =	vadd.f32 v48, v20;
	v19 =	vadd.f32 v41, v19  }
0x28b: {  	p0 =	sne.s32 s21, $0x9;
	v14 =	vadd.f32 v55, v14;
	v13 =	vadd.f32 v40, v13;
	v58 =	vmul.f32 v51, v39  }
.Ltmp3:
0x28c: {  	v12 =	vadd.f32 v57, v12;
	v11 =	vadd.f32 v44, v11;
	v59 =	vmul.f32 v51, v42;
	(pc) =	sbr.rel @p0 .LBB2_10-.Ltmp3, $4  }
0x28d: {  	v60 =	vmul.f32 v54, v39;
	v61 =	vmul.f32 v54, v42;
	v10 =	vadd.f32 v58, v10  }
0x28e: {  	v9 =	vadd.f32 v59, v9;
	v62 =	vmul.f32 v56, v39;
	v63 =	vmul.f32 v56, v42  }
0x28f: {  	v8 =	vadd.f32 v60, v8;
	v7 =	vadd.f32 v61, v7  }
0x290: {  	s21 =	sadd.s32 $0x1, s21;
	s3 =	sadd.s32 $0x1, s3;
	s6 =	sadd.s32 $0x200, s6;
	v6 =	vadd.f32 v62, v6;
	v5 =	vadd.f32 v63, v5  }
0x291: {  	v36 =	vadd.f32 v36, v0;
	v35 =	vadd.f32 v35, v1  }
0x292: {  	v34 =	vadd.f32 v34, v0;
	v33 =	vadd.f32 v33, v1  }
0x293: {  	v32 =	vadd.f32 v32, v0;
	v31 =	vadd.f32 v31, v1  }
0x294: {  	v30 =	vadd.f32 v30, v0;
	v29 =	vadd.f32 v29, v1  }
0x295: {  	v28 =	vadd.f32 v28, v0;
	v27 =	vadd.f32 v27, v1  }
0x296: {  	v26 =	vadd.f32 v26, v0;
	v25 =	vadd.f32 v25, v1  }
0x297: {  	v24 =	vadd.f32 v24, v0;
	v23 =	vadd.f32 v23, v1  }
0x298: {  	v22 =	vadd.f32 v22, v0;
	v21 =	vadd.f32 v21, v1  }
0x299: {  	v20 =	vadd.f32 v20, v0;
	v19 =	vadd.f32 v19, v1  }
0x29a: {  	v18 =	vadd.f32 v18, v0;
	v17 =	vadd.f32 v17, v1  }
0x29b: {  	v16 =	vadd.f32 v16, v0;
	v15 =	vadd.f32 v15, v1  }
0x29c: {  	v14 =	vadd.f32 v14, v0;
	v13 =	vadd.f32 v13, v1  }
0x29d: {  	v12 =	vadd.f32 v12, v0;
	v11 =	vadd.f32 v11, v1  }
0x29e: {  	v10 =	vadd.f32 v10, v0;
	v9 =	vadd.f32 v9, v1  }
0x29f: {  	vm13 =	vmmov $0x1;
	v8 =	vadd.f32 v8, v0;
	v7 =	vadd.f32 v7, v1  }
0x2a0: {  	v6 =	vadd.f32 v6, v0;
	v5 =	vadd.f32 v5, v1;
	v36 =	vmax.f32 v36, $0.0e+00  }
0x2a1: {  	v35 =	vmax.f32 v35, $0.0e+00;
	v34 =	vmax.f32 v34, $0.0e+00;
	v33 =	vmax.f32 v33, $0.0e+00  }
0x2a2: {  	v32 =	vmax.f32 v32, $0.0e+00;
	v31 =	vmax.f32 v31, $0.0e+00;
	v30 =	vmax.f32 v30, $0.0e+00  }
0x2a3: {  	v29 =	vmax.f32 v29, $0.0e+00;
	v36 =	vmul.f32 v36, v2;
	v35 =	vmul.f32 v35, v3  }
0x2a4: {  	v28 =	vmax.f32 v28, $0.0e+00;
	v34 =	vmul.f32 v34, v2;
	v33 =	vmul.f32 v33, v3  }
0x2a5: {  	v32 =	vmul.f32 v32, v2;
	v31 =	vmul.f32 v31, v3;
	v35 =	vadd.f32 v35, v36  }
0x2a6: {  	v27 =	vmax.f32 v27, $0.0e+00;
	v26 =	vmax.f32 v26, $0.0e+00;
	v33 =	vadd.f32 v33, v34  }
0x2a7: {  	v25 =	vmax.f32 v25, $0.0e+00;
	v24 =	vmax.f32 v24, $0.0e+00;
	v31 =	vadd.f32 v31, v32;
	(xrf2) =	vadd.scan.msk.f32 $0xffff, v35  }
0x2a8: {  	v23 =	vmax.f32 v23, $0.0e+00;
	v30 =	vmul.f32 v30, v2;
	v29 =	vmul.f32 v29, v3;
	(xrf2) =	vadd.scan.msk.f32 $0xffff, v33  }
0x2a9: {  	v22 =	vmax.f32 v22, $0.0e+00;
	v21 =	vmax.f32 v21, $0.0e+00;
	v20 =	vmax.f32 v20, $0.0e+00;
	(xrf2) =	vadd.scan.msk.f32 $0xffff, v31  }
0x2aa: {  	v19 =	vmax.f32 v19, $0.0e+00;
	v18 =	vmax.f32 v18, $0.0e+00;
	v29 =	vadd.f32 v29, v30  }
0x2ab: {  	v17 =	vmax.f32 v17, $0.0e+00;
	v16 =	vmax.f32 v16, $0.0e+00;
	v15 =	vmax.f32 v15, $0.0e+00  }
0x2ac: {  	v14 =	vmax.f32 v14, $0.0e+00;
	v13 =	vmax.f32 v13, $0.0e+00;
	v12 =	vmax.f32 v12, $0.0e+00;
	(xrf2) =	vadd.scan.msk.f32 $0xffff, v29  }
0x2ad: {  	v11 =	vmax.f32 v11, $0.0e+00;
	v28 =	vmul.f32 v28, v2;
	v27 =	vmul.f32 v27, v3  }
0x2ae: {  	v10 =	vmax.f32 v10, $0.0e+00;
	v26 =	vmul.f32 v26, v2;
	v25 =	vmul.f32 v25, v3  }
0x2af: {  	v9 =	vmax.f32 v9, $0.0e+00;
	v24 =	vmul.f32 v24, v2;
	v23 =	vmul.f32 v23, v3  }
0x2b0: {  	v22 =	vmul.f32 v22, v2;
	v21 =	vmul.f32 v21, v3;
	v27 =	vadd.f32 v27, v28  }
0x2b1: {  	v20 =	vmul.f32 v20, v2;
	v19 =	vmul.f32 v19, v3;
	v25 =	vadd.f32 v25, v26;
	v47, _, _ =	vpop (xrf2)  }
0x2b2: {  	v8 =	vmax.f32 v8, $0.0e+00;
	v18 =	vmul.f32 v18, v2;
	v17 =	vmul.f32 v17, v3;
	v48, _, _ =	vpop (xrf2);
	(xrf2) =	vadd.scan.msk.f32 $0xffff, v27  }
0x2b3: {  	v16 =	vmul.f32 v16, v2;
	v15 =	vmul.f32 v15, v3;
	v23 =	vadd.f32 v23, v24;
	v31, _, _ =	vpop (xrf2);
	(xrf2) =	vadd.scan.msk.f32 $0xffff, v25  }
0x2b4: {  	v14 =	vmul.f32 v14, v2;
	v13 =	vmul.f32 v13, v3;
	v21 =	vadd.f32 v21, v22  }
0x2b5: {  	v7 =	vmax.f32 v7, $0.0e+00;
	v12 =	vmul.f32 v12, v2;
	v11 =	vmul.f32 v11, v3;
	(xrf2) =	vadd.scan.msk.f32 $0xffff, v23  }
0x2b6: {  	v10 =	vmul.f32 v10, v2;
	v9 =	vmul.f32 v9, v3;
	v19 =	vadd.f32 v19, v20;
	v49, _, _ =	vpop (xrf2);
	(xrf2) =	vadd.scan.msk.f32 $0xffff, v21  }
0x2b7: {  	v8 =	vmul.f32 v8, v2;
	v17 =	vadd.f32 v17, v18;
	v29 =	vadd.f32 $0.0e+00, v47  }
0x2b8: {  	v7 =	vmul.f32 v7, v3;
	v6 =	vmax.f32 v6, $0.0e+00;
	v30 =	vbroadcast v48, $0xF;
	(xrf2) =	vadd.scan.msk.f32 $0xffff, v19  }
0x2b9: {  	v5 =	vmax.f32 v5, $0.0e+00;
	v15 =	vadd.f32 v15, v16;
	v29 =	vbroadcast v29, $0xF;
	(xrf2) =	vadd.scan.msk.f32 $0xffff, v17  }
0x2ba: {  	v13 =	vadd.f32 v13, v14;
	v31 =	vbroadcast v31, $0xF;
	v30 =	vadd.f32 $0.0e+00, v30  }
0x2bb: {  	v6 =	vmul.f32 v6, v2;
	v32 =	vbroadcast v49, $0xF;
	v29 =	vnsel vm13, $0x0, v29;
	(xrf2) =	vadd.scan.msk.f32 $0xffff, v15  }
0x2bc: {  	v11 =	vadd.f32 v11, v12;
	v30 =	vsel vm0, v29, v30;
	v29 =	vadd.f32 v31, v29;
	v52, _, _ =	vpop (xrf2);
	(xrf2) =	vadd.scan.msk.f32 $0xffff, v13  }
0x2bd: {  	v9 =	vadd.f32 v9, v10;
	v50 =	vadd.f32 v32, v30;
	v14 =	vbroadcast v52, $0xF;
	v53, _, _ =	vpop (xrf2)  }
0x2be: {  	v7 =	vadd.f32 v7, v8;
	v51 =	vsel vm1, v30, v29;
	(xrf2) =	vadd.scan.msk.f32 $0xffff, v11;
	v12 =	vbroadcast v53, $0xF  }
0x2bf: {  	v5 =	vmul.f32 v5, v3;
	v18 =	vsel vm2, v51, v50;
	v54, _, _ =	vpop (xrf2);
	v55 =	vadd.f32 v14, v30  }
0x2c0: {  	(xrf2) =	vadd.scan.msk.f32 $0xffff, v9;
	v10 =	vbroadcast v54, $0xF;
	v57, _, _ =	vpop (xrf2);
	v56 =	vadd.f32 v12, v18  }
0x2c1: {  	v5 =	vadd.f32 v5, v6;
	v9 =	vbroadcast v57, $0xF;
	v58 =	vsel vm3, v18, v55  }
0x2c2: {  	(xrf2) =	vadd.scan.msk.f32 $0xffff, v7;
	v7, _, _ =	vpop (xrf2);
	v8 =	vsel vm4, v58, v56;
	v10 =	vadd.f32 v10, v58  }
0x2c3: {  	v7 =	vbroadcast v7, $0xF;
	v59, _, _ =	vpop (xrf2);
	v6 =	vadd.f32 v9, v8  }
0x2c4: {  	v9 =	vbroadcast v59, $0xF;
	v10 =	vsel vm5, v8, v10  }
0x2c5: {  	(xrf2) =	vadd.scan.msk.f32 $0xffff, v5;
	v5, _, _ =	vpop (xrf2);
	v7 =	vadd.f32 v7, v8;
	v6 =	vsel vm6, v10, v6  }
0x2c6: {  	v5 =	vbroadcast v5, $0xF;
	v60, _, _ =	vpop (xrf2);
	v9 =	vadd.f32 v9, v6  }
0x2c7: {  	v6 =	vsel vm7, v6, v7;
	v7 =	vbroadcast v60, $0xF  }
0x2c8: {  	v61, _, _ =	vpop (xrf2);
	v5 =	vadd.f32 v5, v6;
	v9 =	vsel vm8, v6, v9  }
0x2c9: {  	v8 =	vbroadcast v61, $0xF;
	v7 =	vadd.f32 v7, v9  }
0x2ca: {  	v6, _, _ =	vpop (xrf2);
	v5 =	vsel vm9, v9, v5  }
0x2cb: {  	v6 =	vbroadcast v6, $0xF;
	v5 =	vsel vm10, v5, v7;
	v7 =	vadd.f32 v8, v9  }
0x2cc: {  	v62, _, _ =	vpop (xrf2)  }
0x2cd: {  	v63 =	vbroadcast v62, $0xF;
	v6 =	vadd.f32 v6, v5  }
0x2ce: {  	v5 =	vsel vm11, v5, v7  }
0x2cf: {  	v6 =	vsel vm12, v5, v6;
	v5 =	vadd.f32 v63, v5;
	v7, _, _ =	vpop (xrf2)  }
0x2d0: {  	vm13 =	vmmov $0x3fff;
	v7 =	vadd.f32 v6, v7  }
0x2d1: {  	v5 =	vsel vm13, v6, v5;
	vm13 =	vmmov $0x7fff  }
0x2d2: {  	v5 =	vsel vm13, v5, v7  }
0x2d3: {  	v5 =	vadd.f32 v5, v4;
	_ =	sdelay $0x1  }
0x2d4: {  	v5 =	vsub.f32 $0.0e+00, v5;
	_ =	sdelay $0x1  }
0x2d5: {  	v5 =	vmul.f32 $1.442695020e+00, v5;
	_ =	sdelay $0x1  }
0x2d6: {  	(erf) = vpow2.f32 v5;
	_ =	sdelay $0x8  }
0x2d7: {  	v5 =	vpop (erf)  }
0x2d8: {  	v5 =	vadd.f32 $1.000000000e+00, v5;
	_ =	sdelay $0x1  }
0x2d9: {  	(erf) = vrcp.f32 v5;
	_ =	sdelay $0x3  }
0x2da: {  	s25 =	sadd.s32 $0x1, s25  }
0x2db: {  	p0 =	sne.s32 s25, $0x8  }
.Ltmp4:
0x2dc: {  	_ = 	snop;
	(pc) =	sbr.rel @p0 .LBB2_9-.Ltmp4, $4  }
0x2dd: {  	_ = 	snop  }
0x2de: {  	s0 =	sshll.u32 s5, $0x4  }
0x2df: {  	s0 =	sand.u32 $0x3FFFFFF0, s0;
	v5 =	vpop (erf)  }
0x2e0: {  	s1 =	sadd.s32 $0xA0, s1;
	s26 =	sadd.s32 $0xA0, s26;
	[tilespmem:s0+$0x17D50] =	vst v5  }
0x2e1: {  	s2 =	rddreg [dreg:$0x16]  }
0x2e2: {  	s1 =	rddreg [dreg:$0x14]  }
0x2e3: {  	s26 =	rddreg [dreg:$0x15];
	s2 =	sadd.s32 $0x1, s2  }
0x2e4: {  	s8 =	rddreg [dreg:$0xb];
	p0 =	sne.s32 s2, $0x4  }
.Ltmp5:
0x2e5: {  	s9 =	rddreg [dreg:$0xc];
	(pc) =	sbr.rel @p0 .LBB2_6-.Ltmp5, $4  }
0x2e6: {  	s10 =	rddreg [dreg:$0xd]  }
0x2e7: {  	s11 =	rddreg [dreg:$0xe]  }
0x2e8: {  	s12 =	rddreg [dreg:$0xf]  }
0x2e9: {  	s13 =	rddreg [dreg:$0x10];
	s1 =	sadd.s32 $0x500, s1;
	s26 =	sadd.s32 $0x500, s26  }
0x2ea: {  	s0 =	simm.s32 $0x0  }
0x2eb: {  	s1 =	rddreg [dreg:$0x11];
	s2 =	simm.s32 $0x17D50;
	s25 =	simm.s32 $0x3  }
0x2ec: {  	[hbm4b:s1+s0] =	stream.linear.scatter [tilespmem:s2], [sflag:$0x3], $0x200, $0x38;
	[tilespmem:$0x17F50] =	vst v63  }
0x2ed: {  	_ =	swait.ge [sflag:s25], $0x200  }
0x2ee: {  	s26 =	rddreg [dreg:$0x13]  }
0x2ef: {  	s28 =	rddreg [dreg:$0x12];
	s2 =	sadd.s32 $0x1, s26  }
0x2f0: {  	p0 =	sne.s32 s2, s28  }
.Ltmp6:
0x2f1: {  	_ = 	snop;
	(pc) =	sbr.rel @p0 .LBB2_1-.Ltmp6, $3  }
0x2f2: {  	_ =	sdelay $0x1  }
0x2f3: {  	s29 =	simm.s32 $0x3;
	[sflag:s25] =	ssyncset.done $0x0  }
0x2f4: {  	[sflag:s29] =	ssyncadd.s32 $0xFFFFFE00  }
0x2f5: {  	_ =	sfence.sel $0x180000  }
0x2f6: {  	[bflag:$0x0] =	sbarrier.arrive $0xFFFF  }
0x2f7: {  	_ =	strace $0x90000047  }
0x2f8: {  	s0 =	stileid.u32;
	[bflag:$0x2] =	sbarrier.arrive $0xFFFF  }
0x2f9: {  	p0 =	sne.s32 s0, $0x0;
	s0 =	rddreg [dreg:$0x4]  }
0x2fa: {  	s0 =	sadd.s32 @!p0 $0x100000, s0  }
0x2fb: {  	[sflag:s0] =	ssyncadd.tile.s32 @!p0 $0x1;
	_ =	shalt  }
.Lfunc_end2:
_tile_overlayer_lowered:
.L_overlay_start_2:
0x2fc: {  	(tag) =	ssettag $0x2  }
0x2fd: {  	s0 =	rddreg [dreg:$0x0];
	s2 =	stileid.u32  }
0x2fe: {  	s1 =	rddreg [dreg:$0x1];
	p0 =	sne.s32 s2, $0x0  }
0x2ff: {  	s3 =	rddreg [dreg:$0x2];
	[bflag:$0x3] =	sbarrier.arrive $0xFFFF;
	s2 =	simm.s32 @!p0 $0x1C03  }
0x300: {  	[timem:s3], [sflag:s2] =	dma.local @!p0 [hbm:s0], s1  }
0x301: {  	s0 =	simm.s32 @!p0 $0x3  }
0x302: {  	_ =	swait.ge @!p0 [sflag:s0], s1  }
0x303: {  	s1 =	ssub.s32 @!p0 $0x0, s1;
	[sflag:s0] =	ssyncset.done @!p0 $0x0  }
0x304: {  	[sflag:s0] =	ssyncadd.s32 @!p0 s1  }
0x305: {  	[bflag:$0x3] =	sbarrier.arrive $0xFFFF  }
0x306: {  	_ =	shalt  }

</sc_bundles>
